<compile_context>
chip_gen: v7x
topology: tpu7x:2x2x1
jax: 0.10.2.dev20260603
libtpu: 0.0.44.dev20260713+nightly
codegen_flags: <defaults>
</compile_context>

<pallas_src>
import jax
import jax.numpy as jnp
from jax.experimental import pallas as pl

V = 100000
E = 3200000
B = 64
TOL = 1e-4
ALPHA = 30.0


def _sparse_smooth_max(x, seg_ids, num_segments, alpha=ALPHA):
    ax = alpha * x
    m = jax.ops.segment_max(ax, seg_ids, num_segments=num_segments)
    m = jnp.where(jnp.isfinite(m), m, 0.0)
    s = jax.ops.segment_sum(jnp.exp(ax - m[seg_ids]), seg_ids, num_segments=num_segments)
    return (jnp.log(s + 1e-20) + m) / alpha


def _copy2(a_ref, b_ref, oa_ref, ob_ref):
    oa_ref[...] = a_ref[...]
    ob_ref[...] = b_ref[...]


def kernel(fn_msg, var_msg, prev_fn_state, edge_var_ids, var_batch_ids,
           active_vars, active_mask, w):
    fn_state = fn_msg[:, 0]

    survey_v = _sparse_smooth_max(fn_state, edge_var_ids, V)[:, None] * active_vars
    survey_b = jax.ops.segment_max(survey_v[:, 0], var_batch_ids, num_segments=B)[:, None]
    active_mask = jnp.where(survey_b <= 1e-10, 0.0, active_mask)

    function_diff = jnp.abs(prev_fn_state - fn_state)
    sum_diff_v = _sparse_smooth_max(function_diff, edge_var_ids, V)[:, None] * active_vars
    sum_diff_b = jax.ops.segment_max(sum_diff_v[:, 0], var_batch_ids, num_segments=B)[:, None]
    converged_b = (sum_diff_b < TOL).astype(jnp.float32)
    converged_v = converged_b[var_batch_ids][:, 0][:, None]

    agg = jax.ops.segment_sum(fn_state, edge_var_ids, num_segments=V)[:, None]
    score = jnp.tanh(agg @ w)

    coeff = jnp.abs(score) * active_vars * converged_v

    seg_max = jax.ops.segment_max(coeff[:, 0], var_batch_ids, num_segments=B)
    is_max = coeff[:, 0] == seg_max[var_batch_ids]
    idx = jnp.arange(V)
    cand = jnp.where(is_max, idx, V)
    max_ind = jax.ops.segment_min(cand, var_batch_ids, num_segments=B)

    norm = jax.ops.segment_sum(coeff, var_batch_ids, num_segments=B)
    valid = (active_mask[:, 0] * (norm[:, 0] != 0).astype(jnp.float32)) > 0
    safe_ind = jnp.where(valid, jnp.clip(max_ind, 0, V - 1), 0)

    updates = jnp.sign(score[safe_ind, 0]) * valid.astype(jnp.float32)
    assignment = jnp.zeros((V, 1), dtype=jnp.float32).at[safe_ind, 0].add(updates)

    a2, c2 = pl.pallas_call(
        _copy2,
        out_shape=(jax.ShapeDtypeStruct((800, 125), jnp.float32),
                   jax.ShapeDtypeStruct((800, 125), jnp.float32)),
    )(assignment.reshape(800, 125), coeff.reshape(800, 125))

    return fn_msg, var_msg, a2.reshape(V, 1), c2.reshape(V, 1)

# --- scband reference (transcript-rebuilt; emitter-appended) ---
"""Pipeline reference for scband-sequential-decimator-67628555042887 (READ-ONLY COPY).

The authoritative reference and input builder live on the scoring server;
editing this copy changes nothing except your own understanding.
"""

import jax, jax.numpy as jnp
import numpy as np

V = 100000
E = 3200000
B = 64
TOL = 1e-4
ALPHA = 30.0


def setup_inputs(seed: int = 0) -> dict:
    key = jax.random.key(seed)
    ks = jax.random.split(key, 8)
    fn_msg = jax.random.normal(ks[0], (E, 4), dtype=jnp.float32)
    var_msg = jax.random.normal(ks[1], (E, 4), dtype=jnp.float32)
    prev_fn_state = jax.random.normal(ks[2], (E,), dtype=jnp.float32)
    edge_var_ids = jnp.sort(jax.random.randint(ks[3], (E,), 0, V))
    var_batch_ids = jnp.sort(jax.random.randint(ks[4], (V,), 0, B))
    active_vars = jnp.ones((V, 1), dtype=jnp.float32)
    active_mask = jnp.ones((B, 1), dtype=jnp.float32)
    w = jax.random.normal(ks[5], (1, 1), dtype=jnp.float32) * 0.1
    return {"fn_msg": fn_msg, "var_msg": var_msg, "prev_fn_state": prev_fn_state,
            "edge_var_ids": edge_var_ids, "var_batch_ids": var_batch_ids,
            "active_vars": active_vars, "active_mask": active_mask, "w": w}


def _sparse_smooth_max(x, seg_ids, num_segments, alpha=ALPHA):
    # util.sparse_smooth_max: per-segment smooth max via logsumexp with temperature alpha
    ax = alpha * x
    m = jax.ops.segment_max(ax, seg_ids, num_segments=num_segments)
    m = jnp.where(jnp.isfinite(m), m, 0.0)
    s = jax.ops.segment_sum(jnp.exp(ax - m[seg_ids]), seg_ids, num_segments=num_segments)
    return (jnp.log(s + 1e-20) + m) / alpha


def reference(fn_msg, var_msg, prev_fn_state, edge_var_ids, var_batch_ids,
              active_vars, active_mask, w):
    fn_state = fn_msg[:, 0]  # message_state[1][:, 0]

    # --- active_mask update: survey = smooth_max over edges->vars, max over vars->batch ---
    survey_v = _sparse_smooth_max(fn_state, edge_var_ids, V)[:, None] * active_vars
    survey_b = jax.ops.segment_max(survey_v[:, 0], var_batch_ids, num_segments=B)[:, None]
    active_mask = jnp.where(survey_b <= 1e-10, 0.0, active_mask)

    # --- convergence test: |prev - cur| smooth-maxed per variable, maxed per batch ---
    function_diff = jnp.abs(prev_fn_state - fn_state)
    sum_diff_v = _sparse_smooth_max(function_diff, edge_var_ids, V)[:, None] * active_vars
    sum_diff_b = jax.ops.segment_max(sum_diff_v[:, 0], var_batch_ids, num_segments=B)[:, None]
    converged_b = (sum_diff_b < TOL).astype(jnp.float32)  # [B,1]
    # torch.mm(batch_mask, sum_diff): broadcast per-batch flag back to variables
    converged_v = converged_b[var_batch_ids][:, 0][:, None]  # [V,1]

    # --- scorer: per-variable score from aggregated function messages ---
    agg = jax.ops.segment_sum(fn_state, edge_var_ids, num_segments=V)[:, None]  # [V,1]
    score = jnp.tanh(agg @ w)  # [V,1]

    coeff = jnp.abs(score) * active_vars * converged_v  # [V,1]

    # --- util.sparse_argmax over batch segments ---
    seg_max = jax.ops.segment_max(coeff[:, 0], var_batch_ids, num_segments=B)
    is_max = coeff[:, 0] == seg_max[var_batch_ids]
    idx = jnp.arange(V)
    cand = jnp.where(is_max, idx, V)
    max_ind = jax.ops.segment_min(cand, var_batch_ids, num_segments=B)  # [B]

    # torch.mm(batch_mask.T, coeff): per-batch normalizer
    norm = jax.ops.segment_sum(coeff, var_batch_ids, num_segments=B)  # [B,1]
    valid = (active_mask[:, 0] * (norm[:, 0] != 0).astype(jnp.float32)) > 0
    safe_ind = jnp.where(valid, jnp.clip(max_ind, 0, V - 1), 0)

    # assignment[max_ind] = sign(score[max_ind]) for valid batches
    updates = jnp.sign(score[safe_ind, 0]) * valid.astype(jnp.float32)
    assignment = jnp.zeros((V, 1), dtype=jnp.float32).at[safe_ind, 0].add(updates)

    # the decimator returns message_state unchanged; expose decision tensors too
    return fn_msg, var_msg, assignment, coeff

if __name__ == "__main__":
    import jax
    _d = setup_inputs()
    print(jax.jit(kernel)(*tuple(_d.values())))

</pallas_src>

<mosaic_0001>
module attributes {stable_mosaic.version = 14 : i64} {
  func.func @_copy2(%arg0: memref<800x125xf32, #tpu.memory_space<vmem>>, %arg1: memref<800x125xf32, #tpu.memory_space<vmem>>, %arg2: memref<800x125xf32, #tpu.memory_space<vmem>>, %arg3: memref<800x125xf32, #tpu.memory_space<vmem>>) attributes {dimension_semantics = [], scalar_prefetch = 0 : i64, scratch_operands = 0 : i64, tpu.core_type = #tpu.core_type<tc>} {
    %get3A = arith.constant 0 : index
    %get3A_0 = arith.constant 0 : index
    %get3A_1 = vector.load %arg0[%get3A, %get3A_0] : memref<800x125xf32, #tpu.memory_space<vmem>>, vector<800x125xf32>
    %swap3A = arith.constant 0 : index
    %swap3A_2 = arith.constant 0 : index
    %swap3A_3 = vector.load %arg2[%swap3A, %swap3A_2] : memref<800x125xf32, #tpu.memory_space<vmem>>, vector<800x125xf32>
    tpu.vector_store %arg2[%swap3A, %swap3A_2], %get3A_1 {strides = array<i32>} : memref<800x125xf32, #tpu.memory_space<vmem>>, vector<800x125xf32>,
    %get3A_4 = arith.constant 0 : index
    %get3A_5 = arith.constant 0 : index
    %get3A_6 = vector.load %arg1[%get3A_4, %get3A_5] : memref<800x125xf32, #tpu.memory_space<vmem>>, vector<800x125xf32>
    %swap3A_7 = arith.constant 0 : index
    %swap3A_8 = arith.constant 0 : index
    %swap3A_9 = vector.load %arg3[%swap3A_7, %swap3A_8] : memref<800x125xf32, #tpu.memory_space<vmem>>, vector<800x125xf32>
    tpu.vector_store %arg3[%swap3A_7, %swap3A_8], %get3A_6 {strides = array<i32>} : memref<800x125xf32, #tpu.memory_space<vmem>>, vector<800x125xf32>,
    return
  }
}

</mosaic_0001>

<sc_bundles>
// kernel: scatter_offload_async_start.10
scs
__scs_entry_jumppad:
0x0: {  	(pc) =	sbr.rel $0x88, $3  }
0x1: {  	(tag) =	ssettag $0x0;
	lr =	simm.s32 $0x1  }
0x2: {  	[smem:$0x3F99] =	sst lr;
	_ =	strace $0xD0000000  }
0x3: {  	_ = 	snop  }
0x4: {  	_ = 	snop  }
0x5: {  	_ = 	snop  }
0x6: {  	_ = 	snop  }
0x7: {  	_ = 	snop  }
__scs_overlays_trampoline_lowered:
0x8: {  	[smem:$0x3FA8] =	sst s0  }
0x9: {  	[smem:$0x3FA9] =	sst s1  }
0xa: {  	[smem:$0x3FAA] =	sst s2  }
0xb: {  	[smem:$0x3FAB] =	sst s3  }
0xc: {  	[smem:$0x3FAC] =	sst s4  }
0xd: {  	[smem:$0x3FAD] =	sst s5  }
0xe: {  	[smem:$0x3FAE] =	sst s6  }
0xf: {  	[smem:$0x3FAF] =	sst s7  }
0x10: {  	[smem:$0x3FB0] =	sst s8  }
0x11: {  	[smem:$0x3FB1] =	sst s9;
	s0 =	simm.s32 @!p0 $0x0  }
0x12: {  	s1 =	sld [smem:$0x3F97];
	s0 =	simm.s32 @p0 $0x1  }
0x13: {  	[smem:$0x3FB2] =	sst s0;
	s0 =	simm.s32 @!p1 $0x0  }
0x14: {  	s2 =	sld [smem:$0x3F96];
	s0 =	simm.s32 @p1 $0x1  }
0x15: {  	[smem:$0x3FB3] =	sst s0;
	s0 =	simm.s32 @!p2 $0x0  }
0x16: {  	s3 =	sld [smem:$0x3FDB];
	s0 =	simm.s32 @p2 $0x1  }
0x17: {  	s4 =	simm.s32 $0x1BF5;
	[smem:$0x3FB5] =	sst s0  }
0x18: {  	s0 =	sld [smem:$0x3F98];
	_ =	swait.ge [sflag:s4], $0x0  }
0x19: {  	s7 =	sld [smem:$0x3F99]  }
0x1a: {  	s8 =	sadd.s32 $0xFFFFE003, lr  }
0x1b: {  	s9 =	sadd.s32 $0xFFFFFEF7, lr;
	s5 =	simm.s32 $0xFFFFFFFF;
	p2 =	slt.u32 s8, $0xFFFFF086  }
0x1c: {  	p1 =	slt.u32 s9, $0xF7A;
	s5 =	simm.s32 @!p2 $0x0  }
0x1d: {  	s5 =	simm.s32 @p1 $0x1;
	p0 =	seq.s32 s7, s2  }
0x1e: {  	s7 =	smul.u32 @!p0 $0xF7A, s2;
	p2 =	seq.s32 @!p0 s5, $0x0  }
0x1f: {  	s9 =	smul.u32 $0xF7A, s1;
	s8 =	simm.s32 @!p0 $0x1BF5;
	p2 =	por !p2, p0  }
0x20: {  	[sflag:s8] =	ssyncset.s32 @!p0 $0xFFFFF086;
	s6 =	sadd.s32 @!p0 s3, s7;
	s7 =	simm.s32 @!p0 $0x108  }
0x21: {  	s3 =	sadd.s32 s3, s9;
	s6 =	sadd.s32 @!p0 $0x88, s6;
	s7 =	simm.s32 @p2 $0x1082  }
0x22: {  	[simem:s7], [sflag:s8] =	dma.local @!p0 [hbm:s6], $0xF7A  }
0x23: {  	s9 =	sor.u32 $0xD0000000, s2;
	s6 =	simm.s32 $0x108;
	_ =	swait.ge @!p0 [sflag:s8], $0x0  }
0x24: {  	s3 =	sadd.s32 $0x88, s3;
	s6 =	simm.s32 @!p1 $0x1082;
	[sflag:s4] =	ssyncset.s32 $0xFFFFF086  }
0x25: {  	[simem:s6], [sflag:s4] =	dma.local [hbm:s3], $0xF7A  }
0x26: {  	[smem:$0x3F99] =	sst s1;
	(tag) =	ssettag s2;
	_ =	strace s9  }
0x27: {  	s1 =	sld [smem:$0x3FA9]  }
0x28: {  	s2 =	sld [smem:$0x3FAA]  }
0x29: {  	s4 =	sld [smem:$0x3FAC]  }
0x2a: {  	p0 =	seq.s32 s5, $0x0;
	s5 =	sld [smem:$0x3FAD]  }
0x2b: {  	s6 =	sld [smem:$0x3FAE]  }
0x2c: {  	s7 =	sld [smem:$0x3FAF]  }
0x2d: {  	s3 =	simm.s32 $0x108;
	s8 =	sld [smem:$0x3FB0]  }
0x2e: {  	s3 =	simm.s32 @!p0 $0x1082;
	s9 =	sld [smem:$0x3FB1]  }
0x2f: {  	lr =	sadd.s32 s0, s3;
	s0 =	sld [smem:$0x3FA8]  }
0x30: {  	s3 =	sld [smem:$0x3FAB]  }
0x31: {  	[smem:$0x3FB4] =	sst s10  }
0x32: {  	s10 =	sld [smem:$0x3FB2];
	_ =	sdelay $0x3  }
0x33: {  	p0 =	seq.s32 s10, $0x1;
	s10 =	sld [smem:$0x3FB4];
	_ =	sdelay $0x3  }
0x34: {  	[smem:$0x3FB4] =	sst s10  }
0x35: {  	s10 =	sld [smem:$0x3FB3];
	_ =	sdelay $0x3  }
0x36: {  	p1 =	seq.s32 s10, $0x1;
	s10 =	sld [smem:$0x3FB4];
	_ =	sdelay $0x3  }
0x37: {  	[smem:$0x3FB4] =	sst s10  }
0x38: {  	s10 =	sld [smem:$0x3FB5]  }
0x39: {  	_ = 	snop;
	(pc) =	sbr.ind lr, $3  }
0x3a: {  	_ = 	snop  }
0x3b: {  	_ = 	snop  }
0x3c: {  	p2 =	seq.s32 s10, $0x1;
	s10 =	sld [smem:$0x3FB4]  }
0x3d: {  	_ =	shalt  }
0x3e: {  	_ =	shalt  }
0x3f: {  	_ =	shalt  }
0x40: {  	_ =	shalt  }
0x41: {  	_ =	shalt  }
0x42: {  	_ =	shalt  }
0x43: {  	_ =	shalt  }
0x44: {  	_ =	shalt  }
0x45: {  	_ =	shalt  }
0x46: {  	_ =	shalt  }
0x47: {  	_ =	shalt  }
0x48: {  	_ =	shalt  }
0x49: {  	_ =	shalt  }
0x4a: {  	_ =	shalt  }
0x4b: {  	_ =	shalt  }
0x4c: {  	_ =	shalt  }
0x4d: {  	_ =	shalt  }
0x4e: {  	_ =	shalt  }
0x4f: {  	_ =	shalt  }
0x50: {  	_ =	shalt  }
0x51: {  	_ =	shalt  }
0x52: {  	_ =	shalt  }
0x53: {  	_ =	shalt  }
0x54: {  	_ =	shalt  }
0x55: {  	_ =	shalt  }
0x56: {  	_ =	shalt  }
0x57: {  	_ =	shalt  }
0x58: {  	_ =	shalt  }
0x59: {  	_ =	shalt  }
0x5a: {  	_ =	shalt  }
0x5b: {  	_ =	shalt  }
0x5c: {  	_ =	shalt  }
0x5d: {  	_ =	shalt  }
0x5e: {  	_ =	shalt  }
0x5f: {  	_ =	shalt  }
0x60: {  	_ =	shalt  }
0x61: {  	_ =	shalt  }
0x62: {  	_ =	shalt  }
0x63: {  	_ =	shalt  }
0x64: {  	_ =	shalt  }
0x65: {  	_ =	shalt  }
0x66: {  	_ =	shalt  }
0x67: {  	_ =	shalt  }
0x68: {  	_ =	shalt  }
0x69: {  	_ =	shalt  }
0x6a: {  	_ =	shalt  }
0x6b: {  	_ =	shalt  }
0x6c: {  	_ =	shalt  }
0x6d: {  	_ =	shalt  }
0x6e: {  	_ =	shalt  }
0x6f: {  	_ =	shalt  }
0x70: {  	_ =	shalt  }
0x71: {  	_ =	shalt  }
0x72: {  	_ =	shalt  }
0x73: {  	_ =	shalt  }
0x74: {  	_ =	shalt  }
0x75: {  	_ =	shalt  }
0x76: {  	_ =	shalt  }
0x77: {  	_ =	shalt  }
0x78: {  	_ =	shalt  }
0x79: {  	_ =	shalt  }
0x7a: {  	_ =	shalt  }
0x7b: {  	_ =	shalt  }
0x7c: {  	_ =	shalt  }
0x7d: {  	_ =	shalt  }
0x7e: {  	_ =	shalt  }
0x7f: {  	_ =	shalt  }
0x80: {  	_ =	shalt  }
0x81: {  	_ =	shalt  }
0x82: {  	_ =	shalt  }
0x83: {  	_ =	shalt  }
0x84: {  	_ =	shalt  }
0x85: {  	_ =	shalt  }
0x86: {  	_ =	shalt  }
0x87: {  	_ =	shalt  }
.Lfunc_end0:
.L_simem_size_0:
called_computation.10_lowered:
.L_overlay_start_0:
0x88: {  	s0 =	sld [smem:$0x3FD9]  }
0x89: {  	s1 =	sld [smem:$0x3FFE];
	_ =	sdelay $0x3  }
0x8a: {  	s0 =	sadd.s32 s1, s0  }
0x8b: {  	[smem:$0x3FC0] =	sst s0  }
0x8c: {  	_ = 	snop  }
0x8d: {  	s0 =	sld [smem:$0x3FD0];
	_ =	sdelay $0x2  }
0x8e: {  	s13 =	simm.s32 $0xF;
	s2 =	simm.s32 $0x10  }
0x8f: {  	[smem:s2], [sflag:s13] =	dma.local [hbm:s0], $0x1  }
0x90: {  	_ =	swait.eq [sflag:s13], $0x1  }
0x91: {  	[sflag:s13] =	ssyncset.done $0x0  }
0x92: {  	s14 =	sld [smem:$0x12];
	[sflag:s13] =	ssyncadd.s32 $0xFFFFFFFF  }
0x93: {  	s15 =	sld [smem:$0x13];
	(tm) =	ssettm $0x1  }
0x94: {  	s16 =	sld [smem:$0x3FFB];
	_ =	sdelay $0x3  }
0x95: {  	_ =	strace s16  }
0x96: {  	s2 =	sld [smem:$0x3FFC];
	_ =	sdelay $0x3  }
0x97: {  	_ =	strace s2  }
0x98: {  	s2 =	sld [smem:$0x3FFD];
	_ =	sdelay $0x3  }
0x99: {  	_ =	strace s2  }
0x9a: {  	_ =	strace $0x8FFFFFFF  }
0x9b: {  	s17 =	sld [smem:$0x3FDB];
	_ =	sdelay $0x1  }
0x9c: {  	s3 =	simm.s32 $_scs_section_size  }
0x9d: {  	s4 =	simm.s32 $_size__tile_overlayer_lowered;
	s5 =	simm.s32 $_tile_overlayer_lowered  }
0x9e: {  	s20 =	simm.s32 $0x1BFF;
	s19 =	sshll.u32 s5, $0x1;
	s2 =	sadd.s32 s3, s17  }
0x9f: {  	s6 =	simm.s32 $0x0;
	s18 =	sshll.u32 s4, $0x1;
	s4 =	sadd.s32 s19, s2  }
0xa0: {  	[timem:s6], [sflag:s20] =	dma.local [hbm:s4], s18  }
0xa1: {  	_ =	swait.ge [sflag:s20], s18  }
0xa2: {  	s3 =	ssub.s32 $0x0, s18;
	[sflag:s20] =	ssyncset.done $0x0  }
0xa3: {  	[sflag:s20] =	ssyncadd.s32 s3;
	_ =	sdelay $0x1  }
0xa4: {  	s21 =	simm.s32 $0x1B8B  }
0xa5: {  	_ =	swait.ge [sflag:s21], $0x1  }
0xa6: {  	[sflag:s21] =	ssyncset.done $0x0  }
0xa7: {  	s23 =	simm.s32 $0x1B8E;
	s22 =	sld [smem:$0x3FFE];
	[sflag:s21] =	ssyncadd.s32 $0xFFFFFFFF  }
0xa8: {  	s24 =	simm.s32 $execute0_lowered;
	[smem:$0x3FD2] =	sst s23  }
0xa9: {  	s4 =	sshll.u32 s24, $0x1;
	_ =	strace $0x80000076;
	[dreg:$0x1] =	wrdreg $0xFFFFFFFF  }
0xaa: {  	s25 =	simm.s32 $_size_execute0_lowered;
	s2 =	sadd.s32 s2, s4;
	[dreg:$0x0] =	wrdreg $0x0  }
0xab: {  	s4 =	sshll.u32 s25, $0x1;
	[dreg:$0x2] =	wrdreg s2  }
0xac: {  	[dreg:$0x3] =	wrdreg s4  }
0xad: {  	[dreg:$0x4] =	wrdreg $0xC0  }
0xae: {  	_ =	task [dreg:s6], $0x5FFFF  }
0xaf: {  	[dreg:$0x1] =	wrdreg $0xFFFFFFFF  }
0xb0: {  	[dreg:$0x0] =	wrdreg $0x60  }
0xb1: {  	[dreg:$0x2] =	wrdreg s22  }
0xb2: {  	[dreg:$0x3] =	wrdreg s15  }
0xb3: {  	[dreg:$0x4] =	wrdreg s14  }
0xb4: {  	[dreg:$0x5] =	wrdreg $0x9  }
0xb5: {  	_ =	task.clear_ibuf [dreg:s6], $0x6FFFF;
	_ =	strace $0x90000076  }
0xb6: {  	s26 =	simm.s32 $0x9;
	_ =	strace $0x80000078  }
0xb7: {  	_ =	swait.ge [sflag:s26], $0x1  }
0xb8: {  	[sflag:s26] =	ssyncadd.s32 $0xFFFFFFFF  }
0xb9: {  	_ =	strace $0x90000078  }
0xba: {  	_ =	sfence  }
0xbb: {  	s28 =	sld [smem:$0x0];
	_ =	sdelay $0x1  }
0xbc: {  	s29 =	srdreg.scid  }
0xbd: {  	s30 =	sshll.u32 s29, $0xD;
	s31 =	sshrl.u32 s29, $0x2  }
0xbe: {  	s1 =	sand.u32 $0x1, s29;
	s2 =	sand.u32 $0x4000, s30;
	s0 =	sadd.s32 s31, s28  }
0xbf: {  	s1 =	sor.u32 s2, s1;
	s0 =	sshll.u32 s0, $0x11  }
0xc0: {  	s0 =	sor.u32 s0, s1  }
0xc1: {  	s0 =	sadd.s32 $0x8F2B, s0  }
0xc2: {  	[sflag:s0] =	ssyncadd.remote.s32 $0x1  }
0xc3: {  	_ =	sfence.sel $0xFFFF  }
0xc4: {  	[dreg:$0x0] =	wrdreg $0xFFFFFFFF;
	(pc) =	sbr.abs _section_cstart, $3  }
0xc5: {  	[dreg:$0x1] =	wrdreg $0xFFFFFFFF  }
0xc6: {  	_ =	task.clear_ibuf [dreg:s6], $0x2FFFF;
	_ =	strace $0x9FFFFFFF  }
0xc7: {  	(tm) =	ssettm $0x7FFFFFFF  }
tec
execute0_lowered:
.L_overlay_start_1:
0x0: {  	(tag) =	ssettag $0x1  }
0x1: {  	s1 =	rddreg [dreg:$0x0]  }
0x2: {  	s3 =	rddreg [dreg:$0x1]  }
0x3: {  	s4 =	rddreg [dreg:$0x2];
	_ =	strace $0x80000077;
	s2 =	simm.s32 $0x1  }
0x4: {  	v1 =	vimm.s32 $0xFFFFFFFF;
	[sflag:s2] =	ssyncpa.u1 $0x0  }
0x5: {  	[tilespmem:$0x10] =	vst v1  }
0x6: {  	v0 =	vimm.f32 $0.0e+00;
	[tilespmem:$0x20] =	vst v1  }
0x7: {  	[tilespmem:$0x30] =	vst v0  }
0x8: {  	s6 =	simm.s32 $0x10;
	s7 =	simm.s32 $0x2;
	s31 =	simm.s32 $0x7;
	[tilespmem:$0x40] =	vst v0  }
0x9: {  	s9 =	simm.s32 $0x9;
	s16 =	simm.s32 $0x100;
	s17 =	simm.s32 $0xFFFFFFFE;
	[tilespmem:$0x50] =	vst v0  }
0xa: {  	s18 =	simm.s32 $0x0;
	s19 =	simm.s32 $0xFFFFFFFF;
	s20 =	simm.s32 $0xF;
	[tilespmem:$0x60] =	vst v1  }
0xb: {  	s21 =	simm.s32 $0x30;
	s22 =	simm.s32 $0x0;
	s2 =	stileid.u32;
	[tilespmem:$0x70] =	vst v1  }
0xc: {  	s25 =	simm.s32 $0x0;
	[tilespmem:$0x80] =	vst v1;
	s5 =	smin.u32 s2, $0x4;
	p0 =	slt.u32 s2, $0x4  }
0xd: {  	s23 =	simm.s32 $0x0;
	v1 =	vimm.s32 $0x0;
	[tilespmem:$0xB0] =	vst v0;
	s5 =	sshll.u32 s5, $0x4;
	s6 =	simm.s32 @!p0 $0x0  }
0xe: {  	s1 =	sadd.s32 $0x253E00, s1;
	s12 =	sshllo.u32 s2, $0x1;
	[tilespmem:$0x90] =	vst v1;
	s6 =	sadd.s32 s6, s5  }
0xf: {  	[tilespmem:$0xA0] =	vst v1;
	[sflag:s7] =	ssyncpa.u1 $0x0;
	s7 =	simm.s32 $0x8;
	s6 =	smin.u32 s6, $0x40  }
.Ltmp0:
0x10: {  	[sflag:s31] =	ssyncpa.u1 $0x0;
	s8 =	ssub.s32 s6, s5;
	(pc) =	sbr.rel .LBB2_1-.Ltmp0, $4  }
0x11: {  	s24 =	smov.u32 s5;
	[sflag:s7] =	ssyncpa.u1 $0x0;
	p0 =	sgt.s32 s8, $0x0  }
0x12: {  	[sflag:s9] =	ssyncpa.u1 $0x0;
	s9 =	sshll.u32 s2, $0x1;
	s8 =	simm.s32 @!p0 $0x0  }
0x13: {  	s11 =	sor.u32 $0x81, s9;
	s13 =	sor.u32 $0x80, s9;
	s8 =	sshrl.u32 s8, $0x4  }
0x14: {  	vm0 =	vmxor vm0, vm0;
	vm1 =	vmmov $0x1;
	vm2 =	vmmov $0xffff;
	s10 =	sadd.s32 $0x2, s8;
	s14 =	sadd.s32 $0x3, s8;
	s15 =	sadd.s32 $0x1, s8  }
.LBB2_3:
0x15: {  	p0 =	slt.u32 s23, $0x3  }
0x16: {  	s0 =	simm.s32 @!p0 $0x2  }
0x17: {  	_ =	swait.ge @!p0 [sflag:s0], $0x10  }
0x18: {  	[sflag:s0] =	ssyncset.done @!p0 $0x0  }
0x19: {  	[sflag:s0] =	ssyncadd.s32 @!p0 $0xFFFFFFF0;
	s0 =	simm.s32 @!p0 $0x9  }
0x1a: {  	_ =	swait.ge @!p0 [sflag:s0], $0x10  }
0x1b: {  	s25 =	sadd.s32 $0x10, s24;
	s23 =	sadd.s32 $0x1, s23;
	[sflag:s0] =	ssyncset.done @!p0 $0x0  }
0x1c: {  	[sflag:s0] =	ssyncadd.s32 @!p0 $0xFFFFFFF0;
	p0 =	slt.s32 s25, s6;
	s0 =	smov.u32 s5  }
0x1d: {  	s0 =	smov.u32 @p0 s25;
	p0 =	sne.s32 s14, s23  }
.Ltmp1:
0x1e: {  	_ = 	snop;
	(pc) =	sbr.rel @!p0 .LBB2_4-.Ltmp1, $3  }
0x1f: {  	_ =	sdelay $0x1  }
0x20: {  	s16 =	sadd.s32 $0x10, s16;
	s17 =	sadd.s32 $0x1, s17;
	s22 =	sadd.s32 $0x10, s22  }
0x21: {  	s19 =	sadd.s32 $0x1, s19;
	s25 =	smov.u32 s24;
	s24 =	smov.u32 s0  }
.LBB2_1:
0x22: {  	s26 =	smulhi.u32 $0xAAAAAAAB, s23;
	_ =	sdelay $0x1  }
0x23: {  	s26 =	sshrl.u32 s26, $0x1  }
0x24: {  	s26 =	smul.u32 $0xFFFFFF40, s26  }
0x25: {  	p0 =	sge.u32 s23, s8  }
0x26: {  	s30 =	smulhi.u32 $0xAAAAAAAB, s19;
	s28 =	sshrl.u32 @!p0 s24, $0x3;
	s26 =	sshra.s32 @!p0 s26, $0x2  }
0x27: {  	s29 =	sand.u32 @!p0 $0x7, s24;
	s28 =	sadd.s32 @!p0 s3, s28;
	s26 =	sadd.s32 @!p0 s26, s16  }
0x28: {  	[tilespmem:s26], [sflag:$0x7] =	stream.linear.gather @!p0 [hbm4b:s28+s29], $0x10, $0x38;
	[tilespmem:$0x1B0] =	vst v63  }
0x29: {  	s31 =	sadd.s32 $0xFFFFFFFF, s23;
	s26 =	sshrl.u32 s30, $0x1  }
0x2a: {  	p0 =	sge.u32 s31, s8;
	s26 =	smul.u32 $0xFFFFFF40, s26  }
0x2b: {  	s28 =	simm.s32 @!p0 $0x7  }
0x2c: {  	_ =	swait.ge @!p0 [sflag:s28], $0x10;
	s26 =	sshra.s32 @!p0 s26, $0x2  }
0x2d: {  	[sflag:s28] =	ssyncset.done @!p0 $0x0;
	s26 =	sadd.s32 @!p0 s26, s16  }
0x2e: {  	[sflag:s28] =	ssyncadd.s32 @!p0 $0xFFFFFFF0;
	(ifvalue) =	ssetifvalue @!p0 $0xFFFFFFFF;
	v2 =	vld.msk @!p0 [tilespmem:s26+$0xFFFFFFF0 ss:$0x1], $0xffff;
	_ =	sdelay $0x1  }
0x2f: {  	p1 =	sne.s32 @!p0 s23, $0x1  }
0x30: {  	p1 =	por p1, p0  }
0x31: {  	v3 =	vimm.s32 @!p1 $0x0  }
0x32: {  	v3 =	vperm.xlane @!p1 v2, v3  }
0x33: {  	vm3 =	vlt.u32 @!p0 v2, $0x18800  }
0x34: {  	s28 =	sand.u32 @!p0 $0x10, s22;
	v2 =	vnsel @!p0 vm3, $0xFFFFFFFE, v2;
	vm3 =	vlt.u32 @!p1 v3, $0x18800  }
0x35: {  	[tilespmem:s28+$0x60] =	vst @!p0 v2;
	v2 =	vnsel @!p1 vm3, $0xFFFFFFFE, v3  }
0x36: {  	s28 =	sadd.s32 @!p0 $0xFFFFFFF0, s26;
	[tilespmem:$0x80] =	vst @!p1 v2  }
0x37: {  	v2 =	vld.msk @!p0 [tilespmem:s28+$0x0 ss:$0x1], $0xffff;
	_ =	sdelay $0x4  }
0x38: {  	(xrf1) =	vunique.msk.u32 @!p0 $0xffff, v2;
	_ =	sdelay $0xd  }
0x39: {  	v4 =	vlaneseq.u32 @!p0;
	v3, _, _ =	vpop @!p0 (xrf1)  }
0x3a: {  	vm3 =	vlt.u32 @!p0 v2, $0x18800;
	vm4 =	veq.s32 @!p0 v3, v4  }
0x3b: {  	vm4 =	vmand @!p0 vm3, vm4  }
0x3c: {  	v2 =	vnsel @!p0 vm4, $0xFFFFFFFF, v2;
	_ =	sdelay $0x1  }
0x3d: {  	s28 =	sadd.s32 @!p0 $0xFFFFFFF0, s22  }
0x3e: {  	s30 =	simm.s32 @!p0 $0x0;
	s28 =	sand.u32 @!p0 $0x10, s28  }
0x3f: {  	s25 =	sshrl.u32 @!p0 s25, $0x3;
	s29 =	sadd.s32 @!p0 $0x130, s28;
	(ifvalue) =	ssetifvalue @!p0 $0xFFFFFFFF;
	vm4 =	vmmov @!p0 $0xffff  }
0x40: {  	[tilespmem:s29], [sflag:$0x8] =	stream.indirect_vreg.gather @!p0 [hbm4b:s1+s30], $0x1, v2, vm4, $0x4038;
	v2 =	vnsel @!p0 vm3, $0xFFFFFFFE, v2;
	[tilespmem:$0x1B0] =	vst v63  }
0x41: {  	s25 =	sadd.s32 @!p0 s4, s25;
	[tilespmem:s26+$0xFFFFFFF0] =	vst @!p0 v2;
	s26 =	sadd.s32 @!p0 $0x150, s28  }
0x42: {  	[tilespmem:s26], [sflag:$0x8] =	stream.linear.gather @!p0 [hbm:s25], $0x10, $0x38;
	[tilespmem:$0x1B0] =	vst v63  }
0x43: {  	p0 =	slt.u32 s23, $0x2  }
0x44: {  	p1 =	sge.u32 @!p0 s23, s10  }
0x45: {  	p0 =	por p0, p1  }
.Ltmp2:
0x46: {  	_ = 	snop;
	(pc) =	sbr.rel @p0 .LBB2_3-.Ltmp2, $1  }
0x47: {  	_ =	sdelay $0x3  }
0x48: {  	s25 =	smulhi.u32 $0xAAAAAAAB, s17;
	_ =	sdelay $0x1  }
0x49: {  	s25 =	sshrl.u32 s25, $0x1  }
0x4a: {  	s25 =	smul.u32 $0xC0, s25;
	_ =	sdelay $0x1  }
0x4b: {  	p0 =	sne.s32 s15, s23;
	s29 =	ssub.s32 $0xFFFFFF80, s25  }
0x4c: {  	_ =	swait.ge [sflag:s7], $0x20;
	s25 =	sshra.s32 @!p0 s29, $0x2  }
0x4d: {  	[sflag:s7] =	ssyncset.done $0x0;
	s25 =	sadd.s32 @!p0 s25, s16  }
0x4e: {  	s26 =	simm.s32 @!p0 $0x1;
	[sflag:s7] =	ssyncadd.s32 $0xFFFFFFE0;
	s25 =	sadd.s32 @!p0 $0xF, s25  }
0x4f: {  	[spmem:s11] =	stream.linear.scatter @!p0 [tilespmem:s25], [sflag:$0x1], $0x1, $0x38;
	[tilespmem:$0x1B0] =	vst v63  }
0x50: {  	_ =	swait.ge @!p0 [sflag:s26], $0x1  }
0x51: {  	[sflag:s26] =	ssyncset.done @!p0 $0x0  }
0x52: {  	s25 =	sand.u32 $0x10, s22;
	[sflag:s26] =	ssyncadd.s32 @!p0 $0xFFFFFFFF  }
0x53: {  	s30 =	sxor.u32 $0x10, s25;
	v2 =	vld [tilespmem:s25+$0x10]  }
0x54: {  	v3 =	vld [tilespmem:s30+$0x60]  }
0x55: {  	v4 =	vld [tilespmem:$0x80];
	_ =	sdelay $0x2  }
0x56: {  	(v2sf) =	vpush v2, $0x0  }
0x57: {  	(v2sf) =	vpush v3, $0x0  }
0x58: {  	(v2sf) =	vpush v4, $0x0;
	_ =	sdelay $0xc  }
0x59: {  	s31 =	spop (v2sf)  }
0x5a: {  	s0 =	spop (v2sf)  }
0x5b: {  	s28 =	spop (v2sf)  }
0x5c: {  	p1 =	seq.s32 s31, s0;
	p2 =	seq.s32 s28, s31  }
0x5d: {  	p2 =	por p1, p2  }
0x5e: {  	v2 =	vpsel p2, $0xFFFFFFFF, v2  }
0x5f: {  	v3 =	vld [tilespmem:s25+$0x150];
	[tilespmem:s25+$0x10] =	vst.msk $0x1, v2  }
0x60: {  	v2 =	vld [tilespmem:$0x30]  }
0x61: {  	v5 =	vld [tilespmem:s25+$0x40];
	_ =	sdelay $0x3  }
0x62: {  	vm3 =	vmmov vm0;
	v3 =	vadd.f32 v3, v2  }
0x63: {  	vm4 =	vmmov vm1;
	vm3 =	vmmov @p1 vm1;
	v2 =	vadd.f32 v5, v2  }
0x64: {  	vm4 =	vmmov @p2 vm0;
	[tilespmem:s25+$0x150] =	vst.msk vm3, v3  }
0x65: {  	[tilespmem:s25+$0x190] =	vst.msk vm4, v2  }
0x66: {  	v2 =	vld [tilespmem:s25+$0x130];
	_ =	sdelay $0x4  }
0x67: {  	v2 =	vshift.insert v2, v0, s20  }
0x68: {  	s31 =	sor.u32 $0x40, s30  }
0x69: {  	s29 =	sshra.s32 s29, $0x2;
	[tilespmem:s31+$0x0] =	vst.msk $0x1, v2  }
0x6a: {  	s0 =	sadd.s32 s29, s16;
	[tilespmem:s25+$0x13F] =	vst.msk $0x1, v0  }
0x6b: {  	v2 =	vld [tilespmem:s0+$0x0];
	_ =	sdelay $0x4  }
0x6c: {  	v2 =	vshift.insert v2, v1, s20;
	_ =	sdelay $0x1  }
0x6d: {  	[tilespmem:s30+$0x10] =	vst.msk $0x1, v2  }
0x6e: {  	v3 =	vld [tilespmem:s25+$0x150]  }
0x6f: {  	v60 =	vld [tilespmem:s0+$0x0];
	_ =	sdelay $0x3  }
0x70: {  	v3 =	vadd.f32 $0.0e+00, v3  }
0x71: {  	vm3 =	vne.s32 v60, $0xFFFFFFFF  }
0x72: {  	(xrf2) =	vadd.seg.scan.f32 vm3, v3;
	_ =	sdelay $0x3  }
0x73: {  	v3 =	vperm.xlane v2, v1  }
0x74: {  	v6 =	vld [tilespmem:s25+$0x130]  }
0x75: {  	vm3 =	veq.s32 v60, v4;
	vm14 =	veq.s32 v60, v3  }
0x76: {  	vm5 =	vgt.u32 v60, $0xFFFFFFFD;
	vm4 =	vmor vm14, vm3  }
0x77: {  	vm4 =	vmor vm4, vm5  }
0x78: {  	v3 =	vsel vm4, $0xFFFFFFFF, v60  }
0x79: {  	v62 =	vsel vm3, $0x0, v6;
	v61, _, _ =	vpop (xrf2)  }
0x7a: {  	v5 =	vadd.f32 v61, v62  }
0x7b: {  	v63 =	vld [tilespmem:$0xA0]  }
0x7c: {  	s30 =	sadd.s32 $0x170, s25;
	v7 =	vld [tilespmem:$0x90];
	[tilespmem:s25+$0x170] =	vst v5;
	(ifvalue) =	ssetifvalue $0xFFFFFFFF  }
0x7d: {  	[hbm4b:s1+s18] =	stream.indirect_vreg.scatter [tilespmem:s30], [sflag:$0x2], $0x1, v3, vm2, $0x4038;
	[tilespmem:$0x1B0] =	vst v63  }
0x7e: {  	v3 =	vld [tilespmem:s25+$0x170];
	_ =	sdelay $0x4  }
0x7f: {  	v3 =	vshift.insert v3, v0, s20  }
0x80: {  	vm15 =	veq.s32 v63, $0x1  }
0x81: {  	vm4 =	vmor vm15, vm3;
	v4 =	vsel vm3, v61, v7;
	[tilespmem:s21+$0x0] =	vst.msk $0x1, v3  }
0x82: {  	v3 =	vsel vm4, $0x1, v1;
	[tilespmem:$0x90] =	vst v4  }
0x83: {  	s0 =	sadd.s32 @!p0 $0x17F, s25;
	[tilespmem:$0xA0] =	vst v3  }
0x84: {  	[spmem:s12] =	stream.linear.scatter @!p0 [tilespmem:s0], [sflag:$0x1], $0x1, $0x38;
	[tilespmem:$0x1B0] =	vst v63  }
0x85: {  	v3 =	vmctz.xlane @!p0 vm4;
	_ =	swait.ge @!p0 [sflag:s26], $0x1  }
0x86: {  	(v2sf) =	vpush @!p0 v2, $0x0  }
0x87: {  	(v2sf) =	vpush @!p0 v3, $0x0;
	_ =	sdelay $0xd  }
0x88: {  	s0 =	spop @!p0 (v2sf)  }
0x89: {  	s29 =	spop @!p0 (v2sf)  }
0x8a: {  	p1 =	sne.s32 @!p0 s28, s0;
	p2 =	slt.s32 @!p0 s29, $0xF  }
0x8b: {  	[sflag:s26] =	ssyncset.done @!p0 $0x0;
	p1 =	por p1, p0;
	p2 =	por !p2, p0  }
0x8c: {  	[sflag:s26] =	ssyncadd.s32 @!p0 $0xFFFFFFFF;
	v2 =	vimm.s32 @!p1 $0xFFFFFFFF;
	s29 =	simm.s32 @p2 $0xF  }
0x8d: {  	[tilespmem:$0x80] =	vst @!p1 v2;
	s0 =	sadd.s32 @!p0 $0x90, s29  }
0x8e: {  	[spmem:s9] =	stream.linear.scatter @!p0 [tilespmem:s0], [sflag:$0x1], $0x1, $0x38;
	[tilespmem:$0x1B0] =	vst v63  }
0x8f: {  	_ =	swait.ge @!p0 [sflag:s26], $0x1  }
0x90: {  	[sflag:s26] =	ssyncset.done @!p0 $0x0  }
0x91: {  	s0 =	simm.s32 @!p0 $0x80;
	[sflag:s26] =	ssyncadd.s32 @!p0 $0xFFFFFFFF  }
0x92: {  	[spmem:s13] =	stream.linear.scatter @!p0 [tilespmem:s0], [sflag:$0x1], $0x1, $0x38;
	[tilespmem:$0x1B0] =	vst v63  }
0x93: {  	_ =	swait.ge @!p0 [sflag:s26], $0x1  }
0x94: {  	[sflag:s26] =	ssyncset.done @!p0 $0x0  }
0x95: {  	[sflag:s26] =	ssyncadd.s32 @!p0 $0xFFFFFFFF;
	(ifvalue) =	ssetifvalue $0xFFFFFFFF;
	v2 =	vld [tilespmem:s25+$0x10];
	_ =	sdelay $0x3  }
.Ltmp3:
0x96: {  	_ = 	snop;
	(pc) =	sbr.rel .LBB2_3-.Ltmp3, $3  }
0x97: {  	_ =	sdelay $0x1  }
0x98: {  	s31 =	sadd.s32 $0x190, s25;
	(ifvalue) =	ssetifvalue $0xFFFFFFFF  }
0x99: {  	[hbm4b:s1+s18] =	stream.indirect_vreg.scatter [tilespmem:s31], [sflag:$0x9], $0x1, v2, vm2, $0x4038;
	[tilespmem:$0x1B0] =	vst v63  }
.LBB2_4:
0x9a: {  	_ =	sfence.sel $0x180000  }
0x9b: {  	s0 =	simm.s32 $0x7;
	[bflag:$0x0] =	sbarrier.arrive $0xFFFF  }
0x9c: {  	s26 =	simm.s32 $0x8;
	[sflag:s0] =	ssyncpa.u1 $0x1  }
0x9d: {  	s28 =	simm.s32 $0x9;
	[sflag:s26] =	ssyncpa.u1 $0x1  }
0x9e: {  	[sflag:s28] =	ssyncpa.u1 $0x1  }
0x9f: {  	_ =	sfence.stream.spmem  }
0xa0: {  	s29 =	simm.s32 $0x3;
	[bflag:$0x0] =	sbarrier.arrive $0xFFFF  }
0xa1: {  	s30 =	simm.s32 $0x4;
	[sflag:s29] =	ssyncpa.u1 $0x1  }
0xa2: {  	s31 =	simm.s32 $0x3C;
	[sflag:s30] =	ssyncpa.u1 $0x1  }
0xa3: {  	p0 =	sne.s32 s2, $0x0;
	[sflag:s31] =	ssyncpa.u1 $0x1  }
0xa4: {  	s0 =	simm.s32 @p0 $0x1;
	_ =	sfence @p0  }
0xa5: {  	[sflag:s0] =	ssyncpa.u1 @p0 $0x1;
	s0 =	simm.s32 @p0 $0x2  }
0xa6: {  	[sflag:s0] =	ssyncpa.u1 @p0 $0x1  }
0xa7: {  	_ =	strace @p0 $0x90000077  }
0xa8: {  	[bflag:$0x2] =	sbarrier.arrive @p0 $0xFFFF  }
0xa9: {  	_ =	shalt @p0  }
.LBB2_5:
0xaa: {  	_ =	sfence.stream.spmem;
	s0 =	simm.s32 $0x5  }
0xab: {  	s2 =	simm.s32 $0x80;
	s3 =	simm.s32 $0xC0;
	[sflag:s0] =	ssyncpa.u1 $0x0  }
0xac: {  	[tilespmem:s3], [sflag:$0x5] =	stream.linear.gather [spmem:s2], $0x8, $0x38;
	[tilespmem:$0x1B0] =	vst v63  }
0xad: {  	s2 =	simm.s32 $0x0;
	s3 =	simm.s32 $0xE0  }
0xae: {  	[tilespmem:s3], [sflag:$0x5] =	stream.linear.gather [spmem:s2], $0x8, $0x38;
	[tilespmem:$0x1B0] =	vst v63  }
.Ltmp4:
0xaf: {  	_ = 	snop;
	(pc) =	sbr.rel .LBB2_6-.Ltmp4, $4  }
0xb0: {  	_ =	swait.ge [sflag:s0], $0x10  }
0xb1: {  	[sflag:s0] =	ssyncset.done $0x0  }
0xb2: {  	s31 =	simm.s32 $0x6;
	[sflag:s0] =	ssyncadd.s32 $0xFFFFFFF0  }
0xb3: {  	s4 =	simm.s32 $0x0;
	[sflag:s31] =	ssyncpa.u1 $0x0  }
.LBB2_11:
0xb4: {  	p0 =	sgt.u32 s5, $0x187FF  }
0xb5: {  	s0 =	sshrl.u32 @!p0 s5, $0x3  }
0xb6: {  	s5 =	sand.u32 @!p0 $0x7, s5;
	s6 =	simm.s32 @!p0 $0xB0;
	s0 =	sadd.s32 @!p0 s1, s0  }
0xb7: {  	[tilespmem:s6], [sflag:$0x6] =	stream.linear.gather @!p0 [hbm4b:s0+s5], $0x1, $0x38;
	[tilespmem:$0x1B0] =	vst v63  }
0xb8: {  	s0 =	simm.s32 @!p0 $0x6  }
0xb9: {  	_ =	swait.ge @!p0 [sflag:s0], $0x1  }
0xba: {  	[sflag:s0] =	ssyncset.done @!p0 $0x0  }
0xbb: {  	[sflag:s0] =	ssyncadd.s32 @!p0 $0xFFFFFFFF  }
0xbc: {  	v2 =	vmov @!p0 s4;
	v1 =	vld.msk @!p0 [tilespmem:$0xB0], $0x1;
	_ =	sdelay $0x3  }
0xbd: {  	s0 =	simm.s32 @!p0 $0xE0  }
0xbe: {  	[tilespmem:v2+s0+$0x0], v1 =	vst.idx.ret.add.f32.msk @!p0 $0x1, v1  }
0xbf: {  	[tilespmem:s2+$0xC0] =	vst.msk $0x1, v0  }
0xc0: {  	v0 =	vld.msk [tilespmem:s4+$0xE0], $0x1;
	_ =	sdelay $0x4  }
0xc1: {  	[tilespmem:s2+$0xE0] =	vst.msk $0x1, v0;
	s2 =	sadd.s32 $0x1, s2  }
.LBB2_13:
0xc2: {  	s4 =	sadd.s32 $0x1, s4  }
0xc3: {  	p0 =	sne.s32 s4, $0x8  }
.Ltmp5:
0xc4: {  	_ = 	snop;
	(pc) =	sbr.rel @!p0 .LBB2_14-.Ltmp5, $1  }
0xc5: {  	_ =	sdelay $0x3  }
.LBB2_6:
0xc6: {  	v0 =	vld.msk [tilespmem:s4+$0xC0], $0x1;
	_ =	sdelay $0x4  }
0xc7: {  	(v2sf) =	vpush v0, $0x0;
	_ =	sdelay $0xe  }
0xc8: {  	s5 =	spop (v2sf)  }
0xc9: {  	p0 =	seq.s32 s5, $0xFFFFFFFF  }
.Ltmp6:
0xca: {  	_ = 	snop;
	(pc) =	sbr.rel @p0 .LBB2_13-.Ltmp6, $1  }
0xcb: {  	_ =	sdelay $0x3  }
0xcc: {  	p0 =	slt.s32 s2, $0x1  }
.Ltmp7:
0xcd: {  	_ = 	snop;
	(pc) =	sbr.rel @p0 .LBB2_11-.Ltmp7, $1  }
0xce: {  	_ =	sdelay $0x3  }
0xcf: {  	s6 =	simm.s32 $0xC0;
	p0 =	por $0x0, $0x0  }
0xd0: {  	v1 =	vld.msk @!p0 [tilespmem:s6+$0x0], $0x1;
	_ =	sdelay $0x4  }
0xd1: {  	(v2sf) =	vpush @!p0 v1, $0x0;
	_ =	sdelay $0xd  }
0xd2: {  	p2 =	sne.s32 s2, $0x1  }
.Ltmp8:
0xd3: {  	s0 =	spop @!p0 (v2sf);
	(pc) =	sbr.rel @!p2 .LBB2_10-.Ltmp8, $4  }
0xd4: {  	p1 =	seq.s32 @!p0 s5, s0  }
0xd5: {  	s7 =	simm.s32 $0x0;
	p1 =	por !p1, p0  }
0xd6: {  	s0 =	simm.s32 $0xFFFFFFFF;
	s7 =	simm.s32 @p1 $0xFFFFFFFF  }
0xd7: {  	s8 =	simm.s32 $0x1;
	s7 =	smov.u32 @p0 s0  }
.LBB2_9:
0xd8: {  	s0 =	smov.u32 s7;
	p0 =	sne.s32 s7, $0xFFFFFFFF  }
0xd9: {  	s6 =	sadd.s32 $0x1, s6;
	s7 =	smov.u32 s8;
	s8 =	sadd.s32 $0x1, s8  }
0xda: {  	p1 =	sne.s32 s2, s8;
	v1 =	vld.msk @!p0 [tilespmem:s6+$0x0], $0x1;
	_ =	sdelay $0x4  }
0xdb: {  	(v2sf) =	vpush @!p0 v1, $0x0;
	_ =	sdelay $0xe  }
.Ltmp9:
0xdc: {  	s9 =	spop @!p0 (v2sf);
	(pc) =	sbr.rel @p1 .LBB2_9-.Ltmp9, $4  }
0xdd: {  	p2 =	seq.s32 @!p0 s5, s9  }
0xde: {  	p2 =	por !p2, p0  }
0xdf: {  	s7 =	simm.s32 @p2 $0xFFFFFFFF  }
0xe0: {  	s7 =	smov.u32 @p0 s0  }
.LBB2_10:
0xe1: {  	p0 =	sne.s32 s7, $0xFFFFFFFF  }
.Ltmp10:
0xe2: {  	_ = 	snop;
	(pc) =	sbr.rel @!p0 .LBB2_11-.Ltmp10, $1  }
0xe3: {  	_ =	sdelay $0x3  }
0xe4: {  	v0 =	vld.msk [tilespmem:s4+$0xE0], $0x1;
	v1 =	vmov s7  }
.Ltmp11:
0xe5: {  	_ = 	snop;
	(pc) =	sbr.rel .LBB2_13-.Ltmp11, $2  }
0xe6: {  	_ =	sdelay $0x2  }
0xe7: {  	[tilespmem:v1+s3+$0x0], v0 =	vst.idx.ret.add.f32.msk $0x1, v0  }
.LBB2_14:
0xe8: {  	p0 =	slt.s32 s2, $0x1  }
.Ltmp12:
0xe9: {  	_ = 	snop;
	(pc) =	sbr.rel @p0 .LBB2_18-.Ltmp12, $3  }
0xea: {  	_ =	sdelay $0x1  }
0xeb: {  	s0 =	simm.s32 $0x6  }
0xec: {  	s3 =	simm.s32 $0x0;
	[sflag:s0] =	ssyncpa.u1 $0x1  }
0xed: {  	s0 =	simm.s32 $0xC0  }
0xee: {  	v0 =	vld.msk [tilespmem:s0+$0x0], $0x1;
	_ =	sdelay $0x4  }
0xef: {  	(v2sf) =	vpush v0, $0x0;
	_ =	sdelay $0xd  }
0xf0: {  	s2 =	sadd.s32 $0xFFFFFFFF, s2  }
0xf1: {  	p1 =	sne.s32 s2, $0x0;
	s0 =	spop (v2sf)  }
.Ltmp13:
0xf2: {  	p0 =	sgt.u32 s0, $0x187FF;
	(pc) =	sbr.rel @!p1 .LBB2_17-.Ltmp13, $4  }
0xf3: {  	s4 =	simm.s32 $0xE0;
	s5 =	sshrl.u32 @!p0 s0, $0x3  }
0xf4: {  	s6 =	simm.s32 $0x0;
	s0 =	sand.u32 @!p0 $0x7, s0;
	s5 =	sadd.s32 @!p0 s1, s5  }
0xf5: {  	[hbm4b:s5+s0] =	stream.linear.scatter @!p0 [tilespmem:s4], [sflag:$0x5], $0x1, $0x38;
	[tilespmem:$0x1B0] =	vst v63  }
0xf6: {  	s6 =	simm.s32 @!p0 $0x4;
	s5 =	simm.s32 $0xC1  }
.LBB2_16:
0xf7: {  	v0 =	vld.msk [tilespmem:s5+$0x0], $0x1;
	s2 =	sadd.s32 $0xFFFFFFFF, s2;
	s3 =	sadd.s32 s3, s6  }
0xf8: {  	p0 =	sne.s32 s2, $0x0;
	_ =	sdelay $0x3  }
0xf9: {  	(v2sf) =	vpush v0, $0x0;
	_ =	sdelay $0xe  }
.Ltmp14:
0xfa: {  	s0 =	spop (v2sf);
	(pc) =	sbr.rel @p0 .LBB2_16-.Ltmp14, $4  }
0xfb: {  	s6 =	simm.s32 $0x0;
	p1 =	sgt.u32 s0, $0x187FF  }
0xfc: {  	s4 =	sadd.s32 $0x1, s4;
	s6 =	simm.s32 @!p1 $0x4;
	s7 =	sshrl.u32 @!p1 s0, $0x3  }
0xfd: {  	s5 =	sadd.s32 $0x1, s5;
	s0 =	sand.u32 @!p1 $0x7, s0;
	s7 =	sadd.s32 @!p1 s1, s7  }
0xfe: {  	[hbm4b:s7+s0] =	stream.linear.scatter @!p1 [tilespmem:s4], [sflag:$0x5], $0x1, $0x38;
	[tilespmem:$0x1B0] =	vst v63  }
.LBB2_17:
0xff: {  	s0 =	sadd.s32 s3, s6  }
0x100: {  	s3 =	sshrl.u32 s0, $0x2  }
.LBB2_18:
0x101: {  	s0 =	simm.s32 $0x5  }
0x102: {  	_ =	swait.ge [sflag:s0], s3  }
0x103: {  	s1 =	ssub.s32 $0x0, s3;
	[sflag:s0] =	ssyncset.done $0x0  }
0x104: {  	[sflag:s0] =	ssyncadd.s32 s1  }
0x105: {  	[sflag:s0] =	ssyncpa.u1 $0x1  }
0x106: {  	s29 =	simm.s32 $0x1;
	_ =	sfence  }
0x107: {  	s30 =	simm.s32 $0x2;
	[sflag:s29] =	ssyncpa.u1 $0x1  }
0x108: {  	[sflag:s30] =	ssyncpa.u1 $0x1  }
0x109: {  	_ =	strace $0x90000077  }
0x10a: {  	[bflag:$0x2] =	sbarrier.arrive $0xFFFF  }
0x10b: {  	s31 =	rddreg [dreg:$0x3]  }
0x10c: {  	s0 =	sadd.s32 $0x100000, s31  }
0x10d: {  	[sflag:s0] =	ssyncadd.tile.s32 $0x1;
	_ =	shalt  }
.Lfunc_end2:
_tile_overlayer_lowered:
.L_overlay_start_2:
0x10e: {  	(tag) =	ssettag $0x2  }
0x10f: {  	s0 =	rddreg [dreg:$0x0];
	s2 =	stileid.u32  }
0x110: {  	s1 =	rddreg [dreg:$0x1];
	p0 =	sne.s32 s2, $0x0  }
0x111: {  	s3 =	rddreg [dreg:$0x2];
	[bflag:$0x3] =	sbarrier.arrive $0xFFFF;
	s2 =	simm.s32 @!p0 $0x1C01  }
0x112: {  	[timem:s3], [sflag:s2] =	dma.local @!p0 [hbm:s0], s1  }
0x113: {  	s0 =	simm.s32 @!p0 $0x1  }
0x114: {  	_ =	swait.ge @!p0 [sflag:s0], s1  }
0x115: {  	s1 =	ssub.s32 @!p0 $0x0, s1;
	[sflag:s0] =	ssyncset.done @!p0 $0x0  }
0x116: {  	[sflag:s0] =	ssyncadd.s32 @!p0 s1  }
0x117: {  	[bflag:$0x3] =	sbarrier.arrive $0xFFFF  }
0x118: {  	_ =	shalt  }

// kernel: scatter_offload_async_start.1
scs
__scs_entry_jumppad:
0x0: {  	(pc) =	sbr.rel $0x88, $3  }
0x1: {  	(tag) =	ssettag $0x0;
	lr =	simm.s32 $0x1  }
0x2: {  	[smem:$0x3F99] =	sst lr;
	_ =	strace $0xD0000000  }
0x3: {  	_ = 	snop  }
0x4: {  	_ = 	snop  }
0x5: {  	_ = 	snop  }
0x6: {  	_ = 	snop  }
0x7: {  	_ = 	snop  }
__scs_overlays_trampoline_lowered:
0x8: {  	[smem:$0x3FA8] =	sst s0  }
0x9: {  	[smem:$0x3FA9] =	sst s1  }
0xa: {  	[smem:$0x3FAA] =	sst s2  }
0xb: {  	[smem:$0x3FAB] =	sst s3  }
0xc: {  	[smem:$0x3FAC] =	sst s4  }
0xd: {  	[smem:$0x3FAD] =	sst s5  }
0xe: {  	[smem:$0x3FAE] =	sst s6  }
0xf: {  	[smem:$0x3FAF] =	sst s7  }
0x10: {  	[smem:$0x3FB0] =	sst s8  }
0x11: {  	[smem:$0x3FB1] =	sst s9;
	s0 =	simm.s32 @!p0 $0x0  }
0x12: {  	s1 =	sld [smem:$0x3F97];
	s0 =	simm.s32 @p0 $0x1  }
0x13: {  	[smem:$0x3FB2] =	sst s0;
	s0 =	simm.s32 @!p1 $0x0  }
0x14: {  	s2 =	sld [smem:$0x3F96];
	s0 =	simm.s32 @p1 $0x1  }
0x15: {  	[smem:$0x3FB3] =	sst s0;
	s0 =	simm.s32 @!p2 $0x0  }
0x16: {  	s3 =	sld [smem:$0x3FDB];
	s0 =	simm.s32 @p2 $0x1  }
0x17: {  	s4 =	simm.s32 $0x1BF5;
	[smem:$0x3FB5] =	sst s0  }
0x18: {  	s0 =	sld [smem:$0x3F98];
	_ =	swait.ge [sflag:s4], $0x0  }
0x19: {  	s7 =	sld [smem:$0x3F99]  }
0x1a: {  	s8 =	sadd.s32 $0xFFFFE003, lr  }
0x1b: {  	s9 =	sadd.s32 $0xFFFFFEF7, lr;
	s5 =	simm.s32 $0xFFFFFFFF;
	p2 =	slt.u32 s8, $0xFFFFF086  }
0x1c: {  	p1 =	slt.u32 s9, $0xF7A;
	s5 =	simm.s32 @!p2 $0x0  }
0x1d: {  	s5 =	simm.s32 @p1 $0x1;
	p0 =	seq.s32 s7, s2  }
0x1e: {  	s7 =	smul.u32 @!p0 $0xF7A, s2;
	p2 =	seq.s32 @!p0 s5, $0x0  }
0x1f: {  	s9 =	smul.u32 $0xF7A, s1;
	s8 =	simm.s32 @!p0 $0x1BF5;
	p2 =	por !p2, p0  }
0x20: {  	[sflag:s8] =	ssyncset.s32 @!p0 $0xFFFFF086;
	s6 =	sadd.s32 @!p0 s3, s7;
	s7 =	simm.s32 @!p0 $0x108  }
0x21: {  	s3 =	sadd.s32 s3, s9;
	s6 =	sadd.s32 @!p0 $0x88, s6;
	s7 =	simm.s32 @p2 $0x1082  }
0x22: {  	[simem:s7], [sflag:s8] =	dma.local @!p0 [hbm:s6], $0xF7A  }
0x23: {  	s9 =	sor.u32 $0xD0000000, s2;
	s6 =	simm.s32 $0x108;
	_ =	swait.ge @!p0 [sflag:s8], $0x0  }
0x24: {  	s3 =	sadd.s32 $0x88, s3;
	s6 =	simm.s32 @!p1 $0x1082;
	[sflag:s4] =	ssyncset.s32 $0xFFFFF086  }
0x25: {  	[simem:s6], [sflag:s4] =	dma.local [hbm:s3], $0xF7A  }
0x26: {  	[smem:$0x3F99] =	sst s1;
	(tag) =	ssettag s2;
	_ =	strace s9  }
0x27: {  	s1 =	sld [smem:$0x3FA9]  }
0x28: {  	s2 =	sld [smem:$0x3FAA]  }
0x29: {  	s4 =	sld [smem:$0x3FAC]  }
0x2a: {  	p0 =	seq.s32 s5, $0x0;
	s5 =	sld [smem:$0x3FAD]  }
0x2b: {  	s6 =	sld [smem:$0x3FAE]  }
0x2c: {  	s7 =	sld [smem:$0x3FAF]  }
0x2d: {  	s3 =	simm.s32 $0x108;
	s8 =	sld [smem:$0x3FB0]  }
0x2e: {  	s3 =	simm.s32 @!p0 $0x1082;
	s9 =	sld [smem:$0x3FB1]  }
0x2f: {  	lr =	sadd.s32 s0, s3;
	s0 =	sld [smem:$0x3FA8]  }
0x30: {  	s3 =	sld [smem:$0x3FAB]  }
0x31: {  	[smem:$0x3FB4] =	sst s10  }
0x32: {  	s10 =	sld [smem:$0x3FB2];
	_ =	sdelay $0x3  }
0x33: {  	p0 =	seq.s32 s10, $0x1;
	s10 =	sld [smem:$0x3FB4];
	_ =	sdelay $0x3  }
0x34: {  	[smem:$0x3FB4] =	sst s10  }
0x35: {  	s10 =	sld [smem:$0x3FB3];
	_ =	sdelay $0x3  }
0x36: {  	p1 =	seq.s32 s10, $0x1;
	s10 =	sld [smem:$0x3FB4];
	_ =	sdelay $0x3  }
0x37: {  	[smem:$0x3FB4] =	sst s10  }
0x38: {  	s10 =	sld [smem:$0x3FB5]  }
0x39: {  	_ = 	snop;
	(pc) =	sbr.ind lr, $3  }
0x3a: {  	_ = 	snop  }
0x3b: {  	_ = 	snop  }
0x3c: {  	p2 =	seq.s32 s10, $0x1;
	s10 =	sld [smem:$0x3FB4]  }
0x3d: {  	_ =	shalt  }
0x3e: {  	_ =	shalt  }
0x3f: {  	_ =	shalt  }
0x40: {  	_ =	shalt  }
0x41: {  	_ =	shalt  }
0x42: {  	_ =	shalt  }
0x43: {  	_ =	shalt  }
0x44: {  	_ =	shalt  }
0x45: {  	_ =	shalt  }
0x46: {  	_ =	shalt  }
0x47: {  	_ =	shalt  }
0x48: {  	_ =	shalt  }
0x49: {  	_ =	shalt  }
0x4a: {  	_ =	shalt  }
0x4b: {  	_ =	shalt  }
0x4c: {  	_ =	shalt  }
0x4d: {  	_ =	shalt  }
0x4e: {  	_ =	shalt  }
0x4f: {  	_ =	shalt  }
0x50: {  	_ =	shalt  }
0x51: {  	_ =	shalt  }
0x52: {  	_ =	shalt  }
0x53: {  	_ =	shalt  }
0x54: {  	_ =	shalt  }
0x55: {  	_ =	shalt  }
0x56: {  	_ =	shalt  }
0x57: {  	_ =	shalt  }
0x58: {  	_ =	shalt  }
0x59: {  	_ =	shalt  }
0x5a: {  	_ =	shalt  }
0x5b: {  	_ =	shalt  }
0x5c: {  	_ =	shalt  }
0x5d: {  	_ =	shalt  }
0x5e: {  	_ =	shalt  }
0x5f: {  	_ =	shalt  }
0x60: {  	_ =	shalt  }
0x61: {  	_ =	shalt  }
0x62: {  	_ =	shalt  }
0x63: {  	_ =	shalt  }
0x64: {  	_ =	shalt  }
0x65: {  	_ =	shalt  }
0x66: {  	_ =	shalt  }
0x67: {  	_ =	shalt  }
0x68: {  	_ =	shalt  }
0x69: {  	_ =	shalt  }
0x6a: {  	_ =	shalt  }
0x6b: {  	_ =	shalt  }
0x6c: {  	_ =	shalt  }
0x6d: {  	_ =	shalt  }
0x6e: {  	_ =	shalt  }
0x6f: {  	_ =	shalt  }
0x70: {  	_ =	shalt  }
0x71: {  	_ =	shalt  }
0x72: {  	_ =	shalt  }
0x73: {  	_ =	shalt  }
0x74: {  	_ =	shalt  }
0x75: {  	_ =	shalt  }
0x76: {  	_ =	shalt  }
0x77: {  	_ =	shalt  }
0x78: {  	_ =	shalt  }
0x79: {  	_ =	shalt  }
0x7a: {  	_ =	shalt  }
0x7b: {  	_ =	shalt  }
0x7c: {  	_ =	shalt  }
0x7d: {  	_ =	shalt  }
0x7e: {  	_ =	shalt  }
0x7f: {  	_ =	shalt  }
0x80: {  	_ =	shalt  }
0x81: {  	_ =	shalt  }
0x82: {  	_ =	shalt  }
0x83: {  	_ =	shalt  }
0x84: {  	_ =	shalt  }
0x85: {  	_ =	shalt  }
0x86: {  	_ =	shalt  }
0x87: {  	_ =	shalt  }
.Lfunc_end0:
.L_simem_size_0:
called_computation.1_lowered:
.L_overlay_start_0:
0x88: {  	s0 =	sld [smem:$0x3FD9]  }
0x89: {  	s1 =	sld [smem:$0x3FFE];
	_ =	sdelay $0x3  }
0x8a: {  	s0 =	sadd.s32 s1, s0  }
0x8b: {  	[smem:$0x3FC0] =	sst s0  }
0x8c: {  	_ = 	snop  }
0x8d: {  	(tm) =	ssettm $0x1  }
0x8e: {  	s14 =	sld [smem:$0x3FFB];
	_ =	sdelay $0x3  }
0x8f: {  	_ =	strace s14  }
0x90: {  	s0 =	sld [smem:$0x3FFC];
	_ =	sdelay $0x3  }
0x91: {  	_ =	strace s0  }
0x92: {  	s0 =	sld [smem:$0x3FFD];
	_ =	sdelay $0x3  }
0x93: {  	_ =	strace s0  }
0x94: {  	_ =	strace $0x8FFFFFFF  }
0x95: {  	s15 =	sld [smem:$0x3FDB];
	_ =	sdelay $0x1  }
0x96: {  	s16 =	simm.s32 $_scs_section_size  }
0x97: {  	s2 =	simm.s32 $_size__tile_overlayer_lowered;
	s3 =	simm.s32 $_tile_overlayer_lowered  }
0x98: {  	s4 =	simm.s32 $0x1BFF;
	s17 =	sshll.u32 s3, $0x1;
	s1 =	sadd.s32 s16, s15  }
0x99: {  	s18 =	simm.s32 $0x0;
	s2 =	sshll.u32 s2, $0x1;
	s3 =	sadd.s32 s17, s1  }
0x9a: {  	[timem:s18], [sflag:s4] =	dma.local [hbm:s3], s2  }
0x9b: {  	_ =	swait.ge [sflag:s4], s2  }
0x9c: {  	s2 =	ssub.s32 $0x0, s2;
	[sflag:s4] =	ssyncset.done $0x0  }
0x9d: {  	[sflag:s4] =	ssyncadd.s32 s2;
	_ =	sdelay $0x1  }
0x9e: {  	s19 =	simm.s32 $0x1B8B  }
0x9f: {  	_ =	swait.ge [sflag:s19], $0x1  }
0xa0: {  	[sflag:s19] =	ssyncset.done $0x0  }
0xa1: {  	s21 =	simm.s32 $0x1B8E;
	s20 =	sld [smem:$0x3FFE];
	[sflag:s19] =	ssyncadd.s32 $0xFFFFFFFF  }
0xa2: {  	s22 =	simm.s32 $execute0_lowered;
	[smem:$0x3FD2] =	sst s21  }
0xa3: {  	s3 =	sshll.u32 s22, $0x1;
	_ =	strace $0x80000055;
	[dreg:$0x1] =	wrdreg $0xFFFFFFFF  }
0xa4: {  	s23 =	simm.s32 $_size_execute0_lowered;
	s3 =	sadd.s32 s1, s3;
	[dreg:$0x0] =	wrdreg $0x0  }
0xa5: {  	s4 =	sshll.u32 s23, $0x1;
	[dreg:$0x2] =	wrdreg s3  }
0xa6: {  	[dreg:$0x3] =	wrdreg s4  }
0xa7: {  	[dreg:$0x4] =	wrdreg $0xC0  }
0xa8: {  	s24 =	simm.s32 $execute1_lowered;
	_ =	task [dreg:s18], $0x5FFFF  }
0xa9: {  	s3 =	sshll.u32 s24, $0x1;
	[dreg:$0x1] =	wrdreg $0xFFFFFFFF  }
0xaa: {  	s1 =	sadd.s32 s1, s3;
	[dreg:$0x0] =	wrdreg $0x60  }
0xab: {  	[dreg:$0x2] =	wrdreg s1  }
0xac: {  	[dreg:$0x3] =	wrdreg s20  }
0xad: {  	[dreg:$0x4] =	wrdreg $0xB  }
0xae: {  	_ =	task.clear_ibuf [dreg:s18], $0x5FFFF;
	_ =	strace $0x90000055  }
0xaf: {  	s25 =	simm.s32 $0xB;
	_ =	strace $0x80000057  }
0xb0: {  	_ =	swait.ge [sflag:s25], $0x1  }
0xb1: {  	[sflag:s25] =	ssyncadd.s32 $0xFFFFFFFF  }
0xb2: {  	_ =	strace $0x90000057  }
0xb3: {  	_ =	strace $0x80000058;
	[dreg:$0x1] =	wrdreg $0xFFFFFFFF  }
0xb4: {  	[dreg:$0x0] =	wrdreg $0x2030  }
0xb5: {  	[dreg:$0x2] =	wrdreg s20  }
0xb6: {  	[dreg:$0x3] =	wrdreg $0xC  }
0xb7: {  	_ =	task.clear_ibuf [dreg:s18], $0x4FFFF;
	_ =	strace $0x90000058  }
0xb8: {  	s26 =	simm.s32 $0xC;
	_ =	strace $0x8000005A  }
0xb9: {  	_ =	swait.ge [sflag:s26], $0x1  }
0xba: {  	[sflag:s26] =	ssyncadd.s32 $0xFFFFFFFF  }
0xbb: {  	_ =	strace $0x9000005A  }
0xbc: {  	_ =	sfence  }
0xbd: {  	s28 =	sld [smem:$0x0];
	_ =	sdelay $0x1  }
0xbe: {  	s29 =	srdreg.scid  }
0xbf: {  	s30 =	sshll.u32 s29, $0xD;
	s31 =	sshrl.u32 s29, $0x2  }
0xc0: {  	s2 =	sand.u32 $0x1, s29;
	s3 =	sand.u32 $0x4000, s30;
	s1 =	sadd.s32 s31, s28  }
0xc1: {  	s2 =	sor.u32 s3, s2;
	s1 =	sshll.u32 s1, $0x11  }
0xc2: {  	s1 =	sor.u32 s1, s2  }
0xc3: {  	s1 =	sadd.s32 $0x8F2B, s1  }
0xc4: {  	[sflag:s1] =	ssyncadd.remote.s32 $0x1  }
0xc5: {  	_ =	sfence.sel $0xFFFF  }
0xc6: {  	[dreg:$0x0] =	wrdreg $0xFFFFFFFF;
	(pc) =	sbr.abs _section_cstart, $3  }
0xc7: {  	[dreg:$0x1] =	wrdreg $0xFFFFFFFF  }
0xc8: {  	_ =	task.clear_ibuf [dreg:s18], $0x2FFFF;
	_ =	strace $0x9FFFFFFF  }
0xc9: {  	(tm) =	ssettm $0x7FFFFFFF  }
tec
execute0_lowered:
.L_overlay_start_1:
0x0: {  	(tag) =	ssettag $0x1  }
0x1: {  	s2 =	rddreg [dreg:$0x0]  }
0x2: {  	s5 =	rddreg [dreg:$0x1]  }
0x3: {  	s0 =	rddreg [dreg:$0x2];
	s3 =	stileid.u32  }
0x4: {  	[bflag:$0x3] =	sbarrier.arrive $0xFFFF;
	s1 =	simm.s32 $_size_execute1_lowered;
	s31 =	simm.s32 $0x2  }
0x5: {  	s8 =	simm.s32 $0x0;
	p0 =	sne.s32 s3, $0x0;
	s1 =	sshll.u32 s1, $0x1  }
.Ltmp0:
0x6: {  	s4 =	simm.s32 @!p0 $0x1C3F;
	s6 =	simm.s32 @!p0 $0x4060;
	(pc) =	sbr.rel .LBB2_1-.Ltmp0, $4  }
0x7: {  	[timem:s6], [sflag:s4] =	dma.local @!p0 [hbm:s2], s1  }
0x8: {  	s3 =	smul.u32 $0xC40, s3;
	s4 =	simm.s32 $0x1;
	_ =	strace $0x80000056  }
0x9: {  	s2 =	sadd.s32 $0x6B200, s5;
	s5 =	sadd.s32 $0x6E400, s5;
	[sflag:s4] =	ssyncpa.u1 $0x0  }
0xa: {  	s7 =	smov.u32 s3;
	s6 =	simm.s32 $0x0;
	[sflag:s31] =	ssyncpa.u1 $0x0  }
.LBB2_7:
0xb: {  	s10 =	sadd.s32 $0xC400, s7  }
0xc: {  	p1 =	slt.u32 s6, $0x2;
	s6 =	sadd.s32 $0x1, s6;
	p2 =	sgt.s32 s10, $0x1869F  }
0xd: {  	s10 =	smov.u32 @p2 s3;
	p2 =	sne.s32 s6, $0x4  }
.Ltmp1:
0xe: {  	_ = 	snop;
	(pc) =	sbr.rel @!p2 .LBB2_8-.Ltmp1, $4  }
0xf: {  	s9 =	simm.s32 @!p1 $0x2  }
0x10: {  	_ =	swait.ge @!p1 [sflag:s9], $0xC40  }
0x11: {  	[sflag:s9] =	ssyncset.done @!p1 $0x0  }
0x12: {  	s8 =	smov.u32 s7;
	s7 =	smov.u32 s10;
	[sflag:s9] =	ssyncadd.s32 @!p1 $0xFFFFF3C0  }
.LBB2_1:
0x13: {  	p1 =	sgt.u32 s6, $0x1  }
0x14: {  	s9 =	sxor.u32 @!p1 $0x1, s6  }
0x15: {  	s9 =	smul.u32 @!p1 $0x3100, s9  }
0x16: {  	s10 =	sshrl.u32 @!p1 s7, $0x3  }
0x17: {  	s11 =	sand.u32 @!p1 $0x7, s7;
	s10 =	sadd.s32 @!p1 s2, s10;
	s9 =	sshra.s32 @!p1 s9, $0x2  }
0x18: {  	[tilespmem:s9], [sflag:$0x1] =	stream.linear.gather @!p1 [hbm4b:s10+s11], $0xC40, $0x38;
	[tilespmem:$0x3100] =	vst v63  }
0x19: {  	p1 =	seq.s32 s6, $0x0  }
0x1a: {  	p2 =	seq.s32 @!p1 s6, $0x3  }
0x1b: {  	p1 =	por p1, p2  }
.Ltmp2:
0x1c: {  	_ = 	snop;
	(pc) =	sbr.rel @p1 .LBB2_7-.Ltmp2, $1  }
0x1d: {  	_ =	sdelay $0x3  }
0x1e: {  	s9 =	sand.u32 $0x1, s6  }
0x1f: {  	_ =	swait.ge [sflag:s4], $0xC40;
	s11 =	simm.s32 $0xC40;
	p1 =	seq.s32 s9, $0x1  }
0x20: {  	[sflag:s4] =	ssyncset.done $0x0;
	s11 =	simm.s32 @!p1 $0x0  }
0x21: {  	[sflag:s4] =	ssyncadd.s32 $0xFFFFF3C0;
	s13 =	sor.u32 $0x80, s11  }
0x22: {  	v0 =	vld [tilespmem:s13+$0x70]  }
0x23: {  	v1 =	vld [tilespmem:s13+$0xFFFFFF90]  }
0x24: {  	v2 =	vld [tilespmem:s13+$0xFFFFFFA0]  }
0x25: {  	v3 =	vld [tilespmem:s13+$0xFFFFFFB0]  }
0x26: {  	s9 =	sadd.s32 $0x1900, s11;
	v4 =	vld [tilespmem:s13+$0xFFFFFFC0]  }
0x27: {  	v5 =	vld [tilespmem:s13+$0xFFFFFFD0];
	[tilespmem:s9+$0x70] =	vst v0  }
0x28: {  	[tilespmem:s9+$0xFFFFFF90] =	vst v1;
	v0 =	vld [tilespmem:s13+$0xFFFFFFE0]  }
0x29: {  	[tilespmem:s9+$0xFFFFFFA0] =	vst v2;
	v1 =	vld [tilespmem:s13+$0xFFFFFFF0]  }
0x2a: {  	[tilespmem:s9+$0xFFFFFFB0] =	vst v3;
	v2 =	vld [tilespmem:s13+$0x0]  }
0x2b: {  	[tilespmem:s9+$0xFFFFFFC0] =	vst v4;
	v3 =	vld [tilespmem:s13+$0x10]  }
0x2c: {  	[tilespmem:s9+$0xFFFFFFD0] =	vst v5;
	v5 =	vld [tilespmem:s13+$0x20]  }
0x2d: {  	[tilespmem:s9+$0xFFFFFFE0] =	vst v0;
	v0 =	vld [tilespmem:s13+$0x30]  }
0x2e: {  	[tilespmem:s9+$0xFFFFFFF0] =	vst v1;
	v1 =	vld [tilespmem:s13+$0x40]  }
0x2f: {  	[tilespmem:s9+$0x0] =	vst v2;
	v2 =	vld [tilespmem:s13+$0x50]  }
0x30: {  	s12 =	simm.s32 $0x0;
	[tilespmem:s9+$0x10] =	vst v3;
	v3 =	vld [tilespmem:s13+$0x60]  }
0x31: {  	s10 =	sadd.s32 $0x1880, s11;
	s11 =	sshll.u32 s11, $0x2;
	v4 =	vld [tilespmem:s13+$0xFFFFFF80];
	[tilespmem:s9+$0x20] =	vst v5;
	s13 =	sadd.s32 $0x100, s13  }
.LBB2_3:
0x32: {  	v5 =	vld [tilespmem:s13+$0x70];
	s12 =	sadd.s32 $0x100, s12;
	[tilespmem:s9+$0x30] =	vst v0  }
0x33: {  	v0 =	vld [tilespmem:s13+$0xFFFFFF90];
	p1 =	slt.u32 s12, $0xB00;
	[tilespmem:s9+$0x40] =	vst v1  }
0x34: {  	v1 =	vld [tilespmem:s13+$0xFFFFFFA0];
	[tilespmem:s9+$0x50] =	vst v2  }
0x35: {  	v2 =	vld [tilespmem:s13+$0xFFFFFFB0];
	[tilespmem:s9+$0x60] =	vst v3  }
0x36: {  	v3 =	vld [tilespmem:s13+$0xFFFFFFC0];
	[tilespmem:s9+$0xFFFFFF80] =	vst v4;
	s9 =	sadd.s32 $0x100, s9  }
0x37: {  	v4 =	vld [tilespmem:s13+$0xFFFFFFD0];
	[tilespmem:s9+$0x70] =	vst v5  }
0x38: {  	[tilespmem:s9+$0xFFFFFF90] =	vst v0;
	v0 =	vld [tilespmem:s13+$0xFFFFFFE0]  }
0x39: {  	[tilespmem:s9+$0xFFFFFFA0] =	vst v1;
	v1 =	vld [tilespmem:s13+$0xFFFFFFF0]  }
0x3a: {  	[tilespmem:s9+$0xFFFFFFB0] =	vst v2;
	v2 =	vld [tilespmem:s13+$0x0]  }
0x3b: {  	[tilespmem:s9+$0xFFFFFFC0] =	vst v3;
	v3 =	vld [tilespmem:s13+$0x10]  }
0x3c: {  	[tilespmem:s9+$0xFFFFFFD0] =	vst v4;
	v5 =	vld [tilespmem:s13+$0x20]  }
.Ltmp3:
0x3d: {  	[tilespmem:s9+$0xFFFFFFE0] =	vst v0;
	v0 =	vld [tilespmem:s13+$0x30];
	(pc) =	sbr.rel @p1 .LBB2_3-.Ltmp3, $4  }
0x3e: {  	[tilespmem:s9+$0xFFFFFFF0] =	vst v1;
	v1 =	vld [tilespmem:s13+$0x40]  }
0x3f: {  	[tilespmem:s9+$0x0] =	vst v2;
	v2 =	vld [tilespmem:s13+$0x50]  }
0x40: {  	[tilespmem:s9+$0x10] =	vst v3;
	v3 =	vld [tilespmem:s13+$0x60]  }
0x41: {  	v4 =	vld [tilespmem:s13+$0xFFFFFF80];
	[tilespmem:s9+$0x20] =	vst v5;
	s13 =	sadd.s32 $0x100, s13  }
0x42: {  	[tilespmem:s9+$0x30] =	vst v0  }
0x43: {  	[tilespmem:s9+$0x40] =	vst v1  }
0x44: {  	[tilespmem:s9+$0x50] =	vst v2  }
0x45: {  	s11 =	sshrl.u32 s11, $0x2;
	[tilespmem:s9+$0x60] =	vst v3  }
0x46: {  	s12 =	simm.s32 $0xBF0;
	[tilespmem:s9+$0xFFFFFF80] =	vst v4;
	s9 =	sadd.s32 $0x2480, s11;
	s11 =	sadd.s32 $0xC00, s11  }
.LBB2_5:
0x47: {  	s12 =	sadd.s32 $0x10, s12  }
0x48: {  	v0 =	vld [tilespmem:s11+$0x0];
	p1 =	slt.u32 s12, $0xC30  }
.Ltmp4:
0x49: {  	_ = 	snop;
	(pc) =	sbr.rel @p1 .LBB2_5-.Ltmp4, $2  }
0x4a: {  	_ =	sdelay $0x2  }
0x4b: {  	s11 =	sadd.s32 $0x10, s11;
	[tilespmem:s9+$0x0] =	vst v0;
	s9 =	sadd.s32 $0x10, s9  }
.Ltmp5:
0x4c: {  	(pc) =	sbr.rel .LBB2_7-.Ltmp5, $4  }
0x4d: {  	_ = 	snop  }
0x4e: {  	s9 =	sshrl.u32 s8, $0x3  }
0x4f: {  	s31 =	sand.u32 $0x7, s8;
	s9 =	sadd.s32 s5, s9  }
0x50: {  	[hbm4b:s9+s31] =	stream.linear.scatter [tilespmem:s10], [sflag:$0x2], $0xC40, $0x38;
	[tilespmem:$0x3100] =	vst v63  }
.LBB2_8:
0x51: {  	_ =	sfence.sel $0x180000  }
0x52: {  	s2 =	simm.s32 $0x1;
	[bflag:$0x0] =	sbarrier.arrive $0xFFFF  }
0x53: {  	s31 =	simm.s32 $0x2;
	[sflag:s2] =	ssyncpa.u1 $0x1  }
0x54: {  	[sflag:s31] =	ssyncpa.u1 $0x1  }
0x55: {  	_ =	strace $0x90000056  }
0x56: {  	s0 =	sadd.s32 @!p0 $0x100000, s0;
	[bflag:$0x2] =	sbarrier.arrive $0xFFFF  }
0x57: {  	[sflag:s0] =	ssyncadd.tile.s32 @!p0 $0x1;
	s0 =	simm.s32 @!p0 $0x3F  }
0x58: {  	_ =	swait.ge @!p0 [sflag:s0], s1  }
0x59: {  	s1 =	ssub.s32 @!p0 $0x0, s1;
	[sflag:s0] =	ssyncset.done @!p0 $0x0  }
0x5a: {  	[sflag:s0] =	ssyncadd.s32 @!p0 s1  }
0x5b: {  	[bflag:$0x3] =	sbarrier.arrive $0xFFFF  }
0x5c: {  	_ =	shalt  }
.Lfunc_end2:
execute1_lowered:
.L_overlay_start_2:
0x5d: {  	(tag) =	ssettag $0x2  }
0x5e: {  	s8 =	rddreg [dreg:$0x0]  }
0x5f: {  	s0 =	rddreg [dreg:$0x1];
	_ =	strace $0x80000059;
	s2 =	simm.s32 $0x1  }
0x60: {  	v1 =	vimm.s32 $0xFFFFFFFF;
	[sflag:s2] =	ssyncpa.u1 $0x0  }
0x61: {  	[tilespmem:$0x10] =	vst v1  }
0x62: {  	v0 =	vimm.f32 $0.0e+00;
	[tilespmem:$0x20] =	vst v1  }
0x63: {  	[tilespmem:$0x30] =	vst v0  }
0x64: {  	[tilespmem:$0x40] =	vst v0  }
0x65: {  	[tilespmem:$0x50] =	vst v0  }
0x66: {  	s3 =	simm.s32 $0x2;
	s5 =	simm.s32 $0x7;
	[tilespmem:$0x60] =	vst v1  }
0x67: {  	s7 =	simm.s32 $0x8;
	s10 =	simm.s32 $0x9;
	s14 =	simm.s32 $0x0;
	[tilespmem:$0x70] =	vst v1  }
0x68: {  	s15 =	simm.s32 $0xFF;
	p0 =	por $0x0, $0x0;
	s16 =	simm.s32 $0xFFFFC280;
	[tilespmem:$0x80] =	vst v1  }
0x69: {  	s17 =	simm.s32 $0xFFFFFFFE;
	s18 =	simm.s32 $0xF;
	s19 =	simm.s32 $0x30;
	v1 =	vimm.s32 $0x0;
	[tilespmem:$0xB0] =	vst v0  }
0x6a: {  	s22 =	simm.s32 $0x0;
	s20 =	simm.s32 $0x0;
	s1 =	sadd.s32 $0x6E400, s8;
	[tilespmem:$0x90] =	vst v1  }
.Ltmp6:
0x6b: {  	[tilespmem:$0xA0] =	vst v1;
	[sflag:s3] =	ssyncpa.u1 $0x0;
	s3 =	stileid.u32;
	(pc) =	sbr.rel .LBB3_1-.Ltmp6, $4  }
0x6c: {  	s4 =	sadd.s32 $0x3200, s8;
	s6 =	smul.u32 $0x30D40, s3;
	[sflag:s5] =	ssyncpa.u1 $0x0  }
0x6d: {  	s8 =	sadd.s32 $0x190600, s8;
	s12 =	sshllo.u32 s3, $0x1;
	[sflag:s7] =	ssyncpa.u1 $0x0  }
0x6e: {  	vm0 =	vmmov $0xffff;
	v2 =	vlaneseq.u32;
	s9 =	sadd.s32 $0x30D40, s6;
	[sflag:s10] =	ssyncpa.u1 $0x0;
	s10 =	sshll.u32 s3, $0x1  }
0x6f: {  	vm1 =	vmxor vm1, vm1;
	vm2 =	vmmov $0x1;
	vm3 =	vcmask $0x3F3C;
	s21 =	smov.u32 s6;
	s11 =	sor.u32 $0x81, s10;
	s13 =	sor.u32 $0x80, s10  }
.LBB3_10:
0x70: {  	p1 =	slt.u32 s20, $0x3  }
0x71: {  	s22 =	simm.s32 @!p1 $0x2  }
0x72: {  	_ =	swait.ge @!p1 [sflag:s22], $0x1F40  }
0x73: {  	[sflag:s22] =	ssyncset.done @!p1 $0x0  }
0x74: {  	[sflag:s22] =	ssyncadd.s32 @!p1 $0xFFFFE0C0;
	s22 =	simm.s32 @!p1 $0x9  }
0x75: {  	_ =	swait.ge @!p1 [sflag:s22], $0x10  }
0x76: {  	s23 =	sadd.s32 $0x1F40, s21;
	s24 =	smov.u32 s6;
	[sflag:s22] =	ssyncset.done @!p1 $0x0  }
0x77: {  	s20 =	sadd.s32 $0x1, s20;
	[sflag:s22] =	ssyncadd.s32 @!p1 $0xFFFFFFF0;
	p1 =	slt.s32 s23, s9  }
0x78: {  	s24 =	smov.u32 @p1 s23;
	p1 =	sne.s32 s20, $0x1C  }
.Ltmp7:
0x79: {  	_ = 	snop;
	(pc) =	sbr.rel @!p1 .LBB3_11-.Ltmp7, $3  }
0x7a: {  	_ =	sdelay $0x1  }
0x7b: {  	s15 =	sadd.s32 $0x1, s15;
	p0 =	por !p0, !p0;
	s16 =	sadd.s32 $0x1F40, s16  }
0x7c: {  	s17 =	sadd.s32 $0x1, s17;
	s22 =	smov.u32 s21;
	s21 =	smov.u32 s24  }
.LBB3_1:
0x7d: {  	p1 =	sgt.u32 s20, $0x18  }
0x7e: {  	s23 =	smul.u32 @!p1 $0xAB, s20;
	_ =	sdelay $0x1  }
0x7f: {  	s23 =	sshrl.u32 @!p1 s23, $0x9  }
0x80: {  	s23 =	sand.u32 @!p1 $0x7F, s23  }
0x81: {  	s23 =	smul.u32 @!p1 $0x3, s23;
	_ =	sdelay $0x1  }
0x82: {  	s23 =	ssub.s32 @!p1 s20, s23  }
0x83: {  	s23 =	sand.u32 @!p1 $0xFF, s23  }
0x84: {  	s23 =	smul.u32 @!p1 $0x7D00, s23;
	_ =	sdelay $0x1  }
0x85: {  	s24 =	sshrl.u32 @!p1 s21, $0x3;
	s23 =	sshrl.u32 @!p1 s23, $0x2  }
0x86: {  	s25 =	sand.u32 @!p1 $0x7, s21;
	s24 =	sadd.s32 @!p1 s4, s24;
	s23 =	sadd.s32 @!p1 $0x100, s23  }
0x87: {  	[tilespmem:s23], [sflag:$0x7] =	stream.linear.gather @!p1 [hbm4b:s24+s25], $0x1F40, $0x38;
	[tilespmem:$0x11A60] =	vst v63  }
0x88: {  	s23 =	sadd.s32 $0xFFFFFFFF, s20  }
0x89: {  	p1 =	sgt.u32 s23, $0x18  }
.Ltmp8:
0x8a: {  	_ = 	snop;
	(pc) =	sbr.rel @p1 .LBB3_5-.Ltmp8, $1  }
0x8b: {  	_ =	sdelay $0x3  }
0x8c: {  	s24 =	smul.u32 $0xAB, s23;
	_ =	sdelay $0x1  }
0x8d: {  	s24 =	sshrl.u32 s24, $0x9  }
0x8e: {  	s24 =	sand.u32 $0x7F, s24  }
0x8f: {  	s24 =	smul.u32 $0x3, s24;
	_ =	sdelay $0x1  }
0x90: {  	s24 =	ssub.s32 s23, s24  }
0x91: {  	s24 =	sand.u32 $0xFF, s24  }
0x92: {  	s24 =	smul.u32 $0x7D00, s24  }
0x93: {  	_ =	swait.ge [sflag:s5], $0x1F40  }
0x94: {  	[sflag:s5] =	ssyncset.done $0x0;
	s24 =	sshrl.u32 s24, $0x2  }
0x95: {  	[sflag:s5] =	ssyncadd.s32 $0xFFFFE0C0;
	(ifvalue) =	ssetifvalue $0xFFFFFFFF;
	v3 =	vld.msk [tilespmem:s24+$0x100 ss:$0x1], $0xffff  }
0x96: {  	s29 =	sand.u32 $0xFF, s15  }
0x97: {  	s25 =	smulhi.u32 $0x55555556, s29  }
0x98: {  	p1 =	sne.s32 s20, $0x1  }
0x99: {  	v4 =	vimm.s32 @!p1 $0x0;
	s25 =	smul.u32 $0x17700, s25  }
0x9a: {  	s24 =	smul.u32 $0x7D00, s29;
	v4 =	vperm.xlane @!p1 v3, v4  }
0x9b: {  	s26 =	sshll.u32 s20, $0x4;
	vm4 =	vlt.u32 v3, $0x18800  }
0x9c: {  	s30 =	sand.u32 $0x10, s26;
	s24 =	ssub.s32 s24, s25;
	v3 =	vnsel vm4, $0xFFFFFFFE, v3;
	vm4 =	vlt.u32 @!p1 v4, $0x18800  }
0x9d: {  	s24 =	sshra.s32 s24, $0x2;
	[tilespmem:s30+$0x60] =	vst v3;
	v3 =	vnsel @!p1 vm4, $0xFFFFFFFE, v4  }
0x9e: {  	s28 =	sadd.s32 $0x2030, s24;
	[tilespmem:$0x80] =	vst @!p1 v3  }
0x9f: {  	v3 =	vld.msk [tilespmem:s28+$0x0 ss:$0x1], $0xffff;
	_ =	sdelay $0x4  }
0xa0: {  	(xrf1) =	vunique.msk.u32 $0xffff, v3;
	_ =	sdelay $0xd  }
0xa1: {  	v4 =	vimm.s32 $0xFFFFFFFF;
	v5, _, _ =	vpop (xrf1)  }
0xa2: {  	vm5 =	vne.s32 v3, v4;
	vm4 =	veq.s32 v5, v2  }
0xa3: {  	vm6 =	vlt.u32 v3, $0x18800;
	vm4 =	vmand vm5, vm4  }
0xa4: {  	vm4 =	vmand vm6, vm4  }
0xa5: {  	v4 =	vnsel vm4, $0xFFFFFFFF, v3  }
0xa6: {  	s31 =	sand.u32 $0x1, s23  }
0xa7: {  	s23 =	simm.s32 $0x1F40;
	p1 =	seq.s32 s31, $0x1  }
0xa8: {  	s23 =	simm.s32 @!p1 $0x0  }
0xa9: {  	s24 =	sadd.s32 $0x7DF0, s23;
	(ifvalue) =	ssetifvalue $0xFFFFFFFF  }
0xaa: {  	v3 =	vperm.xlane v3, v1;
	[tilespmem:s24], [sflag:$0x8] =	stream.indirect_vreg.gather [hbm4b:s1+s14], $0x1, v4, vm0, $0x4038;
	v4 =	vnsel vm6, $0xFFFFFFFE, v4;
	[tilespmem:$0x11A60] =	vst v63  }
0xab: {  	s25 =	simm.s32 $0x0;
	s26 =	sadd.s32 $0xFFFFFFF0, s28;
	[tilespmem:s28+$0x0] =	vst v4  }
.LBB3_3:
0xac: {  	v4 =	vld.msk [tilespmem:s26+$0x0 ss:$0x1], $0xffff;
	s25 =	sadd.s32 $0x10, s25;
	v5 =	vmov v3;
	s28 =	smov.u32 s26  }
0xad: {  	p1 =	slt.u32 s25, $0x1F30;
	_ =	sdelay $0x4  }
0xae: {  	v3 =	vperm.xlane v4, v1;
	(xrf1) =	vunique.msk.u32 $0xffff, v4;
	_ =	sdelay $0xd  }
0xaf: {  	v6, _, _ =	vpop (xrf1)  }
0xb0: {  	vm5 =	vne.s32 v4, v5;
	vm4 =	veq.s32 v6, v2  }
0xb1: {  	vm6 =	vlt.u32 v4, $0x18800;
	vm4 =	vmand vm5, vm4  }
0xb2: {  	vm4 =	vmand vm6, vm4  }
0xb3: {  	v4 =	vnsel vm4, $0xFFFFFFFF, v4  }
.Ltmp9:
0xb4: {  	v5 =	vnsel vm6, $0xFFFFFFFE, v4;
	(pc) =	sbr.rel @p1 .LBB3_3-.Ltmp9, $3  }
0xb5: {  	_ =	sdelay $0x1  }
0xb6: {  	s26 =	sadd.s32 $0xFFFFFFF0, s26;
	s24 =	sadd.s32 $0xFFFFFFF0, s24;
	(ifvalue) =	ssetifvalue $0xFFFFFFFF  }
0xb7: {  	[tilespmem:s24], [sflag:$0x8] =	stream.indirect_vreg.gather [hbm4b:s1+s14], $0x1, v4, vm0, $0x4038;
	[tilespmem:s28+$0x0] =	vst v5  }
0xb8: {  	s22 =	sshrl.u32 s22, $0x3  }
0xb9: {  	s23 =	sadd.s32 $0x9D40, s23;
	s22 =	sadd.s32 s8, s22  }
0xba: {  	[tilespmem:s23], [sflag:$0x8] =	stream.linear.gather [hbm:s22], $0x1F40, $0x38;
	[tilespmem:$0x11A60] =	vst v63  }
.LBB3_5:
0xbb: {  	p1 =	sgt.u32 s20, $0x1B  }
.Ltmp10:
0xbc: {  	_ = 	snop;
	(pc) =	sbr.rel @p1 .LBB3_7-.Ltmp10, $1  }
0xbd: {  	_ =	sdelay $0x3  }
0xbe: {  	s22 =	sshll.u32 s2, s20  }
0xbf: {  	s22 =	sand.u32 $0x8000003, s22  }
0xc0: {  	p1 =	sne.s32 s22, $0x0  }
.Ltmp11:
0xc1: {  	_ = 	snop;
	(pc) =	sbr.rel @p1 .LBB3_10-.Ltmp11, $1  }
0xc2: {  	_ =	sdelay $0x3  }
.LBB3_7:
0xc3: {  	s22 =	sadd.s32 $0xFFFFFFFE, s20  }
0xc4: {  	s23 =	smulhi.u32 $0xAAAAAAAB, s22;
	_ =	sdelay $0x1  }
0xc5: {  	s23 =	sshrl.u32 s23, $0x1  }
0xc6: {  	s23 =	smul.u32 $0x3, s23;
	_ =	sdelay $0x1  }
0xc7: {  	s22 =	ssub.s32 s22, s23  }
0xc8: {  	_ =	swait.ge [sflag:s7], $0x3E80;
	s26 =	smul.u32 $0x1F40, s22  }
0xc9: {  	p1 =	sne.s32 s20, $0x1A;
	[sflag:s7] =	ssyncset.done $0x0  }
0xca: {  	[sflag:s7] =	ssyncadd.s32 $0xFFFFC180;
	s22 =	sadd.s32 @!p1 $0x203F, s26  }
0xcb: {  	[spmem:s11] =	stream.linear.scatter @!p1 [tilespmem:s22], [sflag:$0x1], $0x1, $0x38;
	[tilespmem:$0x11A60] =	vst v63  }
0xcc: {  	s22 =	simm.s32 @!p1 $0x1  }
0xcd: {  	_ =	swait.ge @!p1 [sflag:s22], $0x1  }
0xce: {  	s25 =	sshll.u32 s20, $0x4;
	[sflag:s22] =	ssyncset.done @!p1 $0x0  }
0xcf: {  	[sflag:s22] =	ssyncadd.s32 @!p1 $0xFFFFFFFF;
	s22 =	sand.u32 $0x10, s25  }
0xd0: {  	v4 =	vld [tilespmem:s22+$0x10];
	s28 =	sxor.u32 $0x10, s22  }
0xd1: {  	v5 =	vld [tilespmem:s28+$0x60]  }
0xd2: {  	v3 =	vld [tilespmem:$0x80];
	_ =	sdelay $0x2  }
0xd3: {  	(v2sf) =	vpush v4, $0x0  }
0xd4: {  	(v2sf) =	vpush v5, $0x0  }
0xd5: {  	(v2sf) =	vpush v3, $0x0;
	_ =	sdelay $0xc  }
0xd6: {  	s23 =	spop (v2sf)  }
0xd7: {  	s25 =	spop (v2sf)  }
0xd8: {  	s24 =	spop (v2sf)  }
0xd9: {  	p2 =	seq.s32 s23, s25;
	p3 =	seq.s32 s24, s23  }
0xda: {  	p3 =	por p2, p3  }
0xdb: {  	s23 =	sand.u32 $0x1, s20;
	v4 =	vpsel p3, $0xFFFFFFFF, v4  }
0xdc: {  	s25 =	smul.u32 $0x1F40, s23;
	[tilespmem:s22+$0x10] =	vst.msk $0x1, v4  }
0xdd: {  	v4 =	vld [tilespmem:$0x30]  }
0xde: {  	v5 =	vld [tilespmem:s25+$0x9D40]  }
0xdf: {  	v6 =	vld [tilespmem:s22+$0x40];
	_ =	sdelay $0x3  }
0xe0: {  	vm4 =	vmmov vm1;
	v5 =	vadd.f32 v5, v4  }
0xe1: {  	vm5 =	vmmov vm2;
	vm4 =	vmmov @p2 vm2;
	s23 =	sshll.u32 s23, $0x4;
	v4 =	vadd.f32 v6, v4  }
0xe2: {  	vm5 =	vmmov @p3 vm1;
	s23 =	sor.u32 $0x11A40, s23;
	[tilespmem:s25+$0x9D40] =	vst.msk vm4, v5  }
0xe3: {  	[tilespmem:s23+$0x0] =	vst.msk vm5, v4  }
0xe4: {  	v4 =	vld [tilespmem:s25+$0x7DF0];
	_ =	sdelay $0x3  }
0xe5: {  	v5 =	vimm.f32 $0.0e+00  }
0xe6: {  	v4 =	vshift.insert v4, v5, s18  }
0xe7: {  	s29 =	sor.u32 $0x40, s28  }
0xe8: {  	[tilespmem:s29+$0x0] =	vst.msk $0x1, v4  }
0xe9: {  	[tilespmem:s25+$0x7DFF] =	vst.msk $0x1, v5  }
0xea: {  	v4 =	vld [tilespmem:s26+$0x2030];
	_ =	sdelay $0x1  }
0xeb: {  	s29 =	smulhi.u32 $0xAAAAAAAB, s17;
	s26 =	simm.s32 $0x1  }
0xec: {  	s26 =	simm.s32 @!p0 $0x0  }
0xed: {  	s29 =	sshrl.u32 s29, $0x1;
	s26 =	smul.u32 $0x7D00, s26  }
0xee: {  	s29 =	smul.u32 $0xFFFE8900, s29;
	v4 =	vshift.insert v4, v1, s18  }
0xef: {  	s30 =	sshrl.u32 s26, $0x2  }
0xf0: {  	s29 =	sshra.s32 s29, $0x2;
	s26 =	sadd.s32 $0x9D40, s30;
	[tilespmem:s28+$0x10] =	vst.msk $0x1, v4  }
0xf1: {  	s31 =	sadd.s32 s29, s16;
	v6 =	vld [tilespmem:s26+$0x0]  }
0xf2: {  	v7 =	vld [tilespmem:s31+$0x0];
	_ =	sdelay $0x3  }
0xf3: {  	v5 =	vadd.f32 v6, v5  }
0xf4: {  	vm4 =	vne.s32 v7, $0xFFFFFFFF  }
0xf5: {  	(xrf2) =	vadd.seg.scan.f32 vm4, v5;
	_ =	sdelay $0x3  }
0xf6: {  	s28 =	sadd.s32 $0x5EC0, s30;
	v5 =	vperm.xlane v4, v1  }
0xf7: {  	v6 =	vld [tilespmem:s28+$0x0]  }
0xf8: {  	vm5 =	veq.s32 v7, v3;
	vm6 =	veq.s32 v7, v5  }
0xf9: {  	vm7 =	vgt.u32 v7, $0xFFFFFFFD;
	vm6 =	vmor vm6, vm5  }
0xfa: {  	vm6 =	vmor vm6, vm7  }
0xfb: {  	v9 =	vld [tilespmem:$0xA0];
	v7 =	vsel vm6, $0xFFFFFFFF, v7  }
0xfc: {  	v10 =	vld [tilespmem:$0x90];
	v6 =	vsel vm5, $0x0, v6;
	v8, _, _ =	vpop (xrf2)  }
0xfd: {  	v6 =	vadd.f32 v8, v6  }
0xfe: {  	s29 =	sadd.s32 $0xDBC0, s30  }
0xff: {  	vm4 =	vmand vm4, vm3;
	[tilespmem:s29+$0x0] =	vst v6;
	(ifvalue) =	ssetifvalue $0xFFFFFFFF  }
0x100: {  	vm6 =	veq.s32 v9, $0x1;
	[hbm4b:s1+s14] =	stream.indirect_vreg.scatter [tilespmem:s29], [sflag:$0x2], $0x1, v7, vm0, $0x4038;
	v7 =	vsel vm4, $0x0, v8;
	[tilespmem:$0x11A60] =	vst v63  }
0x101: {  	s30 =	simm.s32 $0x0;
	s31 =	sadd.s32 $0x10, s31;
	vm4 =	vmor vm6, vm5;
	v6 =	vsel vm5, v8, v10;
	v7 =	vshift.insert v7, v0, s18  }
.LBB3_8:
0x102: {  	v8 =	vld [tilespmem:s31+$0x0];
	s26 =	sadd.s32 $0x10, s26  }
0x103: {  	s28 =	sadd.s32 $0x10, s28;
	v9 =	vld [tilespmem:s26+$0x0]  }
0x104: {  	s30 =	sadd.s32 $0x10, s30;
	v10 =	vld [tilespmem:s28+$0x0]  }
0x105: {  	p2 =	slt.u32 s30, $0x1F30;
	_ =	sdelay $0x2  }
0x106: {  	v7 =	vadd.f32 v9, v7  }
0x107: {  	vm5 =	vne.s32 v8, $0xFFFFFFFF  }
0x108: {  	vm6 =	vmand vm5, vm3;
	(xrf2) =	vadd.seg.scan.f32 vm5, v7;
	_ =	sdelay $0x5  }
0x109: {  	vm7 =	veq.s32 v8, v5;
	vm5 =	veq.s32 v8, v3  }
0x10a: {  	vm8 =	vgt.u32 v8, $0xFFFFFFFD;
	vm4 =	vmor vm4, vm5;
	vm7 =	vmor vm7, vm5  }
0x10b: {  	vm7 =	vmor vm7, vm8  }
0x10c: {  	v8 =	vsel vm7, $0xFFFFFFFF, v8  }
.Ltmp12:
0x10d: {  	v7 =	vsel vm5, $0x0, v10;
	v9, _, _ =	vpop (xrf2);
	(pc) =	sbr.rel @p2 .LBB3_8-.Ltmp12, $4  }
0x10e: {  	v6 =	vsel vm5, v9, v6;
	v10 =	vadd.f32 v9, v7;
	v7 =	vsel vm6, $0x0, v9  }
0x10f: {  	s29 =	sadd.s32 $0x10, s29;
	v7 =	vshift.insert v7, v0, s18  }
0x110: {  	s31 =	sadd.s32 $0x10, s31;
	[tilespmem:s29+$0x0] =	vst v10;
	(ifvalue) =	ssetifvalue $0xFFFFFFFF  }
0x111: {  	[hbm4b:s1+s14] =	stream.indirect_vreg.scatter [tilespmem:s29], [sflag:$0x2], $0x1, v8, vm0, $0x4038;
	[tilespmem:$0x11A60] =	vst v63  }
0x112: {  	v3 =	vld [tilespmem:s25+$0xFAF0];
	_ =	sdelay $0x4  }
0x113: {  	v3 =	vshift.insert v3, v0, s18;
	_ =	sdelay $0x1  }
0x114: {  	[tilespmem:s19+$0x0] =	vst.msk $0x1, v3  }
0x115: {  	v3 =	vsel vm4, $0x1, v1;
	[tilespmem:$0x90] =	vst v6  }
0x116: {  	s25 =	sadd.s32 @!p1 $0xFAFF, s25;
	[tilespmem:$0xA0] =	vst v3  }
0x117: {  	[spmem:s12] =	stream.linear.scatter @!p1 [tilespmem:s25], [sflag:$0x1], $0x1, $0x38;
	[tilespmem:$0x11A60] =	vst v63  }
0x118: {  	s25 =	simm.s32 @!p1 $0x1  }
0x119: {  	v3 =	vmctz.xlane @!p1 vm4;
	_ =	swait.ge @!p1 [sflag:s25], $0x1  }
0x11a: {  	(v2sf) =	vpush @!p1 v4, $0x0  }
0x11b: {  	(v2sf) =	vpush @!p1 v3, $0x0;
	_ =	sdelay $0xd  }
0x11c: {  	s26 =	spop @!p1 (v2sf)  }
0x11d: {  	s28 =	spop @!p1 (v2sf)  }
0x11e: {  	p2 =	sne.s32 @!p1 s24, s26;
	p3 =	slt.s32 @!p1 s28, $0xF  }
0x11f: {  	[sflag:s25] =	ssyncset.done @!p1 $0x0;
	p2 =	por p2, p1;
	p3 =	por !p3, p1  }
0x120: {  	[sflag:s25] =	ssyncadd.s32 @!p1 $0xFFFFFFFF;
	v3 =	vimm.s32 @!p2 $0xFFFFFFFF;
	s28 =	simm.s32 @p3 $0xF  }
0x121: {  	[tilespmem:$0x80] =	vst @!p2 v3;
	s24 =	sadd.s32 @!p1 $0x90, s28  }
0x122: {  	[spmem:s10] =	stream.linear.scatter @!p1 [tilespmem:s24], [sflag:$0x1], $0x1, $0x38;
	[tilespmem:$0x11A60] =	vst v63  }
0x123: {  	_ =	swait.ge @!p1 [sflag:s25], $0x1  }
0x124: {  	[sflag:s25] =	ssyncset.done @!p1 $0x0  }
0x125: {  	s24 =	simm.s32 @!p1 $0x80;
	[sflag:s25] =	ssyncadd.s32 @!p1 $0xFFFFFFFF  }
0x126: {  	[spmem:s13] =	stream.linear.scatter @!p1 [tilespmem:s24], [sflag:$0x1], $0x1, $0x38;
	[tilespmem:$0x11A60] =	vst v63  }
0x127: {  	_ =	swait.ge @!p1 [sflag:s25], $0x1  }
0x128: {  	[sflag:s25] =	ssyncset.done @!p1 $0x0  }
0x129: {  	[sflag:s25] =	ssyncadd.s32 @!p1 $0xFFFFFFFF;
	(ifvalue) =	ssetifvalue $0xFFFFFFFF;
	v3 =	vld [tilespmem:s22+$0x10];
	_ =	sdelay $0x3  }
.Ltmp13:
0x12a: {  	_ = 	snop;
	(pc) =	sbr.rel .LBB3_10-.Ltmp13, $3  }
0x12b: {  	_ =	sdelay $0x1  }
0x12c: {  	(ifvalue) =	ssetifvalue $0xFFFFFFFF  }
0x12d: {  	[hbm4b:s1+s14] =	stream.indirect_vreg.scatter [tilespmem:s23], [sflag:$0x9], $0x1, v3, vm0, $0x4038;
	[tilespmem:$0x11A60] =	vst v63  }
.LBB3_11:
0x12e: {  	_ =	sfence.sel $0x180000  }
0x12f: {  	s2 =	simm.s32 $0x7;
	[bflag:$0x0] =	sbarrier.arrive $0xFFFF  }
0x130: {  	s26 =	simm.s32 $0x8;
	[sflag:s2] =	ssyncpa.u1 $0x1  }
0x131: {  	s28 =	simm.s32 $0x9;
	[sflag:s26] =	ssyncpa.u1 $0x1  }
0x132: {  	[sflag:s28] =	ssyncpa.u1 $0x1  }
0x133: {  	_ =	sfence.stream.spmem  }
0x134: {  	s29 =	simm.s32 $0x3;
	[bflag:$0x0] =	sbarrier.arrive $0xFFFF  }
0x135: {  	s30 =	simm.s32 $0x4;
	[sflag:s29] =	ssyncpa.u1 $0x1  }
0x136: {  	s31 =	simm.s32 $0x3C;
	[sflag:s30] =	ssyncpa.u1 $0x1  }
0x137: {  	p0 =	sne.s32 s3, $0x0;
	[sflag:s31] =	ssyncpa.u1 $0x1  }
0x138: {  	s0 =	simm.s32 @p0 $0x1;
	_ =	sfence @p0  }
0x139: {  	[sflag:s0] =	ssyncpa.u1 @p0 $0x1;
	s0 =	simm.s32 @p0 $0x2  }
0x13a: {  	[sflag:s0] =	ssyncpa.u1 @p0 $0x1  }
0x13b: {  	_ =	strace @p0 $0x90000059  }
0x13c: {  	[bflag:$0x2] =	sbarrier.arrive @p0 $0xFFFF  }
0x13d: {  	_ =	shalt @p0  }
.LBB3_12:
0x13e: {  	_ =	sfence.stream.spmem;
	s4 =	simm.s32 $0x5  }
0x13f: {  	s2 =	simm.s32 $0x80;
	s3 =	simm.s32 $0xC0;
	[sflag:s4] =	ssyncpa.u1 $0x0  }
0x140: {  	[tilespmem:s3], [sflag:$0x5] =	stream.linear.gather [spmem:s2], $0x20, $0x38;
	[tilespmem:$0x11A60] =	vst v63  }
0x141: {  	s2 =	simm.s32 $0x0;
	s3 =	simm.s32 $0xE0  }
0x142: {  	[tilespmem:s3], [sflag:$0x5] =	stream.linear.gather [spmem:s2], $0x20, $0x38;
	[tilespmem:$0x11A60] =	vst v63  }
.Ltmp14:
0x143: {  	_ = 	snop;
	(pc) =	sbr.rel .LBB3_13-.Ltmp14, $4  }
0x144: {  	_ =	swait.ge [sflag:s4], $0x40  }
0x145: {  	[sflag:s4] =	ssyncset.done $0x0  }
0x146: {  	s31 =	simm.s32 $0x6;
	[sflag:s4] =	ssyncadd.s32 $0xFFFFFFC0  }
0x147: {  	s4 =	simm.s32 $0x0;
	[sflag:s31] =	ssyncpa.u1 $0x0  }
.LBB3_18:
0x148: {  	p0 =	sgt.u32 s5, $0x187FF  }
0x149: {  	s6 =	sshrl.u32 @!p0 s5, $0x3  }
0x14a: {  	s5 =	sand.u32 @!p0 $0x7, s5;
	s7 =	simm.s32 @!p0 $0xB0;
	s6 =	sadd.s32 @!p0 s1, s6  }
0x14b: {  	[tilespmem:s7], [sflag:$0x6] =	stream.linear.gather @!p0 [hbm4b:s6+s5], $0x1, $0x38;
	[tilespmem:$0x11A60] =	vst v63  }
0x14c: {  	s5 =	simm.s32 @!p0 $0x6  }
0x14d: {  	_ =	swait.ge @!p0 [sflag:s5], $0x1  }
0x14e: {  	[sflag:s5] =	ssyncset.done @!p0 $0x0  }
0x14f: {  	[sflag:s5] =	ssyncadd.s32 @!p0 $0xFFFFFFFF  }
0x150: {  	v2 =	vmov @!p0 s4;
	v1 =	vld.msk @!p0 [tilespmem:$0xB0], $0x1;
	_ =	sdelay $0x3  }
0x151: {  	s5 =	simm.s32 @!p0 $0xE0  }
0x152: {  	[tilespmem:v2+s5+$0x0], v1 =	vst.idx.ret.add.f32.msk @!p0 $0x1, v1  }
0x153: {  	[tilespmem:s2+$0xC0] =	vst.msk $0x1, v0  }
0x154: {  	v0 =	vld.msk [tilespmem:s4+$0xE0], $0x1;
	_ =	sdelay $0x4  }
0x155: {  	[tilespmem:s2+$0xE0] =	vst.msk $0x1, v0;
	s2 =	sadd.s32 $0x1, s2  }
.LBB3_20:
0x156: {  	s4 =	sadd.s32 $0x1, s4  }
0x157: {  	p0 =	sne.s32 s4, $0x20  }
.Ltmp15:
0x158: {  	_ = 	snop;
	(pc) =	sbr.rel @!p0 .LBB3_21-.Ltmp15, $1  }
0x159: {  	_ =	sdelay $0x3  }
.LBB3_13:
0x15a: {  	v0 =	vld.msk [tilespmem:s4+$0xC0], $0x1;
	_ =	sdelay $0x4  }
0x15b: {  	(v2sf) =	vpush v0, $0x0;
	_ =	sdelay $0xe  }
0x15c: {  	s5 =	spop (v2sf)  }
0x15d: {  	p0 =	seq.s32 s5, $0xFFFFFFFF  }
.Ltmp16:
0x15e: {  	_ = 	snop;
	(pc) =	sbr.rel @p0 .LBB3_20-.Ltmp16, $1  }
0x15f: {  	_ =	sdelay $0x3  }
0x160: {  	p0 =	slt.s32 s2, $0x1  }
.Ltmp17:
0x161: {  	_ = 	snop;
	(pc) =	sbr.rel @p0 .LBB3_18-.Ltmp17, $1  }
0x162: {  	_ =	sdelay $0x3  }
0x163: {  	s6 =	simm.s32 $0xC0;
	p0 =	por $0x0, $0x0  }
0x164: {  	v1 =	vld.msk @!p0 [tilespmem:s6+$0x0], $0x1;
	_ =	sdelay $0x4  }
0x165: {  	(v2sf) =	vpush @!p0 v1, $0x0;
	_ =	sdelay $0xd  }
0x166: {  	p2 =	sne.s32 s2, $0x1  }
.Ltmp18:
0x167: {  	s7 =	spop @!p0 (v2sf);
	(pc) =	sbr.rel @!p2 .LBB3_17-.Ltmp18, $4  }
0x168: {  	p1 =	seq.s32 @!p0 s5, s7  }
0x169: {  	s7 =	simm.s32 $0x0;
	p1 =	por !p1, p0  }
0x16a: {  	s9 =	simm.s32 $0xFFFFFFFF;
	s7 =	simm.s32 @p1 $0xFFFFFFFF  }
0x16b: {  	s8 =	simm.s32 $0x1;
	s7 =	smov.u32 @p0 s9  }
.LBB3_16:
0x16c: {  	s9 =	smov.u32 s7;
	p0 =	sne.s32 s7, $0xFFFFFFFF  }
0x16d: {  	s6 =	sadd.s32 $0x1, s6;
	s7 =	smov.u32 s8;
	s8 =	sadd.s32 $0x1, s8  }
0x16e: {  	p1 =	sne.s32 s2, s8;
	v1 =	vld.msk @!p0 [tilespmem:s6+$0x0], $0x1;
	_ =	sdelay $0x4  }
0x16f: {  	(v2sf) =	vpush @!p0 v1, $0x0;
	_ =	sdelay $0xe  }
.Ltmp19:
0x170: {  	s10 =	spop @!p0 (v2sf);
	(pc) =	sbr.rel @p1 .LBB3_16-.Ltmp19, $4  }
0x171: {  	p2 =	seq.s32 @!p0 s5, s10  }
0x172: {  	p2 =	por !p2, p0  }
0x173: {  	s7 =	simm.s32 @p2 $0xFFFFFFFF  }
0x174: {  	s7 =	smov.u32 @p0 s9  }
.LBB3_17:
0x175: {  	p0 =	sne.s32 s7, $0xFFFFFFFF  }
.Ltmp20:
0x176: {  	_ = 	snop;
	(pc) =	sbr.rel @!p0 .LBB3_18-.Ltmp20, $1  }
0x177: {  	_ =	sdelay $0x3  }
0x178: {  	v0 =	vld.msk [tilespmem:s4+$0xE0], $0x1;
	v1 =	vmov s7  }
.Ltmp21:
0x179: {  	_ = 	snop;
	(pc) =	sbr.rel .LBB3_20-.Ltmp21, $2  }
0x17a: {  	_ =	sdelay $0x2  }
0x17b: {  	[tilespmem:v1+s3+$0x0], v0 =	vst.idx.ret.add.f32.msk $0x1, v0  }
.LBB3_21:
0x17c: {  	p0 =	slt.s32 s2, $0x1  }
.Ltmp22:
0x17d: {  	_ = 	snop;
	(pc) =	sbr.rel @p0 .LBB3_25-.Ltmp22, $3  }
0x17e: {  	_ =	sdelay $0x1  }
0x17f: {  	s3 =	simm.s32 $0x6  }
0x180: {  	[sflag:s3] =	ssyncpa.u1 $0x1;
	s3 =	simm.s32 $0x0  }
0x181: {  	s4 =	simm.s32 $0xC0  }
0x182: {  	v0 =	vld.msk [tilespmem:s4+$0x0], $0x1;
	_ =	sdelay $0x4  }
0x183: {  	(v2sf) =	vpush v0, $0x0;
	_ =	sdelay $0xe  }
0x184: {  	s2 =	sadd.s32 $0xFFFFFFFF, s2;
	s5 =	spop (v2sf)  }
0x185: {  	p1 =	sne.s32 s2, $0x0;
	p0 =	sgt.u32 s5, $0x187FF  }
.Ltmp23:
0x186: {  	s6 =	sshrl.u32 @!p0 s5, $0x3;
	(pc) =	sbr.rel @!p1 .LBB3_24-.Ltmp23, $4  }
0x187: {  	s4 =	simm.s32 $0xE0;
	s5 =	sand.u32 @!p0 $0x7, s5;
	s6 =	sadd.s32 @!p0 s1, s6  }
0x188: {  	[hbm4b:s6+s5] =	stream.linear.scatter @!p0 [tilespmem:s4], [sflag:$0x5], $0x1, $0x38;
	[tilespmem:$0x11A60] =	vst v63  }
0x189: {  	s6 =	simm.s32 $0x0  }
0x18a: {  	s5 =	simm.s32 $0xC1;
	s6 =	simm.s32 @!p0 $0x4  }
.LBB3_23:
0x18b: {  	v0 =	vld.msk [tilespmem:s5+$0x0], $0x1;
	s2 =	sadd.s32 $0xFFFFFFFF, s2;
	s3 =	sadd.s32 s3, s6  }
0x18c: {  	p0 =	sne.s32 s2, $0x0;
	_ =	sdelay $0x3  }
0x18d: {  	(v2sf) =	vpush v0, $0x0;
	_ =	sdelay $0xe  }
.Ltmp24:
0x18e: {  	s7 =	spop (v2sf);
	(pc) =	sbr.rel @p0 .LBB3_23-.Ltmp24, $4  }
0x18f: {  	s6 =	simm.s32 $0x0;
	p1 =	sgt.u32 s7, $0x187FF  }
0x190: {  	s4 =	sadd.s32 $0x1, s4;
	s6 =	simm.s32 @!p1 $0x4;
	s8 =	sshrl.u32 @!p1 s7, $0x3  }
0x191: {  	s5 =	sadd.s32 $0x1, s5;
	s7 =	sand.u32 @!p1 $0x7, s7;
	s8 =	sadd.s32 @!p1 s1, s8  }
0x192: {  	[hbm4b:s8+s7] =	stream.linear.scatter @!p1 [tilespmem:s4], [sflag:$0x5], $0x1, $0x38;
	[tilespmem:$0x11A60] =	vst v63  }
.LBB3_24:
0x193: {  	s1 =	sadd.s32 s3, s6  }
0x194: {  	s3 =	sshrl.u32 s1, $0x2  }
.LBB3_25:
0x195: {  	s1 =	simm.s32 $0x5  }
0x196: {  	_ =	swait.ge [sflag:s1], s3  }
0x197: {  	s2 =	ssub.s32 $0x0, s3;
	[sflag:s1] =	ssyncset.done $0x0  }
0x198: {  	[sflag:s1] =	ssyncadd.s32 s2  }
0x199: {  	[sflag:s1] =	ssyncpa.u1 $0x1  }
0x19a: {  	s30 =	simm.s32 $0x1;
	_ =	sfence  }
0x19b: {  	s31 =	simm.s32 $0x2;
	[sflag:s30] =	ssyncpa.u1 $0x1  }
0x19c: {  	[sflag:s31] =	ssyncpa.u1 $0x1  }
0x19d: {  	_ =	strace $0x90000059  }
0x19e: {  	s0 =	sadd.s32 $0x100000, s0;
	[bflag:$0x2] =	sbarrier.arrive $0xFFFF  }
0x19f: {  	[sflag:s0] =	ssyncadd.tile.s32 $0x1;
	_ =	shalt  }
.Lfunc_end3:
_tile_overlayer_lowered:
.L_overlay_start_3:
0x1a0: {  	(tag) =	ssettag $0x3  }
0x1a1: {  	s0 =	rddreg [dreg:$0x0];
	s2 =	stileid.u32  }
0x1a2: {  	s1 =	rddreg [dreg:$0x1];
	p0 =	sne.s32 s2, $0x0  }
0x1a3: {  	s3 =	rddreg [dreg:$0x2];
	[bflag:$0x3] =	sbarrier.arrive $0xFFFF;
	s2 =	simm.s32 @!p0 $0x1C01  }
0x1a4: {  	[timem:s3], [sflag:s2] =	dma.local @!p0 [hbm:s0], s1  }
0x1a5: {  	s0 =	simm.s32 @!p0 $0x1  }
0x1a6: {  	_ =	swait.ge @!p0 [sflag:s0], s1  }
0x1a7: {  	s1 =	ssub.s32 @!p0 $0x0, s1;
	[sflag:s0] =	ssyncset.done @!p0 $0x0  }
0x1a8: {  	[sflag:s0] =	ssyncadd.s32 @!p0 s1  }
0x1a9: {  	[bflag:$0x3] =	sbarrier.arrive $0xFFFF  }
0x1aa: {  	_ =	shalt  }

// kernel: scatter_offload_async_start.2
scs
__scs_entry_jumppad:
0x0: {  	(pc) =	sbr.rel $0x88, $3  }
0x1: {  	(tag) =	ssettag $0x0;
	lr =	simm.s32 $0x1  }
0x2: {  	[smem:$0x3F99] =	sst lr;
	_ =	strace $0xD0000000  }
0x3: {  	_ = 	snop  }
0x4: {  	_ = 	snop  }
0x5: {  	_ = 	snop  }
0x6: {  	_ = 	snop  }
0x7: {  	_ = 	snop  }
__scs_overlays_trampoline_lowered:
0x8: {  	[smem:$0x3FA8] =	sst s0  }
0x9: {  	[smem:$0x3FA9] =	sst s1  }
0xa: {  	[smem:$0x3FAA] =	sst s2  }
0xb: {  	[smem:$0x3FAB] =	sst s3  }
0xc: {  	[smem:$0x3FAC] =	sst s4  }
0xd: {  	[smem:$0x3FAD] =	sst s5  }
0xe: {  	[smem:$0x3FAE] =	sst s6  }
0xf: {  	[smem:$0x3FAF] =	sst s7  }
0x10: {  	[smem:$0x3FB0] =	sst s8  }
0x11: {  	[smem:$0x3FB1] =	sst s9;
	s0 =	simm.s32 @!p0 $0x0  }
0x12: {  	s1 =	sld [smem:$0x3F97];
	s0 =	simm.s32 @p0 $0x1  }
0x13: {  	[smem:$0x3FB2] =	sst s0;
	s0 =	simm.s32 @!p1 $0x0  }
0x14: {  	s2 =	sld [smem:$0x3F96];
	s0 =	simm.s32 @p1 $0x1  }
0x15: {  	[smem:$0x3FB3] =	sst s0;
	s0 =	simm.s32 @!p2 $0x0  }
0x16: {  	s3 =	sld [smem:$0x3FDB];
	s0 =	simm.s32 @p2 $0x1  }
0x17: {  	s4 =	simm.s32 $0x1BF5;
	[smem:$0x3FB5] =	sst s0  }
0x18: {  	s0 =	sld [smem:$0x3F98];
	_ =	swait.ge [sflag:s4], $0x0  }
0x19: {  	s7 =	sld [smem:$0x3F99]  }
0x1a: {  	s8 =	sadd.s32 $0xFFFFE003, lr  }
0x1b: {  	s9 =	sadd.s32 $0xFFFFFEF7, lr;
	s5 =	simm.s32 $0xFFFFFFFF;
	p2 =	slt.u32 s8, $0xFFFFF086  }
0x1c: {  	p1 =	slt.u32 s9, $0xF7A;
	s5 =	simm.s32 @!p2 $0x0  }
0x1d: {  	s5 =	simm.s32 @p1 $0x1;
	p0 =	seq.s32 s7, s2  }
0x1e: {  	s7 =	smul.u32 @!p0 $0xF7A, s2;
	p2 =	seq.s32 @!p0 s5, $0x0  }
0x1f: {  	s9 =	smul.u32 $0xF7A, s1;
	s8 =	simm.s32 @!p0 $0x1BF5;
	p2 =	por !p2, p0  }
0x20: {  	[sflag:s8] =	ssyncset.s32 @!p0 $0xFFFFF086;
	s6 =	sadd.s32 @!p0 s3, s7;
	s7 =	simm.s32 @!p0 $0x108  }
0x21: {  	s3 =	sadd.s32 s3, s9;
	s6 =	sadd.s32 @!p0 $0x88, s6;
	s7 =	simm.s32 @p2 $0x1082  }
0x22: {  	[simem:s7], [sflag:s8] =	dma.local @!p0 [hbm:s6], $0xF7A  }
0x23: {  	s9 =	sor.u32 $0xD0000000, s2;
	s6 =	simm.s32 $0x108;
	_ =	swait.ge @!p0 [sflag:s8], $0x0  }
0x24: {  	s3 =	sadd.s32 $0x88, s3;
	s6 =	simm.s32 @!p1 $0x1082;
	[sflag:s4] =	ssyncset.s32 $0xFFFFF086  }
0x25: {  	[simem:s6], [sflag:s4] =	dma.local [hbm:s3], $0xF7A  }
0x26: {  	[smem:$0x3F99] =	sst s1;
	(tag) =	ssettag s2;
	_ =	strace s9  }
0x27: {  	s1 =	sld [smem:$0x3FA9]  }
0x28: {  	s2 =	sld [smem:$0x3FAA]  }
0x29: {  	s4 =	sld [smem:$0x3FAC]  }
0x2a: {  	p0 =	seq.s32 s5, $0x0;
	s5 =	sld [smem:$0x3FAD]  }
0x2b: {  	s6 =	sld [smem:$0x3FAE]  }
0x2c: {  	s7 =	sld [smem:$0x3FAF]  }
0x2d: {  	s3 =	simm.s32 $0x108;
	s8 =	sld [smem:$0x3FB0]  }
0x2e: {  	s3 =	simm.s32 @!p0 $0x1082;
	s9 =	sld [smem:$0x3FB1]  }
0x2f: {  	lr =	sadd.s32 s0, s3;
	s0 =	sld [smem:$0x3FA8]  }
0x30: {  	s3 =	sld [smem:$0x3FAB]  }
0x31: {  	[smem:$0x3FB4] =	sst s10  }
0x32: {  	s10 =	sld [smem:$0x3FB2];
	_ =	sdelay $0x3  }
0x33: {  	p0 =	seq.s32 s10, $0x1;
	s10 =	sld [smem:$0x3FB4];
	_ =	sdelay $0x3  }
0x34: {  	[smem:$0x3FB4] =	sst s10  }
0x35: {  	s10 =	sld [smem:$0x3FB3];
	_ =	sdelay $0x3  }
0x36: {  	p1 =	seq.s32 s10, $0x1;
	s10 =	sld [smem:$0x3FB4];
	_ =	sdelay $0x3  }
0x37: {  	[smem:$0x3FB4] =	sst s10  }
0x38: {  	s10 =	sld [smem:$0x3FB5]  }
0x39: {  	_ = 	snop;
	(pc) =	sbr.ind lr, $3  }
0x3a: {  	_ = 	snop  }
0x3b: {  	_ = 	snop  }
0x3c: {  	p2 =	seq.s32 s10, $0x1;
	s10 =	sld [smem:$0x3FB4]  }
0x3d: {  	_ =	shalt  }
0x3e: {  	_ =	shalt  }
0x3f: {  	_ =	shalt  }
0x40: {  	_ =	shalt  }
0x41: {  	_ =	shalt  }
0x42: {  	_ =	shalt  }
0x43: {  	_ =	shalt  }
0x44: {  	_ =	shalt  }
0x45: {  	_ =	shalt  }
0x46: {  	_ =	shalt  }
0x47: {  	_ =	shalt  }
0x48: {  	_ =	shalt  }
0x49: {  	_ =	shalt  }
0x4a: {  	_ =	shalt  }
0x4b: {  	_ =	shalt  }
0x4c: {  	_ =	shalt  }
0x4d: {  	_ =	shalt  }
0x4e: {  	_ =	shalt  }
0x4f: {  	_ =	shalt  }
0x50: {  	_ =	shalt  }
0x51: {  	_ =	shalt  }
0x52: {  	_ =	shalt  }
0x53: {  	_ =	shalt  }
0x54: {  	_ =	shalt  }
0x55: {  	_ =	shalt  }
0x56: {  	_ =	shalt  }
0x57: {  	_ =	shalt  }
0x58: {  	_ =	shalt  }
0x59: {  	_ =	shalt  }
0x5a: {  	_ =	shalt  }
0x5b: {  	_ =	shalt  }
0x5c: {  	_ =	shalt  }
0x5d: {  	_ =	shalt  }
0x5e: {  	_ =	shalt  }
0x5f: {  	_ =	shalt  }
0x60: {  	_ =	shalt  }
0x61: {  	_ =	shalt  }
0x62: {  	_ =	shalt  }
0x63: {  	_ =	shalt  }
0x64: {  	_ =	shalt  }
0x65: {  	_ =	shalt  }
0x66: {  	_ =	shalt  }
0x67: {  	_ =	shalt  }
0x68: {  	_ =	shalt  }
0x69: {  	_ =	shalt  }
0x6a: {  	_ =	shalt  }
0x6b: {  	_ =	shalt  }
0x6c: {  	_ =	shalt  }
0x6d: {  	_ =	shalt  }
0x6e: {  	_ =	shalt  }
0x6f: {  	_ =	shalt  }
0x70: {  	_ =	shalt  }
0x71: {  	_ =	shalt  }
0x72: {  	_ =	shalt  }
0x73: {  	_ =	shalt  }
0x74: {  	_ =	shalt  }
0x75: {  	_ =	shalt  }
0x76: {  	_ =	shalt  }
0x77: {  	_ =	shalt  }
0x78: {  	_ =	shalt  }
0x79: {  	_ =	shalt  }
0x7a: {  	_ =	shalt  }
0x7b: {  	_ =	shalt  }
0x7c: {  	_ =	shalt  }
0x7d: {  	_ =	shalt  }
0x7e: {  	_ =	shalt  }
0x7f: {  	_ =	shalt  }
0x80: {  	_ =	shalt  }
0x81: {  	_ =	shalt  }
0x82: {  	_ =	shalt  }
0x83: {  	_ =	shalt  }
0x84: {  	_ =	shalt  }
0x85: {  	_ =	shalt  }
0x86: {  	_ =	shalt  }
0x87: {  	_ =	shalt  }
.Lfunc_end0:
.L_simem_size_0:
called_computation.2_lowered:
.L_overlay_start_0:
0x88: {  	s0 =	sld [smem:$0x3FD9]  }
0x89: {  	s1 =	sld [smem:$0x3FFE];
	_ =	sdelay $0x3  }
0x8a: {  	s0 =	sadd.s32 s1, s0  }
0x8b: {  	[smem:$0x3FC0] =	sst s0  }
0x8c: {  	_ = 	snop  }
0x8d: {  	(tm) =	ssettm $0x1  }
0x8e: {  	s15 =	sld [smem:$0x3FFB];
	_ =	sdelay $0x3  }
0x8f: {  	_ =	strace s15  }
0x90: {  	s0 =	sld [smem:$0x3FFC];
	_ =	sdelay $0x3  }
0x91: {  	_ =	strace s0  }
0x92: {  	s0 =	sld [smem:$0x3FFD];
	_ =	sdelay $0x3  }
0x93: {  	_ =	strace s0  }
0x94: {  	_ =	strace $0x8FFFFFFF  }
0x95: {  	s16 =	sld [smem:$0x3FDB];
	_ =	sdelay $0x1  }
0x96: {  	s17 =	simm.s32 $_scs_section_size  }
0x97: {  	s2 =	simm.s32 $_size__tile_overlayer_lowered;
	s3 =	simm.s32 $_tile_overlayer_lowered  }
0x98: {  	s20 =	simm.s32 $0x1BFF;
	s19 =	sshll.u32 s3, $0x1;
	s0 =	sadd.s32 s17, s16  }
0x99: {  	s4 =	simm.s32 $0x0;
	s18 =	sshll.u32 s2, $0x1;
	s2 =	sadd.s32 s19, s0  }
0x9a: {  	[timem:s4], [sflag:s20] =	dma.local [hbm:s2], s18  }
0x9b: {  	_ =	swait.ge [sflag:s20], s18  }
0x9c: {  	s1 =	ssub.s32 $0x0, s18;
	[sflag:s20] =	ssyncset.done $0x0  }
0x9d: {  	[sflag:s20] =	ssyncadd.s32 s1;
	_ =	sdelay $0x1  }
0x9e: {  	s21 =	simm.s32 $0x1B8B  }
0x9f: {  	_ =	swait.ge [sflag:s21], $0x1  }
0xa0: {  	[sflag:s21] =	ssyncset.done $0x0  }
0xa1: {  	s23 =	simm.s32 $0x1B8E;
	s22 =	sld [smem:$0x3FFE];
	[sflag:s21] =	ssyncadd.s32 $0xFFFFFFFF  }
0xa2: {  	s24 =	simm.s32 $execute0_lowered;
	[smem:$0x3FD2] =	sst s23  }
0xa3: {  	s2 =	sshll.u32 s24, $0x1;
	_ =	strace $0x8000006D;
	[dreg:$0x1] =	wrdreg $0xFFFFFFFF  }
0xa4: {  	s25 =	simm.s32 $_size_execute0_lowered;
	s0 =	sadd.s32 s0, s2;
	[dreg:$0x0] =	wrdreg $0x0  }
0xa5: {  	s2 =	sshll.u32 s25, $0x1;
	[dreg:$0x2] =	wrdreg s0  }
0xa6: {  	[dreg:$0x3] =	wrdreg s2  }
0xa7: {  	[dreg:$0x4] =	wrdreg $0xC0  }
0xa8: {  	_ =	task [dreg:s4], $0x5FFFF  }
0xa9: {  	[dreg:$0x1] =	wrdreg $0xFFFFFFFF  }
0xaa: {  	[dreg:$0x0] =	wrdreg $0x60  }
0xab: {  	[dreg:$0x2] =	wrdreg s22  }
0xac: {  	[dreg:$0x3] =	wrdreg $0x9  }
0xad: {  	_ =	task.clear_ibuf [dreg:s4], $0x4FFFF;
	_ =	strace $0x9000006D  }
0xae: {  	s26 =	simm.s32 $0x9;
	_ =	strace $0x8000006F  }
0xaf: {  	_ =	swait.ge [sflag:s26], $0x1  }
0xb0: {  	[sflag:s26] =	ssyncadd.s32 $0xFFFFFFFF  }
0xb1: {  	_ =	strace $0x9000006F  }
0xb2: {  	_ =	sfence  }
0xb3: {  	s28 =	sld [smem:$0x0];
	_ =	sdelay $0x1  }
0xb4: {  	s29 =	srdreg.scid  }
0xb5: {  	s30 =	sshll.u32 s29, $0xD;
	s31 =	sshrl.u32 s29, $0x2  }
0xb6: {  	s1 =	sand.u32 $0x1, s29;
	s2 =	sand.u32 $0x4000, s30;
	s0 =	sadd.s32 s31, s28  }
0xb7: {  	s1 =	sor.u32 s2, s1;
	s0 =	sshll.u32 s0, $0x11  }
0xb8: {  	s0 =	sor.u32 s0, s1  }
0xb9: {  	s0 =	sadd.s32 $0x8F2B, s0  }
0xba: {  	[sflag:s0] =	ssyncadd.remote.s32 $0x1  }
0xbb: {  	_ =	sfence.sel $0xFFFF  }
0xbc: {  	[dreg:$0x0] =	wrdreg $0xFFFFFFFF;
	(pc) =	sbr.abs _section_cstart, $3  }
0xbd: {  	[dreg:$0x1] =	wrdreg $0xFFFFFFFF  }
0xbe: {  	_ =	task.clear_ibuf [dreg:s4], $0x2FFFF;
	_ =	strace $0x9FFFFFFF  }
0xbf: {  	(tm) =	ssettm $0x7FFFFFFF  }
tec
execute0_lowered:
.L_overlay_start_1:
0x0: {  	(tag) =	ssettag $0x1  }
0x1: {  	s0 =	rddreg [dreg:$0x0]  }
0x2: {  	s11 =	stileid.u32;
	_ =	strace $0x8000006E;
	s2 =	simm.s32 $0x1  }
0x3: {  	v1 =	vimm.s32 $0xFFFFFFFF;
	s1 =	smin.u32 s11, $0x9;
	[sflag:s2] =	ssyncpa.u1 $0x0  }
0x4: {  	s1 =	sadd.s32 s11, s1;
	[tilespmem:$0x10] =	vst v1  }
0x5: {  	v0 =	vimm.f32 $-Inf;
	p0 =	slt.u32 s11, $0x9;
	[tilespmem:$0x20] =	vst v1;
	s3 =	smul.u32 $0xFA0, s1;
	s1 =	simm.s32 $0x1F40  }
0x6: {  	[tilespmem:$0x30] =	vst v0;
	s1 =	simm.s32 @!p0 $0xFA0  }
0x7: {  	[tilespmem:$0x40] =	vst v0;
	s1 =	sadd.s32 s1, s3  }
0x8: {  	[tilespmem:$0x50] =	vst v0;
	s4 =	smin.u32 s1, $0x186A0  }
0x9: {  	s7 =	simm.s32 $0x2;
	s8 =	simm.s32 $0x8;
	[tilespmem:$0x60] =	vst v1;
	s6 =	ssub.s32 s4, s3  }
0xa: {  	s30 =	simm.s32 $0x9;
	s16 =	simm.s32 $0x0;
	[tilespmem:$0x70] =	vst v1;
	p0 =	sgt.s32 s6, $0x0  }
0xb: {  	s17 =	simm.s32 $0xF0;
	s18 =	simm.s32 $0xFFFFFFFF;
	[tilespmem:$0x80] =	vst v1;
	s6 =	simm.s32 @!p0 $0x0  }
0xc: {  	s19 =	simm.s32 $0xFFFFE1C0;
	s20 =	simm.s32 $0xFFFFFFFE;
	v1 =	vimm.s32 $0x0;
	[tilespmem:$0xB0] =	vst v0;
	s5 =	smulhi.u32 $0x10624DD3, s6  }
0xd: {  	s21 =	simm.s32 $0xF;
	s25 =	simm.s32 $0x0;
	s24 =	simm.s32 $0x0;
	[tilespmem:$0x90] =	vst v1  }
0xe: {  	[tilespmem:$0xA0] =	vst v1;
	[sflag:s7] =	ssyncpa.u1 $0x0;
	s7 =	simm.s32 $0x7;
	s9 =	sshrl.u32 s5, $0x8  }
0xf: {  	s14 =	sshllo.u32 s11, $0x1;
	[sflag:s7] =	ssyncpa.u1 $0x0;
	s10 =	smul.u32 $0xFA0, s9  }
0x10: {  	[sflag:s8] =	ssyncpa.u1 $0x0;
	s23 =	smov.u32 s3;
	s1 =	sadd.s32 $0x1F8600, s0  }
.Ltmp0:
0x11: {  	[sflag:s30] =	ssyncpa.u1 $0x0;
	p0 =	sne.s32 s6, s10;
	(pc) =	sbr.rel .LBB2_1-.Ltmp0, $4  }
0x12: {  	s5 =	sadd.s32 $0x1F8800, s0;
	s0 =	sadd.s32 $0x1FBA00, s0;
	s2 =	simm.s32 @!p0 $0x0  }
0x13: {  	[dreg:$0x2] =	wrdreg s0;
	s10 =	sshll.u32 s11, $0x1;
	s9 =	sadd.s32 s2, s9  }
0x14: {  	vm0 =	vmmov $0xffff;
	v2 =	vlaneseq.u32;
	vm1 =	vmxor vm1, vm1;
	s13 =	sor.u32 $0x81, s10;
	s15 =	sor.u32 $0x80, s10;
	s31 =	sadd.s32 $0x1, s9  }
0x15: {  	vm2 =	vmmov $0x1;
	v3 =	vimm.f32 $0.0e+00;
	vm3 =	vcmask $0x3F3C;
	p0 =	por $0x0, $0x0;
	s12 =	sadd.s32 $0x2, s9;
	[dreg:$0x3] =	wrdreg s31  }
.LBB2_9:
0x16: {  	p1 =	slt.u32 s24, $0x3  }
0x17: {  	s0 =	simm.s32 @!p1 $0x2  }
0x18: {  	_ =	swait.ge @!p1 [sflag:s0], $0xFA0  }
0x19: {  	[sflag:s0] =	ssyncset.done @!p1 $0x0  }
0x1a: {  	[sflag:s0] =	ssyncadd.s32 @!p1 $0xFFFFF060;
	s0 =	simm.s32 @!p1 $0x9  }
0x1b: {  	_ =	swait.ge @!p1 [sflag:s0], $0x10  }
0x1c: {  	[sflag:s0] =	ssyncset.done @!p1 $0x0  }
0x1d: {  	[sflag:s0] =	ssyncadd.s32 @!p1 $0xFFFFFFF0;
	p1 =	sne.s32 s24, s12  }
.Ltmp1:
0x1e: {  	s2 =	sadd.s32 $0xFA0, s23;
	(pc) =	sbr.rel @!p1 .LBB2_10-.Ltmp1, $4  }
0x1f: {  	s6 =	smov.u32 s3;
	s31 =	sadd.s32 $0x1, s24;
	s17 =	sadd.s32 $0xFA0, s17  }
0x20: {  	s18 =	sadd.s32 $0x1, s18;
	s25 =	smov.u32 s23;
	p2 =	slt.s32 s2, s4  }
0x21: {  	p0 =	por !p0, !p0;
	s19 =	sadd.s32 $0xFA0, s19;
	s6 =	smov.u32 @p2 s2  }
0x22: {  	s20 =	sadd.s32 $0x1, s20;
	s23 =	smov.u32 s6;
	s24 =	smov.u32 s31  }
.LBB2_1:
0x23: {  	p1 =	sge.u32 s24, s9  }
0x24: {  	s0 =	smulhi.u32 @!p1 $0xAAAAAAAB, s24;
	_ =	sdelay $0x1  }
0x25: {  	s0 =	sshrl.u32 @!p1 s0, $0x1  }
0x26: {  	s0 =	smul.u32 @!p1 $0x3, s0;
	_ =	sdelay $0x1  }
0x27: {  	s0 =	ssub.s32 @!p1 s24, s0  }
0x28: {  	s0 =	smul.u32 @!p1 $0x3E80, s0;
	_ =	sdelay $0x1  }
0x29: {  	s2 =	sshrl.u32 @!p1 s23, $0x3;
	s0 =	sshrl.u32 @!p1 s0, $0x2  }
0x2a: {  	s6 =	sand.u32 @!p1 $0x7, s23;
	s2 =	sadd.s32 @!p1 s5, s2;
	s0 =	sadd.s32 @!p1 $0x100, s0  }
0x2b: {  	[tilespmem:s0], [sflag:$0x7] =	stream.linear.gather @!p1 [hbm4b:s2+s6], $0xFA0, $0x38;
	[tilespmem:$0x8DC0] =	vst v63  }
0x2c: {  	s0 =	sadd.s32 $0xFFFFFFFF, s24  }
0x2d: {  	p1 =	sge.u32 s0, s9  }
.Ltmp2:
0x2e: {  	_ = 	snop;
	(pc) =	sbr.rel @p1 .LBB2_5-.Ltmp2, $1  }
0x2f: {  	_ =	sdelay $0x3  }
0x30: {  	s2 =	smulhi.u32 $0xAAAAAAAB, s0;
	_ =	sdelay $0x1  }
0x31: {  	s2 =	sshrl.u32 s2, $0x1  }
0x32: {  	s2 =	smul.u32 $0x3, s2;
	_ =	sdelay $0x1  }
0x33: {  	s2 =	ssub.s32 s0, s2  }
0x34: {  	s2 =	smul.u32 $0x3E80, s2  }
0x35: {  	_ =	swait.ge [sflag:s7], $0xFA0  }
0x36: {  	[sflag:s7] =	ssyncset.done $0x0;
	s2 =	sshrl.u32 s2, $0x2  }
0x37: {  	[sflag:s7] =	ssyncadd.s32 $0xFFFFF060;
	(ifvalue) =	ssetifvalue $0xFFFFFFFF;
	v4 =	vld.msk [tilespmem:s2+$0x100 ss:$0x1], $0xffff;
	_ =	sdelay $0x2  }
0x38: {  	s29 =	smulhi.u32 $0xAAAAAAAB, s18;
	p1 =	sne.s32 s24, $0x1  }
0x39: {  	v5 =	vimm.s32 @!p1 $0x0  }
0x3a: {  	s2 =	sshrl.u32 s29, $0x1;
	v5 =	vperm.xlane @!p1 v4, v5  }
0x3b: {  	s6 =	sshll.u32 s24, $0x4;
	s2 =	smul.u32 $0xFFFF4480, s2;
	vm4 =	vlt.u32 v4, $0x80  }
0x3c: {  	s6 =	sand.u32 $0x10, s6;
	v4 =	vnsel vm4, $0xFFFFFFFE, v4;
	vm4 =	vlt.u32 @!p1 v5, $0x80  }
0x3d: {  	s2 =	sshra.s32 s2, $0x2;
	[tilespmem:s6+$0x60] =	vst v4;
	v4 =	vnsel @!p1 vm4, $0xFFFFFFFE, v5  }
0x3e: {  	s30 =	sadd.s32 s2, s17;
	[tilespmem:$0x80] =	vst @!p1 v4  }
0x3f: {  	v4 =	vld.msk [tilespmem:s30+$0x0 ss:$0x1], $0xffff;
	_ =	sdelay $0x4  }
0x40: {  	(xrf1) =	vunique.msk.u32 $0xffff, v4;
	_ =	sdelay $0xd  }
0x41: {  	v5 =	vimm.s32 $0xFFFFFFFF;
	v6, _, _ =	vpop (xrf1)  }
0x42: {  	vm5 =	vne.s32 v4, v5;
	vm4 =	veq.s32 v6, v2  }
0x43: {  	vm6 =	vlt.u32 v4, $0x80;
	vm4 =	vmand vm5, vm4  }
0x44: {  	vm4 =	vmand vm6, vm4  }
0x45: {  	v5 =	vnsel vm4, $0xFFFFFFFF, v4  }
0x46: {  	s31 =	sand.u32 $0x1, s0  }
0x47: {  	s26 =	simm.s32 $0xFA0;
	p1 =	seq.s32 s31, $0x1  }
0x48: {  	s26 =	simm.s32 @!p1 $0x0  }
0x49: {  	s28 =	sadd.s32 $0x3F70, s26;
	(ifvalue) =	ssetifvalue $0xFFFFFFFF  }
0x4a: {  	v4 =	vperm.xlane v4, v1;
	[tilespmem:s28], [sflag:$0x8] =	stream.indirect_vreg.gather [hbm4b:s1+s16], $0x1, v5, vm0, $0x4038;
	v5 =	vnsel vm6, $0xFFFFFFFE, v5;
	[tilespmem:$0x8DC0] =	vst v63  }
0x4b: {  	s0 =	simm.s32 $0x0;
	s2 =	sadd.s32 $0xFFFFFFF0, s30;
	[tilespmem:s30+$0x0] =	vst v5  }
.LBB2_3:
0x4c: {  	v5 =	vld.msk [tilespmem:s2+$0x0 ss:$0x1], $0xffff;
	s0 =	sadd.s32 $0x10, s0;
	v6 =	vmov v4;
	s6 =	smov.u32 s2  }
0x4d: {  	p1 =	slt.u32 s0, $0xF90;
	_ =	sdelay $0x4  }
0x4e: {  	v4 =	vperm.xlane v5, v1;
	(xrf1) =	vunique.msk.u32 $0xffff, v5;
	_ =	sdelay $0xd  }
0x4f: {  	v7, _, _ =	vpop (xrf1)  }
0x50: {  	vm5 =	vne.s32 v5, v6;
	vm4 =	veq.s32 v7, v2  }
0x51: {  	vm6 =	vlt.u32 v5, $0x80;
	vm4 =	vmand vm5, vm4  }
0x52: {  	vm4 =	vmand vm6, vm4  }
0x53: {  	v5 =	vnsel vm4, $0xFFFFFFFF, v5  }
.Ltmp3:
0x54: {  	v6 =	vnsel vm6, $0xFFFFFFFE, v5;
	(pc) =	sbr.rel @p1 .LBB2_3-.Ltmp3, $3  }
0x55: {  	_ =	sdelay $0x1  }
0x56: {  	s2 =	sadd.s32 $0xFFFFFFF0, s2;
	s28 =	sadd.s32 $0xFFFFFFF0, s28;
	(ifvalue) =	ssetifvalue $0xFFFFFFFF  }
0x57: {  	[tilespmem:s28], [sflag:$0x8] =	stream.indirect_vreg.gather [hbm4b:s1+s16], $0x1, v5, vm0, $0x4038;
	[tilespmem:s6+$0x0] =	vst v6  }
0x58: {  	s0 =	sshrl.u32 s25, $0x3;
	s2 =	rddreg [dreg:$0x2]  }
0x59: {  	s31 =	sadd.s32 $0x4F20, s26;
	s0 =	sadd.s32 s2, s0  }
0x5a: {  	[tilespmem:s31], [sflag:$0x8] =	stream.linear.gather [hbm:s0], $0xFA0, $0x38;
	[tilespmem:$0x8DC0] =	vst v63  }
.LBB2_5:
0x5b: {  	p1 =	slt.u32 s24, $0x2  }
0x5c: {  	p2 =	sge.u32 @!p1 s24, s12  }
0x5d: {  	p1 =	por p1, p2  }
.Ltmp4:
0x5e: {  	_ = 	snop;
	(pc) =	sbr.rel @p1 .LBB2_9-.Ltmp4, $1  }
0x5f: {  	_ =	sdelay $0x3  }
0x60: {  	s0 =	sadd.s32 $0xFFFFFFFE, s24  }
0x61: {  	s2 =	smulhi.u32 $0xAAAAAAAB, s0;
	_ =	sdelay $0x1  }
0x62: {  	s2 =	sshrl.u32 s2, $0x1  }
0x63: {  	s2 =	smul.u32 $0x3, s2;
	_ =	sdelay $0x1  }
0x64: {  	_ =	swait.ge [sflag:s8], $0x1F40;
	s0 =	ssub.s32 s0, s2  }
0x65: {  	s6 =	rddreg [dreg:$0x3];
	s0 =	smul.u32 $0xFA0, s0  }
0x66: {  	[sflag:s8] =	ssyncset.done $0x0;
	p1 =	sne.s32 s24, s6  }
0x67: {  	[sflag:s8] =	ssyncadd.s32 $0xFFFFE0C0;
	s2 =	sadd.s32 @!p1 $0x109F, s0  }
0x68: {  	[spmem:s13] =	stream.linear.scatter @!p1 [tilespmem:s2], [sflag:$0x1], $0x1, $0x38;
	[tilespmem:$0x8DC0] =	vst v63  }
0x69: {  	s2 =	simm.s32 @!p1 $0x1  }
0x6a: {  	_ =	swait.ge @!p1 [sflag:s2], $0x1  }
0x6b: {  	s6 =	sshll.u32 s24, $0x4;
	[sflag:s2] =	ssyncset.done @!p1 $0x0  }
0x6c: {  	s25 =	sand.u32 $0x10, s6;
	[sflag:s2] =	ssyncadd.s32 @!p1 $0xFFFFFFFF  }
0x6d: {  	s2 =	sxor.u32 $0x10, s25;
	v5 =	vld [tilespmem:s25+$0x10]  }
0x6e: {  	v6 =	vld [tilespmem:s2+$0x60]  }
0x6f: {  	v4 =	vld [tilespmem:$0x80];
	_ =	sdelay $0x2  }
0x70: {  	(v2sf) =	vpush v5, $0x0  }
0x71: {  	(v2sf) =	vpush v6, $0x0  }
0x72: {  	(v2sf) =	vpush v4, $0x0;
	_ =	sdelay $0xc  }
0x73: {  	s11 =	spop (v2sf)  }
0x74: {  	s22 =	spop (v2sf)  }
0x75: {  	s28 =	spop (v2sf)  }
0x76: {  	p2 =	seq.s32 s11, s22;
	p3 =	seq.s32 s28, s11  }
0x77: {  	p3 =	por p2, p3  }
0x78: {  	s26 =	sand.u32 $0x1, s24;
	v5 =	vpsel p3, $0xFFFFFFFF, v5  }
0x79: {  	s29 =	smul.u32 $0xFA0, s26;
	[tilespmem:s25+$0x10] =	vst.msk $0x1, v5  }
0x7a: {  	v5 =	vld [tilespmem:$0x30]  }
0x7b: {  	v6 =	vld [tilespmem:s29+$0x4F20]  }
0x7c: {  	v7 =	vld [tilespmem:s25+$0x40];
	_ =	sdelay $0x2  }
0x7d: {  	vm4 =	vmmov vm1  }
0x7e: {  	vm5 =	vmmov vm2;
	s6 =	sshll.u32 s26, $0x4;
	vm4 =	vmmov @p2 vm2;
	v6 =	vmax.f32 v5, v6  }
0x7f: {  	s26 =	sor.u32 $0x8DA0, s6;
	vm5 =	vmmov @p3 vm1;
	v5 =	vmax.f32 v5, v7;
	[tilespmem:s29+$0x4F20] =	vst.msk vm4, v6  }
0x80: {  	[tilespmem:s26+$0x0] =	vst.msk vm5, v5  }
0x81: {  	v5 =	vld [tilespmem:s29+$0x3F70];
	_ =	sdelay $0x4  }
0x82: {  	v5 =	vshift.insert v5, v3, s21  }
0x83: {  	s11 =	sor.u32 $0x40, s2  }
0x84: {  	v6 =	vimm.f32 $-Inf;
	[tilespmem:s11+$0x0] =	vst.msk $0x1, v5  }
0x85: {  	[tilespmem:s29+$0x3F7F] =	vst.msk $0x1, v6  }
0x86: {  	v5 =	vld [tilespmem:s0+$0x1090]  }
0x87: {  	s22 =	smulhi.u32 $0xAAAAAAAB, s20;
	_ =	sdelay $0x1  }
0x88: {  	s6 =	simm.s32 $0x1;
	s0 =	sshrl.u32 s22, $0x1  }
0x89: {  	s6 =	simm.s32 @!p0 $0x0;
	s0 =	smul.u32 $0xFFFF4480, s0  }
0x8a: {  	s6 =	smul.u32 $0x3E80, s6;
	v5 =	vshift.insert v5, v1, s21  }
0x8b: {  	s0 =	sshra.s32 s0, $0x2  }
0x8c: {  	s6 =	sshrl.u32 s6, $0x2;
	s22 =	sadd.s32 s0, s19;
	[tilespmem:s2+$0x10] =	vst.msk $0x1, v5  }
0x8d: {  	s2 =	sadd.s32 $0x4F20, s6;
	v7 =	vld [tilespmem:s22+$0x0]  }
0x8e: {  	v8 =	vld [tilespmem:s2+$0x0];
	_ =	sdelay $0x4  }
0x8f: {  	vm4 =	vne.s32 v7, $0xFFFFFFFF;
	v6 =	vmax.f32 v8, v6  }
0x90: {  	(xrf0) =	vmax.seg.scan.f32 vm4, v6  }
0x91: {  	s11 =	sadd.s32 $0x2FE0, s6;
	v8 =	vld [tilespmem:$0xA0]  }
0x92: {  	v9 =	vld [tilespmem:s11+$0x0];
	_ =	sdelay $0x1  }
0x93: {  	v6 =	vperm.xlane v5, v1;
	_ =	sdelay $0x1  }
0x94: {  	vm6 =	veq.s32 v7, v4;
	vm7 =	veq.s32 v7, v6;
	vm5 =	veq.s32 v8, $0x1;
	v8, _, _ =	vpop (xrf0)  }
0x95: {  	vm8 =	vgt.u32 v7, $0xFFFFFFFD;
	vm7 =	vmor vm7, vm6;
	v9 =	vmax.f32 v8, v9  }
0x96: {  	s30 =	sadd.s32 $0x6E60, s6;
	v10 =	vld [tilespmem:$0x90];
	vm7 =	vmor vm7, vm8;
	v9 =	vsel vm6, v8, v9  }
0x97: {  	[tilespmem:s30+$0x0] =	vst v9;
	v9 =	vsel vm7, $0xFFFFFFFF, v7;
	_ =	sdelay $0x1  }
0x98: {  	vm9 =	vmand vm4, vm3  }
0x99: {  	s31 =	simm.s32 $0x0;
	s6 =	sadd.s32 $0x10, s11;
	s0 =	sadd.s32 $0x10, s2;
	v11 =	vsel vm9, $0xFF800000, v8  }
0x9a: {  	s2 =	sadd.s32 $0x10, s22;
	s22 =	sadd.s32 $0x10, s30;
	vm4 =	vmor vm5, vm6;
	v7 =	vsel vm6, v8, v10;
	v8 =	vshift.insert v11, v0, s21;
	(ifvalue) =	ssetifvalue $0xFFFFFFFF  }
.LBB2_7:
0x9b: {  	[hbm4b:s1+s16] =	stream.indirect_vreg.scatter [tilespmem:s30], [sflag:$0x2], $0x1, v9, vm0, $0x4038;
	[tilespmem:$0x8DC0] =	vst v63  }
0x9c: {  	s31 =	sadd.s32 $0x10, s31;
	s30 =	smov.u32 s22;
	v9 =	vld [tilespmem:s2+$0x0]  }
0x9d: {  	p2 =	slt.u32 s31, $0xF90;
	v10 =	vld [tilespmem:s0+$0x0];
	_ =	sdelay $0x4  }
0x9e: {  	vm5 =	vne.s32 v9, $0xFFFFFFFF;
	v8 =	vmax.f32 v10, v8  }
0x9f: {  	(xrf0) =	vmax.seg.scan.f32 vm5, v8;
	_ =	sdelay $0x1  }
0xa0: {  	v8 =	vld [tilespmem:s6+$0x0]  }
0xa1: {  	vm6 =	veq.s32 v9, v4;
	vm7 =	veq.s32 v9, v6  }
0xa2: {  	vm8 =	vgt.u32 v9, $0xFFFFFFFD;
	vm4 =	vmor vm4, vm6;
	vm7 =	vmor vm7, vm6  }
0xa3: {  	vm7 =	vmor vm7, vm8  }
.Ltmp5:
0xa4: {  	vm5 =	vmand vm5, vm3;
	v9 =	vsel vm7, $0xFFFFFFFF, v9;
	v10, _, _ =	vpop (xrf0);
	(pc) =	sbr.rel @p2 .LBB2_7-.Ltmp5, $4  }
0xa5: {  	v7 =	vsel vm6, v10, v7;
	v8 =	vmax.f32 v10, v8;
	v11 =	vsel vm5, $0xFF800000, v10  }
0xa6: {  	v10 =	vsel vm6, v10, v8;
	v8 =	vshift.insert v11, v0, s21  }
0xa7: {  	s2 =	sadd.s32 $0x10, s2;
	s0 =	sadd.s32 $0x10, s0;
	[tilespmem:s22+$0x0] =	vst v10  }
0xa8: {  	s6 =	sadd.s32 $0x10, s6;
	s22 =	sadd.s32 $0x10, s22;
	(ifvalue) =	ssetifvalue $0xFFFFFFFF  }
0xa9: {  	_ =	sdelay $0x3  }
0xaa: {  	[hbm4b:s1+s16] =	stream.indirect_vreg.scatter [tilespmem:s30], [sflag:$0x2], $0x1, v9, vm0, $0x4038;
	[tilespmem:$0x8DC0] =	vst v63  }
0xab: {  	v4 =	vld [tilespmem:s29+$0x7DF0];
	_ =	sdelay $0x4  }
0xac: {  	v4 =	vshift.insert v4, v3, s21  }
0xad: {  	s0 =	simm.s32 $0x30  }
0xae: {  	[tilespmem:s0+$0x0] =	vst.msk $0x1, v4  }
0xaf: {  	v4 =	vsel vm4, $0x1, v1;
	[tilespmem:$0x90] =	vst v7  }
0xb0: {  	s0 =	sadd.s32 @!p1 $0x7DFF, s29;
	[tilespmem:$0xA0] =	vst v4  }
0xb1: {  	[spmem:s14] =	stream.linear.scatter @!p1 [tilespmem:s0], [sflag:$0x1], $0x1, $0x38;
	[tilespmem:$0x8DC0] =	vst v63  }
0xb2: {  	s0 =	simm.s32 @!p1 $0x1  }
0xb3: {  	v4 =	vmctz.xlane @!p1 vm4;
	_ =	swait.ge @!p1 [sflag:s0], $0x1  }
0xb4: {  	(v2sf) =	vpush @!p1 v5, $0x0  }
0xb5: {  	(v2sf) =	vpush @!p1 v4, $0x0;
	_ =	sdelay $0xd  }
0xb6: {  	s2 =	spop @!p1 (v2sf)  }
0xb7: {  	s6 =	spop @!p1 (v2sf)  }
0xb8: {  	p2 =	sne.s32 @!p1 s28, s2;
	p3 =	slt.s32 @!p1 s6, $0xF  }
0xb9: {  	[sflag:s0] =	ssyncset.done @!p1 $0x0;
	p2 =	por p2, p1;
	p3 =	por !p3, p1  }
0xba: {  	[sflag:s0] =	ssyncadd.s32 @!p1 $0xFFFFFFFF;
	v4 =	vimm.s32 @!p2 $0xFFFFFFFF;
	s6 =	simm.s32 @p3 $0xF  }
0xbb: {  	[tilespmem:$0x80] =	vst @!p2 v4;
	s2 =	sadd.s32 @!p1 $0x90, s6  }
0xbc: {  	[spmem:s10] =	stream.linear.scatter @!p1 [tilespmem:s2], [sflag:$0x1], $0x1, $0x38;
	[tilespmem:$0x8DC0] =	vst v63  }
0xbd: {  	_ =	swait.ge @!p1 [sflag:s0], $0x1  }
0xbe: {  	[sflag:s0] =	ssyncset.done @!p1 $0x0  }
0xbf: {  	s2 =	simm.s32 @!p1 $0x80;
	[sflag:s0] =	ssyncadd.s32 @!p1 $0xFFFFFFFF  }
0xc0: {  	[spmem:s15] =	stream.linear.scatter @!p1 [tilespmem:s2], [sflag:$0x1], $0x1, $0x38;
	[tilespmem:$0x8DC0] =	vst v63  }
0xc1: {  	_ =	swait.ge @!p1 [sflag:s0], $0x1  }
0xc2: {  	[sflag:s0] =	ssyncset.done @!p1 $0x0  }
0xc3: {  	[sflag:s0] =	ssyncadd.s32 @!p1 $0xFFFFFFFF;
	(ifvalue) =	ssetifvalue $0xFFFFFFFF;
	v4 =	vld [tilespmem:s25+$0x10];
	_ =	sdelay $0x3  }
.Ltmp6:
0xc4: {  	_ = 	snop;
	(pc) =	sbr.rel .LBB2_9-.Ltmp6, $3  }
0xc5: {  	_ =	sdelay $0x1  }
0xc6: {  	(ifvalue) =	ssetifvalue $0xFFFFFFFF  }
0xc7: {  	[hbm4b:s1+s16] =	stream.indirect_vreg.scatter [tilespmem:s26], [sflag:$0x9], $0x1, v4, vm0, $0x4038;
	[tilespmem:$0x8DC0] =	vst v63  }
.LBB2_10:
0xc8: {  	_ =	sfence.sel $0x180000  }
0xc9: {  	s0 =	simm.s32 $0x7;
	[bflag:$0x0] =	sbarrier.arrive $0xFFFF  }
0xca: {  	s26 =	simm.s32 $0x8;
	[sflag:s0] =	ssyncpa.u1 $0x1  }
0xcb: {  	s28 =	simm.s32 $0x9;
	[sflag:s26] =	ssyncpa.u1 $0x1  }
0xcc: {  	[sflag:s28] =	ssyncpa.u1 $0x1  }
0xcd: {  	_ =	sfence.stream.spmem  }
0xce: {  	s29 =	simm.s32 $0x3;
	[bflag:$0x0] =	sbarrier.arrive $0xFFFF  }
0xcf: {  	s30 =	simm.s32 $0x4;
	[sflag:s29] =	ssyncpa.u1 $0x1  }
0xd0: {  	s31 =	simm.s32 $0x3C;
	s2 =	stileid.u32;
	[sflag:s30] =	ssyncpa.u1 $0x1  }
0xd1: {  	p0 =	sne.s32 s2, $0x0;
	[sflag:s31] =	ssyncpa.u1 $0x1  }
0xd2: {  	s0 =	simm.s32 @p0 $0x1;
	_ =	sfence @p0  }
0xd3: {  	[sflag:s0] =	ssyncpa.u1 @p0 $0x1;
	s0 =	simm.s32 @p0 $0x2  }
0xd4: {  	[sflag:s0] =	ssyncpa.u1 @p0 $0x1  }
0xd5: {  	_ =	strace @p0 $0x9000006E  }
0xd6: {  	[bflag:$0x2] =	sbarrier.arrive @p0 $0xFFFF  }
0xd7: {  	_ =	shalt @p0  }
.LBB2_11:
0xd8: {  	_ =	sfence.stream.spmem;
	s0 =	simm.s32 $0x5  }
0xd9: {  	s2 =	simm.s32 $0x80;
	s3 =	simm.s32 $0xC0;
	[sflag:s0] =	ssyncpa.u1 $0x0  }
0xda: {  	[tilespmem:s3], [sflag:$0x5] =	stream.linear.gather [spmem:s2], $0x20, $0x38;
	[tilespmem:$0x8DC0] =	vst v63  }
0xdb: {  	s30 =	simm.s32 $0xE0;
	s2 =	simm.s32 $0x0  }
0xdc: {  	[tilespmem:s30], [sflag:$0x5] =	stream.linear.gather [spmem:s2], $0x20, $0x38;
	[tilespmem:$0x8DC0] =	vst v63  }
.Ltmp7:
0xdd: {  	_ = 	snop;
	(pc) =	sbr.rel .LBB2_12-.Ltmp7, $4  }
0xde: {  	_ =	swait.ge [sflag:s0], $0x40  }
0xdf: {  	[sflag:s0] =	ssyncset.done $0x0  }
0xe0: {  	s31 =	simm.s32 $0x6;
	[sflag:s0] =	ssyncadd.s32 $0xFFFFFFC0  }
0xe1: {  	s3 =	simm.s32 $0x0;
	[sflag:s31] =	ssyncpa.u1 $0x0  }
.LBB2_17:
0xe2: {  	p0 =	sgt.u32 s4, $0x7F  }
0xe3: {  	s0 =	sshrl.u32 @!p0 s4, $0x3  }
0xe4: {  	s4 =	sand.u32 @!p0 $0x7, s4;
	s5 =	simm.s32 @!p0 $0xB0;
	s0 =	sadd.s32 @!p0 s1, s0  }
0xe5: {  	[tilespmem:s5], [sflag:$0x6] =	stream.linear.gather @!p0 [hbm4b:s0+s4], $0x1, $0x38;
	[tilespmem:$0x8DC0] =	vst v63  }
0xe6: {  	s0 =	simm.s32 @!p0 $0x6  }
0xe7: {  	_ =	swait.ge @!p0 [sflag:s0], $0x1  }
0xe8: {  	[sflag:s0] =	ssyncset.done @!p0 $0x0  }
0xe9: {  	[sflag:s0] =	ssyncadd.s32 @!p0 $0xFFFFFFFF  }
0xea: {  	v1 =	vld.msk @!p0 [tilespmem:$0xB0], $0x1  }
0xeb: {  	v2 =	vld.msk @!p0 [tilespmem:s3+$0xE0], $0x1;
	_ =	sdelay $0x4  }
0xec: {  	v1 =	vmax.f32 @!p0 v2, v1  }
0xed: {  	[tilespmem:s3+$0xE0] =	vst.msk @!p0 $0x1, v1  }
0xee: {  	[tilespmem:s2+$0xC0] =	vst.msk $0x1, v0  }
0xef: {  	v0 =	vld.msk [tilespmem:s3+$0xE0], $0x1;
	_ =	sdelay $0x4  }
0xf0: {  	[tilespmem:s2+$0xE0] =	vst.msk $0x1, v0;
	s2 =	sadd.s32 $0x1, s2  }
.LBB2_19:
0xf1: {  	s3 =	sadd.s32 $0x1, s3  }
0xf2: {  	p0 =	sne.s32 s3, $0x20  }
.Ltmp8:
0xf3: {  	_ = 	snop;
	(pc) =	sbr.rel @!p0 .LBB2_20-.Ltmp8, $1  }
0xf4: {  	_ =	sdelay $0x3  }
.LBB2_12:
0xf5: {  	v0 =	vld.msk [tilespmem:s3+$0xC0], $0x1;
	_ =	sdelay $0x4  }
0xf6: {  	(v2sf) =	vpush v0, $0x0;
	_ =	sdelay $0xe  }
0xf7: {  	s4 =	spop (v2sf)  }
0xf8: {  	p0 =	seq.s32 s4, $0xFFFFFFFF  }
.Ltmp9:
0xf9: {  	_ = 	snop;
	(pc) =	sbr.rel @p0 .LBB2_19-.Ltmp9, $1  }
0xfa: {  	_ =	sdelay $0x3  }
0xfb: {  	p0 =	slt.s32 s2, $0x1  }
.Ltmp10:
0xfc: {  	_ = 	snop;
	(pc) =	sbr.rel @p0 .LBB2_17-.Ltmp10, $1  }
0xfd: {  	_ =	sdelay $0x3  }
0xfe: {  	s0 =	simm.s32 $0xC0;
	p0 =	por $0x0, $0x0  }
0xff: {  	v1 =	vld.msk @!p0 [tilespmem:s0+$0x0], $0x1;
	_ =	sdelay $0x4  }
0x100: {  	(v2sf) =	vpush @!p0 v1, $0x0;
	_ =	sdelay $0xd  }
0x101: {  	p2 =	sne.s32 s2, $0x1  }
.Ltmp11:
0x102: {  	s5 =	spop @!p0 (v2sf);
	(pc) =	sbr.rel @!p2 .LBB2_16-.Ltmp11, $4  }
0x103: {  	p1 =	seq.s32 @!p0 s4, s5  }
0x104: {  	s5 =	simm.s32 $0x0;
	p1 =	por !p1, p0  }
0x105: {  	s7 =	simm.s32 $0xFFFFFFFF;
	s5 =	simm.s32 @p1 $0xFFFFFFFF  }
0x106: {  	s6 =	simm.s32 $0x1;
	s5 =	smov.u32 @p0 s7  }
.LBB2_15:
0x107: {  	s7 =	smov.u32 s5;
	p0 =	sne.s32 s5, $0xFFFFFFFF  }
0x108: {  	s0 =	sadd.s32 $0x1, s0;
	s5 =	smov.u32 s6;
	s6 =	sadd.s32 $0x1, s6  }
0x109: {  	p1 =	sne.s32 s2, s6;
	v1 =	vld.msk @!p0 [tilespmem:s0+$0x0], $0x1;
	_ =	sdelay $0x4  }
0x10a: {  	(v2sf) =	vpush @!p0 v1, $0x0;
	_ =	sdelay $0xe  }
.Ltmp12:
0x10b: {  	s8 =	spop @!p0 (v2sf);
	(pc) =	sbr.rel @p1 .LBB2_15-.Ltmp12, $4  }
0x10c: {  	p2 =	seq.s32 @!p0 s4, s8  }
0x10d: {  	p2 =	por !p2, p0  }
0x10e: {  	s5 =	simm.s32 @p2 $0xFFFFFFFF  }
0x10f: {  	s5 =	smov.u32 @p0 s7  }
.LBB2_16:
0x110: {  	p0 =	sne.s32 s5, $0xFFFFFFFF  }
.Ltmp13:
0x111: {  	_ = 	snop;
	(pc) =	sbr.rel @!p0 .LBB2_17-.Ltmp13, $1  }
0x112: {  	_ =	sdelay $0x3  }
0x113: {  	v0 =	vld.msk [tilespmem:s3+$0xE0], $0x1  }
0x114: {  	v1 =	vld.msk [tilespmem:s5+$0xE0], $0x1;
	_ =	sdelay $0x1  }
.Ltmp14:
0x115: {  	_ = 	snop;
	(pc) =	sbr.rel .LBB2_19-.Ltmp14, $3  }
0x116: {  	_ =	sdelay $0x1  }
0x117: {  	v0 =	vmax.f32 v1, v0  }
0x118: {  	[tilespmem:s5+$0xE0] =	vst.msk $0x1, v0  }
.LBB2_20:
0x119: {  	p0 =	slt.s32 s2, $0x1  }
.Ltmp15:
0x11a: {  	_ = 	snop;
	(pc) =	sbr.rel @p0 .LBB2_24-.Ltmp15, $3  }
0x11b: {  	_ =	sdelay $0x1  }
0x11c: {  	s0 =	simm.s32 $0x6  }
0x11d: {  	s3 =	simm.s32 $0x0;
	[sflag:s0] =	ssyncpa.u1 $0x1  }
0x11e: {  	s0 =	simm.s32 $0xC0  }
0x11f: {  	v0 =	vld.msk [tilespmem:s0+$0x0], $0x1;
	_ =	sdelay $0x4  }
0x120: {  	(v2sf) =	vpush v0, $0x0;
	_ =	sdelay $0xe  }
0x121: {  	s2 =	sadd.s32 $0xFFFFFFFF, s2;
	s4 =	spop (v2sf)  }
0x122: {  	p1 =	sne.s32 s2, $0x0;
	p0 =	sgt.u32 s4, $0x7F  }
.Ltmp16:
0x123: {  	s5 =	sshrl.u32 @!p0 s4, $0x3;
	(pc) =	sbr.rel @!p1 .LBB2_23-.Ltmp16, $4  }
0x124: {  	s0 =	simm.s32 $0xE0;
	s4 =	sand.u32 @!p0 $0x7, s4;
	s5 =	sadd.s32 @!p0 s1, s5  }
0x125: {  	[hbm4b:s5+s4] =	stream.linear.scatter @!p0 [tilespmem:s0], [sflag:$0x5], $0x1, $0x38;
	[tilespmem:$0x8DC0] =	vst v63  }
0x126: {  	s5 =	simm.s32 $0x0  }
0x127: {  	s4 =	simm.s32 $0xC1;
	s5 =	simm.s32 @!p0 $0x4  }
.LBB2_22:
0x128: {  	v0 =	vld.msk [tilespmem:s4+$0x0], $0x1;
	s2 =	sadd.s32 $0xFFFFFFFF, s2;
	s3 =	sadd.s32 s3, s5  }
0x129: {  	p0 =	sne.s32 s2, $0x0;
	_ =	sdelay $0x3  }
0x12a: {  	(v2sf) =	vpush v0, $0x0;
	_ =	sdelay $0xe  }
.Ltmp17:
0x12b: {  	s6 =	spop (v2sf);
	(pc) =	sbr.rel @p0 .LBB2_22-.Ltmp17, $4  }
0x12c: {  	s5 =	simm.s32 $0x0;
	p1 =	sgt.u32 s6, $0x7F  }
0x12d: {  	s0 =	sadd.s32 $0x1, s0;
	s5 =	simm.s32 @!p1 $0x4;
	s7 =	sshrl.u32 @!p1 s6, $0x3  }
0x12e: {  	s4 =	sadd.s32 $0x1, s4;
	s6 =	sand.u32 @!p1 $0x7, s6;
	s7 =	sadd.s32 @!p1 s1, s7  }
0x12f: {  	[hbm4b:s7+s6] =	stream.linear.scatter @!p1 [tilespmem:s0], [sflag:$0x5], $0x1, $0x38;
	[tilespmem:$0x8DC0] =	vst v63  }
.LBB2_23:
0x130: {  	s0 =	sadd.s32 s3, s5  }
0x131: {  	s3 =	sshrl.u32 s0, $0x2  }
.LBB2_24:
0x132: {  	s0 =	simm.s32 $0x5  }
0x133: {  	_ =	swait.ge [sflag:s0], s3  }
0x134: {  	s1 =	ssub.s32 $0x0, s3;
	[sflag:s0] =	ssyncset.done $0x0  }
0x135: {  	[sflag:s0] =	ssyncadd.s32 s1  }
0x136: {  	[sflag:s0] =	ssyncpa.u1 $0x1  }
0x137: {  	s29 =	simm.s32 $0x1;
	_ =	sfence  }
0x138: {  	s30 =	simm.s32 $0x2;
	[sflag:s29] =	ssyncpa.u1 $0x1  }
0x139: {  	[sflag:s30] =	ssyncpa.u1 $0x1  }
0x13a: {  	_ =	strace $0x9000006E  }
0x13b: {  	[bflag:$0x2] =	sbarrier.arrive $0xFFFF  }
0x13c: {  	s31 =	rddreg [dreg:$0x1]  }
0x13d: {  	s0 =	sadd.s32 $0x100000, s31  }
0x13e: {  	[sflag:s0] =	ssyncadd.tile.s32 $0x1;
	_ =	shalt  }
.Lfunc_end2:
_tile_overlayer_lowered:
.L_overlay_start_2:
0x13f: {  	(tag) =	ssettag $0x2  }
0x140: {  	s0 =	rddreg [dreg:$0x0];
	s2 =	stileid.u32  }
0x141: {  	s1 =	rddreg [dreg:$0x1];
	p0 =	sne.s32 s2, $0x0  }
0x142: {  	s3 =	rddreg [dreg:$0x2];
	[bflag:$0x3] =	sbarrier.arrive $0xFFFF;
	s2 =	simm.s32 @!p0 $0x1C01  }
0x143: {  	[timem:s3], [sflag:s2] =	dma.local @!p0 [hbm:s0], s1  }
0x144: {  	s0 =	simm.s32 @!p0 $0x1  }
0x145: {  	_ =	swait.ge @!p0 [sflag:s0], s1  }
0x146: {  	s1 =	ssub.s32 @!p0 $0x0, s1;
	[sflag:s0] =	ssyncset.done @!p0 $0x0  }
0x147: {  	[sflag:s0] =	ssyncadd.s32 @!p0 s1  }
0x148: {  	[bflag:$0x3] =	sbarrier.arrive $0xFFFF  }
0x149: {  	_ =	shalt  }

// kernel: scatter_offload_async_start.3
scs
__scs_entry_jumppad:
0x0: {  	(pc) =	sbr.rel $0x88, $3  }
0x1: {  	(tag) =	ssettag $0x0;
	lr =	simm.s32 $0x1  }
0x2: {  	[smem:$0x3F99] =	sst lr;
	_ =	strace $0xD0000000  }
0x3: {  	_ = 	snop  }
0x4: {  	_ = 	snop  }
0x5: {  	_ = 	snop  }
0x6: {  	_ = 	snop  }
0x7: {  	_ = 	snop  }
__scs_overlays_trampoline_lowered:
0x8: {  	[smem:$0x3FA8] =	sst s0  }
0x9: {  	[smem:$0x3FA9] =	sst s1  }
0xa: {  	[smem:$0x3FAA] =	sst s2  }
0xb: {  	[smem:$0x3FAB] =	sst s3  }
0xc: {  	[smem:$0x3FAC] =	sst s4  }
0xd: {  	[smem:$0x3FAD] =	sst s5  }
0xe: {  	[smem:$0x3FAE] =	sst s6  }
0xf: {  	[smem:$0x3FAF] =	sst s7  }
0x10: {  	[smem:$0x3FB0] =	sst s8  }
0x11: {  	[smem:$0x3FB1] =	sst s9;
	s0 =	simm.s32 @!p0 $0x0  }
0x12: {  	s1 =	sld [smem:$0x3F97];
	s0 =	simm.s32 @p0 $0x1  }
0x13: {  	[smem:$0x3FB2] =	sst s0;
	s0 =	simm.s32 @!p1 $0x0  }
0x14: {  	s2 =	sld [smem:$0x3F96];
	s0 =	simm.s32 @p1 $0x1  }
0x15: {  	[smem:$0x3FB3] =	sst s0;
	s0 =	simm.s32 @!p2 $0x0  }
0x16: {  	s3 =	sld [smem:$0x3FDB];
	s0 =	simm.s32 @p2 $0x1  }
0x17: {  	s4 =	simm.s32 $0x1BF5;
	[smem:$0x3FB5] =	sst s0  }
0x18: {  	s0 =	sld [smem:$0x3F98];
	_ =	swait.ge [sflag:s4], $0x0  }
0x19: {  	s7 =	sld [smem:$0x3F99]  }
0x1a: {  	s8 =	sadd.s32 $0xFFFFE003, lr  }
0x1b: {  	s9 =	sadd.s32 $0xFFFFFEF7, lr;
	s5 =	simm.s32 $0xFFFFFFFF;
	p2 =	slt.u32 s8, $0xFFFFF086  }
0x1c: {  	p1 =	slt.u32 s9, $0xF7A;
	s5 =	simm.s32 @!p2 $0x0  }
0x1d: {  	s5 =	simm.s32 @p1 $0x1;
	p0 =	seq.s32 s7, s2  }
0x1e: {  	s7 =	smul.u32 @!p0 $0xF7A, s2;
	p2 =	seq.s32 @!p0 s5, $0x0  }
0x1f: {  	s9 =	smul.u32 $0xF7A, s1;
	s8 =	simm.s32 @!p0 $0x1BF5;
	p2 =	por !p2, p0  }
0x20: {  	[sflag:s8] =	ssyncset.s32 @!p0 $0xFFFFF086;
	s6 =	sadd.s32 @!p0 s3, s7;
	s7 =	simm.s32 @!p0 $0x108  }
0x21: {  	s3 =	sadd.s32 s3, s9;
	s6 =	sadd.s32 @!p0 $0x88, s6;
	s7 =	simm.s32 @p2 $0x1082  }
0x22: {  	[simem:s7], [sflag:s8] =	dma.local @!p0 [hbm:s6], $0xF7A  }
0x23: {  	s9 =	sor.u32 $0xD0000000, s2;
	s6 =	simm.s32 $0x108;
	_ =	swait.ge @!p0 [sflag:s8], $0x0  }
0x24: {  	s3 =	sadd.s32 $0x88, s3;
	s6 =	simm.s32 @!p1 $0x1082;
	[sflag:s4] =	ssyncset.s32 $0xFFFFF086  }
0x25: {  	[simem:s6], [sflag:s4] =	dma.local [hbm:s3], $0xF7A  }
0x26: {  	[smem:$0x3F99] =	sst s1;
	(tag) =	ssettag s2;
	_ =	strace s9  }
0x27: {  	s1 =	sld [smem:$0x3FA9]  }
0x28: {  	s2 =	sld [smem:$0x3FAA]  }
0x29: {  	s4 =	sld [smem:$0x3FAC]  }
0x2a: {  	p0 =	seq.s32 s5, $0x0;
	s5 =	sld [smem:$0x3FAD]  }
0x2b: {  	s6 =	sld [smem:$0x3FAE]  }
0x2c: {  	s7 =	sld [smem:$0x3FAF]  }
0x2d: {  	s3 =	simm.s32 $0x108;
	s8 =	sld [smem:$0x3FB0]  }
0x2e: {  	s3 =	simm.s32 @!p0 $0x1082;
	s9 =	sld [smem:$0x3FB1]  }
0x2f: {  	lr =	sadd.s32 s0, s3;
	s0 =	sld [smem:$0x3FA8]  }
0x30: {  	s3 =	sld [smem:$0x3FAB]  }
0x31: {  	[smem:$0x3FB4] =	sst s10  }
0x32: {  	s10 =	sld [smem:$0x3FB2];
	_ =	sdelay $0x3  }
0x33: {  	p0 =	seq.s32 s10, $0x1;
	s10 =	sld [smem:$0x3FB4];
	_ =	sdelay $0x3  }
0x34: {  	[smem:$0x3FB4] =	sst s10  }
0x35: {  	s10 =	sld [smem:$0x3FB3];
	_ =	sdelay $0x3  }
0x36: {  	p1 =	seq.s32 s10, $0x1;
	s10 =	sld [smem:$0x3FB4];
	_ =	sdelay $0x3  }
0x37: {  	[smem:$0x3FB4] =	sst s10  }
0x38: {  	s10 =	sld [smem:$0x3FB5]  }
0x39: {  	_ = 	snop;
	(pc) =	sbr.ind lr, $3  }
0x3a: {  	_ = 	snop  }
0x3b: {  	_ = 	snop  }
0x3c: {  	p2 =	seq.s32 s10, $0x1;
	s10 =	sld [smem:$0x3FB4]  }
0x3d: {  	_ =	shalt  }
0x3e: {  	_ =	shalt  }
0x3f: {  	_ =	shalt  }
0x40: {  	_ =	shalt  }
0x41: {  	_ =	shalt  }
0x42: {  	_ =	shalt  }
0x43: {  	_ =	shalt  }
0x44: {  	_ =	shalt  }
0x45: {  	_ =	shalt  }
0x46: {  	_ =	shalt  }
0x47: {  	_ =	shalt  }
0x48: {  	_ =	shalt  }
0x49: {  	_ =	shalt  }
0x4a: {  	_ =	shalt  }
0x4b: {  	_ =	shalt  }
0x4c: {  	_ =	shalt  }
0x4d: {  	_ =	shalt  }
0x4e: {  	_ =	shalt  }
0x4f: {  	_ =	shalt  }
0x50: {  	_ =	shalt  }
0x51: {  	_ =	shalt  }
0x52: {  	_ =	shalt  }
0x53: {  	_ =	shalt  }
0x54: {  	_ =	shalt  }
0x55: {  	_ =	shalt  }
0x56: {  	_ =	shalt  }
0x57: {  	_ =	shalt  }
0x58: {  	_ =	shalt  }
0x59: {  	_ =	shalt  }
0x5a: {  	_ =	shalt  }
0x5b: {  	_ =	shalt  }
0x5c: {  	_ =	shalt  }
0x5d: {  	_ =	shalt  }
0x5e: {  	_ =	shalt  }
0x5f: {  	_ =	shalt  }
0x60: {  	_ =	shalt  }
0x61: {  	_ =	shalt  }
0x62: {  	_ =	shalt  }
0x63: {  	_ =	shalt  }
0x64: {  	_ =	shalt  }
0x65: {  	_ =	shalt  }
0x66: {  	_ =	shalt  }
0x67: {  	_ =	shalt  }
0x68: {  	_ =	shalt  }
0x69: {  	_ =	shalt  }
0x6a: {  	_ =	shalt  }
0x6b: {  	_ =	shalt  }
0x6c: {  	_ =	shalt  }
0x6d: {  	_ =	shalt  }
0x6e: {  	_ =	shalt  }
0x6f: {  	_ =	shalt  }
0x70: {  	_ =	shalt  }
0x71: {  	_ =	shalt  }
0x72: {  	_ =	shalt  }
0x73: {  	_ =	shalt  }
0x74: {  	_ =	shalt  }
0x75: {  	_ =	shalt  }
0x76: {  	_ =	shalt  }
0x77: {  	_ =	shalt  }
0x78: {  	_ =	shalt  }
0x79: {  	_ =	shalt  }
0x7a: {  	_ =	shalt  }
0x7b: {  	_ =	shalt  }
0x7c: {  	_ =	shalt  }
0x7d: {  	_ =	shalt  }
0x7e: {  	_ =	shalt  }
0x7f: {  	_ =	shalt  }
0x80: {  	_ =	shalt  }
0x81: {  	_ =	shalt  }
0x82: {  	_ =	shalt  }
0x83: {  	_ =	shalt  }
0x84: {  	_ =	shalt  }
0x85: {  	_ =	shalt  }
0x86: {  	_ =	shalt  }
0x87: {  	_ =	shalt  }
.Lfunc_end0:
.L_simem_size_0:
called_computation.3_lowered:
.L_overlay_start_0:
0x88: {  	s0 =	sld [smem:$0x3FD9]  }
0x89: {  	s1 =	sld [smem:$0x3FFE];
	_ =	sdelay $0x3  }
0x8a: {  	s0 =	sadd.s32 s1, s0  }
0x8b: {  	[smem:$0x3FC0] =	sst s0  }
0x8c: {  	_ = 	snop  }
0x8d: {  	s0 =	sld [smem:$0x3FD0];
	_ =	sdelay $0x2  }
0x8e: {  	s13 =	simm.s32 $0xF;
	s2 =	simm.s32 $0x10  }
0x8f: {  	[smem:s2], [sflag:s13] =	dma.local [hbm:s0], $0x1  }
0x90: {  	_ =	swait.eq [sflag:s13], $0x1  }
0x91: {  	[sflag:s13] =	ssyncset.done $0x0  }
0x92: {  	[sflag:s13] =	ssyncadd.s32 $0xFFFFFFFF  }
0x93: {  	s14 =	sld [smem:$0x10];
	(tm) =	ssettm $0x1  }
0x94: {  	s15 =	sld [smem:$0x3FFB];
	_ =	sdelay $0x3  }
0x95: {  	_ =	strace s15  }
0x96: {  	s1 =	sld [smem:$0x3FFC];
	_ =	sdelay $0x3  }
0x97: {  	_ =	strace s1  }
0x98: {  	s1 =	sld [smem:$0x3FFD];
	_ =	sdelay $0x3  }
0x99: {  	_ =	strace s1  }
0x9a: {  	_ =	strace $0x8FFFFFFF  }
0x9b: {  	s16 =	sld [smem:$0x3FDB];
	_ =	sdelay $0x1  }
0x9c: {  	s17 =	simm.s32 $_scs_section_size  }
0x9d: {  	s3 =	simm.s32 $_size__tile_overlayer_lowered;
	s4 =	simm.s32 $_tile_overlayer_lowered  }
0x9e: {  	s20 =	simm.s32 $0x1BFF;
	s19 =	sshll.u32 s4, $0x1;
	s1 =	sadd.s32 s17, s16  }
0x9f: {  	s5 =	simm.s32 $0x0;
	s18 =	sshll.u32 s3, $0x1;
	s3 =	sadd.s32 s19, s1  }
0xa0: {  	[timem:s5], [sflag:s20] =	dma.local [hbm:s3], s18  }
0xa1: {  	_ =	swait.ge [sflag:s20], s18  }
0xa2: {  	s2 =	ssub.s32 $0x0, s18;
	[sflag:s20] =	ssyncset.done $0x0  }
0xa3: {  	[sflag:s20] =	ssyncadd.s32 s2;
	_ =	sdelay $0x1  }
0xa4: {  	s21 =	simm.s32 $0x1B8B  }
0xa5: {  	_ =	swait.ge [sflag:s21], $0x1  }
0xa6: {  	[sflag:s21] =	ssyncset.done $0x0  }
0xa7: {  	s23 =	simm.s32 $0x1B8E;
	s22 =	sld [smem:$0x3FFE];
	[sflag:s21] =	ssyncadd.s32 $0xFFFFFFFF  }
0xa8: {  	s24 =	simm.s32 $execute0_lowered;
	[smem:$0x3FD2] =	sst s23  }
0xa9: {  	s3 =	sshll.u32 s24, $0x1;
	_ =	strace $0x8000004C;
	[dreg:$0x1] =	wrdreg $0xFFFFFFFF  }
0xaa: {  	s25 =	simm.s32 $_size_execute0_lowered;
	s1 =	sadd.s32 s1, s3;
	[dreg:$0x0] =	wrdreg $0x0  }
0xab: {  	s3 =	sshll.u32 s25, $0x1;
	[dreg:$0x2] =	wrdreg s1  }
0xac: {  	[dreg:$0x3] =	wrdreg s3  }
0xad: {  	[dreg:$0x4] =	wrdreg $0xC0  }
0xae: {  	_ =	task [dreg:s5], $0x5FFFF  }
0xaf: {  	[dreg:$0x1] =	wrdreg $0xFFFFFFFF  }
0xb0: {  	[dreg:$0x0] =	wrdreg $0x60  }
0xb1: {  	[dreg:$0x2] =	wrdreg s22  }
0xb2: {  	[dreg:$0x3] =	wrdreg s14  }
0xb3: {  	[dreg:$0x4] =	wrdreg $0xB  }
0xb4: {  	_ =	task.clear_ibuf [dreg:s5], $0x5FFFF;
	_ =	strace $0x9000004C  }
0xb5: {  	s26 =	simm.s32 $0xB;
	_ =	strace $0x8000004E  }
0xb6: {  	_ =	swait.ge [sflag:s26], $0x1  }
0xb7: {  	[sflag:s26] =	ssyncadd.s32 $0xFFFFFFFF  }
0xb8: {  	_ =	strace $0x9000004E  }
0xb9: {  	_ =	sfence  }
0xba: {  	s28 =	sld [smem:$0x0];
	_ =	sdelay $0x1  }
0xbb: {  	s29 =	srdreg.scid  }
0xbc: {  	s30 =	sshll.u32 s29, $0xD;
	s31 =	sshrl.u32 s29, $0x2  }
0xbd: {  	s2 =	sand.u32 $0x4000, s30;
	s1 =	sand.u32 $0x1, s29;
	s0 =	sadd.s32 s31, s28  }
0xbe: {  	s1 =	sor.u32 s2, s1;
	s0 =	sshll.u32 s0, $0x11  }
0xbf: {  	s0 =	sor.u32 s0, s1  }
0xc0: {  	s0 =	sadd.s32 $0x8F2B, s0  }
0xc1: {  	[sflag:s0] =	ssyncadd.remote.s32 $0x1  }
0xc2: {  	_ =	sfence.sel $0xFFFF  }
0xc3: {  	[dreg:$0x0] =	wrdreg $0xFFFFFFFF;
	(pc) =	sbr.abs _section_cstart, $3  }
0xc4: {  	[dreg:$0x1] =	wrdreg $0xFFFFFFFF  }
0xc5: {  	_ =	task.clear_ibuf [dreg:s5], $0x2FFFF;
	_ =	strace $0x9FFFFFFF  }
0xc6: {  	(tm) =	ssettm $0x7FFFFFFF  }
0xc7: {  	_ =	shalt  }
tec
execute0_lowered:
.L_overlay_start_1:
0x0: {  	(tag) =	ssettag $0x1  }
0x1: {  	s0 =	rddreg [dreg:$0x0]  }
0x2: {  	s2 =	rddreg [dreg:$0x1];
	_ =	strace $0x8000004D;
	s3 =	simm.s32 $0x1  }
0x3: {  	v1 =	vimm.s32 $0xFFFFFFFF;
	[sflag:s3] =	ssyncpa.u1 $0x0  }
0x4: {  	[tilespmem:$0x10] =	vst v1  }
0x5: {  	v0 =	vimm.f32 $-Inf;
	[tilespmem:$0x20] =	vst v1  }
0x6: {  	[tilespmem:$0x30] =	vst v0  }
0x7: {  	[tilespmem:$0x40] =	vst v0  }
0x8: {  	s4 =	simm.s32 $0x2;
	[tilespmem:$0x50] =	vst v0  }
0x9: {  	s30 =	stileid.u32;
	s5 =	simm.s32 $0x7;
	s7 =	simm.s32 $0x8;
	[tilespmem:$0x60] =	vst v1  }
0xa: {  	s31 =	simm.s32 $0x9;
	s14 =	simm.s32 $0x0;
	s15 =	simm.s32 $0xFF;
	[tilespmem:$0x70] =	vst v1  }
0xb: {  	p0 =	por $0x0, $0x0;
	s16 =	simm.s32 $0xFFFFC280;
	s17 =	simm.s32 $0xFFFFFFFE;
	[tilespmem:$0x80] =	vst v1  }
0xc: {  	s18 =	simm.s32 $0xF;
	s19 =	simm.s32 $0x30;
	s22 =	simm.s32 $0x0;
	v1 =	vimm.s32 $0x0;
	[tilespmem:$0xB0] =	vst v0  }
.Ltmp0:
0xd: {  	s20 =	simm.s32 $0x0;
	s1 =	sadd.s32 $0x64E00, s0;
	[tilespmem:$0x90] =	vst v1;
	(pc) =	sbr.rel .LBB2_1-.Ltmp0, $4  }
0xe: {  	s6 =	smul.u32 $0x30D40, s30;
	s8 =	sadd.s32 $0x1F2200, s0;
	[tilespmem:$0xA0] =	vst v1;
	[sflag:s4] =	ssyncpa.u1 $0x0  }
0xf: {  	s10 =	sshll.u32 s30, $0x1;
	s12 =	sshllo.u32 s30, $0x1;
	[sflag:s5] =	ssyncpa.u1 $0x0  }
0x10: {  	vm0 =	vmmov $0xffff;
	v2 =	vlaneseq.u32;
	vm1 =	vmxor vm1, vm1;
	s11 =	sor.u32 $0x81, s10;
	s13 =	sor.u32 $0x80, s10;
	[sflag:s7] =	ssyncpa.u1 $0x0  }
0x11: {  	vm2 =	vmmov $0x1;
	v3 =	vimm.f32 $0.0e+00;
	vm3 =	vcmask $0x3F3C;
	s9 =	sadd.s32 $0x30D40, s6;
	s21 =	smov.u32 s6;
	[sflag:s31] =	ssyncpa.u1 $0x0  }
.LBB2_10:
0x12: {  	p1 =	slt.u32 s20, $0x3  }
0x13: {  	s0 =	simm.s32 @!p1 $0x2  }
0x14: {  	_ =	swait.ge @!p1 [sflag:s0], $0x1F40  }
0x15: {  	[sflag:s0] =	ssyncset.done @!p1 $0x0  }
0x16: {  	[sflag:s0] =	ssyncadd.s32 @!p1 $0xFFFFE0C0;
	s0 =	simm.s32 @!p1 $0x9  }
0x17: {  	_ =	swait.ge @!p1 [sflag:s0], $0x10  }
0x18: {  	s4 =	sadd.s32 $0x1F40, s21;
	s20 =	sadd.s32 $0x1, s20;
	[sflag:s0] =	ssyncset.done @!p1 $0x0  }
0x19: {  	[sflag:s0] =	ssyncadd.s32 @!p1 $0xFFFFFFF0;
	p1 =	slt.s32 s4, s9;
	s0 =	smov.u32 s6  }
0x1a: {  	s0 =	smov.u32 @p1 s4;
	p1 =	sne.s32 s20, $0x1C  }
.Ltmp1:
0x1b: {  	_ = 	snop;
	(pc) =	sbr.rel @!p1 .LBB2_11-.Ltmp1, $3  }
0x1c: {  	_ =	sdelay $0x1  }
0x1d: {  	s15 =	sadd.s32 $0x1, s15;
	s22 =	smov.u32 s21;
	p0 =	por !p0, !p0  }
0x1e: {  	s16 =	sadd.s32 $0x1F40, s16;
	s17 =	sadd.s32 $0x1, s17;
	s21 =	smov.u32 s0  }
.LBB2_1:
0x1f: {  	p1 =	sgt.u32 s20, $0x18  }
0x20: {  	s0 =	smul.u32 @!p1 $0xAB, s20;
	_ =	sdelay $0x1  }
0x21: {  	s0 =	sshrl.u32 @!p1 s0, $0x9  }
0x22: {  	s0 =	sand.u32 @!p1 $0x7F, s0  }
0x23: {  	s0 =	smul.u32 @!p1 $0x3, s0;
	_ =	sdelay $0x1  }
0x24: {  	s0 =	ssub.s32 @!p1 s20, s0  }
0x25: {  	s0 =	sand.u32 @!p1 $0xFF, s0  }
0x26: {  	s0 =	smul.u32 @!p1 $0x7D00, s0;
	_ =	sdelay $0x1  }
0x27: {  	s23 =	sshrl.u32 @!p1 s21, $0x3;
	s0 =	sshrl.u32 @!p1 s0, $0x2  }
0x28: {  	s24 =	sand.u32 @!p1 $0x7, s21;
	s23 =	sadd.s32 @!p1 s2, s23;
	s0 =	sadd.s32 @!p1 $0x100, s0  }
0x29: {  	[tilespmem:s0], [sflag:$0x7] =	stream.linear.gather @!p1 [hbm4b:s23+s24], $0x1F40, $0x38;
	[tilespmem:$0x11A60] =	vst v63  }
0x2a: {  	s0 =	sadd.s32 $0xFFFFFFFF, s20  }
0x2b: {  	p1 =	sgt.u32 s0, $0x18  }
.Ltmp2:
0x2c: {  	_ = 	snop;
	(pc) =	sbr.rel @p1 .LBB2_5-.Ltmp2, $1  }
0x2d: {  	_ =	sdelay $0x3  }
0x2e: {  	s23 =	smul.u32 $0xAB, s0;
	_ =	sdelay $0x1  }
0x2f: {  	s23 =	sshrl.u32 s23, $0x9  }
0x30: {  	s23 =	sand.u32 $0x7F, s23  }
0x31: {  	s23 =	smul.u32 $0x3, s23;
	_ =	sdelay $0x1  }
0x32: {  	s23 =	ssub.s32 s0, s23  }
0x33: {  	s23 =	sand.u32 $0xFF, s23  }
0x34: {  	s23 =	smul.u32 $0x7D00, s23  }
0x35: {  	_ =	swait.ge [sflag:s5], $0x1F40  }
0x36: {  	[sflag:s5] =	ssyncset.done $0x0;
	s23 =	sshrl.u32 s23, $0x2  }
0x37: {  	[sflag:s5] =	ssyncadd.s32 $0xFFFFE0C0;
	(ifvalue) =	ssetifvalue $0xFFFFFFFF;
	v4 =	vld.msk [tilespmem:s23+$0x100 ss:$0x1], $0xffff  }
0x38: {  	s29 =	sand.u32 $0xFF, s15  }
0x39: {  	s24 =	smulhi.u32 $0x55555556, s29  }
0x3a: {  	p1 =	sne.s32 s20, $0x1  }
0x3b: {  	v5 =	vimm.s32 @!p1 $0x0;
	s24 =	smul.u32 $0x17700, s24  }
0x3c: {  	s23 =	smul.u32 $0x7D00, s29;
	v5 =	vperm.xlane @!p1 v4, v5  }
0x3d: {  	s25 =	sshll.u32 s20, $0x4;
	vm4 =	vlt.u32 v4, $0x18800  }
0x3e: {  	s30 =	sand.u32 $0x10, s25;
	s23 =	ssub.s32 s23, s24;
	v4 =	vnsel vm4, $0xFFFFFFFE, v4;
	vm4 =	vlt.u32 @!p1 v5, $0x18800  }
0x3f: {  	s23 =	sshra.s32 s23, $0x2;
	[tilespmem:s30+$0x60] =	vst v4;
	v4 =	vnsel @!p1 vm4, $0xFFFFFFFE, v5  }
0x40: {  	s28 =	sadd.s32 $0x2030, s23;
	[tilespmem:$0x80] =	vst @!p1 v4  }
0x41: {  	v4 =	vld.msk [tilespmem:s28+$0x0 ss:$0x1], $0xffff;
	_ =	sdelay $0x4  }
0x42: {  	(xrf1) =	vunique.msk.u32 $0xffff, v4;
	_ =	sdelay $0xd  }
0x43: {  	v5 =	vimm.s32 $0xFFFFFFFF;
	v6, _, _ =	vpop (xrf1)  }
0x44: {  	vm5 =	vne.s32 v4, v5;
	vm4 =	veq.s32 v6, v2  }
0x45: {  	vm6 =	vlt.u32 v4, $0x18800;
	vm4 =	vmand vm5, vm4  }
0x46: {  	vm4 =	vmand vm6, vm4  }
0x47: {  	v5 =	vnsel vm4, $0xFFFFFFFF, v4  }
0x48: {  	s31 =	sand.u32 $0x1, s0  }
0x49: {  	s23 =	simm.s32 $0x1F40;
	p1 =	seq.s32 s31, $0x1  }
0x4a: {  	s23 =	simm.s32 @!p1 $0x0  }
0x4b: {  	s24 =	sadd.s32 $0x7DF0, s23;
	(ifvalue) =	ssetifvalue $0xFFFFFFFF  }
0x4c: {  	v4 =	vperm.xlane v4, v1;
	[tilespmem:s24], [sflag:$0x8] =	stream.indirect_vreg.gather [hbm4b:s1+s14], $0x1, v5, vm0, $0x4038;
	v5 =	vnsel vm6, $0xFFFFFFFE, v5;
	[tilespmem:$0x11A60] =	vst v63  }
0x4d: {  	s25 =	simm.s32 $0x0;
	s26 =	sadd.s32 $0xFFFFFFF0, s28;
	[tilespmem:s28+$0x0] =	vst v5  }
.LBB2_3:
0x4e: {  	v5 =	vld.msk [tilespmem:s26+$0x0 ss:$0x1], $0xffff;
	s25 =	sadd.s32 $0x10, s25;
	v6 =	vmov v4;
	s0 =	smov.u32 s26  }
0x4f: {  	p1 =	slt.u32 s25, $0x1F30;
	_ =	sdelay $0x4  }
0x50: {  	v4 =	vperm.xlane v5, v1;
	(xrf1) =	vunique.msk.u32 $0xffff, v5;
	_ =	sdelay $0xd  }
0x51: {  	v7, _, _ =	vpop (xrf1)  }
0x52: {  	vm5 =	vne.s32 v5, v6;
	vm4 =	veq.s32 v7, v2  }
0x53: {  	vm6 =	vlt.u32 v5, $0x18800;
	vm4 =	vmand vm5, vm4  }
0x54: {  	vm4 =	vmand vm6, vm4  }
0x55: {  	v5 =	vnsel vm4, $0xFFFFFFFF, v5  }
.Ltmp3:
0x56: {  	v6 =	vnsel vm6, $0xFFFFFFFE, v5;
	(pc) =	sbr.rel @p1 .LBB2_3-.Ltmp3, $3  }
0x57: {  	_ =	sdelay $0x1  }
0x58: {  	s26 =	sadd.s32 $0xFFFFFFF0, s26;
	s24 =	sadd.s32 $0xFFFFFFF0, s24;
	(ifvalue) =	ssetifvalue $0xFFFFFFFF  }
0x59: {  	[tilespmem:s24], [sflag:$0x8] =	stream.indirect_vreg.gather [hbm4b:s1+s14], $0x1, v5, vm0, $0x4038;
	[tilespmem:s0+$0x0] =	vst v6  }
0x5a: {  	s0 =	sshrl.u32 s22, $0x3  }
0x5b: {  	s31 =	sadd.s32 $0x9D40, s23;
	s0 =	sadd.s32 s8, s0  }
0x5c: {  	[tilespmem:s31], [sflag:$0x8] =	stream.linear.gather [hbm:s0], $0x1F40, $0x38;
	[tilespmem:$0x11A60] =	vst v63  }
.LBB2_5:
0x5d: {  	p1 =	sgt.u32 s20, $0x1B  }
.Ltmp4:
0x5e: {  	_ = 	snop;
	(pc) =	sbr.rel @p1 .LBB2_7-.Ltmp4, $1  }
0x5f: {  	_ =	sdelay $0x3  }
0x60: {  	s0 =	sshll.u32 s3, s20  }
0x61: {  	s0 =	sand.u32 $0x8000003, s0  }
0x62: {  	p1 =	sne.s32 s0, $0x0  }
.Ltmp5:
0x63: {  	_ = 	snop;
	(pc) =	sbr.rel @p1 .LBB2_10-.Ltmp5, $1  }
0x64: {  	_ =	sdelay $0x3  }
.LBB2_7:
0x65: {  	s0 =	sadd.s32 $0xFFFFFFFE, s20  }
0x66: {  	s22 =	smulhi.u32 $0xAAAAAAAB, s0;
	_ =	sdelay $0x1  }
0x67: {  	s22 =	sshrl.u32 s22, $0x1  }
0x68: {  	s22 =	smul.u32 $0x3, s22;
	_ =	sdelay $0x1  }
0x69: {  	s0 =	ssub.s32 s0, s22  }
0x6a: {  	_ =	swait.ge [sflag:s7], $0x3E80;
	s0 =	smul.u32 $0x1F40, s0  }
0x6b: {  	p1 =	sne.s32 s20, $0x1A;
	[sflag:s7] =	ssyncset.done $0x0  }
0x6c: {  	[sflag:s7] =	ssyncadd.s32 $0xFFFFC180;
	s22 =	sadd.s32 @!p1 $0x203F, s0  }
0x6d: {  	[spmem:s11] =	stream.linear.scatter @!p1 [tilespmem:s22], [sflag:$0x1], $0x1, $0x38;
	[tilespmem:$0x11A60] =	vst v63  }
0x6e: {  	s22 =	simm.s32 @!p1 $0x1  }
0x6f: {  	_ =	swait.ge @!p1 [sflag:s22], $0x1  }
0x70: {  	s23 =	sshll.u32 s20, $0x4;
	[sflag:s22] =	ssyncset.done @!p1 $0x0  }
0x71: {  	[sflag:s22] =	ssyncadd.s32 @!p1 $0xFFFFFFFF;
	s22 =	sand.u32 $0x10, s23  }
0x72: {  	v5 =	vld [tilespmem:s22+$0x10];
	s26 =	sxor.u32 $0x10, s22  }
0x73: {  	v6 =	vld [tilespmem:s26+$0x60]  }
0x74: {  	v4 =	vld [tilespmem:$0x80];
	_ =	sdelay $0x2  }
0x75: {  	(v2sf) =	vpush v5, $0x0  }
0x76: {  	(v2sf) =	vpush v6, $0x0  }
0x77: {  	(v2sf) =	vpush v4, $0x0;
	_ =	sdelay $0xc  }
0x78: {  	s4 =	spop (v2sf)  }
0x79: {  	s25 =	spop (v2sf)  }
0x7a: {  	s24 =	spop (v2sf)  }
0x7b: {  	p2 =	seq.s32 s4, s25;
	p3 =	seq.s32 s24, s4  }
0x7c: {  	p3 =	por p2, p3  }
0x7d: {  	s4 =	sand.u32 $0x1, s20;
	v5 =	vpsel p3, $0xFFFFFFFF, v5  }
0x7e: {  	s25 =	smul.u32 $0x1F40, s4;
	[tilespmem:s22+$0x10] =	vst.msk $0x1, v5  }
0x7f: {  	v5 =	vld [tilespmem:$0x30]  }
0x80: {  	v6 =	vld [tilespmem:s25+$0x9D40]  }
0x81: {  	v7 =	vld [tilespmem:s22+$0x40];
	_ =	sdelay $0x2  }
0x82: {  	vm4 =	vmmov vm1  }
0x83: {  	vm5 =	vmmov vm2;
	vm4 =	vmmov @p2 vm2;
	s23 =	sshll.u32 s4, $0x4;
	v6 =	vmax.f32 v5, v6  }
0x84: {  	vm5 =	vmmov @p3 vm1;
	s23 =	sor.u32 $0x11A40, s23;
	v5 =	vmax.f32 v5, v7;
	[tilespmem:s25+$0x9D40] =	vst.msk vm4, v6  }
0x85: {  	[tilespmem:s23+$0x0] =	vst.msk vm5, v5  }
0x86: {  	v5 =	vld [tilespmem:s25+$0x7DF0];
	_ =	sdelay $0x4  }
0x87: {  	v5 =	vshift.insert v5, v3, s18  }
0x88: {  	s28 =	sor.u32 $0x40, s26  }
0x89: {  	v6 =	vimm.f32 $-Inf;
	[tilespmem:s28+$0x0] =	vst.msk $0x1, v5  }
0x8a: {  	[tilespmem:s25+$0x7DFF] =	vst.msk $0x1, v6  }
0x8b: {  	v5 =	vld [tilespmem:s0+$0x2030]  }
0x8c: {  	s4 =	smulhi.u32 $0xAAAAAAAB, s17;
	_ =	sdelay $0x1  }
0x8d: {  	s28 =	simm.s32 $0x1;
	s0 =	sshrl.u32 s4, $0x1  }
0x8e: {  	s28 =	simm.s32 @!p0 $0x0;
	s0 =	smul.u32 $0xFFFE8900, s0  }
0x8f: {  	s28 =	smul.u32 $0x7D00, s28;
	v5 =	vshift.insert v5, v1, s18  }
0x90: {  	s0 =	sshra.s32 s0, $0x2  }
0x91: {  	s28 =	sshrl.u32 s28, $0x2;
	s0 =	sadd.s32 s0, s16;
	[tilespmem:s26+$0x10] =	vst.msk $0x1, v5  }
0x92: {  	s29 =	sadd.s32 $0x9D40, s28;
	v7 =	vld [tilespmem:s0+$0x0]  }
0x93: {  	v8 =	vld [tilespmem:s29+$0x0];
	_ =	sdelay $0x4  }
0x94: {  	vm4 =	vne.s32 v7, $0xFFFFFFFF;
	v6 =	vmax.f32 v8, v6  }
0x95: {  	(xrf0) =	vmax.seg.scan.f32 vm4, v6  }
0x96: {  	s4 =	sadd.s32 $0x5EC0, s28;
	v8 =	vld [tilespmem:$0xA0]  }
0x97: {  	v9 =	vld [tilespmem:s4+$0x0];
	_ =	sdelay $0x1  }
0x98: {  	v6 =	vperm.xlane v5, v1;
	_ =	sdelay $0x1  }
0x99: {  	vm6 =	veq.s32 v7, v4;
	vm7 =	veq.s32 v7, v6;
	vm5 =	veq.s32 v8, $0x1;
	v8, _, _ =	vpop (xrf0)  }
0x9a: {  	vm8 =	vgt.u32 v7, $0xFFFFFFFD;
	vm7 =	vmor vm7, vm6;
	v9 =	vmax.f32 v8, v9  }
0x9b: {  	s26 =	sadd.s32 $0xDBC0, s28;
	v10 =	vld [tilespmem:$0x90];
	vm7 =	vmor vm7, vm8;
	v9 =	vsel vm6, v8, v9  }
0x9c: {  	[tilespmem:s26+$0x0] =	vst v9;
	v9 =	vsel vm7, $0xFFFFFFFF, v7;
	_ =	sdelay $0x1  }
0x9d: {  	vm9 =	vmand vm4, vm3  }
0x9e: {  	s30 =	sadd.s32 $0x10, s0;
	s28 =	simm.s32 $0x0;
	s29 =	sadd.s32 $0x10, s29;
	v11 =	vsel vm9, $0xFF800000, v8  }
0x9f: {  	s31 =	sadd.s32 $0x10, s26;
	s0 =	sadd.s32 $0x10, s4;
	vm4 =	vmor vm5, vm6;
	v7 =	vsel vm6, v8, v10;
	v8 =	vshift.insert v11, v0, s18;
	(ifvalue) =	ssetifvalue $0xFFFFFFFF  }
.LBB2_8:
0xa0: {  	[hbm4b:s1+s14] =	stream.indirect_vreg.scatter [tilespmem:s26], [sflag:$0x2], $0x1, v9, vm0, $0x4038;
	[tilespmem:$0x11A60] =	vst v63  }
0xa1: {  	s28 =	sadd.s32 $0x10, s28;
	s26 =	smov.u32 s31;
	v9 =	vld [tilespmem:s30+$0x0]  }
0xa2: {  	p2 =	slt.u32 s28, $0x1F30;
	v10 =	vld [tilespmem:s29+$0x0];
	_ =	sdelay $0x4  }
0xa3: {  	vm5 =	vne.s32 v9, $0xFFFFFFFF;
	v8 =	vmax.f32 v10, v8  }
0xa4: {  	(xrf0) =	vmax.seg.scan.f32 vm5, v8;
	_ =	sdelay $0x1  }
0xa5: {  	v8 =	vld [tilespmem:s0+$0x0]  }
0xa6: {  	vm6 =	veq.s32 v9, v4;
	vm7 =	veq.s32 v9, v6  }
0xa7: {  	vm8 =	vgt.u32 v9, $0xFFFFFFFD;
	vm4 =	vmor vm4, vm6;
	vm7 =	vmor vm7, vm6  }
0xa8: {  	vm7 =	vmor vm7, vm8  }
.Ltmp6:
0xa9: {  	vm5 =	vmand vm5, vm3;
	v9 =	vsel vm7, $0xFFFFFFFF, v9;
	v10, _, _ =	vpop (xrf0);
	(pc) =	sbr.rel @p2 .LBB2_8-.Ltmp6, $4  }
0xaa: {  	v7 =	vsel vm6, v10, v7;
	v8 =	vmax.f32 v10, v8;
	v11 =	vsel vm5, $0xFF800000, v10  }
0xab: {  	v10 =	vsel vm6, v10, v8;
	v8 =	vshift.insert v11, v0, s18  }
0xac: {  	s30 =	sadd.s32 $0x10, s30;
	s29 =	sadd.s32 $0x10, s29;
	[tilespmem:s31+$0x0] =	vst v10  }
0xad: {  	s0 =	sadd.s32 $0x10, s0;
	s31 =	sadd.s32 $0x10, s31;
	(ifvalue) =	ssetifvalue $0xFFFFFFFF  }
0xae: {  	_ =	sdelay $0x3  }
0xaf: {  	[hbm4b:s1+s14] =	stream.indirect_vreg.scatter [tilespmem:s26], [sflag:$0x2], $0x1, v9, vm0, $0x4038;
	[tilespmem:$0x11A60] =	vst v63  }
0xb0: {  	v4 =	vld [tilespmem:s25+$0xFAF0];
	_ =	sdelay $0x4  }
0xb1: {  	v4 =	vshift.insert v4, v3, s18;
	_ =	sdelay $0x1  }
0xb2: {  	[tilespmem:s19+$0x0] =	vst.msk $0x1, v4  }
0xb3: {  	v4 =	vsel vm4, $0x1, v1;
	[tilespmem:$0x90] =	vst v7  }
0xb4: {  	s0 =	sadd.s32 @!p1 $0xFAFF, s25;
	[tilespmem:$0xA0] =	vst v4  }
0xb5: {  	[spmem:s12] =	stream.linear.scatter @!p1 [tilespmem:s0], [sflag:$0x1], $0x1, $0x38;
	[tilespmem:$0x11A60] =	vst v63  }
0xb6: {  	s0 =	simm.s32 @!p1 $0x1  }
0xb7: {  	v4 =	vmctz.xlane @!p1 vm4;
	_ =	swait.ge @!p1 [sflag:s0], $0x1  }
0xb8: {  	(v2sf) =	vpush @!p1 v5, $0x0  }
0xb9: {  	(v2sf) =	vpush @!p1 v4, $0x0;
	_ =	sdelay $0xd  }
0xba: {  	s4 =	spop @!p1 (v2sf)  }
0xbb: {  	s25 =	spop @!p1 (v2sf)  }
0xbc: {  	p2 =	sne.s32 @!p1 s24, s4;
	p3 =	slt.s32 @!p1 s25, $0xF  }
0xbd: {  	[sflag:s0] =	ssyncset.done @!p1 $0x0;
	p2 =	por p2, p1;
	p3 =	por !p3, p1  }
0xbe: {  	[sflag:s0] =	ssyncadd.s32 @!p1 $0xFFFFFFFF;
	v4 =	vimm.s32 @!p2 $0xFFFFFFFF;
	s25 =	simm.s32 @p3 $0xF  }
0xbf: {  	[tilespmem:$0x80] =	vst @!p2 v4;
	s4 =	sadd.s32 @!p1 $0x90, s25  }
0xc0: {  	[spmem:s10] =	stream.linear.scatter @!p1 [tilespmem:s4], [sflag:$0x1], $0x1, $0x38;
	[tilespmem:$0x11A60] =	vst v63  }
0xc1: {  	_ =	swait.ge @!p1 [sflag:s0], $0x1  }
0xc2: {  	[sflag:s0] =	ssyncset.done @!p1 $0x0  }
0xc3: {  	s4 =	simm.s32 @!p1 $0x80;
	[sflag:s0] =	ssyncadd.s32 @!p1 $0xFFFFFFFF  }
0xc4: {  	[spmem:s13] =	stream.linear.scatter @!p1 [tilespmem:s4], [sflag:$0x1], $0x1, $0x38;
	[tilespmem:$0x11A60] =	vst v63  }
0xc5: {  	_ =	swait.ge @!p1 [sflag:s0], $0x1  }
0xc6: {  	[sflag:s0] =	ssyncset.done @!p1 $0x0  }
0xc7: {  	[sflag:s0] =	ssyncadd.s32 @!p1 $0xFFFFFFFF;
	(ifvalue) =	ssetifvalue $0xFFFFFFFF;
	v4 =	vld [tilespmem:s22+$0x10];
	_ =	sdelay $0x3  }
.Ltmp7:
0xc8: {  	_ = 	snop;
	(pc) =	sbr.rel .LBB2_10-.Ltmp7, $3  }
0xc9: {  	_ =	sdelay $0x1  }
0xca: {  	(ifvalue) =	ssetifvalue $0xFFFFFFFF  }
0xcb: {  	[hbm4b:s1+s14] =	stream.indirect_vreg.scatter [tilespmem:s23], [sflag:$0x9], $0x1, v4, vm0, $0x4038;
	[tilespmem:$0x11A60] =	vst v63  }
.LBB2_11:
0xcc: {  	_ =	sfence.sel $0x180000  }
0xcd: {  	s0 =	simm.s32 $0x7;
	[bflag:$0x0] =	sbarrier.arrive $0xFFFF  }
0xce: {  	s26 =	simm.s32 $0x8;
	[sflag:s0] =	ssyncpa.u1 $0x1  }
0xcf: {  	s28 =	simm.s32 $0x9;
	[sflag:s26] =	ssyncpa.u1 $0x1  }
0xd0: {  	[sflag:s28] =	ssyncpa.u1 $0x1  }
0xd1: {  	_ =	sfence.stream.spmem  }
0xd2: {  	s29 =	simm.s32 $0x3;
	[bflag:$0x0] =	sbarrier.arrive $0xFFFF  }
0xd3: {  	s30 =	simm.s32 $0x4;
	[sflag:s29] =	ssyncpa.u1 $0x1  }
0xd4: {  	s31 =	simm.s32 $0x3C;
	s2 =	stileid.u32;
	[sflag:s30] =	ssyncpa.u1 $0x1  }
0xd5: {  	p0 =	sne.s32 s2, $0x0;
	[sflag:s31] =	ssyncpa.u1 $0x1  }
0xd6: {  	s0 =	simm.s32 @p0 $0x1;
	_ =	sfence @p0  }
0xd7: {  	[sflag:s0] =	ssyncpa.u1 @p0 $0x1;
	s0 =	simm.s32 @p0 $0x2  }
0xd8: {  	[sflag:s0] =	ssyncpa.u1 @p0 $0x1  }
0xd9: {  	_ =	strace @p0 $0x9000004D  }
0xda: {  	[bflag:$0x2] =	sbarrier.arrive @p0 $0xFFFF  }
0xdb: {  	_ =	shalt @p0  }
.LBB2_12:
0xdc: {  	_ =	sfence.stream.spmem;
	s0 =	simm.s32 $0x5  }
0xdd: {  	s2 =	simm.s32 $0x80;
	s3 =	simm.s32 $0xC0;
	[sflag:s0] =	ssyncpa.u1 $0x0  }
0xde: {  	[tilespmem:s3], [sflag:$0x5] =	stream.linear.gather [spmem:s2], $0x20, $0x38;
	[tilespmem:$0x11A60] =	vst v63  }
0xdf: {  	s30 =	simm.s32 $0xE0;
	s2 =	simm.s32 $0x0  }
0xe0: {  	[tilespmem:s30], [sflag:$0x5] =	stream.linear.gather [spmem:s2], $0x20, $0x38;
	[tilespmem:$0x11A60] =	vst v63  }
.Ltmp8:
0xe1: {  	_ = 	snop;
	(pc) =	sbr.rel .LBB2_13-.Ltmp8, $4  }
0xe2: {  	_ =	swait.ge [sflag:s0], $0x40  }
0xe3: {  	[sflag:s0] =	ssyncset.done $0x0  }
0xe4: {  	s31 =	simm.s32 $0x6;
	[sflag:s0] =	ssyncadd.s32 $0xFFFFFFC0  }
0xe5: {  	s3 =	simm.s32 $0x0;
	[sflag:s31] =	ssyncpa.u1 $0x0  }
.LBB2_18:
0xe6: {  	p0 =	sgt.u32 s4, $0x187FF  }
0xe7: {  	s0 =	sshrl.u32 @!p0 s4, $0x3  }
0xe8: {  	s4 =	sand.u32 @!p0 $0x7, s4;
	s5 =	simm.s32 @!p0 $0xB0;
	s0 =	sadd.s32 @!p0 s1, s0  }
0xe9: {  	[tilespmem:s5], [sflag:$0x6] =	stream.linear.gather @!p0 [hbm4b:s0+s4], $0x1, $0x38;
	[tilespmem:$0x11A60] =	vst v63  }
0xea: {  	s0 =	simm.s32 @!p0 $0x6  }
0xeb: {  	_ =	swait.ge @!p0 [sflag:s0], $0x1  }
0xec: {  	[sflag:s0] =	ssyncset.done @!p0 $0x0  }
0xed: {  	[sflag:s0] =	ssyncadd.s32 @!p0 $0xFFFFFFFF  }
0xee: {  	v1 =	vld.msk @!p0 [tilespmem:$0xB0], $0x1  }
0xef: {  	v2 =	vld.msk @!p0 [tilespmem:s3+$0xE0], $0x1;
	_ =	sdelay $0x4  }
0xf0: {  	v1 =	vmax.f32 @!p0 v2, v1  }
0xf1: {  	[tilespmem:s3+$0xE0] =	vst.msk @!p0 $0x1, v1  }
0xf2: {  	[tilespmem:s2+$0xC0] =	vst.msk $0x1, v0  }
0xf3: {  	v0 =	vld.msk [tilespmem:s3+$0xE0], $0x1;
	_ =	sdelay $0x4  }
0xf4: {  	[tilespmem:s2+$0xE0] =	vst.msk $0x1, v0;
	s2 =	sadd.s32 $0x1, s2  }
.LBB2_20:
0xf5: {  	s3 =	sadd.s32 $0x1, s3  }
0xf6: {  	p0 =	sne.s32 s3, $0x20  }
.Ltmp9:
0xf7: {  	_ = 	snop;
	(pc) =	sbr.rel @!p0 .LBB2_21-.Ltmp9, $1  }
0xf8: {  	_ =	sdelay $0x3  }
.LBB2_13:
0xf9: {  	v0 =	vld.msk [tilespmem:s3+$0xC0], $0x1;
	_ =	sdelay $0x4  }
0xfa: {  	(v2sf) =	vpush v0, $0x0;
	_ =	sdelay $0xe  }
0xfb: {  	s4 =	spop (v2sf)  }
0xfc: {  	p0 =	seq.s32 s4, $0xFFFFFFFF  }
.Ltmp10:
0xfd: {  	_ = 	snop;
	(pc) =	sbr.rel @p0 .LBB2_20-.Ltmp10, $1  }
0xfe: {  	_ =	sdelay $0x3  }
0xff: {  	p0 =	slt.s32 s2, $0x1  }
.Ltmp11:
0x100: {  	_ = 	snop;
	(pc) =	sbr.rel @p0 .LBB2_18-.Ltmp11, $1  }
0x101: {  	_ =	sdelay $0x3  }
0x102: {  	s5 =	simm.s32 $0xC0;
	p0 =	por $0x0, $0x0  }
0x103: {  	v1 =	vld.msk @!p0 [tilespmem:s5+$0x0], $0x1;
	_ =	sdelay $0x4  }
0x104: {  	(v2sf) =	vpush @!p0 v1, $0x0;
	_ =	sdelay $0xd  }
0x105: {  	p2 =	sne.s32 s2, $0x1  }
.Ltmp12:
0x106: {  	s0 =	spop @!p0 (v2sf);
	(pc) =	sbr.rel @!p2 .LBB2_17-.Ltmp12, $4  }
0x107: {  	p1 =	seq.s32 @!p0 s4, s0  }
0x108: {  	s6 =	simm.s32 $0x0;
	p1 =	por !p1, p0  }
0x109: {  	s7 =	simm.s32 $0xFFFFFFFF;
	s6 =	simm.s32 @p1 $0xFFFFFFFF  }
0x10a: {  	s0 =	simm.s32 $0x1;
	s6 =	smov.u32 @p0 s7  }
.LBB2_16:
0x10b: {  	s7 =	smov.u32 s6;
	p0 =	sne.s32 s6, $0xFFFFFFFF  }
0x10c: {  	s5 =	sadd.s32 $0x1, s5;
	s6 =	smov.u32 s0;
	s0 =	sadd.s32 $0x1, s0  }
0x10d: {  	p1 =	sne.s32 s2, s0;
	v1 =	vld.msk @!p0 [tilespmem:s5+$0x0], $0x1;
	_ =	sdelay $0x4  }
0x10e: {  	(v2sf) =	vpush @!p0 v1, $0x0;
	_ =	sdelay $0xe  }
.Ltmp13:
0x10f: {  	s8 =	spop @!p0 (v2sf);
	(pc) =	sbr.rel @p1 .LBB2_16-.Ltmp13, $4  }
0x110: {  	p2 =	seq.s32 @!p0 s4, s8  }
0x111: {  	p2 =	por !p2, p0  }
0x112: {  	s6 =	simm.s32 @p2 $0xFFFFFFFF  }
0x113: {  	s6 =	smov.u32 @p0 s7  }
.LBB2_17:
0x114: {  	p0 =	sne.s32 s6, $0xFFFFFFFF  }
.Ltmp14:
0x115: {  	_ = 	snop;
	(pc) =	sbr.rel @!p0 .LBB2_18-.Ltmp14, $1  }
0x116: {  	_ =	sdelay $0x3  }
0x117: {  	v0 =	vld.msk [tilespmem:s3+$0xE0], $0x1  }
0x118: {  	v1 =	vld.msk [tilespmem:s6+$0xE0], $0x1;
	_ =	sdelay $0x1  }
.Ltmp15:
0x119: {  	_ = 	snop;
	(pc) =	sbr.rel .LBB2_20-.Ltmp15, $3  }
0x11a: {  	_ =	sdelay $0x1  }
0x11b: {  	v0 =	vmax.f32 v1, v0  }
0x11c: {  	[tilespmem:s6+$0xE0] =	vst.msk $0x1, v0  }
.LBB2_21:
0x11d: {  	p0 =	slt.s32 s2, $0x1  }
.Ltmp16:
0x11e: {  	_ = 	snop;
	(pc) =	sbr.rel @p0 .LBB2_25-.Ltmp16, $3  }
0x11f: {  	_ =	sdelay $0x1  }
0x120: {  	s0 =	simm.s32 $0x6  }
0x121: {  	s3 =	simm.s32 $0x0;
	[sflag:s0] =	ssyncpa.u1 $0x1  }
0x122: {  	s0 =	simm.s32 $0xC0  }
0x123: {  	v0 =	vld.msk [tilespmem:s0+$0x0], $0x1;
	_ =	sdelay $0x4  }
0x124: {  	(v2sf) =	vpush v0, $0x0;
	_ =	sdelay $0xe  }
0x125: {  	s0 =	sadd.s32 $0xFFFFFFFF, s2;
	s5 =	spop (v2sf)  }
0x126: {  	p1 =	sne.s32 s0, $0x0;
	p0 =	sgt.u32 s5, $0x187FF  }
.Ltmp17:
0x127: {  	s6 =	sshrl.u32 @!p0 s5, $0x3;
	(pc) =	sbr.rel @!p1 .LBB2_24-.Ltmp17, $4  }
0x128: {  	s4 =	simm.s32 $0xE0;
	s5 =	sand.u32 @!p0 $0x7, s5;
	s2 =	sadd.s32 @!p0 s1, s6  }
0x129: {  	[hbm4b:s2+s5] =	stream.linear.scatter @!p0 [tilespmem:s4], [sflag:$0x5], $0x1, $0x38;
	[tilespmem:$0x11A60] =	vst v63  }
0x12a: {  	s5 =	simm.s32 $0x0  }
0x12b: {  	s2 =	simm.s32 $0xC1;
	s5 =	simm.s32 @!p0 $0x4  }
.LBB2_23:
0x12c: {  	v0 =	vld.msk [tilespmem:s2+$0x0], $0x1;
	s0 =	sadd.s32 $0xFFFFFFFF, s0;
	s3 =	sadd.s32 s3, s5  }
0x12d: {  	p0 =	sne.s32 s0, $0x0;
	_ =	sdelay $0x3  }
0x12e: {  	(v2sf) =	vpush v0, $0x0;
	_ =	sdelay $0xe  }
.Ltmp18:
0x12f: {  	s6 =	spop (v2sf);
	(pc) =	sbr.rel @p0 .LBB2_23-.Ltmp18, $4  }
0x130: {  	s5 =	simm.s32 $0x0;
	p1 =	sgt.u32 s6, $0x187FF  }
0x131: {  	s4 =	sadd.s32 $0x1, s4;
	s5 =	simm.s32 @!p1 $0x4;
	s7 =	sshrl.u32 @!p1 s6, $0x3  }
0x132: {  	s2 =	sadd.s32 $0x1, s2;
	s6 =	sand.u32 @!p1 $0x7, s6;
	s7 =	sadd.s32 @!p1 s1, s7  }
0x133: {  	[hbm4b:s7+s6] =	stream.linear.scatter @!p1 [tilespmem:s4], [sflag:$0x5], $0x1, $0x38;
	[tilespmem:$0x11A60] =	vst v63  }
.LBB2_24:
0x134: {  	s0 =	sadd.s32 s3, s5  }
0x135: {  	s3 =	sshrl.u32 s0, $0x2  }
.LBB2_25:
0x136: {  	s0 =	simm.s32 $0x5  }
0x137: {  	_ =	swait.ge [sflag:s0], s3  }
0x138: {  	s1 =	ssub.s32 $0x0, s3;
	[sflag:s0] =	ssyncset.done $0x0  }
0x139: {  	[sflag:s0] =	ssyncadd.s32 s1  }
0x13a: {  	[sflag:s0] =	ssyncpa.u1 $0x1  }
0x13b: {  	s29 =	simm.s32 $0x1;
	_ =	sfence  }
0x13c: {  	s30 =	simm.s32 $0x2;
	[sflag:s29] =	ssyncpa.u1 $0x1  }
0x13d: {  	[sflag:s30] =	ssyncpa.u1 $0x1  }
0x13e: {  	_ =	strace $0x9000004D  }
0x13f: {  	[bflag:$0x2] =	sbarrier.arrive $0xFFFF  }
0x140: {  	s31 =	rddreg [dreg:$0x2]  }
0x141: {  	s0 =	sadd.s32 $0x100000, s31  }
0x142: {  	[sflag:s0] =	ssyncadd.tile.s32 $0x1;
	_ =	shalt  }
.Lfunc_end2:
_tile_overlayer_lowered:
.L_overlay_start_2:
0x143: {  	(tag) =	ssettag $0x2  }
0x144: {  	s0 =	rddreg [dreg:$0x0];
	s2 =	stileid.u32  }
0x145: {  	s1 =	rddreg [dreg:$0x1];
	p0 =	sne.s32 s2, $0x0  }
0x146: {  	s3 =	rddreg [dreg:$0x2];
	[bflag:$0x3] =	sbarrier.arrive $0xFFFF;
	s2 =	simm.s32 @!p0 $0x1C01  }
0x147: {  	[timem:s3], [sflag:s2] =	dma.local @!p0 [hbm:s0], s1  }
0x148: {  	s0 =	simm.s32 @!p0 $0x1  }
0x149: {  	_ =	swait.ge @!p0 [sflag:s0], s1  }
0x14a: {  	s1 =	ssub.s32 @!p0 $0x0, s1;
	[sflag:s0] =	ssyncset.done @!p0 $0x0  }
0x14b: {  	[sflag:s0] =	ssyncadd.s32 @!p0 s1  }
0x14c: {  	[bflag:$0x3] =	sbarrier.arrive $0xFFFF  }
0x14d: {  	_ =	shalt  }

// kernel: scatter_offload_async_start.4
scs
__scs_entry_jumppad:
0x0: {  	(pc) =	sbr.rel $0x88, $3  }
0x1: {  	(tag) =	ssettag $0x0;
	lr =	simm.s32 $0x1  }
0x2: {  	[smem:$0x3F99] =	sst lr;
	_ =	strace $0xD0000000  }
0x3: {  	_ = 	snop  }
0x4: {  	_ = 	snop  }
0x5: {  	_ = 	snop  }
0x6: {  	_ = 	snop  }
0x7: {  	_ = 	snop  }
__scs_overlays_trampoline_lowered:
0x8: {  	[smem:$0x3FA8] =	sst s0  }
0x9: {  	[smem:$0x3FA9] =	sst s1  }
0xa: {  	[smem:$0x3FAA] =	sst s2  }
0xb: {  	[smem:$0x3FAB] =	sst s3  }
0xc: {  	[smem:$0x3FAC] =	sst s4  }
0xd: {  	[smem:$0x3FAD] =	sst s5  }
0xe: {  	[smem:$0x3FAE] =	sst s6  }
0xf: {  	[smem:$0x3FAF] =	sst s7  }
0x10: {  	[smem:$0x3FB0] =	sst s8  }
0x11: {  	[smem:$0x3FB1] =	sst s9;
	s0 =	simm.s32 @!p0 $0x0  }
0x12: {  	s1 =	sld [smem:$0x3F97];
	s0 =	simm.s32 @p0 $0x1  }
0x13: {  	[smem:$0x3FB2] =	sst s0;
	s0 =	simm.s32 @!p1 $0x0  }
0x14: {  	s2 =	sld [smem:$0x3F96];
	s0 =	simm.s32 @p1 $0x1  }
0x15: {  	[smem:$0x3FB3] =	sst s0;
	s0 =	simm.s32 @!p2 $0x0  }
0x16: {  	s3 =	sld [smem:$0x3FDB];
	s0 =	simm.s32 @p2 $0x1  }
0x17: {  	s4 =	simm.s32 $0x1BF5;
	[smem:$0x3FB5] =	sst s0  }
0x18: {  	s0 =	sld [smem:$0x3F98];
	_ =	swait.ge [sflag:s4], $0x0  }
0x19: {  	s7 =	sld [smem:$0x3F99]  }
0x1a: {  	s8 =	sadd.s32 $0xFFFFE003, lr  }
0x1b: {  	s9 =	sadd.s32 $0xFFFFFEF7, lr;
	s5 =	simm.s32 $0xFFFFFFFF;
	p2 =	slt.u32 s8, $0xFFFFF086  }
0x1c: {  	p1 =	slt.u32 s9, $0xF7A;
	s5 =	simm.s32 @!p2 $0x0  }
0x1d: {  	s5 =	simm.s32 @p1 $0x1;
	p0 =	seq.s32 s7, s2  }
0x1e: {  	s7 =	smul.u32 @!p0 $0xF7A, s2;
	p2 =	seq.s32 @!p0 s5, $0x0  }
0x1f: {  	s9 =	smul.u32 $0xF7A, s1;
	s8 =	simm.s32 @!p0 $0x1BF5;
	p2 =	por !p2, p0  }
0x20: {  	[sflag:s8] =	ssyncset.s32 @!p0 $0xFFFFF086;
	s6 =	sadd.s32 @!p0 s3, s7;
	s7 =	simm.s32 @!p0 $0x108  }
0x21: {  	s3 =	sadd.s32 s3, s9;
	s6 =	sadd.s32 @!p0 $0x88, s6;
	s7 =	simm.s32 @p2 $0x1082  }
0x22: {  	[simem:s7], [sflag:s8] =	dma.local @!p0 [hbm:s6], $0xF7A  }
0x23: {  	s9 =	sor.u32 $0xD0000000, s2;
	s6 =	simm.s32 $0x108;
	_ =	swait.ge @!p0 [sflag:s8], $0x0  }
0x24: {  	s3 =	sadd.s32 $0x88, s3;
	s6 =	simm.s32 @!p1 $0x1082;
	[sflag:s4] =	ssyncset.s32 $0xFFFFF086  }
0x25: {  	[simem:s6], [sflag:s4] =	dma.local [hbm:s3], $0xF7A  }
0x26: {  	[smem:$0x3F99] =	sst s1;
	(tag) =	ssettag s2;
	_ =	strace s9  }
0x27: {  	s1 =	sld [smem:$0x3FA9]  }
0x28: {  	s2 =	sld [smem:$0x3FAA]  }
0x29: {  	s4 =	sld [smem:$0x3FAC]  }
0x2a: {  	p0 =	seq.s32 s5, $0x0;
	s5 =	sld [smem:$0x3FAD]  }
0x2b: {  	s6 =	sld [smem:$0x3FAE]  }
0x2c: {  	s7 =	sld [smem:$0x3FAF]  }
0x2d: {  	s3 =	simm.s32 $0x108;
	s8 =	sld [smem:$0x3FB0]  }
0x2e: {  	s3 =	simm.s32 @!p0 $0x1082;
	s9 =	sld [smem:$0x3FB1]  }
0x2f: {  	lr =	sadd.s32 s0, s3;
	s0 =	sld [smem:$0x3FA8]  }
0x30: {  	s3 =	sld [smem:$0x3FAB]  }
0x31: {  	[smem:$0x3FB4] =	sst s10  }
0x32: {  	s10 =	sld [smem:$0x3FB2];
	_ =	sdelay $0x3  }
0x33: {  	p0 =	seq.s32 s10, $0x1;
	s10 =	sld [smem:$0x3FB4];
	_ =	sdelay $0x3  }
0x34: {  	[smem:$0x3FB4] =	sst s10  }
0x35: {  	s10 =	sld [smem:$0x3FB3];
	_ =	sdelay $0x3  }
0x36: {  	p1 =	seq.s32 s10, $0x1;
	s10 =	sld [smem:$0x3FB4];
	_ =	sdelay $0x3  }
0x37: {  	[smem:$0x3FB4] =	sst s10  }
0x38: {  	s10 =	sld [smem:$0x3FB5]  }
0x39: {  	_ = 	snop;
	(pc) =	sbr.ind lr, $3  }
0x3a: {  	_ = 	snop  }
0x3b: {  	_ = 	snop  }
0x3c: {  	p2 =	seq.s32 s10, $0x1;
	s10 =	sld [smem:$0x3FB4]  }
0x3d: {  	_ =	shalt  }
0x3e: {  	_ =	shalt  }
0x3f: {  	_ =	shalt  }
0x40: {  	_ =	shalt  }
0x41: {  	_ =	shalt  }
0x42: {  	_ =	shalt  }
0x43: {  	_ =	shalt  }
0x44: {  	_ =	shalt  }
0x45: {  	_ =	shalt  }
0x46: {  	_ =	shalt  }
0x47: {  	_ =	shalt  }
0x48: {  	_ =	shalt  }
0x49: {  	_ =	shalt  }
0x4a: {  	_ =	shalt  }
0x4b: {  	_ =	shalt  }
0x4c: {  	_ =	shalt  }
0x4d: {  	_ =	shalt  }
0x4e: {  	_ =	shalt  }
0x4f: {  	_ =	shalt  }
0x50: {  	_ =	shalt  }
0x51: {  	_ =	shalt  }
0x52: {  	_ =	shalt  }
0x53: {  	_ =	shalt  }
0x54: {  	_ =	shalt  }
0x55: {  	_ =	shalt  }
0x56: {  	_ =	shalt  }
0x57: {  	_ =	shalt  }
0x58: {  	_ =	shalt  }
0x59: {  	_ =	shalt  }
0x5a: {  	_ =	shalt  }
0x5b: {  	_ =	shalt  }
0x5c: {  	_ =	shalt  }
0x5d: {  	_ =	shalt  }
0x5e: {  	_ =	shalt  }
0x5f: {  	_ =	shalt  }
0x60: {  	_ =	shalt  }
0x61: {  	_ =	shalt  }
0x62: {  	_ =	shalt  }
0x63: {  	_ =	shalt  }
0x64: {  	_ =	shalt  }
0x65: {  	_ =	shalt  }
0x66: {  	_ =	shalt  }
0x67: {  	_ =	shalt  }
0x68: {  	_ =	shalt  }
0x69: {  	_ =	shalt  }
0x6a: {  	_ =	shalt  }
0x6b: {  	_ =	shalt  }
0x6c: {  	_ =	shalt  }
0x6d: {  	_ =	shalt  }
0x6e: {  	_ =	shalt  }
0x6f: {  	_ =	shalt  }
0x70: {  	_ =	shalt  }
0x71: {  	_ =	shalt  }
0x72: {  	_ =	shalt  }
0x73: {  	_ =	shalt  }
0x74: {  	_ =	shalt  }
0x75: {  	_ =	shalt  }
0x76: {  	_ =	shalt  }
0x77: {  	_ =	shalt  }
0x78: {  	_ =	shalt  }
0x79: {  	_ =	shalt  }
0x7a: {  	_ =	shalt  }
0x7b: {  	_ =	shalt  }
0x7c: {  	_ =	shalt  }
0x7d: {  	_ =	shalt  }
0x7e: {  	_ =	shalt  }
0x7f: {  	_ =	shalt  }
0x80: {  	_ =	shalt  }
0x81: {  	_ =	shalt  }
0x82: {  	_ =	shalt  }
0x83: {  	_ =	shalt  }
0x84: {  	_ =	shalt  }
0x85: {  	_ =	shalt  }
0x86: {  	_ =	shalt  }
0x87: {  	_ =	shalt  }
.Lfunc_end0:
.L_simem_size_0:
called_computation.4_lowered:
.L_overlay_start_0:
0x88: {  	s0 =	sld [smem:$0x3FD9]  }
0x89: {  	s1 =	sld [smem:$0x3FFE];
	_ =	sdelay $0x3  }
0x8a: {  	s0 =	sadd.s32 s1, s0  }
0x8b: {  	[smem:$0x3FC0] =	sst s0  }
0x8c: {  	_ = 	snop  }
0x8d: {  	s0 =	sld [smem:$0x3FD0];
	_ =	sdelay $0x2  }
0x8e: {  	s2 =	simm.s32 $0xF;
	s12 =	simm.s32 $0x10  }
0x8f: {  	[smem:s12], [sflag:s2] =	dma.local [hbm:s0], $0x1  }
0x90: {  	_ =	swait.eq [sflag:s2], $0x1  }
0x91: {  	[sflag:s2] =	ssyncset.done $0x0  }
0x92: {  	s13 =	sld [smem:$0x10];
	[sflag:s2] =	ssyncadd.s32 $0xFFFFFFFF  }
0x93: {  	s14 =	sld [smem:$0x11];
	(tm) =	ssettm $0x1  }
0x94: {  	s15 =	sld [smem:$0x3FFB];
	_ =	sdelay $0x3  }
0x95: {  	_ =	strace s15  }
0x96: {  	s0 =	sld [smem:$0x3FFC];
	_ =	sdelay $0x3  }
0x97: {  	_ =	strace s0  }
0x98: {  	s0 =	sld [smem:$0x3FFD];
	_ =	sdelay $0x3  }
0x99: {  	_ =	strace s0  }
0x9a: {  	_ =	strace $0x8FFFFFFF  }
0x9b: {  	s16 =	sld [smem:$0x3FDB];
	_ =	sdelay $0x1  }
0x9c: {  	s3 =	simm.s32 $_scs_section_size  }
0x9d: {  	s4 =	simm.s32 $_size__tile_overlayer_lowered;
	s5 =	simm.s32 $_tile_overlayer_lowered  }
0x9e: {  	s6 =	simm.s32 $0x1BFF;
	s17 =	sshll.u32 s5, $0x1;
	s3 =	sadd.s32 s3, s16  }
0x9f: {  	s18 =	simm.s32 $0x0;
	s4 =	sshll.u32 s4, $0x1;
	s5 =	sadd.s32 s17, s3  }
0xa0: {  	[timem:s18], [sflag:s6] =	dma.local [hbm:s5], s4  }
0xa1: {  	_ =	swait.ge [sflag:s6], s4  }
0xa2: {  	s4 =	ssub.s32 $0x0, s4;
	[sflag:s6] =	ssyncset.done $0x0  }
0xa3: {  	[sflag:s6] =	ssyncadd.s32 s4;
	_ =	sdelay $0x1  }
0xa4: {  	s19 =	simm.s32 $0x1B8B  }
0xa5: {  	_ =	swait.ge [sflag:s19], $0x1  }
0xa6: {  	[sflag:s19] =	ssyncset.done $0x0  }
0xa7: {  	s21 =	simm.s32 $0x1B8E;
	s20 =	sld [smem:$0x3FFE];
	[sflag:s19] =	ssyncadd.s32 $0xFFFFFFFF  }
0xa8: {  	s22 =	simm.s32 $execute0_lowered;
	[smem:$0x3FD2] =	sst s21  }
0xa9: {  	s5 =	sshll.u32 s22, $0x1;
	_ =	strace $0x8000005B;
	[dreg:$0x1] =	wrdreg $0xFFFFFFFF  }
0xaa: {  	s23 =	simm.s32 $_size_execute0_lowered;
	s5 =	sadd.s32 s3, s5;
	[dreg:$0x0] =	wrdreg $0x0  }
0xab: {  	s6 =	sshll.u32 s23, $0x1;
	[dreg:$0x2] =	wrdreg s5  }
0xac: {  	[dreg:$0x3] =	wrdreg s6  }
0xad: {  	[dreg:$0x4] =	wrdreg $0xC0  }
0xae: {  	s24 =	simm.s32 $execute1_lowered;
	_ =	task [dreg:s18], $0x5FFFF  }
0xaf: {  	s5 =	sshll.u32 s24, $0x1;
	[dreg:$0x1] =	wrdreg $0xFFFFFFFF  }
0xb0: {  	s3 =	sadd.s32 s3, s5;
	[dreg:$0x0] =	wrdreg $0x60  }
0xb1: {  	[dreg:$0x2] =	wrdreg s3  }
0xb2: {  	[dreg:$0x3] =	wrdreg s20  }
0xb3: {  	[dreg:$0x4] =	wrdreg $0xD  }
0xb4: {  	_ =	task.clear_ibuf [dreg:s18], $0x5FFFF;
	_ =	strace $0x9000005B  }
0xb5: {  	s25 =	simm.s32 $0xD;
	_ =	strace $0x8000005D  }
0xb6: {  	_ =	swait.ge [sflag:s25], $0x1  }
0xb7: {  	[sflag:s25] =	ssyncadd.s32 $0xFFFFFFFF  }
0xb8: {  	_ =	strace $0x9000005D  }
0xb9: {  	_ =	strace $0x8000005E;
	[dreg:$0x1] =	wrdreg $0xFFFFFFFF  }
0xba: {  	[dreg:$0x0] =	wrdreg $0x2030  }
0xbb: {  	[dreg:$0x2] =	wrdreg s20  }
0xbc: {  	[dreg:$0x3] =	wrdreg s14  }
0xbd: {  	[dreg:$0x4] =	wrdreg s13  }
0xbe: {  	[dreg:$0x5] =	wrdreg $0xE  }
0xbf: {  	_ =	task.clear_ibuf [dreg:s18], $0x6FFFF;
	_ =	strace $0x9000005E  }
0xc0: {  	s26 =	simm.s32 $0xE;
	_ =	strace $0x80000060  }
0xc1: {  	_ =	swait.ge [sflag:s26], $0x1  }
0xc2: {  	[sflag:s26] =	ssyncadd.s32 $0xFFFFFFFF  }
0xc3: {  	_ =	strace $0x90000060  }
0xc4: {  	_ =	sfence  }
0xc5: {  	s28 =	sld [smem:$0x0];
	_ =	sdelay $0x1  }
0xc6: {  	s29 =	srdreg.scid  }
0xc7: {  	s30 =	sshll.u32 s29, $0xD;
	s31 =	sshrl.u32 s29, $0x2  }
0xc8: {  	s2 =	sand.u32 $0x1, s29;
	s3 =	sand.u32 $0x4000, s30;
	s1 =	sadd.s32 s31, s28  }
0xc9: {  	s2 =	sor.u32 s3, s2;
	s1 =	sshll.u32 s1, $0x11  }
0xca: {  	s1 =	sor.u32 s1, s2  }
0xcb: {  	s1 =	sadd.s32 $0x8F2B, s1  }
0xcc: {  	[sflag:s1] =	ssyncadd.remote.s32 $0x1  }
0xcd: {  	_ =	sfence.sel $0xFFFF  }
0xce: {  	[dreg:$0x0] =	wrdreg $0xFFFFFFFF;
	(pc) =	sbr.abs _section_cstart, $3  }
0xcf: {  	[dreg:$0x1] =	wrdreg $0xFFFFFFFF  }
0xd0: {  	_ =	task.clear_ibuf [dreg:s18], $0x2FFFF;
	_ =	strace $0x9FFFFFFF  }
0xd1: {  	(tm) =	ssettm $0x7FFFFFFF  }
tec
execute0_lowered:
.L_overlay_start_1:
0x0: {  	(tag) =	ssettag $0x1  }
0x1: {  	s2 =	rddreg [dreg:$0x0]  }
0x2: {  	s5 =	rddreg [dreg:$0x1]  }
0x3: {  	s0 =	rddreg [dreg:$0x2];
	s3 =	stileid.u32  }
0x4: {  	[bflag:$0x3] =	sbarrier.arrive $0xFFFF;
	s1 =	simm.s32 $_size_execute1_lowered;
	s31 =	simm.s32 $0x2  }
0x5: {  	s8 =	simm.s32 $0x0;
	p0 =	sne.s32 s3, $0x0;
	s1 =	sshll.u32 s1, $0x1  }
.Ltmp0:
0x6: {  	s4 =	simm.s32 @!p0 $0x1C3F;
	s6 =	simm.s32 @!p0 $0x4060;
	(pc) =	sbr.rel .LBB2_1-.Ltmp0, $4  }
0x7: {  	[timem:s6], [sflag:s4] =	dma.local @!p0 [hbm:s2], s1  }
0x8: {  	s3 =	smul.u32 $0xC40, s3;
	s4 =	simm.s32 $0x1;
	_ =	strace $0x8000005C  }
0x9: {  	s2 =	sadd.s32 $0x6B200, s5;
	s5 =	sadd.s32 $0x71600, s5;
	[sflag:s4] =	ssyncpa.u1 $0x0  }
0xa: {  	s7 =	smov.u32 s3;
	s6 =	simm.s32 $0x0;
	[sflag:s31] =	ssyncpa.u1 $0x0  }
.LBB2_7:
0xb: {  	s10 =	sadd.s32 $0xC400, s7  }
0xc: {  	p1 =	slt.u32 s6, $0x2;
	s6 =	sadd.s32 $0x1, s6;
	p2 =	sgt.s32 s10, $0x1869F  }
0xd: {  	s10 =	smov.u32 @p2 s3;
	p2 =	sne.s32 s6, $0x4  }
.Ltmp1:
0xe: {  	_ = 	snop;
	(pc) =	sbr.rel @!p2 .LBB2_8-.Ltmp1, $4  }
0xf: {  	s9 =	simm.s32 @!p1 $0x2  }
0x10: {  	_ =	swait.ge @!p1 [sflag:s9], $0xC40  }
0x11: {  	[sflag:s9] =	ssyncset.done @!p1 $0x0  }
0x12: {  	s8 =	smov.u32 s7;
	s7 =	smov.u32 s10;
	[sflag:s9] =	ssyncadd.s32 @!p1 $0xFFFFF3C0  }
.LBB2_1:
0x13: {  	p1 =	sgt.u32 s6, $0x1  }
0x14: {  	s9 =	sxor.u32 @!p1 $0x1, s6  }
0x15: {  	s9 =	smul.u32 @!p1 $0x3100, s9  }
0x16: {  	s10 =	sshrl.u32 @!p1 s7, $0x3  }
0x17: {  	s11 =	sand.u32 @!p1 $0x7, s7;
	s10 =	sadd.s32 @!p1 s2, s10;
	s9 =	sshra.s32 @!p1 s9, $0x2  }
0x18: {  	[tilespmem:s9], [sflag:$0x1] =	stream.linear.gather @!p1 [hbm4b:s10+s11], $0xC40, $0x38;
	[tilespmem:$0x3100] =	vst v63  }
0x19: {  	p1 =	seq.s32 s6, $0x0  }
0x1a: {  	p2 =	seq.s32 @!p1 s6, $0x3  }
0x1b: {  	p1 =	por p1, p2  }
.Ltmp2:
0x1c: {  	_ = 	snop;
	(pc) =	sbr.rel @p1 .LBB2_7-.Ltmp2, $1  }
0x1d: {  	_ =	sdelay $0x3  }
0x1e: {  	s9 =	sand.u32 $0x1, s6  }
0x1f: {  	_ =	swait.ge [sflag:s4], $0xC40;
	s11 =	simm.s32 $0xC40;
	p1 =	seq.s32 s9, $0x1  }
0x20: {  	[sflag:s4] =	ssyncset.done $0x0;
	s11 =	simm.s32 @!p1 $0x0  }
0x21: {  	[sflag:s4] =	ssyncadd.s32 $0xFFFFF3C0;
	s13 =	sor.u32 $0x80, s11  }
0x22: {  	v0 =	vld [tilespmem:s13+$0x70]  }
0x23: {  	v1 =	vld [tilespmem:s13+$0xFFFFFF90]  }
0x24: {  	v2 =	vld [tilespmem:s13+$0xFFFFFFA0]  }
0x25: {  	v3 =	vld [tilespmem:s13+$0xFFFFFFB0]  }
0x26: {  	s9 =	sadd.s32 $0x1900, s11;
	v4 =	vld [tilespmem:s13+$0xFFFFFFC0]  }
0x27: {  	v5 =	vld [tilespmem:s13+$0xFFFFFFD0];
	[tilespmem:s9+$0x70] =	vst v0  }
0x28: {  	[tilespmem:s9+$0xFFFFFF90] =	vst v1;
	v0 =	vld [tilespmem:s13+$0xFFFFFFE0]  }
0x29: {  	[tilespmem:s9+$0xFFFFFFA0] =	vst v2;
	v1 =	vld [tilespmem:s13+$0xFFFFFFF0]  }
0x2a: {  	[tilespmem:s9+$0xFFFFFFB0] =	vst v3;
	v2 =	vld [tilespmem:s13+$0x0]  }
0x2b: {  	[tilespmem:s9+$0xFFFFFFC0] =	vst v4;
	v3 =	vld [tilespmem:s13+$0x10]  }
0x2c: {  	[tilespmem:s9+$0xFFFFFFD0] =	vst v5;
	v5 =	vld [tilespmem:s13+$0x20]  }
0x2d: {  	[tilespmem:s9+$0xFFFFFFE0] =	vst v0;
	v0 =	vld [tilespmem:s13+$0x30]  }
0x2e: {  	[tilespmem:s9+$0xFFFFFFF0] =	vst v1;
	v1 =	vld [tilespmem:s13+$0x40]  }
0x2f: {  	[tilespmem:s9+$0x0] =	vst v2;
	v2 =	vld [tilespmem:s13+$0x50]  }
0x30: {  	s12 =	simm.s32 $0x0;
	[tilespmem:s9+$0x10] =	vst v3;
	v3 =	vld [tilespmem:s13+$0x60]  }
0x31: {  	s10 =	sadd.s32 $0x1880, s11;
	s11 =	sshll.u32 s11, $0x2;
	v4 =	vld [tilespmem:s13+$0xFFFFFF80];
	[tilespmem:s9+$0x20] =	vst v5;
	s13 =	sadd.s32 $0x100, s13  }
.LBB2_3:
0x32: {  	v5 =	vld [tilespmem:s13+$0x70];
	s12 =	sadd.s32 $0x100, s12;
	[tilespmem:s9+$0x30] =	vst v0  }
0x33: {  	v0 =	vld [tilespmem:s13+$0xFFFFFF90];
	p1 =	slt.u32 s12, $0xB00;
	[tilespmem:s9+$0x40] =	vst v1  }
0x34: {  	v1 =	vld [tilespmem:s13+$0xFFFFFFA0];
	[tilespmem:s9+$0x50] =	vst v2  }
0x35: {  	v2 =	vld [tilespmem:s13+$0xFFFFFFB0];
	[tilespmem:s9+$0x60] =	vst v3  }
0x36: {  	v3 =	vld [tilespmem:s13+$0xFFFFFFC0];
	[tilespmem:s9+$0xFFFFFF80] =	vst v4;
	s9 =	sadd.s32 $0x100, s9  }
0x37: {  	v4 =	vld [tilespmem:s13+$0xFFFFFFD0];
	[tilespmem:s9+$0x70] =	vst v5  }
0x38: {  	[tilespmem:s9+$0xFFFFFF90] =	vst v0;
	v0 =	vld [tilespmem:s13+$0xFFFFFFE0]  }
0x39: {  	[tilespmem:s9+$0xFFFFFFA0] =	vst v1;
	v1 =	vld [tilespmem:s13+$0xFFFFFFF0]  }
0x3a: {  	[tilespmem:s9+$0xFFFFFFB0] =	vst v2;
	v2 =	vld [tilespmem:s13+$0x0]  }
0x3b: {  	[tilespmem:s9+$0xFFFFFFC0] =	vst v3;
	v3 =	vld [tilespmem:s13+$0x10]  }
0x3c: {  	[tilespmem:s9+$0xFFFFFFD0] =	vst v4;
	v5 =	vld [tilespmem:s13+$0x20]  }
.Ltmp3:
0x3d: {  	[tilespmem:s9+$0xFFFFFFE0] =	vst v0;
	v0 =	vld [tilespmem:s13+$0x30];
	(pc) =	sbr.rel @p1 .LBB2_3-.Ltmp3, $4  }
0x3e: {  	[tilespmem:s9+$0xFFFFFFF0] =	vst v1;
	v1 =	vld [tilespmem:s13+$0x40]  }
0x3f: {  	[tilespmem:s9+$0x0] =	vst v2;
	v2 =	vld [tilespmem:s13+$0x50]  }
0x40: {  	[tilespmem:s9+$0x10] =	vst v3;
	v3 =	vld [tilespmem:s13+$0x60]  }
0x41: {  	v4 =	vld [tilespmem:s13+$0xFFFFFF80];
	[tilespmem:s9+$0x20] =	vst v5;
	s13 =	sadd.s32 $0x100, s13  }
0x42: {  	[tilespmem:s9+$0x30] =	vst v0  }
0x43: {  	[tilespmem:s9+$0x40] =	vst v1  }
0x44: {  	[tilespmem:s9+$0x50] =	vst v2  }
0x45: {  	s11 =	sshrl.u32 s11, $0x2;
	[tilespmem:s9+$0x60] =	vst v3  }
0x46: {  	s12 =	simm.s32 $0xBF0;
	[tilespmem:s9+$0xFFFFFF80] =	vst v4;
	s9 =	sadd.s32 $0x2480, s11;
	s11 =	sadd.s32 $0xC00, s11  }
.LBB2_5:
0x47: {  	s12 =	sadd.s32 $0x10, s12  }
0x48: {  	v0 =	vld [tilespmem:s11+$0x0];
	p1 =	slt.u32 s12, $0xC30  }
.Ltmp4:
0x49: {  	_ = 	snop;
	(pc) =	sbr.rel @p1 .LBB2_5-.Ltmp4, $2  }
0x4a: {  	_ =	sdelay $0x2  }
0x4b: {  	s11 =	sadd.s32 $0x10, s11;
	[tilespmem:s9+$0x0] =	vst v0;
	s9 =	sadd.s32 $0x10, s9  }
.Ltmp5:
0x4c: {  	(pc) =	sbr.rel .LBB2_7-.Ltmp5, $4  }
0x4d: {  	_ = 	snop  }
0x4e: {  	s9 =	sshrl.u32 s8, $0x3  }
0x4f: {  	s31 =	sand.u32 $0x7, s8;
	s9 =	sadd.s32 s5, s9  }
0x50: {  	[hbm4b:s9+s31] =	stream.linear.scatter [tilespmem:s10], [sflag:$0x2], $0xC40, $0x38;
	[tilespmem:$0x3100] =	vst v63  }
.LBB2_8:
0x51: {  	_ =	sfence.sel $0x180000  }
0x52: {  	s2 =	simm.s32 $0x1;
	[bflag:$0x0] =	sbarrier.arrive $0xFFFF  }
0x53: {  	s31 =	simm.s32 $0x2;
	[sflag:s2] =	ssyncpa.u1 $0x1  }
0x54: {  	[sflag:s31] =	ssyncpa.u1 $0x1  }
0x55: {  	_ =	strace $0x9000005C  }
0x56: {  	s0 =	sadd.s32 @!p0 $0x100000, s0;
	[bflag:$0x2] =	sbarrier.arrive $0xFFFF  }
0x57: {  	[sflag:s0] =	ssyncadd.tile.s32 @!p0 $0x1;
	s0 =	simm.s32 @!p0 $0x3F  }
0x58: {  	_ =	swait.ge @!p0 [sflag:s0], s1  }
0x59: {  	s1 =	ssub.s32 @!p0 $0x0, s1;
	[sflag:s0] =	ssyncset.done @!p0 $0x0  }
0x5a: {  	[sflag:s0] =	ssyncadd.s32 @!p0 s1  }
0x5b: {  	[bflag:$0x3] =	sbarrier.arrive $0xFFFF  }
0x5c: {  	_ =	shalt  }
.Lfunc_end2:
execute1_lowered:
.L_overlay_start_2:
0x5d: {  	(tag) =	ssettag $0x2  }
0x5e: {  	s1 =	rddreg [dreg:$0x0]  }
0x5f: {  	s2 =	rddreg [dreg:$0x1]  }
0x60: {  	s3 =	rddreg [dreg:$0x2]  }
0x61: {  	s0 =	rddreg [dreg:$0x3];
	_ =	strace $0x8000005F;
	s4 =	simm.s32 $0x1  }
0x62: {  	v1 =	vimm.s32 $0xFFFFFFFF;
	[sflag:s4] =	ssyncpa.u1 $0x0  }
0x63: {  	[tilespmem:$0x10] =	vst v1  }
0x64: {  	v0 =	vimm.f32 $0.0e+00;
	[tilespmem:$0x20] =	vst v1  }
0x65: {  	[tilespmem:$0x30] =	vst v0  }
0x66: {  	[tilespmem:$0x40] =	vst v0  }
0x67: {  	[tilespmem:$0x50] =	vst v0  }
0x68: {  	[tilespmem:$0x60] =	vst v1  }
0x69: {  	s5 =	simm.s32 $0x2;
	s6 =	simm.s32 $0x7;
	s8 =	simm.s32 $0x8;
	[tilespmem:$0x70] =	vst v1  }
0x6a: {  	s10 =	simm.s32 $0x9;
	s14 =	simm.s32 $0x0;
	s15 =	simm.s32 $0xFF;
	[tilespmem:$0x80] =	vst v1  }
0x6b: {  	p0 =	por $0x0, $0x0;
	s16 =	simm.s32 $0xFFFFC280;
	s17 =	simm.s32 $0xFFFFFFFE;
	v1 =	vimm.s32 $0x0;
	[tilespmem:$0xB0] =	vst v0  }
0x6c: {  	s18 =	simm.s32 $0xF;
	s19 =	simm.s32 $0x30;
	s22 =	simm.s32 $0x0;
	[tilespmem:$0x90] =	vst v1  }
.Ltmp6:
0x6d: {  	[tilespmem:$0xA0] =	vst v1;
	[sflag:s5] =	ssyncpa.u1 $0x0;
	s5 =	stileid.u32;
	(pc) =	sbr.rel .LBB3_1-.Ltmp6, $4  }
0x6e: {  	s20 =	simm.s32 $0x0;
	s7 =	smul.u32 $0x30D40, s5;
	[sflag:s6] =	ssyncpa.u1 $0x0  }
0x6f: {  	s1 =	sadd.s32 $0x71600, s1;
	s12 =	sshllo.u32 s5, $0x1;
	[sflag:s8] =	ssyncpa.u1 $0x0  }
0x70: {  	vm0 =	vmmov $0xffff;
	v2 =	vlaneseq.u32;
	s9 =	sadd.s32 $0x30D40, s7;
	[sflag:s10] =	ssyncpa.u1 $0x0;
	s10 =	sshll.u32 s5, $0x1  }
0x71: {  	vm1 =	vmxor vm1, vm1;
	vm2 =	vmmov $0x1;
	vm3 =	vcmask $0x3F3C;
	s21 =	smov.u32 s7;
	s11 =	sor.u32 $0x81, s10;
	s13 =	sor.u32 $0x80, s10  }
.LBB3_10:
0x72: {  	p1 =	slt.u32 s20, $0x3  }
0x73: {  	s22 =	simm.s32 @!p1 $0x2  }
0x74: {  	_ =	swait.ge @!p1 [sflag:s22], $0x1F40  }
0x75: {  	[sflag:s22] =	ssyncset.done @!p1 $0x0  }
0x76: {  	[sflag:s22] =	ssyncadd.s32 @!p1 $0xFFFFE0C0;
	s22 =	simm.s32 @!p1 $0x9  }
0x77: {  	_ =	swait.ge @!p1 [sflag:s22], $0x10  }
0x78: {  	s23 =	sadd.s32 $0x1F40, s21;
	s24 =	smov.u32 s7;
	[sflag:s22] =	ssyncset.done @!p1 $0x0  }
0x79: {  	s20 =	sadd.s32 $0x1, s20;
	[sflag:s22] =	ssyncadd.s32 @!p1 $0xFFFFFFF0;
	p1 =	slt.s32 s23, s9  }
0x7a: {  	s24 =	smov.u32 @p1 s23;
	p1 =	sne.s32 s20, $0x1C  }
.Ltmp7:
0x7b: {  	_ = 	snop;
	(pc) =	sbr.rel @!p1 .LBB3_11-.Ltmp7, $3  }
0x7c: {  	_ =	sdelay $0x1  }
0x7d: {  	s15 =	sadd.s32 $0x1, s15;
	p0 =	por !p0, !p0;
	s16 =	sadd.s32 $0x1F40, s16  }
0x7e: {  	s17 =	sadd.s32 $0x1, s17;
	s22 =	smov.u32 s21;
	s21 =	smov.u32 s24  }
.LBB3_1:
0x7f: {  	p1 =	sgt.u32 s20, $0x18  }
0x80: {  	s23 =	smul.u32 @!p1 $0xAB, s20;
	_ =	sdelay $0x1  }
0x81: {  	s23 =	sshrl.u32 @!p1 s23, $0x9  }
0x82: {  	s23 =	sand.u32 @!p1 $0x7F, s23  }
0x83: {  	s23 =	smul.u32 @!p1 $0x3, s23;
	_ =	sdelay $0x1  }
0x84: {  	s23 =	ssub.s32 @!p1 s20, s23  }
0x85: {  	s23 =	sand.u32 @!p1 $0xFF, s23  }
0x86: {  	s23 =	smul.u32 @!p1 $0x7D00, s23;
	_ =	sdelay $0x1  }
0x87: {  	s24 =	sshrl.u32 @!p1 s21, $0x3;
	s23 =	sshrl.u32 @!p1 s23, $0x2  }
0x88: {  	s25 =	sand.u32 @!p1 $0x7, s21;
	s24 =	sadd.s32 @!p1 s2, s24;
	s23 =	sadd.s32 @!p1 $0x100, s23  }
0x89: {  	[tilespmem:s23], [sflag:$0x7] =	stream.linear.gather @!p1 [hbm4b:s24+s25], $0x1F40, $0x38;
	[tilespmem:$0x11A60] =	vst v63  }
0x8a: {  	s23 =	sadd.s32 $0xFFFFFFFF, s20  }
0x8b: {  	p1 =	sgt.u32 s23, $0x18  }
.Ltmp8:
0x8c: {  	_ = 	snop;
	(pc) =	sbr.rel @p1 .LBB3_5-.Ltmp8, $1  }
0x8d: {  	_ =	sdelay $0x3  }
0x8e: {  	s24 =	smul.u32 $0xAB, s23;
	_ =	sdelay $0x1  }
0x8f: {  	s24 =	sshrl.u32 s24, $0x9  }
0x90: {  	s24 =	sand.u32 $0x7F, s24  }
0x91: {  	s24 =	smul.u32 $0x3, s24;
	_ =	sdelay $0x1  }
0x92: {  	s24 =	ssub.s32 s23, s24  }
0x93: {  	s24 =	sand.u32 $0xFF, s24  }
0x94: {  	s24 =	smul.u32 $0x7D00, s24  }
0x95: {  	_ =	swait.ge [sflag:s6], $0x1F40  }
0x96: {  	[sflag:s6] =	ssyncset.done $0x0;
	s24 =	sshrl.u32 s24, $0x2  }
0x97: {  	[sflag:s6] =	ssyncadd.s32 $0xFFFFE0C0;
	(ifvalue) =	ssetifvalue $0xFFFFFFFF;
	v3 =	vld.msk [tilespmem:s24+$0x100 ss:$0x1], $0xffff  }
0x98: {  	s29 =	sand.u32 $0xFF, s15  }
0x99: {  	s25 =	smulhi.u32 $0x55555556, s29  }
0x9a: {  	p1 =	sne.s32 s20, $0x1  }
0x9b: {  	v4 =	vimm.s32 @!p1 $0x0;
	s25 =	smul.u32 $0x17700, s25  }
0x9c: {  	s24 =	smul.u32 $0x7D00, s29;
	v4 =	vperm.xlane @!p1 v3, v4  }
0x9d: {  	s26 =	sshll.u32 s20, $0x4;
	vm4 =	vlt.u32 v3, $0x18800  }
0x9e: {  	s30 =	sand.u32 $0x10, s26;
	s24 =	ssub.s32 s24, s25;
	v3 =	vnsel vm4, $0xFFFFFFFE, v3;
	vm4 =	vlt.u32 @!p1 v4, $0x18800  }
0x9f: {  	s24 =	sshra.s32 s24, $0x2;
	[tilespmem:s30+$0x60] =	vst v3;
	v3 =	vnsel @!p1 vm4, $0xFFFFFFFE, v4  }
0xa0: {  	s28 =	sadd.s32 $0x2030, s24;
	[tilespmem:$0x80] =	vst @!p1 v3  }
0xa1: {  	v3 =	vld.msk [tilespmem:s28+$0x0 ss:$0x1], $0xffff;
	_ =	sdelay $0x4  }
0xa2: {  	(xrf1) =	vunique.msk.u32 $0xffff, v3;
	_ =	sdelay $0xd  }
0xa3: {  	v4 =	vimm.s32 $0xFFFFFFFF;
	v5, _, _ =	vpop (xrf1)  }
0xa4: {  	vm5 =	vne.s32 v3, v4;
	vm4 =	veq.s32 v5, v2  }
0xa5: {  	vm6 =	vlt.u32 v3, $0x18800;
	vm4 =	vmand vm5, vm4  }
0xa6: {  	vm4 =	vmand vm6, vm4  }
0xa7: {  	v4 =	vnsel vm4, $0xFFFFFFFF, v3  }
0xa8: {  	s31 =	sand.u32 $0x1, s23  }
0xa9: {  	s23 =	simm.s32 $0x1F40;
	p1 =	seq.s32 s31, $0x1  }
0xaa: {  	s23 =	simm.s32 @!p1 $0x0  }
0xab: {  	s24 =	sadd.s32 $0x7DF0, s23;
	(ifvalue) =	ssetifvalue $0xFFFFFFFF  }
0xac: {  	v3 =	vperm.xlane v3, v1;
	[tilespmem:s24], [sflag:$0x8] =	stream.indirect_vreg.gather [hbm4b:s1+s14], $0x1, v4, vm0, $0x4038;
	v4 =	vnsel vm6, $0xFFFFFFFE, v4;
	[tilespmem:$0x11A60] =	vst v63  }
0xad: {  	s25 =	simm.s32 $0x0;
	s26 =	sadd.s32 $0xFFFFFFF0, s28;
	[tilespmem:s28+$0x0] =	vst v4  }
.LBB3_3:
0xae: {  	v4 =	vld.msk [tilespmem:s26+$0x0 ss:$0x1], $0xffff;
	s25 =	sadd.s32 $0x10, s25;
	v5 =	vmov v3;
	s28 =	smov.u32 s26  }
0xaf: {  	p1 =	slt.u32 s25, $0x1F30;
	_ =	sdelay $0x4  }
0xb0: {  	v3 =	vperm.xlane v4, v1;
	(xrf1) =	vunique.msk.u32 $0xffff, v4;
	_ =	sdelay $0xd  }
0xb1: {  	v6, _, _ =	vpop (xrf1)  }
0xb2: {  	vm5 =	vne.s32 v4, v5;
	vm4 =	veq.s32 v6, v2  }
0xb3: {  	vm6 =	vlt.u32 v4, $0x18800;
	vm4 =	vmand vm5, vm4  }
0xb4: {  	vm4 =	vmand vm6, vm4  }
0xb5: {  	v4 =	vnsel vm4, $0xFFFFFFFF, v4  }
.Ltmp9:
0xb6: {  	v5 =	vnsel vm6, $0xFFFFFFFE, v4;
	(pc) =	sbr.rel @p1 .LBB3_3-.Ltmp9, $3  }
0xb7: {  	_ =	sdelay $0x1  }
0xb8: {  	s26 =	sadd.s32 $0xFFFFFFF0, s26;
	s24 =	sadd.s32 $0xFFFFFFF0, s24;
	(ifvalue) =	ssetifvalue $0xFFFFFFFF  }
0xb9: {  	[tilespmem:s24], [sflag:$0x8] =	stream.indirect_vreg.gather [hbm4b:s1+s14], $0x1, v4, vm0, $0x4038;
	[tilespmem:s28+$0x0] =	vst v5  }
0xba: {  	s22 =	sshrl.u32 s22, $0x3  }
0xbb: {  	s23 =	sadd.s32 $0x9D40, s23;
	s22 =	sadd.s32 s3, s22  }
0xbc: {  	[tilespmem:s23], [sflag:$0x8] =	stream.linear.gather [hbm:s22], $0x1F40, $0x38;
	[tilespmem:$0x11A60] =	vst v63  }
.LBB3_5:
0xbd: {  	p1 =	sgt.u32 s20, $0x1B  }
.Ltmp10:
0xbe: {  	_ = 	snop;
	(pc) =	sbr.rel @p1 .LBB3_7-.Ltmp10, $1  }
0xbf: {  	_ =	sdelay $0x3  }
0xc0: {  	s22 =	sshll.u32 s4, s20  }
0xc1: {  	s22 =	sand.u32 $0x8000003, s22  }
0xc2: {  	p1 =	sne.s32 s22, $0x0  }
.Ltmp11:
0xc3: {  	_ = 	snop;
	(pc) =	sbr.rel @p1 .LBB3_10-.Ltmp11, $1  }
0xc4: {  	_ =	sdelay $0x3  }
.LBB3_7:
0xc5: {  	s22 =	sadd.s32 $0xFFFFFFFE, s20  }
0xc6: {  	s23 =	smulhi.u32 $0xAAAAAAAB, s22;
	_ =	sdelay $0x1  }
0xc7: {  	s23 =	sshrl.u32 s23, $0x1  }
0xc8: {  	s23 =	smul.u32 $0x3, s23;
	_ =	sdelay $0x1  }
0xc9: {  	s22 =	ssub.s32 s22, s23  }
0xca: {  	_ =	swait.ge [sflag:s8], $0x3E80;
	s26 =	smul.u32 $0x1F40, s22  }
0xcb: {  	p1 =	sne.s32 s20, $0x1A;
	[sflag:s8] =	ssyncset.done $0x0  }
0xcc: {  	[sflag:s8] =	ssyncadd.s32 $0xFFFFC180;
	s22 =	sadd.s32 @!p1 $0x203F, s26  }
0xcd: {  	[spmem:s11] =	stream.linear.scatter @!p1 [tilespmem:s22], [sflag:$0x1], $0x1, $0x38;
	[tilespmem:$0x11A60] =	vst v63  }
0xce: {  	s22 =	simm.s32 @!p1 $0x1  }
0xcf: {  	_ =	swait.ge @!p1 [sflag:s22], $0x1  }
0xd0: {  	s25 =	sshll.u32 s20, $0x4;
	[sflag:s22] =	ssyncset.done @!p1 $0x0  }
0xd1: {  	[sflag:s22] =	ssyncadd.s32 @!p1 $0xFFFFFFFF;
	s22 =	sand.u32 $0x10, s25  }
0xd2: {  	v4 =	vld [tilespmem:s22+$0x10];
	s28 =	sxor.u32 $0x10, s22  }
0xd3: {  	v5 =	vld [tilespmem:s28+$0x60]  }
0xd4: {  	v3 =	vld [tilespmem:$0x80];
	_ =	sdelay $0x2  }
0xd5: {  	(v2sf) =	vpush v4, $0x0  }
0xd6: {  	(v2sf) =	vpush v5, $0x0  }
0xd7: {  	(v2sf) =	vpush v3, $0x0;
	_ =	sdelay $0xc  }
0xd8: {  	s23 =	spop (v2sf)  }
0xd9: {  	s25 =	spop (v2sf)  }
0xda: {  	s24 =	spop (v2sf)  }
0xdb: {  	p2 =	seq.s32 s23, s25;
	p3 =	seq.s32 s24, s23  }
0xdc: {  	p3 =	por p2, p3  }
0xdd: {  	s23 =	sand.u32 $0x1, s20;
	v4 =	vpsel p3, $0xFFFFFFFF, v4  }
0xde: {  	s25 =	smul.u32 $0x1F40, s23;
	[tilespmem:s22+$0x10] =	vst.msk $0x1, v4  }
0xdf: {  	v4 =	vld [tilespmem:$0x30]  }
0xe0: {  	v5 =	vld [tilespmem:s25+$0x9D40]  }
0xe1: {  	v6 =	vld [tilespmem:s22+$0x40];
	_ =	sdelay $0x3  }
0xe2: {  	vm4 =	vmmov vm1;
	v5 =	vadd.f32 v5, v4  }
0xe3: {  	vm5 =	vmmov vm2;
	vm4 =	vmmov @p2 vm2;
	s23 =	sshll.u32 s23, $0x4;
	v4 =	vadd.f32 v6, v4  }
0xe4: {  	vm5 =	vmmov @p3 vm1;
	s23 =	sor.u32 $0x11A40, s23;
	[tilespmem:s25+$0x9D40] =	vst.msk vm4, v5  }
0xe5: {  	[tilespmem:s23+$0x0] =	vst.msk vm5, v4  }
0xe6: {  	v4 =	vld [tilespmem:s25+$0x7DF0];
	_ =	sdelay $0x3  }
0xe7: {  	v5 =	vimm.f32 $0.0e+00  }
0xe8: {  	v4 =	vshift.insert v4, v5, s18  }
0xe9: {  	s29 =	sor.u32 $0x40, s28  }
0xea: {  	[tilespmem:s29+$0x0] =	vst.msk $0x1, v4  }
0xeb: {  	[tilespmem:s25+$0x7DFF] =	vst.msk $0x1, v5  }
0xec: {  	v4 =	vld [tilespmem:s26+$0x2030];
	_ =	sdelay $0x1  }
0xed: {  	s29 =	smulhi.u32 $0xAAAAAAAB, s17;
	s26 =	simm.s32 $0x1  }
0xee: {  	s26 =	simm.s32 @!p0 $0x0  }
0xef: {  	s29 =	sshrl.u32 s29, $0x1;
	s26 =	smul.u32 $0x7D00, s26  }
0xf0: {  	s29 =	smul.u32 $0xFFFE8900, s29;
	v4 =	vshift.insert v4, v1, s18  }
0xf1: {  	s30 =	sshrl.u32 s26, $0x2  }
0xf2: {  	s29 =	sshra.s32 s29, $0x2;
	s26 =	sadd.s32 $0x9D40, s30;
	[tilespmem:s28+$0x10] =	vst.msk $0x1, v4  }
0xf3: {  	s31 =	sadd.s32 s29, s16;
	v6 =	vld [tilespmem:s26+$0x0]  }
0xf4: {  	v7 =	vld [tilespmem:s31+$0x0];
	_ =	sdelay $0x3  }
0xf5: {  	v5 =	vadd.f32 v6, v5  }
0xf6: {  	vm4 =	vne.s32 v7, $0xFFFFFFFF  }
0xf7: {  	(xrf2) =	vadd.seg.scan.f32 vm4, v5;
	_ =	sdelay $0x3  }
0xf8: {  	s28 =	sadd.s32 $0x5EC0, s30;
	v5 =	vperm.xlane v4, v1  }
0xf9: {  	v6 =	vld [tilespmem:s28+$0x0]  }
0xfa: {  	vm5 =	veq.s32 v7, v3;
	vm6 =	veq.s32 v7, v5  }
0xfb: {  	vm7 =	vgt.u32 v7, $0xFFFFFFFD;
	vm6 =	vmor vm6, vm5  }
0xfc: {  	vm6 =	vmor vm6, vm7  }
0xfd: {  	v9 =	vld [tilespmem:$0xA0];
	v7 =	vsel vm6, $0xFFFFFFFF, v7  }
0xfe: {  	v10 =	vld [tilespmem:$0x90];
	v6 =	vsel vm5, $0x0, v6;
	v8, _, _ =	vpop (xrf2)  }
0xff: {  	v6 =	vadd.f32 v8, v6  }
0x100: {  	s29 =	sadd.s32 $0xDBC0, s30  }
0x101: {  	vm4 =	vmand vm4, vm3;
	[tilespmem:s29+$0x0] =	vst v6;
	(ifvalue) =	ssetifvalue $0xFFFFFFFF  }
0x102: {  	vm6 =	veq.s32 v9, $0x1;
	[hbm4b:s1+s14] =	stream.indirect_vreg.scatter [tilespmem:s29], [sflag:$0x2], $0x1, v7, vm0, $0x4038;
	v7 =	vsel vm4, $0x0, v8;
	[tilespmem:$0x11A60] =	vst v63  }
0x103: {  	s30 =	simm.s32 $0x0;
	s31 =	sadd.s32 $0x10, s31;
	vm4 =	vmor vm6, vm5;
	v6 =	vsel vm5, v8, v10;
	v7 =	vshift.insert v7, v0, s18  }
.LBB3_8:
0x104: {  	v8 =	vld [tilespmem:s31+$0x0];
	s26 =	sadd.s32 $0x10, s26  }
0x105: {  	s28 =	sadd.s32 $0x10, s28;
	v9 =	vld [tilespmem:s26+$0x0]  }
0x106: {  	s30 =	sadd.s32 $0x10, s30;
	v10 =	vld [tilespmem:s28+$0x0]  }
0x107: {  	p2 =	slt.u32 s30, $0x1F30;
	_ =	sdelay $0x2  }
0x108: {  	v7 =	vadd.f32 v9, v7  }
0x109: {  	vm5 =	vne.s32 v8, $0xFFFFFFFF  }
0x10a: {  	vm6 =	vmand vm5, vm3;
	(xrf2) =	vadd.seg.scan.f32 vm5, v7;
	_ =	sdelay $0x5  }
0x10b: {  	vm7 =	veq.s32 v8, v5;
	vm5 =	veq.s32 v8, v3  }
0x10c: {  	vm8 =	vgt.u32 v8, $0xFFFFFFFD;
	vm4 =	vmor vm4, vm5;
	vm7 =	vmor vm7, vm5  }
0x10d: {  	vm7 =	vmor vm7, vm8  }
0x10e: {  	v8 =	vsel vm7, $0xFFFFFFFF, v8  }
.Ltmp12:
0x10f: {  	v7 =	vsel vm5, $0x0, v10;
	v9, _, _ =	vpop (xrf2);
	(pc) =	sbr.rel @p2 .LBB3_8-.Ltmp12, $4  }
0x110: {  	v6 =	vsel vm5, v9, v6;
	v10 =	vadd.f32 v9, v7;
	v7 =	vsel vm6, $0x0, v9  }
0x111: {  	s29 =	sadd.s32 $0x10, s29;
	v7 =	vshift.insert v7, v0, s18  }
0x112: {  	s31 =	sadd.s32 $0x10, s31;
	[tilespmem:s29+$0x0] =	vst v10;
	(ifvalue) =	ssetifvalue $0xFFFFFFFF  }
0x113: {  	[hbm4b:s1+s14] =	stream.indirect_vreg.scatter [tilespmem:s29], [sflag:$0x2], $0x1, v8, vm0, $0x4038;
	[tilespmem:$0x11A60] =	vst v63  }
0x114: {  	v3 =	vld [tilespmem:s25+$0xFAF0];
	_ =	sdelay $0x4  }
0x115: {  	v3 =	vshift.insert v3, v0, s18;
	_ =	sdelay $0x1  }
0x116: {  	[tilespmem:s19+$0x0] =	vst.msk $0x1, v3  }
0x117: {  	v3 =	vsel vm4, $0x1, v1;
	[tilespmem:$0x90] =	vst v6  }
0x118: {  	s25 =	sadd.s32 @!p1 $0xFAFF, s25;
	[tilespmem:$0xA0] =	vst v3  }
0x119: {  	[spmem:s12] =	stream.linear.scatter @!p1 [tilespmem:s25], [sflag:$0x1], $0x1, $0x38;
	[tilespmem:$0x11A60] =	vst v63  }
0x11a: {  	s25 =	simm.s32 @!p1 $0x1  }
0x11b: {  	v3 =	vmctz.xlane @!p1 vm4;
	_ =	swait.ge @!p1 [sflag:s25], $0x1  }
0x11c: {  	(v2sf) =	vpush @!p1 v4, $0x0  }
0x11d: {  	(v2sf) =	vpush @!p1 v3, $0x0;
	_ =	sdelay $0xd  }
0x11e: {  	s26 =	spop @!p1 (v2sf)  }
0x11f: {  	s28 =	spop @!p1 (v2sf)  }
0x120: {  	p2 =	sne.s32 @!p1 s24, s26;
	p3 =	slt.s32 @!p1 s28, $0xF  }
0x121: {  	[sflag:s25] =	ssyncset.done @!p1 $0x0;
	p2 =	por p2, p1;
	p3 =	por !p3, p1  }
0x122: {  	[sflag:s25] =	ssyncadd.s32 @!p1 $0xFFFFFFFF;
	v3 =	vimm.s32 @!p2 $0xFFFFFFFF;
	s28 =	simm.s32 @p3 $0xF  }
0x123: {  	[tilespmem:$0x80] =	vst @!p2 v3;
	s24 =	sadd.s32 @!p1 $0x90, s28  }
0x124: {  	[spmem:s10] =	stream.linear.scatter @!p1 [tilespmem:s24], [sflag:$0x1], $0x1, $0x38;
	[tilespmem:$0x11A60] =	vst v63  }
0x125: {  	_ =	swait.ge @!p1 [sflag:s25], $0x1  }
0x126: {  	[sflag:s25] =	ssyncset.done @!p1 $0x0  }
0x127: {  	s24 =	simm.s32 @!p1 $0x80;
	[sflag:s25] =	ssyncadd.s32 @!p1 $0xFFFFFFFF  }
0x128: {  	[spmem:s13] =	stream.linear.scatter @!p1 [tilespmem:s24], [sflag:$0x1], $0x1, $0x38;
	[tilespmem:$0x11A60] =	vst v63  }
0x129: {  	_ =	swait.ge @!p1 [sflag:s25], $0x1  }
0x12a: {  	[sflag:s25] =	ssyncset.done @!p1 $0x0  }
0x12b: {  	[sflag:s25] =	ssyncadd.s32 @!p1 $0xFFFFFFFF;
	(ifvalue) =	ssetifvalue $0xFFFFFFFF;
	v3 =	vld [tilespmem:s22+$0x10];
	_ =	sdelay $0x3  }
.Ltmp13:
0x12c: {  	_ = 	snop;
	(pc) =	sbr.rel .LBB3_10-.Ltmp13, $3  }
0x12d: {  	_ =	sdelay $0x1  }
0x12e: {  	(ifvalue) =	ssetifvalue $0xFFFFFFFF  }
0x12f: {  	[hbm4b:s1+s14] =	stream.indirect_vreg.scatter [tilespmem:s23], [sflag:$0x9], $0x1, v3, vm0, $0x4038;
	[tilespmem:$0x11A60] =	vst v63  }
.LBB3_11:
0x130: {  	_ =	sfence.sel $0x180000  }
0x131: {  	s2 =	simm.s32 $0x7;
	[bflag:$0x0] =	sbarrier.arrive $0xFFFF  }
0x132: {  	s26 =	simm.s32 $0x8;
	[sflag:s2] =	ssyncpa.u1 $0x1  }
0x133: {  	s28 =	simm.s32 $0x9;
	[sflag:s26] =	ssyncpa.u1 $0x1  }
0x134: {  	[sflag:s28] =	ssyncpa.u1 $0x1  }
0x135: {  	_ =	sfence.stream.spmem  }
0x136: {  	s29 =	simm.s32 $0x3;
	[bflag:$0x0] =	sbarrier.arrive $0xFFFF  }
0x137: {  	s30 =	simm.s32 $0x4;
	[sflag:s29] =	ssyncpa.u1 $0x1  }
0x138: {  	s31 =	simm.s32 $0x3C;
	[sflag:s30] =	ssyncpa.u1 $0x1  }
0x139: {  	p0 =	sne.s32 s5, $0x0;
	[sflag:s31] =	ssyncpa.u1 $0x1  }
0x13a: {  	s0 =	simm.s32 @p0 $0x1;
	_ =	sfence @p0  }
0x13b: {  	[sflag:s0] =	ssyncpa.u1 @p0 $0x1;
	s0 =	simm.s32 @p0 $0x2  }
0x13c: {  	[sflag:s0] =	ssyncpa.u1 @p0 $0x1  }
0x13d: {  	_ =	strace @p0 $0x9000005F  }
0x13e: {  	[bflag:$0x2] =	sbarrier.arrive @p0 $0xFFFF  }
0x13f: {  	_ =	shalt @p0  }
.LBB3_12:
0x140: {  	_ =	sfence.stream.spmem;
	s4 =	simm.s32 $0x5  }
0x141: {  	s2 =	simm.s32 $0x80;
	s3 =	simm.s32 $0xC0;
	[sflag:s4] =	ssyncpa.u1 $0x0  }
0x142: {  	[tilespmem:s3], [sflag:$0x5] =	stream.linear.gather [spmem:s2], $0x20, $0x38;
	[tilespmem:$0x11A60] =	vst v63  }
0x143: {  	s2 =	simm.s32 $0x0;
	s3 =	simm.s32 $0xE0  }
0x144: {  	[tilespmem:s3], [sflag:$0x5] =	stream.linear.gather [spmem:s2], $0x20, $0x38;
	[tilespmem:$0x11A60] =	vst v63  }
.Ltmp14:
0x145: {  	_ = 	snop;
	(pc) =	sbr.rel .LBB3_13-.Ltmp14, $4  }
0x146: {  	_ =	swait.ge [sflag:s4], $0x40  }
0x147: {  	[sflag:s4] =	ssyncset.done $0x0  }
0x148: {  	s31 =	simm.s32 $0x6;
	[sflag:s4] =	ssyncadd.s32 $0xFFFFFFC0  }
0x149: {  	s4 =	simm.s32 $0x0;
	[sflag:s31] =	ssyncpa.u1 $0x0  }
.LBB3_18:
0x14a: {  	p0 =	sgt.u32 s5, $0x187FF  }
0x14b: {  	s6 =	sshrl.u32 @!p0 s5, $0x3  }
0x14c: {  	s5 =	sand.u32 @!p0 $0x7, s5;
	s7 =	simm.s32 @!p0 $0xB0;
	s6 =	sadd.s32 @!p0 s1, s6  }
0x14d: {  	[tilespmem:s7], [sflag:$0x6] =	stream.linear.gather @!p0 [hbm4b:s6+s5], $0x1, $0x38;
	[tilespmem:$0x11A60] =	vst v63  }
0x14e: {  	s5 =	simm.s32 @!p0 $0x6  }
0x14f: {  	_ =	swait.ge @!p0 [sflag:s5], $0x1  }
0x150: {  	[sflag:s5] =	ssyncset.done @!p0 $0x0  }
0x151: {  	[sflag:s5] =	ssyncadd.s32 @!p0 $0xFFFFFFFF  }
0x152: {  	v2 =	vmov @!p0 s4;
	v1 =	vld.msk @!p0 [tilespmem:$0xB0], $0x1;
	_ =	sdelay $0x3  }
0x153: {  	s5 =	simm.s32 @!p0 $0xE0  }
0x154: {  	[tilespmem:v2+s5+$0x0], v1 =	vst.idx.ret.add.f32.msk @!p0 $0x1, v1  }
0x155: {  	[tilespmem:s2+$0xC0] =	vst.msk $0x1, v0  }
0x156: {  	v0 =	vld.msk [tilespmem:s4+$0xE0], $0x1;
	_ =	sdelay $0x4  }
0x157: {  	[tilespmem:s2+$0xE0] =	vst.msk $0x1, v0;
	s2 =	sadd.s32 $0x1, s2  }
.LBB3_20:
0x158: {  	s4 =	sadd.s32 $0x1, s4  }
0x159: {  	p0 =	sne.s32 s4, $0x20  }
.Ltmp15:
0x15a: {  	_ = 	snop;
	(pc) =	sbr.rel @!p0 .LBB3_21-.Ltmp15, $1  }
0x15b: {  	_ =	sdelay $0x3  }
.LBB3_13:
0x15c: {  	v0 =	vld.msk [tilespmem:s4+$0xC0], $0x1;
	_ =	sdelay $0x4  }
0x15d: {  	(v2sf) =	vpush v0, $0x0;
	_ =	sdelay $0xe  }
0x15e: {  	s5 =	spop (v2sf)  }
0x15f: {  	p0 =	seq.s32 s5, $0xFFFFFFFF  }
.Ltmp16:
0x160: {  	_ = 	snop;
	(pc) =	sbr.rel @p0 .LBB3_20-.Ltmp16, $1  }
0x161: {  	_ =	sdelay $0x3  }
0x162: {  	p0 =	slt.s32 s2, $0x1  }
.Ltmp17:
0x163: {  	_ = 	snop;
	(pc) =	sbr.rel @p0 .LBB3_18-.Ltmp17, $1  }
0x164: {  	_ =	sdelay $0x3  }
0x165: {  	s6 =	simm.s32 $0xC0;
	p0 =	por $0x0, $0x0  }
0x166: {  	v1 =	vld.msk @!p0 [tilespmem:s6+$0x0], $0x1;
	_ =	sdelay $0x4  }
0x167: {  	(v2sf) =	vpush @!p0 v1, $0x0;
	_ =	sdelay $0xd  }
0x168: {  	p2 =	sne.s32 s2, $0x1  }
.Ltmp18:
0x169: {  	s7 =	spop @!p0 (v2sf);
	(pc) =	sbr.rel @!p2 .LBB3_17-.Ltmp18, $4  }
0x16a: {  	p1 =	seq.s32 @!p0 s5, s7  }
0x16b: {  	s7 =	simm.s32 $0x0;
	p1 =	por !p1, p0  }
0x16c: {  	s9 =	simm.s32 $0xFFFFFFFF;
	s7 =	simm.s32 @p1 $0xFFFFFFFF  }
0x16d: {  	s8 =	simm.s32 $0x1;
	s7 =	smov.u32 @p0 s9  }
.LBB3_16:
0x16e: {  	s9 =	smov.u32 s7;
	p0 =	sne.s32 s7, $0xFFFFFFFF  }
0x16f: {  	s6 =	sadd.s32 $0x1, s6;
	s7 =	smov.u32 s8;
	s8 =	sadd.s32 $0x1, s8  }
0x170: {  	p1 =	sne.s32 s2, s8;
	v1 =	vld.msk @!p0 [tilespmem:s6+$0x0], $0x1;
	_ =	sdelay $0x4  }
0x171: {  	(v2sf) =	vpush @!p0 v1, $0x0;
	_ =	sdelay $0xe  }
.Ltmp19:
0x172: {  	s10 =	spop @!p0 (v2sf);
	(pc) =	sbr.rel @p1 .LBB3_16-.Ltmp19, $4  }
0x173: {  	p2 =	seq.s32 @!p0 s5, s10  }
0x174: {  	p2 =	por !p2, p0  }
0x175: {  	s7 =	simm.s32 @p2 $0xFFFFFFFF  }
0x176: {  	s7 =	smov.u32 @p0 s9  }
.LBB3_17:
0x177: {  	p0 =	sne.s32 s7, $0xFFFFFFFF  }
.Ltmp20:
0x178: {  	_ = 	snop;
	(pc) =	sbr.rel @!p0 .LBB3_18-.Ltmp20, $1  }
0x179: {  	_ =	sdelay $0x3  }
0x17a: {  	v0 =	vld.msk [tilespmem:s4+$0xE0], $0x1;
	v1 =	vmov s7  }
.Ltmp21:
0x17b: {  	_ = 	snop;
	(pc) =	sbr.rel .LBB3_20-.Ltmp21, $2  }
0x17c: {  	_ =	sdelay $0x2  }
0x17d: {  	[tilespmem:v1+s3+$0x0], v0 =	vst.idx.ret.add.f32.msk $0x1, v0  }
.LBB3_21:
0x17e: {  	p0 =	slt.s32 s2, $0x1  }
.Ltmp22:
0x17f: {  	_ = 	snop;
	(pc) =	sbr.rel @p0 .LBB3_25-.Ltmp22, $3  }
0x180: {  	_ =	sdelay $0x1  }
0x181: {  	s3 =	simm.s32 $0x6  }
0x182: {  	[sflag:s3] =	ssyncpa.u1 $0x1;
	s3 =	simm.s32 $0x0  }
0x183: {  	s4 =	simm.s32 $0xC0  }
0x184: {  	v0 =	vld.msk [tilespmem:s4+$0x0], $0x1;
	_ =	sdelay $0x4  }
0x185: {  	(v2sf) =	vpush v0, $0x0;
	_ =	sdelay $0xe  }
0x186: {  	s2 =	sadd.s32 $0xFFFFFFFF, s2;
	s5 =	spop (v2sf)  }
0x187: {  	p1 =	sne.s32 s2, $0x0;
	p0 =	sgt.u32 s5, $0x187FF  }
.Ltmp23:
0x188: {  	s6 =	sshrl.u32 @!p0 s5, $0x3;
	(pc) =	sbr.rel @!p1 .LBB3_24-.Ltmp23, $4  }
0x189: {  	s4 =	simm.s32 $0xE0;
	s5 =	sand.u32 @!p0 $0x7, s5;
	s6 =	sadd.s32 @!p0 s1, s6  }
0x18a: {  	[hbm4b:s6+s5] =	stream.linear.scatter @!p0 [tilespmem:s4], [sflag:$0x5], $0x1, $0x38;
	[tilespmem:$0x11A60] =	vst v63  }
0x18b: {  	s6 =	simm.s32 $0x0  }
0x18c: {  	s5 =	simm.s32 $0xC1;
	s6 =	simm.s32 @!p0 $0x4  }
.LBB3_23:
0x18d: {  	v0 =	vld.msk [tilespmem:s5+$0x0], $0x1;
	s2 =	sadd.s32 $0xFFFFFFFF, s2;
	s3 =	sadd.s32 s3, s6  }
0x18e: {  	p0 =	sne.s32 s2, $0x0;
	_ =	sdelay $0x3  }
0x18f: {  	(v2sf) =	vpush v0, $0x0;
	_ =	sdelay $0xe  }
.Ltmp24:
0x190: {  	s7 =	spop (v2sf);
	(pc) =	sbr.rel @p0 .LBB3_23-.Ltmp24, $4  }
0x191: {  	s6 =	simm.s32 $0x0;
	p1 =	sgt.u32 s7, $0x187FF  }
0x192: {  	s4 =	sadd.s32 $0x1, s4;
	s6 =	simm.s32 @!p1 $0x4;
	s8 =	sshrl.u32 @!p1 s7, $0x3  }
0x193: {  	s5 =	sadd.s32 $0x1, s5;
	s7 =	sand.u32 @!p1 $0x7, s7;
	s8 =	sadd.s32 @!p1 s1, s8  }
0x194: {  	[hbm4b:s8+s7] =	stream.linear.scatter @!p1 [tilespmem:s4], [sflag:$0x5], $0x1, $0x38;
	[tilespmem:$0x11A60] =	vst v63  }
.LBB3_24:
0x195: {  	s1 =	sadd.s32 s3, s6  }
0x196: {  	s3 =	sshrl.u32 s1, $0x2  }
.LBB3_25:
0x197: {  	s1 =	simm.s32 $0x5  }
0x198: {  	_ =	swait.ge [sflag:s1], s3  }
0x199: {  	s2 =	ssub.s32 $0x0, s3;
	[sflag:s1] =	ssyncset.done $0x0  }
0x19a: {  	[sflag:s1] =	ssyncadd.s32 s2  }
0x19b: {  	[sflag:s1] =	ssyncpa.u1 $0x1  }
0x19c: {  	s30 =	simm.s32 $0x1;
	_ =	sfence  }
0x19d: {  	s31 =	simm.s32 $0x2;
	[sflag:s30] =	ssyncpa.u1 $0x1  }
0x19e: {  	[sflag:s31] =	ssyncpa.u1 $0x1  }
0x19f: {  	_ =	strace $0x9000005F  }
0x1a0: {  	s0 =	sadd.s32 $0x100000, s0;
	[bflag:$0x2] =	sbarrier.arrive $0xFFFF  }
0x1a1: {  	[sflag:s0] =	ssyncadd.tile.s32 $0x1;
	_ =	shalt  }
.Lfunc_end3:
_tile_overlayer_lowered:
.L_overlay_start_3:
0x1a2: {  	(tag) =	ssettag $0x3  }
0x1a3: {  	s0 =	rddreg [dreg:$0x0];
	s2 =	stileid.u32  }
0x1a4: {  	s1 =	rddreg [dreg:$0x1];
	p0 =	sne.s32 s2, $0x0  }
0x1a5: {  	s3 =	rddreg [dreg:$0x2];
	[bflag:$0x3] =	sbarrier.arrive $0xFFFF;
	s2 =	simm.s32 @!p0 $0x1C01  }
0x1a6: {  	[timem:s3], [sflag:s2] =	dma.local @!p0 [hbm:s0], s1  }
0x1a7: {  	s0 =	simm.s32 @!p0 $0x1  }
0x1a8: {  	_ =	swait.ge @!p0 [sflag:s0], s1  }
0x1a9: {  	s1 =	ssub.s32 @!p0 $0x0, s1;
	[sflag:s0] =	ssyncset.done @!p0 $0x0  }
0x1aa: {  	[sflag:s0] =	ssyncadd.s32 @!p0 s1  }
0x1ab: {  	[bflag:$0x3] =	sbarrier.arrive $0xFFFF  }
0x1ac: {  	_ =	shalt  }

// kernel: scatter_offload_async_start.5
scs
__scs_entry_jumppad:
0x0: {  	(pc) =	sbr.rel $0x88, $3  }
0x1: {  	(tag) =	ssettag $0x0;
	lr =	simm.s32 $0x1  }
0x2: {  	[smem:$0x3F99] =	sst lr;
	_ =	strace $0xD0000000  }
0x3: {  	_ = 	snop  }
0x4: {  	_ = 	snop  }
0x5: {  	_ = 	snop  }
0x6: {  	_ = 	snop  }
0x7: {  	_ = 	snop  }
__scs_overlays_trampoline_lowered:
0x8: {  	[smem:$0x3FA8] =	sst s0  }
0x9: {  	[smem:$0x3FA9] =	sst s1  }
0xa: {  	[smem:$0x3FAA] =	sst s2  }
0xb: {  	[smem:$0x3FAB] =	sst s3  }
0xc: {  	[smem:$0x3FAC] =	sst s4  }
0xd: {  	[smem:$0x3FAD] =	sst s5  }
0xe: {  	[smem:$0x3FAE] =	sst s6  }
0xf: {  	[smem:$0x3FAF] =	sst s7  }
0x10: {  	[smem:$0x3FB0] =	sst s8  }
0x11: {  	[smem:$0x3FB1] =	sst s9;
	s0 =	simm.s32 @!p0 $0x0  }
0x12: {  	s1 =	sld [smem:$0x3F97];
	s0 =	simm.s32 @p0 $0x1  }
0x13: {  	[smem:$0x3FB2] =	sst s0;
	s0 =	simm.s32 @!p1 $0x0  }
0x14: {  	s2 =	sld [smem:$0x3F96];
	s0 =	simm.s32 @p1 $0x1  }
0x15: {  	[smem:$0x3FB3] =	sst s0;
	s0 =	simm.s32 @!p2 $0x0  }
0x16: {  	s3 =	sld [smem:$0x3FDB];
	s0 =	simm.s32 @p2 $0x1  }
0x17: {  	s4 =	simm.s32 $0x1BF5;
	[smem:$0x3FB5] =	sst s0  }
0x18: {  	s0 =	sld [smem:$0x3F98];
	_ =	swait.ge [sflag:s4], $0x0  }
0x19: {  	s7 =	sld [smem:$0x3F99]  }
0x1a: {  	s8 =	sadd.s32 $0xFFFFE003, lr  }
0x1b: {  	s9 =	sadd.s32 $0xFFFFFEF7, lr;
	s5 =	simm.s32 $0xFFFFFFFF;
	p2 =	slt.u32 s8, $0xFFFFF086  }
0x1c: {  	p1 =	slt.u32 s9, $0xF7A;
	s5 =	simm.s32 @!p2 $0x0  }
0x1d: {  	s5 =	simm.s32 @p1 $0x1;
	p0 =	seq.s32 s7, s2  }
0x1e: {  	s7 =	smul.u32 @!p0 $0xF7A, s2;
	p2 =	seq.s32 @!p0 s5, $0x0  }
0x1f: {  	s9 =	smul.u32 $0xF7A, s1;
	s8 =	simm.s32 @!p0 $0x1BF5;
	p2 =	por !p2, p0  }
0x20: {  	[sflag:s8] =	ssyncset.s32 @!p0 $0xFFFFF086;
	s6 =	sadd.s32 @!p0 s3, s7;
	s7 =	simm.s32 @!p0 $0x108  }
0x21: {  	s3 =	sadd.s32 s3, s9;
	s6 =	sadd.s32 @!p0 $0x88, s6;
	s7 =	simm.s32 @p2 $0x1082  }
0x22: {  	[simem:s7], [sflag:s8] =	dma.local @!p0 [hbm:s6], $0xF7A  }
0x23: {  	s9 =	sor.u32 $0xD0000000, s2;
	s6 =	simm.s32 $0x108;
	_ =	swait.ge @!p0 [sflag:s8], $0x0  }
0x24: {  	s3 =	sadd.s32 $0x88, s3;
	s6 =	simm.s32 @!p1 $0x1082;
	[sflag:s4] =	ssyncset.s32 $0xFFFFF086  }
0x25: {  	[simem:s6], [sflag:s4] =	dma.local [hbm:s3], $0xF7A  }
0x26: {  	[smem:$0x3F99] =	sst s1;
	(tag) =	ssettag s2;
	_ =	strace s9  }
0x27: {  	s1 =	sld [smem:$0x3FA9]  }
0x28: {  	s2 =	sld [smem:$0x3FAA]  }
0x29: {  	s4 =	sld [smem:$0x3FAC]  }
0x2a: {  	p0 =	seq.s32 s5, $0x0;
	s5 =	sld [smem:$0x3FAD]  }
0x2b: {  	s6 =	sld [smem:$0x3FAE]  }
0x2c: {  	s7 =	sld [smem:$0x3FAF]  }
0x2d: {  	s3 =	simm.s32 $0x108;
	s8 =	sld [smem:$0x3FB0]  }
0x2e: {  	s3 =	simm.s32 @!p0 $0x1082;
	s9 =	sld [smem:$0x3FB1]  }
0x2f: {  	lr =	sadd.s32 s0, s3;
	s0 =	sld [smem:$0x3FA8]  }
0x30: {  	s3 =	sld [smem:$0x3FAB]  }
0x31: {  	[smem:$0x3FB4] =	sst s10  }
0x32: {  	s10 =	sld [smem:$0x3FB2];
	_ =	sdelay $0x3  }
0x33: {  	p0 =	seq.s32 s10, $0x1;
	s10 =	sld [smem:$0x3FB4];
	_ =	sdelay $0x3  }
0x34: {  	[smem:$0x3FB4] =	sst s10  }
0x35: {  	s10 =	sld [smem:$0x3FB3];
	_ =	sdelay $0x3  }
0x36: {  	p1 =	seq.s32 s10, $0x1;
	s10 =	sld [smem:$0x3FB4];
	_ =	sdelay $0x3  }
0x37: {  	[smem:$0x3FB4] =	sst s10  }
0x38: {  	s10 =	sld [smem:$0x3FB5]  }
0x39: {  	_ = 	snop;
	(pc) =	sbr.ind lr, $3  }
0x3a: {  	_ = 	snop  }
0x3b: {  	_ = 	snop  }
0x3c: {  	p2 =	seq.s32 s10, $0x1;
	s10 =	sld [smem:$0x3FB4]  }
0x3d: {  	_ =	shalt  }
0x3e: {  	_ =	shalt  }
0x3f: {  	_ =	shalt  }
0x40: {  	_ =	shalt  }
0x41: {  	_ =	shalt  }
0x42: {  	_ =	shalt  }
0x43: {  	_ =	shalt  }
0x44: {  	_ =	shalt  }
0x45: {  	_ =	shalt  }
0x46: {  	_ =	shalt  }
0x47: {  	_ =	shalt  }
0x48: {  	_ =	shalt  }
0x49: {  	_ =	shalt  }
0x4a: {  	_ =	shalt  }
0x4b: {  	_ =	shalt  }
0x4c: {  	_ =	shalt  }
0x4d: {  	_ =	shalt  }
0x4e: {  	_ =	shalt  }
0x4f: {  	_ =	shalt  }
0x50: {  	_ =	shalt  }
0x51: {  	_ =	shalt  }
0x52: {  	_ =	shalt  }
0x53: {  	_ =	shalt  }
0x54: {  	_ =	shalt  }
0x55: {  	_ =	shalt  }
0x56: {  	_ =	shalt  }
0x57: {  	_ =	shalt  }
0x58: {  	_ =	shalt  }
0x59: {  	_ =	shalt  }
0x5a: {  	_ =	shalt  }
0x5b: {  	_ =	shalt  }
0x5c: {  	_ =	shalt  }
0x5d: {  	_ =	shalt  }
0x5e: {  	_ =	shalt  }
0x5f: {  	_ =	shalt  }
0x60: {  	_ =	shalt  }
0x61: {  	_ =	shalt  }
0x62: {  	_ =	shalt  }
0x63: {  	_ =	shalt  }
0x64: {  	_ =	shalt  }
0x65: {  	_ =	shalt  }
0x66: {  	_ =	shalt  }
0x67: {  	_ =	shalt  }
0x68: {  	_ =	shalt  }
0x69: {  	_ =	shalt  }
0x6a: {  	_ =	shalt  }
0x6b: {  	_ =	shalt  }
0x6c: {  	_ =	shalt  }
0x6d: {  	_ =	shalt  }
0x6e: {  	_ =	shalt  }
0x6f: {  	_ =	shalt  }
0x70: {  	_ =	shalt  }
0x71: {  	_ =	shalt  }
0x72: {  	_ =	shalt  }
0x73: {  	_ =	shalt  }
0x74: {  	_ =	shalt  }
0x75: {  	_ =	shalt  }
0x76: {  	_ =	shalt  }
0x77: {  	_ =	shalt  }
0x78: {  	_ =	shalt  }
0x79: {  	_ =	shalt  }
0x7a: {  	_ =	shalt  }
0x7b: {  	_ =	shalt  }
0x7c: {  	_ =	shalt  }
0x7d: {  	_ =	shalt  }
0x7e: {  	_ =	shalt  }
0x7f: {  	_ =	shalt  }
0x80: {  	_ =	shalt  }
0x81: {  	_ =	shalt  }
0x82: {  	_ =	shalt  }
0x83: {  	_ =	shalt  }
0x84: {  	_ =	shalt  }
0x85: {  	_ =	shalt  }
0x86: {  	_ =	shalt  }
0x87: {  	_ =	shalt  }
.Lfunc_end0:
.L_simem_size_0:
called_computation.5_lowered:
.L_overlay_start_0:
0x88: {  	s0 =	sld [smem:$0x3FD9]  }
0x89: {  	s1 =	sld [smem:$0x3FFE];
	_ =	sdelay $0x3  }
0x8a: {  	s0 =	sadd.s32 s1, s0  }
0x8b: {  	[smem:$0x3FC0] =	sst s0  }
0x8c: {  	_ = 	snop  }
0x8d: {  	s0 =	sld [smem:$0x3FD0];
	_ =	sdelay $0x2  }
0x8e: {  	s2 =	simm.s32 $0xF;
	s12 =	simm.s32 $0x10  }
0x8f: {  	[smem:s12], [sflag:s2] =	dma.local [hbm:s0], $0x1  }
0x90: {  	_ =	swait.eq [sflag:s2], $0x1  }
0x91: {  	[sflag:s2] =	ssyncset.done $0x0  }
0x92: {  	s13 =	sld [smem:$0x10];
	[sflag:s2] =	ssyncadd.s32 $0xFFFFFFFF  }
0x93: {  	s14 =	sld [smem:$0x12];
	(tm) =	ssettm $0x1  }
0x94: {  	s15 =	sld [smem:$0x3FFB];
	_ =	sdelay $0x3  }
0x95: {  	_ =	strace s15  }
0x96: {  	s0 =	sld [smem:$0x3FFC];
	_ =	sdelay $0x3  }
0x97: {  	_ =	strace s0  }
0x98: {  	s0 =	sld [smem:$0x3FFD];
	_ =	sdelay $0x3  }
0x99: {  	_ =	strace s0  }
0x9a: {  	_ =	strace $0x8FFFFFFF  }
0x9b: {  	s16 =	sld [smem:$0x3FDB];
	_ =	sdelay $0x1  }
0x9c: {  	s3 =	simm.s32 $_scs_section_size  }
0x9d: {  	s4 =	simm.s32 $_size__tile_overlayer_lowered;
	s5 =	simm.s32 $_tile_overlayer_lowered  }
0x9e: {  	s6 =	simm.s32 $0x1BFF;
	s17 =	sshll.u32 s5, $0x1;
	s3 =	sadd.s32 s3, s16  }
0x9f: {  	s18 =	simm.s32 $0x0;
	s4 =	sshll.u32 s4, $0x1;
	s5 =	sadd.s32 s17, s3  }
0xa0: {  	[timem:s18], [sflag:s6] =	dma.local [hbm:s5], s4  }
0xa1: {  	_ =	swait.ge [sflag:s6], s4  }
0xa2: {  	s4 =	ssub.s32 $0x0, s4;
	[sflag:s6] =	ssyncset.done $0x0  }
0xa3: {  	[sflag:s6] =	ssyncadd.s32 s4;
	_ =	sdelay $0x1  }
0xa4: {  	s19 =	simm.s32 $0x1B8B  }
0xa5: {  	_ =	swait.ge [sflag:s19], $0x1  }
0xa6: {  	[sflag:s19] =	ssyncset.done $0x0  }
0xa7: {  	s21 =	simm.s32 $0x1B8E;
	s20 =	sld [smem:$0x3FFE];
	[sflag:s19] =	ssyncadd.s32 $0xFFFFFFFF  }
0xa8: {  	s22 =	simm.s32 $execute0_lowered;
	[smem:$0x3FD2] =	sst s21  }
0xa9: {  	s5 =	sshll.u32 s22, $0x1;
	_ =	strace $0x80000061;
	[dreg:$0x1] =	wrdreg $0xFFFFFFFF  }
0xaa: {  	s23 =	simm.s32 $_size_execute0_lowered;
	s5 =	sadd.s32 s3, s5;
	[dreg:$0x0] =	wrdreg $0x0  }
0xab: {  	s6 =	sshll.u32 s23, $0x1;
	[dreg:$0x2] =	wrdreg s5  }
0xac: {  	[dreg:$0x3] =	wrdreg s6  }
0xad: {  	[dreg:$0x4] =	wrdreg $0xC0  }
0xae: {  	s24 =	simm.s32 $execute1_lowered;
	_ =	task [dreg:s18], $0x5FFFF  }
0xaf: {  	s5 =	sshll.u32 s24, $0x1;
	[dreg:$0x1] =	wrdreg $0xFFFFFFFF  }
0xb0: {  	s3 =	sadd.s32 s3, s5;
	[dreg:$0x0] =	wrdreg $0x60  }
0xb1: {  	[dreg:$0x2] =	wrdreg s3  }
0xb2: {  	[dreg:$0x3] =	wrdreg s20  }
0xb3: {  	[dreg:$0x4] =	wrdreg s14  }
0xb4: {  	[dreg:$0x5] =	wrdreg $0x9  }
0xb5: {  	_ =	task.clear_ibuf [dreg:s18], $0x6FFFF;
	_ =	strace $0x90000061  }
0xb6: {  	s25 =	simm.s32 $0x9;
	_ =	strace $0x80000063  }
0xb7: {  	_ =	swait.ge [sflag:s25], $0x1  }
0xb8: {  	[sflag:s25] =	ssyncadd.s32 $0xFFFFFFFF  }
0xb9: {  	_ =	strace $0x90000063  }
0xba: {  	_ =	strace $0x80000064;
	[dreg:$0x1] =	wrdreg $0xFFFFFFFF  }
0xbb: {  	[dreg:$0x0] =	wrdreg $0x2030  }
0xbc: {  	[dreg:$0x2] =	wrdreg s14  }
0xbd: {  	[dreg:$0x3] =	wrdreg s13  }
0xbe: {  	[dreg:$0x4] =	wrdreg s20  }
0xbf: {  	[dreg:$0x5] =	wrdreg $0xA  }
0xc0: {  	_ =	task.clear_ibuf [dreg:s18], $0x6FFFF;
	_ =	strace $0x90000064  }
0xc1: {  	s26 =	simm.s32 $0xA;
	_ =	strace $0x80000066  }
0xc2: {  	_ =	swait.ge [sflag:s26], $0x1  }
0xc3: {  	[sflag:s26] =	ssyncadd.s32 $0xFFFFFFFF  }
0xc4: {  	_ =	strace $0x90000066  }
0xc5: {  	_ =	sfence  }
0xc6: {  	s28 =	sld [smem:$0x0];
	_ =	sdelay $0x1  }
0xc7: {  	s29 =	srdreg.scid  }
0xc8: {  	s30 =	sshll.u32 s29, $0xD;
	s31 =	sshrl.u32 s29, $0x2  }
0xc9: {  	s2 =	sand.u32 $0x1, s29;
	s3 =	sand.u32 $0x4000, s30;
	s1 =	sadd.s32 s31, s28  }
0xca: {  	s2 =	sor.u32 s3, s2;
	s1 =	sshll.u32 s1, $0x11  }
0xcb: {  	s1 =	sor.u32 s1, s2  }
0xcc: {  	s1 =	sadd.s32 $0x8F2B, s1  }
0xcd: {  	[sflag:s1] =	ssyncadd.remote.s32 $0x1  }
0xce: {  	_ =	sfence.sel $0xFFFF  }
0xcf: {  	[dreg:$0x0] =	wrdreg $0xFFFFFFFF;
	(pc) =	sbr.abs _section_cstart, $3  }
0xd0: {  	[dreg:$0x1] =	wrdreg $0xFFFFFFFF  }
0xd1: {  	_ =	task.clear_ibuf [dreg:s18], $0x2FFFF;
	_ =	strace $0x9FFFFFFF  }
0xd2: {  	(tm) =	ssettm $0x7FFFFFFF  }
0xd3: {  	_ =	shalt  }
tec
execute0_lowered:
.L_overlay_start_1:
0x0: {  	(tag) =	ssettag $0x1  }
0x1: {  	s4 =	rddreg [dreg:$0x0]  }
0x2: {  	s6 =	rddreg [dreg:$0x1]  }
0x3: {  	s2 =	rddreg [dreg:$0x2]  }
0x4: {  	s0 =	rddreg [dreg:$0x3];
	s3 =	stileid.u32;
	s1 =	simm.s32 $_size_execute1_lowered  }
0x5: {  	[bflag:$0x3] =	sbarrier.arrive $0xFFFF;
	p0 =	sne.s32 s3, $0x0;
	s1 =	sshll.u32 s1, $0x1  }
0x6: {  	s31 =	sshll.u32 s3, $0x3;
	s5 =	simm.s32 @!p0 $0x1C3F;
	s7 =	simm.s32 @!p0 $0x4060  }
0x7: {  	[timem:s7], [sflag:s5] =	dma.local @!p0 [hbm:s4], s1  }
0x8: {  	s7 =	ssub.s32 $0x40, s31  }
0x9: {  	p1 =	sgt.s32 s7, $0x0  }
0xa: {  	s7 =	simm.s32 @!p1 $0x0  }
0xb: {  	s7 =	sand.u32 $0x78, s7  }
0xc: {  	s10 =	simm.s32 $0x3;
	p1 =	sne.s32 s7, $0x0  }
0xd: {  	s10 =	simm.s32 @!p1 $0x2  }
0xe: {  	p3 =	sne.s32 s10, $0x1  }
.Ltmp0:
0xf: {  	s9 =	simm.s32 $0x0;
	s6 =	sadd.s32 s3, s6;
	(pc) =	sbr.rel @!p3 .LBB2_1-.Ltmp0, $4  }
0x10: {  	s8 =	simm.s32 $0x1;
	s13 =	simm.s32 $0xFFFFFFFF;
	s6 =	sadd.s32 $0x1F8600, s6  }
0x11: {  	s4 =	simm.s32 $0x1;
	_ =	strace $0x80000062;
	s7 =	simm.s32 $0x1  }
0x12: {  	s5 =	simm.s32 $0x2;
	[sflag:s4] =	ssyncpa.u1 $0x0;
	s7 =	simm.s32 @!p1 $0x0  }
0x13: {  	[sflag:s5] =	ssyncpa.u1 $0x0;
	p1 =	por $0x0, $0x0;
	p2 =	sle.u32 s7, $0x0  }
0x14: {  	p1 =	sle.u32 s7, $0xFFFFFFFF  }
0x15: {  	s11 =	simm.s32 @!p2 $0x8;
	s12 =	simm.s32 @!p2 $0x0;
	s13 =	simm.s32 @!p1 $0x1  }
0x16: {  	[tilespmem:s11], [sflag:$0x1] =	stream.linear.gather @!p2 [hbm4b:s6+s12], $0x8, $0x38;
	[tilespmem:$0x20] =	vst v63  }
0x17: {  	_ =	swait.ge @!p1 [sflag:s13], $0x8  }
0x18: {  	[sflag:s13] =	ssyncset.done @!p1 $0x0  }
0x19: {  	s9 =	sand.u32 @!p1 $0x8, s9;
	[sflag:s13] =	ssyncadd.s32 @!p1 $0xFFFFFFF8  }
0x1a: {  	v0 =	vld.msk @!p1 [tilespmem:s9+$0x0], $0xff;
	_ =	sdelay $0x2  }
0x1b: {  	p4 =	sne.s32 s10, $0x2  }
.Ltmp1:
0x1c: {  	p3 =	por $0x1, $0x1;
	s9 =	sor.u32 @!p1 $0x10, s9;
	(pc) =	sbr.rel @!p4 .LBB2_4-.Ltmp1, $4  }
0x1d: {  	s11 =	simm.s32 $0x2;
	s12 =	sadd.s32 @!p1 s2, s3;
	s13 =	simm.s32 @!p1 $0x0;
	[tilespmem:s9+$0x0] =	vst.msk @!p1 $0xff, v0  }
0x1e: {  	[hbm4b:s12+s13] =	stream.linear.scatter @!p1 [tilespmem:s9], [sflag:$0x2], $0x8, $0x38;
	[tilespmem:$0x20] =	vst v63  }
0x1f: {  	p2 =	sle.u32 s7, $0x1;
	s12 =	simm.s32 @!p3 $0x2;
	s9 =	simm.s32 $0x8  }
0x20: {  	s13 =	simm.s32 $0x0;
	p1 =	por $0x1, $0x1;
	_ =	swait.ge @!p3 [sflag:s12], $0x8  }
.LBB2_3:
0x21: {  	s14 =	simm.s32 @!p2 $0x8;
	p4 =	sge.u32 s13, s7;
	[sflag:s12] =	ssyncset.done @!p3 $0x0  }
0x22: {  	s13 =	simm.s32 @!p2 $0x0;
	s15 =	simm.s32 @!p4 $0x1;
	[sflag:s12] =	ssyncadd.s32 @!p3 $0xFFFFFFF8  }
0x23: {  	[tilespmem:s14], [sflag:$0x1] =	stream.linear.gather @!p2 [hbm4b:s6+s13], $0x8, $0x38;
	[tilespmem:$0x20] =	vst v63  }
0x24: {  	s13 =	smov.u32 s11;
	s11 =	sadd.s32 $0x1, s11;
	_ =	swait.ge @!p4 [sflag:s15], $0x8  }
0x25: {  	s12 =	sand.u32 @!p4 $0x8, s9;
	p5 =	sne.s32 s11, s10;
	[sflag:s15] =	ssyncset.done @!p4 $0x0  }
0x26: {  	[sflag:s15] =	ssyncadd.s32 @!p4 $0xFFFFFFF8  }
0x27: {  	v0 =	vld.msk @!p4 [tilespmem:s12+$0x0], $0xff;
	_ =	sdelay $0x2  }
.Ltmp2:
0x28: {  	s14 =	sor.u32 @!p4 $0x10, s12;
	(pc) =	sbr.rel @p5 .LBB2_3-.Ltmp2, $4  }
0x29: {  	s16 =	simm.s32 @!p4 $0x0;
	p3 =	slt.u32 s8, $0x2;
	s15 =	sadd.s32 @!p4 s2, s3  }
0x2a: {  	s9 =	sadd.s32 $0x8, s9;
	s8 =	smov.u32 s13;
	s12 =	simm.s32 @!p3 $0x2;
	[tilespmem:s14+$0x0] =	vst.msk @!p4 $0xff, v0  }
0x2b: {  	[hbm4b:s15+s16] =	stream.linear.scatter @!p4 [tilespmem:s14], [sflag:$0x2], $0x8, $0x38;
	[tilespmem:$0x20] =	vst v63  }
0x2c: {  	p2 =	sge.u32 s8, s7;
	s13 =	sadd.s32 $0xFFFFFFFF, s8;
	_ =	swait.ge @!p3 [sflag:s12], $0x8  }
.LBB2_4:
0x2d: {  	p3 =	por p3, !p1  }
0x2e: {  	s10 =	simm.s32 @!p2 $0x8;
	p1 =	sge.u32 s13, s7;
	[sflag:s12] =	ssyncset.done @!p3 $0x0  }
0x2f: {  	s7 =	simm.s32 @!p2 $0x0;
	s11 =	simm.s32 @!p1 $0x1;
	[sflag:s12] =	ssyncadd.s32 @!p3 $0xFFFFFFF8  }
0x30: {  	[tilespmem:s10], [sflag:$0x1] =	stream.linear.gather @!p2 [hbm4b:s6+s7], $0x8, $0x38;
	[tilespmem:$0x20] =	vst v63  }
0x31: {  	_ =	swait.ge @!p1 [sflag:s11], $0x8  }
0x32: {  	[sflag:s11] =	ssyncset.done @!p1 $0x0  }
0x33: {  	s6 =	sand.u32 @!p1 $0x8, s9;
	[sflag:s11] =	ssyncadd.s32 @!p1 $0xFFFFFFF8  }
0x34: {  	v0 =	vld.msk @!p1 [tilespmem:s6+$0x0], $0xff;
	_ =	sdelay $0x3  }
0x35: {  	p2 =	slt.u32 s8, $0x2;
	s6 =	sor.u32 @!p1 $0x10, s6  }
0x36: {  	s2 =	sadd.s32 @!p1 s2, s3;
	s3 =	simm.s32 @!p1 $0x0;
	s7 =	simm.s32 @!p2 $0x2;
	[tilespmem:s6+$0x0] =	vst.msk @!p1 $0xff, v0  }
0x37: {  	[hbm4b:s2+s3] =	stream.linear.scatter @!p1 [tilespmem:s6], [sflag:$0x2], $0x8, $0x38;
	[tilespmem:$0x20] =	vst v63  }
0x38: {  	_ =	swait.ge @!p2 [sflag:s7], $0x8  }
0x39: {  	[sflag:s7] =	ssyncset.done @!p2 $0x0  }
0x3a: {  	[sflag:s7] =	ssyncadd.s32 @!p2 $0xFFFFFFF8  }
0x3b: {  	_ =	sfence.sel $0x180000  }
0x3c: {  	[bflag:$0x0] =	sbarrier.arrive $0xFFFF  }
0x3d: {  	[sflag:s4] =	ssyncpa.u1 $0x1  }
0x3e: {  	[sflag:s5] =	ssyncpa.u1 $0x1  }
0x3f: {  	_ =	strace $0x90000062  }
0x40: {  	s0 =	sadd.s32 @!p0 $0x100000, s0;
	[bflag:$0x2] =	sbarrier.arrive $0xFFFF  }
0x41: {  	[sflag:s0] =	ssyncadd.tile.s32 @!p0 $0x1;
	s0 =	simm.s32 @!p0 $0x3F  }
0x42: {  	_ =	swait.ge @!p0 [sflag:s0], s1  }
0x43: {  	s1 =	ssub.s32 @!p0 $0x0, s1;
	[sflag:s0] =	ssyncset.done @!p0 $0x0  }
0x44: {  	[sflag:s0] =	ssyncadd.s32 @!p0 s1  }
0x45: {  	[bflag:$0x3] =	sbarrier.arrive $0xFFFF  }
0x46: {  	_ =	shalt  }
.LBB2_1:
.Ltmp3:
0x47: {  	(pc) =	sbr.rel .LBB2_4-.Ltmp3, $2  }
0x48: {  	_ =	sdelay $0x2  }
0x49: {  	s8 =	simm.s32 $0x0  }
.Lfunc_end2:
execute1_lowered:
.L_overlay_start_2:
0x4a: {  	(tag) =	ssettag $0x2  }
0x4b: {  	s1 =	rddreg [dreg:$0x0]  }
0x4c: {  	s0 =	rddreg [dreg:$0x2]  }
0x4d: {  	s14 =	stileid.u32;
	_ =	strace $0x80000065;
	s2 =	simm.s32 $0x1  }
0x4e: {  	v1 =	vimm.s32 $0xFFFFFFFF;
	s3 =	smin.u32 s14, $0x9;
	[sflag:s2] =	ssyncpa.u1 $0x0  }
0x4f: {  	s3 =	sadd.s32 s14, s3;
	[tilespmem:$0x10] =	vst v1  }
0x50: {  	v0 =	vimm.f32 $-Inf;
	p0 =	slt.u32 s14, $0x9;
	[tilespmem:$0x20] =	vst v1;
	s4 =	smul.u32 $0xFA0, s3;
	s3 =	simm.s32 $0x1F40  }
0x51: {  	[tilespmem:$0x30] =	vst v0;
	s3 =	simm.s32 @!p0 $0xFA0  }
0x52: {  	[tilespmem:$0x40] =	vst v0;
	s3 =	sadd.s32 s3, s4  }
0x53: {  	[tilespmem:$0x50] =	vst v0;
	s5 =	smin.u32 s3, $0x186A0  }
0x54: {  	s7 =	simm.s32 $0x2;
	s8 =	simm.s32 $0x8;
	[tilespmem:$0x60] =	vst v1;
	s3 =	ssub.s32 s5, s4  }
0x55: {  	s31 =	simm.s32 $0x9;
	s16 =	simm.s32 $0x0;
	[tilespmem:$0x70] =	vst v1;
	p0 =	sgt.s32 s3, $0x0  }
0x56: {  	s17 =	simm.s32 $0xF0;
	s18 =	simm.s32 $0xFFFFFFFF;
	[tilespmem:$0x80] =	vst v1;
	s3 =	simm.s32 @!p0 $0x0  }
0x57: {  	s19 =	simm.s32 $0xFFFFE1C0;
	s20 =	simm.s32 $0xFFFFFFFE;
	v1 =	vimm.s32 $0x0;
	[tilespmem:$0xB0] =	vst v0;
	s6 =	smulhi.u32 $0x10624DD3, s3  }
0x58: {  	s21 =	simm.s32 $0xF;
	s25 =	simm.s32 $0x0;
	s24 =	simm.s32 $0x0;
	[tilespmem:$0x90] =	vst v1  }
0x59: {  	[tilespmem:$0xA0] =	vst v1;
	[sflag:s7] =	ssyncpa.u1 $0x0;
	s7 =	simm.s32 $0x7;
	s9 =	sshrl.u32 s6, $0x8  }
0x5a: {  	s0 =	sadd.s32 $0x1F5400, s0;
	[sflag:s7] =	ssyncpa.u1 $0x0;
	s10 =	smul.u32 $0xFA0, s9  }
.Ltmp4:
0x5b: {  	[dreg:$0x4] =	wrdreg s0;
	[sflag:s8] =	ssyncpa.u1 $0x0;
	(pc) =	sbr.rel .LBB3_1-.Ltmp4, $4  }
0x5c: {  	s23 =	smov.u32 s4;
	[sflag:s31] =	ssyncpa.u1 $0x0;
	p0 =	sne.s32 s3, s10  }
0x5d: {  	s10 =	sshll.u32 s14, $0x1;
	s14 =	sshllo.u32 s14, $0x1;
	s2 =	simm.s32 @!p0 $0x0  }
0x5e: {  	vm0 =	vmmov $0xffff;
	v2 =	vlaneseq.u32;
	vm1 =	vmxor vm1, vm1;
	s13 =	sor.u32 $0x81, s10;
	s15 =	sor.u32 $0x80, s10;
	s9 =	sadd.s32 s2, s9  }
0x5f: {  	vm2 =	vmmov $0x1;
	v3 =	vimm.f32 $0.0e+00;
	vm3 =	vcmask $0x3F3C;
	p0 =	por $0x0, $0x0;
	s11 =	sadd.s32 $0x1, s9;
	s12 =	sadd.s32 $0x2, s9  }
.LBB3_9:
0x60: {  	p1 =	slt.u32 s24, $0x3  }
0x61: {  	s0 =	simm.s32 @!p1 $0x2  }
0x62: {  	_ =	swait.ge @!p1 [sflag:s0], $0xFA0  }
0x63: {  	[sflag:s0] =	ssyncset.done @!p1 $0x0  }
0x64: {  	[sflag:s0] =	ssyncadd.s32 @!p1 $0xFFFFF060;
	s0 =	simm.s32 @!p1 $0x9  }
0x65: {  	_ =	swait.ge @!p1 [sflag:s0], $0x10  }
0x66: {  	[sflag:s0] =	ssyncset.done @!p1 $0x0  }
0x67: {  	[sflag:s0] =	ssyncadd.s32 @!p1 $0xFFFFFFF0;
	p1 =	sne.s32 s24, s12  }
.Ltmp5:
0x68: {  	s2 =	sadd.s32 $0xFA0, s23;
	(pc) =	sbr.rel @!p1 .LBB3_10-.Ltmp5, $4  }
0x69: {  	s3 =	smov.u32 s4;
	s31 =	sadd.s32 $0x1, s24;
	s17 =	sadd.s32 $0xFA0, s17  }
0x6a: {  	s18 =	sadd.s32 $0x1, s18;
	s25 =	smov.u32 s23;
	p2 =	slt.s32 s2, s5  }
0x6b: {  	p0 =	por !p0, !p0;
	s19 =	sadd.s32 $0xFA0, s19;
	s3 =	smov.u32 @p2 s2  }
0x6c: {  	s20 =	sadd.s32 $0x1, s20;
	s23 =	smov.u32 s3;
	s24 =	smov.u32 s31  }
.LBB3_1:
0x6d: {  	p1 =	sge.u32 s24, s9  }
0x6e: {  	s0 =	smulhi.u32 @!p1 $0xAAAAAAAB, s24;
	_ =	sdelay $0x1  }
0x6f: {  	s0 =	sshrl.u32 @!p1 s0, $0x1  }
0x70: {  	s0 =	smul.u32 @!p1 $0x3, s0;
	_ =	sdelay $0x1  }
0x71: {  	s0 =	ssub.s32 @!p1 s24, s0  }
0x72: {  	s0 =	smul.u32 @!p1 $0x3E80, s0;
	_ =	sdelay $0x1  }
0x73: {  	s3 =	rddreg [dreg:$0x1];
	s2 =	sshrl.u32 @!p1 s23, $0x3;
	s0 =	sshrl.u32 @!p1 s0, $0x2  }
0x74: {  	s2 =	sadd.s32 @!p1 s3, s2;
	s3 =	sand.u32 @!p1 $0x7, s23;
	s0 =	sadd.s32 @!p1 $0x100, s0  }
0x75: {  	[tilespmem:s0], [sflag:$0x7] =	stream.linear.gather @!p1 [hbm4b:s2+s3], $0xFA0, $0x38;
	[tilespmem:$0x8DC0] =	vst v63  }
0x76: {  	s0 =	sadd.s32 $0xFFFFFFFF, s24  }
0x77: {  	p1 =	sge.u32 s0, s9  }
.Ltmp6:
0x78: {  	_ = 	snop;
	(pc) =	sbr.rel @p1 .LBB3_5-.Ltmp6, $1  }
0x79: {  	_ =	sdelay $0x3  }
0x7a: {  	s2 =	smulhi.u32 $0xAAAAAAAB, s0;
	_ =	sdelay $0x1  }
0x7b: {  	s2 =	sshrl.u32 s2, $0x1  }
0x7c: {  	s2 =	smul.u32 $0x3, s2;
	_ =	sdelay $0x1  }
0x7d: {  	s2 =	ssub.s32 s0, s2  }
0x7e: {  	s2 =	smul.u32 $0x3E80, s2  }
0x7f: {  	_ =	swait.ge [sflag:s7], $0xFA0  }
0x80: {  	[sflag:s7] =	ssyncset.done $0x0;
	s2 =	sshrl.u32 s2, $0x2  }
0x81: {  	[sflag:s7] =	ssyncadd.s32 $0xFFFFF060;
	(ifvalue) =	ssetifvalue $0xFFFFFFFF;
	v4 =	vld.msk [tilespmem:s2+$0x100 ss:$0x1], $0xffff;
	_ =	sdelay $0x2  }
0x82: {  	s29 =	smulhi.u32 $0xAAAAAAAB, s18;
	p1 =	sne.s32 s24, $0x1  }
0x83: {  	v5 =	vimm.s32 @!p1 $0x0  }
0x84: {  	s2 =	sshrl.u32 s29, $0x1;
	v5 =	vperm.xlane @!p1 v4, v5  }
0x85: {  	s3 =	sshll.u32 s24, $0x4;
	s2 =	smul.u32 $0xFFFF4480, s2;
	vm4 =	vlt.u32 v4, $0x80  }
0x86: {  	s3 =	sand.u32 $0x10, s3;
	v4 =	vnsel vm4, $0xFFFFFFFE, v4;
	vm4 =	vlt.u32 @!p1 v5, $0x80  }
0x87: {  	s2 =	sshra.s32 s2, $0x2;
	[tilespmem:s3+$0x60] =	vst v4;
	v4 =	vnsel @!p1 vm4, $0xFFFFFFFE, v5  }
0x88: {  	s30 =	sadd.s32 s2, s17;
	[tilespmem:$0x80] =	vst @!p1 v4  }
0x89: {  	v4 =	vld.msk [tilespmem:s30+$0x0 ss:$0x1], $0xffff;
	_ =	sdelay $0x4  }
0x8a: {  	(xrf1) =	vunique.msk.u32 $0xffff, v4;
	_ =	sdelay $0xd  }
0x8b: {  	v5 =	vimm.s32 $0xFFFFFFFF;
	v6, _, _ =	vpop (xrf1)  }
0x8c: {  	vm5 =	vne.s32 v4, v5;
	vm4 =	veq.s32 v6, v2  }
0x8d: {  	vm6 =	vlt.u32 v4, $0x80;
	vm4 =	vmand vm5, vm4  }
0x8e: {  	vm4 =	vmand vm6, vm4  }
0x8f: {  	v5 =	vnsel vm4, $0xFFFFFFFF, v4  }
0x90: {  	s31 =	sand.u32 $0x1, s0  }
0x91: {  	s26 =	simm.s32 $0xFA0;
	p1 =	seq.s32 s31, $0x1  }
0x92: {  	s26 =	simm.s32 @!p1 $0x0  }
0x93: {  	s28 =	sadd.s32 $0x3F70, s26;
	(ifvalue) =	ssetifvalue $0xFFFFFFFF  }
0x94: {  	v4 =	vperm.xlane v4, v1;
	[tilespmem:s28], [sflag:$0x8] =	stream.indirect_vreg.gather [hbm4b:s1+s16], $0x1, v5, vm0, $0x4038;
	v5 =	vnsel vm6, $0xFFFFFFFE, v5;
	[tilespmem:$0x8DC0] =	vst v63  }
0x95: {  	s0 =	simm.s32 $0x0;
	s2 =	sadd.s32 $0xFFFFFFF0, s30;
	[tilespmem:s30+$0x0] =	vst v5  }
.LBB3_3:
0x96: {  	v5 =	vld.msk [tilespmem:s2+$0x0 ss:$0x1], $0xffff;
	s0 =	sadd.s32 $0x10, s0;
	v6 =	vmov v4;
	s3 =	smov.u32 s2  }
0x97: {  	p1 =	slt.u32 s0, $0xF90;
	_ =	sdelay $0x4  }
0x98: {  	v4 =	vperm.xlane v5, v1;
	(xrf1) =	vunique.msk.u32 $0xffff, v5;
	_ =	sdelay $0xd  }
0x99: {  	v7, _, _ =	vpop (xrf1)  }
0x9a: {  	vm5 =	vne.s32 v5, v6;
	vm4 =	veq.s32 v7, v2  }
0x9b: {  	vm6 =	vlt.u32 v5, $0x80;
	vm4 =	vmand vm5, vm4  }
0x9c: {  	vm4 =	vmand vm6, vm4  }
0x9d: {  	v5 =	vnsel vm4, $0xFFFFFFFF, v5  }
.Ltmp7:
0x9e: {  	v6 =	vnsel vm6, $0xFFFFFFFE, v5;
	(pc) =	sbr.rel @p1 .LBB3_3-.Ltmp7, $3  }
0x9f: {  	_ =	sdelay $0x1  }
0xa0: {  	s2 =	sadd.s32 $0xFFFFFFF0, s2;
	s28 =	sadd.s32 $0xFFFFFFF0, s28;
	(ifvalue) =	ssetifvalue $0xFFFFFFFF  }
0xa1: {  	[tilespmem:s28], [sflag:$0x8] =	stream.indirect_vreg.gather [hbm4b:s1+s16], $0x1, v5, vm0, $0x4038;
	[tilespmem:s3+$0x0] =	vst v6  }
0xa2: {  	s0 =	sshrl.u32 s25, $0x3;
	s2 =	rddreg [dreg:$0x4]  }
0xa3: {  	s31 =	sadd.s32 $0x4F20, s26;
	s0 =	sadd.s32 s2, s0  }
0xa4: {  	[tilespmem:s31], [sflag:$0x8] =	stream.linear.gather [hbm:s0], $0xFA0, $0x38;
	[tilespmem:$0x8DC0] =	vst v63  }
.LBB3_5:
0xa5: {  	p1 =	slt.u32 s24, $0x2  }
0xa6: {  	p2 =	sge.u32 @!p1 s24, s12  }
0xa7: {  	p1 =	por p1, p2  }
.Ltmp8:
0xa8: {  	_ = 	snop;
	(pc) =	sbr.rel @p1 .LBB3_9-.Ltmp8, $1  }
0xa9: {  	_ =	sdelay $0x3  }
0xaa: {  	s0 =	sadd.s32 $0xFFFFFFFE, s24  }
0xab: {  	s2 =	smulhi.u32 $0xAAAAAAAB, s0;
	_ =	sdelay $0x1  }
0xac: {  	s2 =	sshrl.u32 s2, $0x1  }
0xad: {  	s2 =	smul.u32 $0x3, s2;
	_ =	sdelay $0x1  }
0xae: {  	s0 =	ssub.s32 s0, s2  }
0xaf: {  	_ =	swait.ge [sflag:s8], $0x1F40;
	s0 =	smul.u32 $0xFA0, s0  }
0xb0: {  	p1 =	sne.s32 s24, s11;
	[sflag:s8] =	ssyncset.done $0x0  }
0xb1: {  	[sflag:s8] =	ssyncadd.s32 $0xFFFFE0C0;
	s2 =	sadd.s32 @!p1 $0x109F, s0  }
0xb2: {  	[spmem:s13] =	stream.linear.scatter @!p1 [tilespmem:s2], [sflag:$0x1], $0x1, $0x38;
	[tilespmem:$0x8DC0] =	vst v63  }
0xb3: {  	s2 =	simm.s32 @!p1 $0x1  }
0xb4: {  	_ =	swait.ge @!p1 [sflag:s2], $0x1  }
0xb5: {  	s3 =	sshll.u32 s24, $0x4;
	[sflag:s2] =	ssyncset.done @!p1 $0x0  }
0xb6: {  	s25 =	sand.u32 $0x10, s3;
	[sflag:s2] =	ssyncadd.s32 @!p1 $0xFFFFFFFF  }
0xb7: {  	s2 =	sxor.u32 $0x10, s25;
	v5 =	vld [tilespmem:s25+$0x10]  }
0xb8: {  	v6 =	vld [tilespmem:s2+$0x60]  }
0xb9: {  	v4 =	vld [tilespmem:$0x80];
	_ =	sdelay $0x2  }
0xba: {  	(v2sf) =	vpush v5, $0x0  }
0xbb: {  	(v2sf) =	vpush v6, $0x0  }
0xbc: {  	(v2sf) =	vpush v4, $0x0;
	_ =	sdelay $0xc  }
0xbd: {  	s6 =	spop (v2sf)  }
0xbe: {  	s22 =	spop (v2sf)  }
0xbf: {  	s28 =	spop (v2sf)  }
0xc0: {  	p2 =	seq.s32 s6, s22;
	p3 =	seq.s32 s28, s6  }
0xc1: {  	p3 =	por p2, p3  }
0xc2: {  	s26 =	sand.u32 $0x1, s24;
	v5 =	vpsel p3, $0xFFFFFFFF, v5  }
0xc3: {  	s29 =	smul.u32 $0xFA0, s26;
	[tilespmem:s25+$0x10] =	vst.msk $0x1, v5  }
0xc4: {  	v5 =	vld [tilespmem:$0x30]  }
0xc5: {  	v6 =	vld [tilespmem:s29+$0x4F20]  }
0xc6: {  	v7 =	vld [tilespmem:s25+$0x40];
	_ =	sdelay $0x2  }
0xc7: {  	vm4 =	vmmov vm1  }
0xc8: {  	vm5 =	vmmov vm2;
	s3 =	sshll.u32 s26, $0x4;
	vm4 =	vmmov @p2 vm2;
	v6 =	vmax.f32 v5, v6  }
0xc9: {  	s26 =	sor.u32 $0x8DA0, s3;
	vm5 =	vmmov @p3 vm1;
	v5 =	vmax.f32 v5, v7;
	[tilespmem:s29+$0x4F20] =	vst.msk vm4, v6  }
0xca: {  	[tilespmem:s26+$0x0] =	vst.msk vm5, v5  }
0xcb: {  	v5 =	vld [tilespmem:s29+$0x3F70];
	_ =	sdelay $0x4  }
0xcc: {  	v5 =	vshift.insert v5, v3, s21  }
0xcd: {  	s6 =	sor.u32 $0x40, s2  }
0xce: {  	v6 =	vimm.f32 $-Inf;
	[tilespmem:s6+$0x0] =	vst.msk $0x1, v5  }
0xcf: {  	[tilespmem:s29+$0x3F7F] =	vst.msk $0x1, v6  }
0xd0: {  	v5 =	vld [tilespmem:s0+$0x1090]  }
0xd1: {  	s22 =	smulhi.u32 $0xAAAAAAAB, s20;
	_ =	sdelay $0x1  }
0xd2: {  	s3 =	simm.s32 $0x1;
	s0 =	sshrl.u32 s22, $0x1  }
0xd3: {  	s3 =	simm.s32 @!p0 $0x0;
	s0 =	smul.u32 $0xFFFF4480, s0  }
0xd4: {  	s3 =	smul.u32 $0x3E80, s3;
	v5 =	vshift.insert v5, v1, s21  }
0xd5: {  	s0 =	sshra.s32 s0, $0x2  }
0xd6: {  	s3 =	sshrl.u32 s3, $0x2;
	s22 =	sadd.s32 s0, s19;
	[tilespmem:s2+$0x10] =	vst.msk $0x1, v5  }
0xd7: {  	s2 =	sadd.s32 $0x4F20, s3;
	v7 =	vld [tilespmem:s22+$0x0]  }
0xd8: {  	v8 =	vld [tilespmem:s2+$0x0];
	_ =	sdelay $0x4  }
0xd9: {  	vm4 =	vne.s32 v7, $0xFFFFFFFF;
	v6 =	vmax.f32 v8, v6  }
0xda: {  	(xrf0) =	vmax.seg.scan.f32 vm4, v6  }
0xdb: {  	s6 =	sadd.s32 $0x2FE0, s3;
	v8 =	vld [tilespmem:$0xA0]  }
0xdc: {  	v9 =	vld [tilespmem:s6+$0x0];
	_ =	sdelay $0x1  }
0xdd: {  	v6 =	vperm.xlane v5, v1;
	_ =	sdelay $0x1  }
0xde: {  	vm6 =	veq.s32 v7, v4;
	vm7 =	veq.s32 v7, v6;
	vm5 =	veq.s32 v8, $0x1;
	v8, _, _ =	vpop (xrf0)  }
0xdf: {  	vm8 =	vgt.u32 v7, $0xFFFFFFFD;
	vm7 =	vmor vm7, vm6;
	v9 =	vmax.f32 v8, v9  }
0xe0: {  	s30 =	sadd.s32 $0x6E60, s3;
	v10 =	vld [tilespmem:$0x90];
	vm7 =	vmor vm7, vm8;
	v9 =	vsel vm6, v8, v9  }
0xe1: {  	[tilespmem:s30+$0x0] =	vst v9;
	v9 =	vsel vm7, $0xFFFFFFFF, v7;
	_ =	sdelay $0x1  }
0xe2: {  	vm9 =	vmand vm4, vm3  }
0xe3: {  	s31 =	simm.s32 $0x0;
	s3 =	sadd.s32 $0x10, s6;
	s0 =	sadd.s32 $0x10, s2;
	v11 =	vsel vm9, $0xFF800000, v8  }
0xe4: {  	s2 =	sadd.s32 $0x10, s22;
	s22 =	sadd.s32 $0x10, s30;
	vm4 =	vmor vm5, vm6;
	v7 =	vsel vm6, v8, v10;
	v8 =	vshift.insert v11, v0, s21;
	(ifvalue) =	ssetifvalue $0xFFFFFFFF  }
.LBB3_7:
0xe5: {  	[hbm4b:s1+s16] =	stream.indirect_vreg.scatter [tilespmem:s30], [sflag:$0x2], $0x1, v9, vm0, $0x4038;
	[tilespmem:$0x8DC0] =	vst v63  }
0xe6: {  	s31 =	sadd.s32 $0x10, s31;
	s30 =	smov.u32 s22;
	v9 =	vld [tilespmem:s2+$0x0]  }
0xe7: {  	p2 =	slt.u32 s31, $0xF90;
	v10 =	vld [tilespmem:s0+$0x0];
	_ =	sdelay $0x4  }
0xe8: {  	vm5 =	vne.s32 v9, $0xFFFFFFFF;
	v8 =	vmax.f32 v10, v8  }
0xe9: {  	(xrf0) =	vmax.seg.scan.f32 vm5, v8;
	_ =	sdelay $0x1  }
0xea: {  	v8 =	vld [tilespmem:s3+$0x0]  }
0xeb: {  	vm6 =	veq.s32 v9, v4;
	vm7 =	veq.s32 v9, v6  }
0xec: {  	vm8 =	vgt.u32 v9, $0xFFFFFFFD;
	vm4 =	vmor vm4, vm6;
	vm7 =	vmor vm7, vm6  }
0xed: {  	vm7 =	vmor vm7, vm8  }
.Ltmp9:
0xee: {  	vm5 =	vmand vm5, vm3;
	v9 =	vsel vm7, $0xFFFFFFFF, v9;
	v10, _, _ =	vpop (xrf0);
	(pc) =	sbr.rel @p2 .LBB3_7-.Ltmp9, $4  }
0xef: {  	v7 =	vsel vm6, v10, v7;
	v8 =	vmax.f32 v10, v8;
	v11 =	vsel vm5, $0xFF800000, v10  }
0xf0: {  	v10 =	vsel vm6, v10, v8;
	v8 =	vshift.insert v11, v0, s21  }
0xf1: {  	s2 =	sadd.s32 $0x10, s2;
	s0 =	sadd.s32 $0x10, s0;
	[tilespmem:s22+$0x0] =	vst v10  }
0xf2: {  	s3 =	sadd.s32 $0x10, s3;
	s22 =	sadd.s32 $0x10, s22;
	(ifvalue) =	ssetifvalue $0xFFFFFFFF  }
0xf3: {  	_ =	sdelay $0x3  }
0xf4: {  	[hbm4b:s1+s16] =	stream.indirect_vreg.scatter [tilespmem:s30], [sflag:$0x2], $0x1, v9, vm0, $0x4038;
	[tilespmem:$0x8DC0] =	vst v63  }
0xf5: {  	v4 =	vld [tilespmem:s29+$0x7DF0];
	_ =	sdelay $0x4  }
0xf6: {  	v4 =	vshift.insert v4, v3, s21  }
0xf7: {  	s0 =	simm.s32 $0x30  }
0xf8: {  	[tilespmem:s0+$0x0] =	vst.msk $0x1, v4  }
0xf9: {  	v4 =	vsel vm4, $0x1, v1;
	[tilespmem:$0x90] =	vst v7  }
0xfa: {  	s0 =	sadd.s32 @!p1 $0x7DFF, s29;
	[tilespmem:$0xA0] =	vst v4  }
0xfb: {  	[spmem:s14] =	stream.linear.scatter @!p1 [tilespmem:s0], [sflag:$0x1], $0x1, $0x38;
	[tilespmem:$0x8DC0] =	vst v63  }
0xfc: {  	s0 =	simm.s32 @!p1 $0x1  }
0xfd: {  	v4 =	vmctz.xlane @!p1 vm4;
	_ =	swait.ge @!p1 [sflag:s0], $0x1  }
0xfe: {  	(v2sf) =	vpush @!p1 v5, $0x0  }
0xff: {  	(v2sf) =	vpush @!p1 v4, $0x0;
	_ =	sdelay $0xd  }
0x100: {  	s2 =	spop @!p1 (v2sf)  }
0x101: {  	s3 =	spop @!p1 (v2sf)  }
0x102: {  	p2 =	sne.s32 @!p1 s28, s2;
	p3 =	slt.s32 @!p1 s3, $0xF  }
0x103: {  	[sflag:s0] =	ssyncset.done @!p1 $0x0;
	p2 =	por p2, p1;
	p3 =	por !p3, p1  }
0x104: {  	[sflag:s0] =	ssyncadd.s32 @!p1 $0xFFFFFFFF;
	v4 =	vimm.s32 @!p2 $0xFFFFFFFF;
	s3 =	simm.s32 @p3 $0xF  }
0x105: {  	[tilespmem:$0x80] =	vst @!p2 v4;
	s2 =	sadd.s32 @!p1 $0x90, s3  }
0x106: {  	[spmem:s10] =	stream.linear.scatter @!p1 [tilespmem:s2], [sflag:$0x1], $0x1, $0x38;
	[tilespmem:$0x8DC0] =	vst v63  }
0x107: {  	_ =	swait.ge @!p1 [sflag:s0], $0x1  }
0x108: {  	[sflag:s0] =	ssyncset.done @!p1 $0x0  }
0x109: {  	s2 =	simm.s32 @!p1 $0x80;
	[sflag:s0] =	ssyncadd.s32 @!p1 $0xFFFFFFFF  }
0x10a: {  	[spmem:s15] =	stream.linear.scatter @!p1 [tilespmem:s2], [sflag:$0x1], $0x1, $0x38;
	[tilespmem:$0x8DC0] =	vst v63  }
0x10b: {  	_ =	swait.ge @!p1 [sflag:s0], $0x1  }
0x10c: {  	[sflag:s0] =	ssyncset.done @!p1 $0x0  }
0x10d: {  	[sflag:s0] =	ssyncadd.s32 @!p1 $0xFFFFFFFF;
	(ifvalue) =	ssetifvalue $0xFFFFFFFF;
	v4 =	vld [tilespmem:s25+$0x10];
	_ =	sdelay $0x3  }
.Ltmp10:
0x10e: {  	_ = 	snop;
	(pc) =	sbr.rel .LBB3_9-.Ltmp10, $3  }
0x10f: {  	_ =	sdelay $0x1  }
0x110: {  	(ifvalue) =	ssetifvalue $0xFFFFFFFF  }
0x111: {  	[hbm4b:s1+s16] =	stream.indirect_vreg.scatter [tilespmem:s26], [sflag:$0x9], $0x1, v4, vm0, $0x4038;
	[tilespmem:$0x8DC0] =	vst v63  }
.LBB3_10:
0x112: {  	_ =	sfence.sel $0x180000  }
0x113: {  	s0 =	simm.s32 $0x7;
	[bflag:$0x0] =	sbarrier.arrive $0xFFFF  }
0x114: {  	s26 =	simm.s32 $0x8;
	[sflag:s0] =	ssyncpa.u1 $0x1  }
0x115: {  	s28 =	simm.s32 $0x9;
	[sflag:s26] =	ssyncpa.u1 $0x1  }
0x116: {  	[sflag:s28] =	ssyncpa.u1 $0x1  }
0x117: {  	_ =	sfence.stream.spmem  }
0x118: {  	s29 =	simm.s32 $0x3;
	[bflag:$0x0] =	sbarrier.arrive $0xFFFF  }
0x119: {  	s30 =	simm.s32 $0x4;
	[sflag:s29] =	ssyncpa.u1 $0x1  }
0x11a: {  	s31 =	simm.s32 $0x3C;
	s2 =	stileid.u32;
	[sflag:s30] =	ssyncpa.u1 $0x1  }
0x11b: {  	p0 =	sne.s32 s2, $0x0;
	[sflag:s31] =	ssyncpa.u1 $0x1  }
0x11c: {  	s0 =	simm.s32 @p0 $0x1;
	_ =	sfence @p0  }
0x11d: {  	[sflag:s0] =	ssyncpa.u1 @p0 $0x1;
	s0 =	simm.s32 @p0 $0x2  }
0x11e: {  	[sflag:s0] =	ssyncpa.u1 @p0 $0x1  }
0x11f: {  	_ =	strace @p0 $0x90000065  }
0x120: {  	[bflag:$0x2] =	sbarrier.arrive @p0 $0xFFFF  }
0x121: {  	_ =	shalt @p0  }
.LBB3_11:
0x122: {  	_ =	sfence.stream.spmem;
	s0 =	simm.s32 $0x5  }
0x123: {  	s2 =	simm.s32 $0x80;
	s3 =	simm.s32 $0xC0;
	[sflag:s0] =	ssyncpa.u1 $0x0  }
0x124: {  	[tilespmem:s3], [sflag:$0x5] =	stream.linear.gather [spmem:s2], $0x20, $0x38;
	[tilespmem:$0x8DC0] =	vst v63  }
0x125: {  	s30 =	simm.s32 $0xE0;
	s2 =	simm.s32 $0x0  }
0x126: {  	[tilespmem:s30], [sflag:$0x5] =	stream.linear.gather [spmem:s2], $0x20, $0x38;
	[tilespmem:$0x8DC0] =	vst v63  }
.Ltmp11:
0x127: {  	_ = 	snop;
	(pc) =	sbr.rel .LBB3_12-.Ltmp11, $4  }
0x128: {  	_ =	swait.ge [sflag:s0], $0x40  }
0x129: {  	[sflag:s0] =	ssyncset.done $0x0  }
0x12a: {  	s31 =	simm.s32 $0x6;
	[sflag:s0] =	ssyncadd.s32 $0xFFFFFFC0  }
0x12b: {  	s3 =	simm.s32 $0x0;
	[sflag:s31] =	ssyncpa.u1 $0x0  }
.LBB3_17:
0x12c: {  	p0 =	sgt.u32 s4, $0x7F  }
0x12d: {  	s0 =	sshrl.u32 @!p0 s4, $0x3  }
0x12e: {  	s4 =	sand.u32 @!p0 $0x7, s4;
	s5 =	simm.s32 @!p0 $0xB0;
	s0 =	sadd.s32 @!p0 s1, s0  }
0x12f: {  	[tilespmem:s5], [sflag:$0x6] =	stream.linear.gather @!p0 [hbm4b:s0+s4], $0x1, $0x38;
	[tilespmem:$0x8DC0] =	vst v63  }
0x130: {  	s0 =	simm.s32 @!p0 $0x6  }
0x131: {  	_ =	swait.ge @!p0 [sflag:s0], $0x1  }
0x132: {  	[sflag:s0] =	ssyncset.done @!p0 $0x0  }
0x133: {  	[sflag:s0] =	ssyncadd.s32 @!p0 $0xFFFFFFFF  }
0x134: {  	v1 =	vld.msk @!p0 [tilespmem:$0xB0], $0x1  }
0x135: {  	v2 =	vld.msk @!p0 [tilespmem:s3+$0xE0], $0x1;
	_ =	sdelay $0x4  }
0x136: {  	v1 =	vmax.f32 @!p0 v2, v1  }
0x137: {  	[tilespmem:s3+$0xE0] =	vst.msk @!p0 $0x1, v1  }
0x138: {  	[tilespmem:s2+$0xC0] =	vst.msk $0x1, v0  }
0x139: {  	v0 =	vld.msk [tilespmem:s3+$0xE0], $0x1;
	_ =	sdelay $0x4  }
0x13a: {  	[tilespmem:s2+$0xE0] =	vst.msk $0x1, v0;
	s2 =	sadd.s32 $0x1, s2  }
.LBB3_19:
0x13b: {  	s3 =	sadd.s32 $0x1, s3  }
0x13c: {  	p0 =	sne.s32 s3, $0x20  }
.Ltmp12:
0x13d: {  	_ = 	snop;
	(pc) =	sbr.rel @!p0 .LBB3_20-.Ltmp12, $1  }
0x13e: {  	_ =	sdelay $0x3  }
.LBB3_12:
0x13f: {  	v0 =	vld.msk [tilespmem:s3+$0xC0], $0x1;
	_ =	sdelay $0x4  }
0x140: {  	(v2sf) =	vpush v0, $0x0;
	_ =	sdelay $0xe  }
0x141: {  	s4 =	spop (v2sf)  }
0x142: {  	p0 =	seq.s32 s4, $0xFFFFFFFF  }
.Ltmp13:
0x143: {  	_ = 	snop;
	(pc) =	sbr.rel @p0 .LBB3_19-.Ltmp13, $1  }
0x144: {  	_ =	sdelay $0x3  }
0x145: {  	p0 =	slt.s32 s2, $0x1  }
.Ltmp14:
0x146: {  	_ = 	snop;
	(pc) =	sbr.rel @p0 .LBB3_17-.Ltmp14, $1  }
0x147: {  	_ =	sdelay $0x3  }
0x148: {  	s0 =	simm.s32 $0xC0;
	p0 =	por $0x0, $0x0  }
0x149: {  	v1 =	vld.msk @!p0 [tilespmem:s0+$0x0], $0x1;
	_ =	sdelay $0x4  }
0x14a: {  	(v2sf) =	vpush @!p0 v1, $0x0;
	_ =	sdelay $0xd  }
0x14b: {  	p2 =	sne.s32 s2, $0x1  }
.Ltmp15:
0x14c: {  	s5 =	spop @!p0 (v2sf);
	(pc) =	sbr.rel @!p2 .LBB3_16-.Ltmp15, $4  }
0x14d: {  	p1 =	seq.s32 @!p0 s4, s5  }
0x14e: {  	s5 =	simm.s32 $0x0;
	p1 =	por !p1, p0  }
0x14f: {  	s7 =	simm.s32 $0xFFFFFFFF;
	s5 =	simm.s32 @p1 $0xFFFFFFFF  }
0x150: {  	s6 =	simm.s32 $0x1;
	s5 =	smov.u32 @p0 s7  }
.LBB3_15:
0x151: {  	s7 =	smov.u32 s5;
	p0 =	sne.s32 s5, $0xFFFFFFFF  }
0x152: {  	s0 =	sadd.s32 $0x1, s0;
	s5 =	smov.u32 s6;
	s6 =	sadd.s32 $0x1, s6  }
0x153: {  	p1 =	sne.s32 s2, s6;
	v1 =	vld.msk @!p0 [tilespmem:s0+$0x0], $0x1;
	_ =	sdelay $0x4  }
0x154: {  	(v2sf) =	vpush @!p0 v1, $0x0;
	_ =	sdelay $0xe  }
.Ltmp16:
0x155: {  	s8 =	spop @!p0 (v2sf);
	(pc) =	sbr.rel @p1 .LBB3_15-.Ltmp16, $4  }
0x156: {  	p2 =	seq.s32 @!p0 s4, s8  }
0x157: {  	p2 =	por !p2, p0  }
0x158: {  	s5 =	simm.s32 @p2 $0xFFFFFFFF  }
0x159: {  	s5 =	smov.u32 @p0 s7  }
.LBB3_16:
0x15a: {  	p0 =	sne.s32 s5, $0xFFFFFFFF  }
.Ltmp17:
0x15b: {  	_ = 	snop;
	(pc) =	sbr.rel @!p0 .LBB3_17-.Ltmp17, $1  }
0x15c: {  	_ =	sdelay $0x3  }
0x15d: {  	v0 =	vld.msk [tilespmem:s3+$0xE0], $0x1  }
0x15e: {  	v1 =	vld.msk [tilespmem:s5+$0xE0], $0x1;
	_ =	sdelay $0x1  }
.Ltmp18:
0x15f: {  	_ = 	snop;
	(pc) =	sbr.rel .LBB3_19-.Ltmp18, $3  }
0x160: {  	_ =	sdelay $0x1  }
0x161: {  	v0 =	vmax.f32 v1, v0  }
0x162: {  	[tilespmem:s5+$0xE0] =	vst.msk $0x1, v0  }
.LBB3_20:
0x163: {  	p0 =	slt.s32 s2, $0x1  }
.Ltmp19:
0x164: {  	_ = 	snop;
	(pc) =	sbr.rel @p0 .LBB3_24-.Ltmp19, $3  }
0x165: {  	_ =	sdelay $0x1  }
0x166: {  	s0 =	simm.s32 $0x6  }
0x167: {  	s3 =	simm.s32 $0x0;
	[sflag:s0] =	ssyncpa.u1 $0x1  }
0x168: {  	s0 =	simm.s32 $0xC0  }
0x169: {  	v0 =	vld.msk [tilespmem:s0+$0x0], $0x1;
	_ =	sdelay $0x4  }
0x16a: {  	(v2sf) =	vpush v0, $0x0;
	_ =	sdelay $0xe  }
0x16b: {  	s2 =	sadd.s32 $0xFFFFFFFF, s2;
	s4 =	spop (v2sf)  }
0x16c: {  	p1 =	sne.s32 s2, $0x0;
	p0 =	sgt.u32 s4, $0x7F  }
.Ltmp20:
0x16d: {  	s5 =	sshrl.u32 @!p0 s4, $0x3;
	(pc) =	sbr.rel @!p1 .LBB3_23-.Ltmp20, $4  }
0x16e: {  	s0 =	simm.s32 $0xE0;
	s4 =	sand.u32 @!p0 $0x7, s4;
	s5 =	sadd.s32 @!p0 s1, s5  }
0x16f: {  	[hbm4b:s5+s4] =	stream.linear.scatter @!p0 [tilespmem:s0], [sflag:$0x5], $0x1, $0x38;
	[tilespmem:$0x8DC0] =	vst v63  }
0x170: {  	s5 =	simm.s32 $0x0  }
0x171: {  	s4 =	simm.s32 $0xC1;
	s5 =	simm.s32 @!p0 $0x4  }
.LBB3_22:
0x172: {  	v0 =	vld.msk [tilespmem:s4+$0x0], $0x1;
	s2 =	sadd.s32 $0xFFFFFFFF, s2;
	s3 =	sadd.s32 s3, s5  }
0x173: {  	p0 =	sne.s32 s2, $0x0;
	_ =	sdelay $0x3  }
0x174: {  	(v2sf) =	vpush v0, $0x0;
	_ =	sdelay $0xe  }
.Ltmp21:
0x175: {  	s6 =	spop (v2sf);
	(pc) =	sbr.rel @p0 .LBB3_22-.Ltmp21, $4  }
0x176: {  	s5 =	simm.s32 $0x0;
	p1 =	sgt.u32 s6, $0x7F  }
0x177: {  	s0 =	sadd.s32 $0x1, s0;
	s5 =	simm.s32 @!p1 $0x4;
	s7 =	sshrl.u32 @!p1 s6, $0x3  }
0x178: {  	s4 =	sadd.s32 $0x1, s4;
	s6 =	sand.u32 @!p1 $0x7, s6;
	s7 =	sadd.s32 @!p1 s1, s7  }
0x179: {  	[hbm4b:s7+s6] =	stream.linear.scatter @!p1 [tilespmem:s0], [sflag:$0x5], $0x1, $0x38;
	[tilespmem:$0x8DC0] =	vst v63  }
.LBB3_23:
0x17a: {  	s0 =	sadd.s32 s3, s5  }
0x17b: {  	s3 =	sshrl.u32 s0, $0x2  }
.LBB3_24:
0x17c: {  	s0 =	simm.s32 $0x5  }
0x17d: {  	_ =	swait.ge [sflag:s0], s3  }
0x17e: {  	s1 =	ssub.s32 $0x0, s3;
	[sflag:s0] =	ssyncset.done $0x0  }
0x17f: {  	[sflag:s0] =	ssyncadd.s32 s1  }
0x180: {  	[sflag:s0] =	ssyncpa.u1 $0x1  }
0x181: {  	s29 =	simm.s32 $0x1;
	_ =	sfence  }
0x182: {  	s30 =	simm.s32 $0x2;
	[sflag:s29] =	ssyncpa.u1 $0x1  }
0x183: {  	[sflag:s30] =	ssyncpa.u1 $0x1  }
0x184: {  	_ =	strace $0x90000065  }
0x185: {  	[bflag:$0x2] =	sbarrier.arrive $0xFFFF  }
0x186: {  	s31 =	rddreg [dreg:$0x3]  }
0x187: {  	s0 =	sadd.s32 $0x100000, s31  }
0x188: {  	[sflag:s0] =	ssyncadd.tile.s32 $0x1;
	_ =	shalt  }
.Lfunc_end3:
_tile_overlayer_lowered:
.L_overlay_start_3:
0x189: {  	(tag) =	ssettag $0x3  }
0x18a: {  	s0 =	rddreg [dreg:$0x0];
	s2 =	stileid.u32  }
0x18b: {  	s1 =	rddreg [dreg:$0x1];
	p0 =	sne.s32 s2, $0x0  }
0x18c: {  	s3 =	rddreg [dreg:$0x2];
	[bflag:$0x3] =	sbarrier.arrive $0xFFFF;
	s2 =	simm.s32 @!p0 $0x1C01  }
0x18d: {  	[timem:s3], [sflag:s2] =	dma.local @!p0 [hbm:s0], s1  }
0x18e: {  	s0 =	simm.s32 @!p0 $0x1  }
0x18f: {  	_ =	swait.ge @!p0 [sflag:s0], s1  }
0x190: {  	s1 =	ssub.s32 @!p0 $0x0, s1;
	[sflag:s0] =	ssyncset.done @!p0 $0x0  }
0x191: {  	[sflag:s0] =	ssyncadd.s32 @!p0 s1  }
0x192: {  	[bflag:$0x3] =	sbarrier.arrive $0xFFFF  }
0x193: {  	_ =	shalt  }

// kernel: scatter_offload_async_start.6
scs
__scs_entry_jumppad:
0x0: {  	(pc) =	sbr.rel $0x88, $3  }
0x1: {  	(tag) =	ssettag $0x0;
	lr =	simm.s32 $0x1  }
0x2: {  	[smem:$0x3F99] =	sst lr;
	_ =	strace $0xD0000000  }
0x3: {  	_ = 	snop  }
0x4: {  	_ = 	snop  }
0x5: {  	_ = 	snop  }
0x6: {  	_ = 	snop  }
0x7: {  	_ = 	snop  }
__scs_overlays_trampoline_lowered:
0x8: {  	[smem:$0x3FA8] =	sst s0  }
0x9: {  	[smem:$0x3FA9] =	sst s1  }
0xa: {  	[smem:$0x3FAA] =	sst s2  }
0xb: {  	[smem:$0x3FAB] =	sst s3  }
0xc: {  	[smem:$0x3FAC] =	sst s4  }
0xd: {  	[smem:$0x3FAD] =	sst s5  }
0xe: {  	[smem:$0x3FAE] =	sst s6  }
0xf: {  	[smem:$0x3FAF] =	sst s7  }
0x10: {  	[smem:$0x3FB0] =	sst s8  }
0x11: {  	[smem:$0x3FB1] =	sst s9;
	s0 =	simm.s32 @!p0 $0x0  }
0x12: {  	s1 =	sld [smem:$0x3F97];
	s0 =	simm.s32 @p0 $0x1  }
0x13: {  	[smem:$0x3FB2] =	sst s0;
	s0 =	simm.s32 @!p1 $0x0  }
0x14: {  	s2 =	sld [smem:$0x3F96];
	s0 =	simm.s32 @p1 $0x1  }
0x15: {  	[smem:$0x3FB3] =	sst s0;
	s0 =	simm.s32 @!p2 $0x0  }
0x16: {  	s3 =	sld [smem:$0x3FDB];
	s0 =	simm.s32 @p2 $0x1  }
0x17: {  	s4 =	simm.s32 $0x1BF5;
	[smem:$0x3FB5] =	sst s0  }
0x18: {  	s0 =	sld [smem:$0x3F98];
	_ =	swait.ge [sflag:s4], $0x0  }
0x19: {  	s7 =	sld [smem:$0x3F99]  }
0x1a: {  	s8 =	sadd.s32 $0xFFFFE003, lr  }
0x1b: {  	s9 =	sadd.s32 $0xFFFFFEF7, lr;
	s5 =	simm.s32 $0xFFFFFFFF;
	p2 =	slt.u32 s8, $0xFFFFF086  }
0x1c: {  	p1 =	slt.u32 s9, $0xF7A;
	s5 =	simm.s32 @!p2 $0x0  }
0x1d: {  	s5 =	simm.s32 @p1 $0x1;
	p0 =	seq.s32 s7, s2  }
0x1e: {  	s7 =	smul.u32 @!p0 $0xF7A, s2;
	p2 =	seq.s32 @!p0 s5, $0x0  }
0x1f: {  	s9 =	smul.u32 $0xF7A, s1;
	s8 =	simm.s32 @!p0 $0x1BF5;
	p2 =	por !p2, p0  }
0x20: {  	[sflag:s8] =	ssyncset.s32 @!p0 $0xFFFFF086;
	s6 =	sadd.s32 @!p0 s3, s7;
	s7 =	simm.s32 @!p0 $0x108  }
0x21: {  	s3 =	sadd.s32 s3, s9;
	s6 =	sadd.s32 @!p0 $0x88, s6;
	s7 =	simm.s32 @p2 $0x1082  }
0x22: {  	[simem:s7], [sflag:s8] =	dma.local @!p0 [hbm:s6], $0xF7A  }
0x23: {  	s9 =	sor.u32 $0xD0000000, s2;
	s6 =	simm.s32 $0x108;
	_ =	swait.ge @!p0 [sflag:s8], $0x0  }
0x24: {  	s3 =	sadd.s32 $0x88, s3;
	s6 =	simm.s32 @!p1 $0x1082;
	[sflag:s4] =	ssyncset.s32 $0xFFFFF086  }
0x25: {  	[simem:s6], [sflag:s4] =	dma.local [hbm:s3], $0xF7A  }
0x26: {  	[smem:$0x3F99] =	sst s1;
	(tag) =	ssettag s2;
	_ =	strace s9  }
0x27: {  	s1 =	sld [smem:$0x3FA9]  }
0x28: {  	s2 =	sld [smem:$0x3FAA]  }
0x29: {  	s4 =	sld [smem:$0x3FAC]  }
0x2a: {  	p0 =	seq.s32 s5, $0x0;
	s5 =	sld [smem:$0x3FAD]  }
0x2b: {  	s6 =	sld [smem:$0x3FAE]  }
0x2c: {  	s7 =	sld [smem:$0x3FAF]  }
0x2d: {  	s3 =	simm.s32 $0x108;
	s8 =	sld [smem:$0x3FB0]  }
0x2e: {  	s3 =	simm.s32 @!p0 $0x1082;
	s9 =	sld [smem:$0x3FB1]  }
0x2f: {  	lr =	sadd.s32 s0, s3;
	s0 =	sld [smem:$0x3FA8]  }
0x30: {  	s3 =	sld [smem:$0x3FAB]  }
0x31: {  	[smem:$0x3FB4] =	sst s10  }
0x32: {  	s10 =	sld [smem:$0x3FB2];
	_ =	sdelay $0x3  }
0x33: {  	p0 =	seq.s32 s10, $0x1;
	s10 =	sld [smem:$0x3FB4];
	_ =	sdelay $0x3  }
0x34: {  	[smem:$0x3FB4] =	sst s10  }
0x35: {  	s10 =	sld [smem:$0x3FB3];
	_ =	sdelay $0x3  }
0x36: {  	p1 =	seq.s32 s10, $0x1;
	s10 =	sld [smem:$0x3FB4];
	_ =	sdelay $0x3  }
0x37: {  	[smem:$0x3FB4] =	sst s10  }
0x38: {  	s10 =	sld [smem:$0x3FB5]  }
0x39: {  	_ = 	snop;
	(pc) =	sbr.ind lr, $3  }
0x3a: {  	_ = 	snop  }
0x3b: {  	_ = 	snop  }
0x3c: {  	p2 =	seq.s32 s10, $0x1;
	s10 =	sld [smem:$0x3FB4]  }
0x3d: {  	_ =	shalt  }
0x3e: {  	_ =	shalt  }
0x3f: {  	_ =	shalt  }
0x40: {  	_ =	shalt  }
0x41: {  	_ =	shalt  }
0x42: {  	_ =	shalt  }
0x43: {  	_ =	shalt  }
0x44: {  	_ =	shalt  }
0x45: {  	_ =	shalt  }
0x46: {  	_ =	shalt  }
0x47: {  	_ =	shalt  }
0x48: {  	_ =	shalt  }
0x49: {  	_ =	shalt  }
0x4a: {  	_ =	shalt  }
0x4b: {  	_ =	shalt  }
0x4c: {  	_ =	shalt  }
0x4d: {  	_ =	shalt  }
0x4e: {  	_ =	shalt  }
0x4f: {  	_ =	shalt  }
0x50: {  	_ =	shalt  }
0x51: {  	_ =	shalt  }
0x52: {  	_ =	shalt  }
0x53: {  	_ =	shalt  }
0x54: {  	_ =	shalt  }
0x55: {  	_ =	shalt  }
0x56: {  	_ =	shalt  }
0x57: {  	_ =	shalt  }
0x58: {  	_ =	shalt  }
0x59: {  	_ =	shalt  }
0x5a: {  	_ =	shalt  }
0x5b: {  	_ =	shalt  }
0x5c: {  	_ =	shalt  }
0x5d: {  	_ =	shalt  }
0x5e: {  	_ =	shalt  }
0x5f: {  	_ =	shalt  }
0x60: {  	_ =	shalt  }
0x61: {  	_ =	shalt  }
0x62: {  	_ =	shalt  }
0x63: {  	_ =	shalt  }
0x64: {  	_ =	shalt  }
0x65: {  	_ =	shalt  }
0x66: {  	_ =	shalt  }
0x67: {  	_ =	shalt  }
0x68: {  	_ =	shalt  }
0x69: {  	_ =	shalt  }
0x6a: {  	_ =	shalt  }
0x6b: {  	_ =	shalt  }
0x6c: {  	_ =	shalt  }
0x6d: {  	_ =	shalt  }
0x6e: {  	_ =	shalt  }
0x6f: {  	_ =	shalt  }
0x70: {  	_ =	shalt  }
0x71: {  	_ =	shalt  }
0x72: {  	_ =	shalt  }
0x73: {  	_ =	shalt  }
0x74: {  	_ =	shalt  }
0x75: {  	_ =	shalt  }
0x76: {  	_ =	shalt  }
0x77: {  	_ =	shalt  }
0x78: {  	_ =	shalt  }
0x79: {  	_ =	shalt  }
0x7a: {  	_ =	shalt  }
0x7b: {  	_ =	shalt  }
0x7c: {  	_ =	shalt  }
0x7d: {  	_ =	shalt  }
0x7e: {  	_ =	shalt  }
0x7f: {  	_ =	shalt  }
0x80: {  	_ =	shalt  }
0x81: {  	_ =	shalt  }
0x82: {  	_ =	shalt  }
0x83: {  	_ =	shalt  }
0x84: {  	_ =	shalt  }
0x85: {  	_ =	shalt  }
0x86: {  	_ =	shalt  }
0x87: {  	_ =	shalt  }
.Lfunc_end0:
.L_simem_size_0:
called_computation.6_lowered:
.L_overlay_start_0:
0x88: {  	s0 =	sld [smem:$0x3FD9]  }
0x89: {  	s1 =	sld [smem:$0x3FFE];
	_ =	sdelay $0x3  }
0x8a: {  	s0 =	sadd.s32 s1, s0  }
0x8b: {  	[smem:$0x3FC0] =	sst s0  }
0x8c: {  	_ = 	snop  }
0x8d: {  	(tm) =	ssettm $0x1  }
0x8e: {  	s14 =	sld [smem:$0x3FFB];
	_ =	sdelay $0x3  }
0x8f: {  	_ =	strace s14  }
0x90: {  	s0 =	sld [smem:$0x3FFC];
	_ =	sdelay $0x3  }
0x91: {  	_ =	strace s0  }
0x92: {  	s0 =	sld [smem:$0x3FFD];
	_ =	sdelay $0x3  }
0x93: {  	_ =	strace s0  }
0x94: {  	_ =	strace $0x8FFFFFFF  }
0x95: {  	s15 =	sld [smem:$0x3FDB];
	_ =	sdelay $0x1  }
0x96: {  	s16 =	simm.s32 $_scs_section_size  }
0x97: {  	s2 =	simm.s32 $_size__tile_overlayer_lowered;
	s3 =	simm.s32 $_tile_overlayer_lowered  }
0x98: {  	s4 =	simm.s32 $0x1BFF;
	s17 =	sshll.u32 s3, $0x1;
	s1 =	sadd.s32 s16, s15  }
0x99: {  	s18 =	simm.s32 $0x0;
	s2 =	sshll.u32 s2, $0x1;
	s3 =	sadd.s32 s17, s1  }
0x9a: {  	[timem:s18], [sflag:s4] =	dma.local [hbm:s3], s2  }
0x9b: {  	_ =	swait.ge [sflag:s4], s2  }
0x9c: {  	s2 =	ssub.s32 $0x0, s2;
	[sflag:s4] =	ssyncset.done $0x0  }
0x9d: {  	[sflag:s4] =	ssyncadd.s32 s2;
	_ =	sdelay $0x1  }
0x9e: {  	s19 =	simm.s32 $0x1B8B  }
0x9f: {  	_ =	swait.ge [sflag:s19], $0x1  }
0xa0: {  	[sflag:s19] =	ssyncset.done $0x0  }
0xa1: {  	s21 =	simm.s32 $0x1B8E;
	s20 =	sld [smem:$0x3FFE];
	[sflag:s19] =	ssyncadd.s32 $0xFFFFFFFF  }
0xa2: {  	s22 =	simm.s32 $execute0_lowered;
	[smem:$0x3FD2] =	sst s21  }
0xa3: {  	s3 =	sshll.u32 s22, $0x1;
	_ =	strace $0x8000004F;
	[dreg:$0x1] =	wrdreg $0xFFFFFFFF  }
0xa4: {  	s23 =	simm.s32 $_size_execute0_lowered;
	s3 =	sadd.s32 s1, s3;
	[dreg:$0x0] =	wrdreg $0x0  }
0xa5: {  	s4 =	sshll.u32 s23, $0x1;
	[dreg:$0x2] =	wrdreg s3  }
0xa6: {  	[dreg:$0x3] =	wrdreg s4  }
0xa7: {  	[dreg:$0x4] =	wrdreg $0xC0  }
0xa8: {  	s24 =	simm.s32 $execute1_lowered;
	_ =	task [dreg:s18], $0x5FFFF  }
0xa9: {  	s3 =	sshll.u32 s24, $0x1;
	[dreg:$0x1] =	wrdreg $0xFFFFFFFF  }
0xaa: {  	s1 =	sadd.s32 s1, s3;
	[dreg:$0x0] =	wrdreg $0x60  }
0xab: {  	[dreg:$0x2] =	wrdreg s1  }
0xac: {  	[dreg:$0x3] =	wrdreg s20  }
0xad: {  	[dreg:$0x4] =	wrdreg $0x9  }
0xae: {  	_ =	task.clear_ibuf [dreg:s18], $0x5FFFF;
	_ =	strace $0x9000004F  }
0xaf: {  	s25 =	simm.s32 $0x9;
	_ =	strace $0x80000051  }
0xb0: {  	_ =	swait.ge [sflag:s25], $0x1  }
0xb1: {  	[sflag:s25] =	ssyncadd.s32 $0xFFFFFFFF  }
0xb2: {  	_ =	strace $0x90000051  }
0xb3: {  	_ =	strace $0x80000052;
	[dreg:$0x1] =	wrdreg $0xFFFFFFFF  }
0xb4: {  	[dreg:$0x0] =	wrdreg $0x2030  }
0xb5: {  	[dreg:$0x2] =	wrdreg s20  }
0xb6: {  	[dreg:$0x3] =	wrdreg $0xA  }
0xb7: {  	_ =	task.clear_ibuf [dreg:s18], $0x4FFFF;
	_ =	strace $0x90000052  }
0xb8: {  	s26 =	simm.s32 $0xA;
	_ =	strace $0x80000054  }
0xb9: {  	_ =	swait.ge [sflag:s26], $0x1  }
0xba: {  	[sflag:s26] =	ssyncadd.s32 $0xFFFFFFFF  }
0xbb: {  	_ =	strace $0x90000054  }
0xbc: {  	_ =	sfence  }
0xbd: {  	s28 =	sld [smem:$0x0];
	_ =	sdelay $0x1  }
0xbe: {  	s29 =	srdreg.scid  }
0xbf: {  	s30 =	sshll.u32 s29, $0xD;
	s31 =	sshrl.u32 s29, $0x2  }
0xc0: {  	s2 =	sand.u32 $0x1, s29;
	s3 =	sand.u32 $0x4000, s30;
	s1 =	sadd.s32 s31, s28  }
0xc1: {  	s2 =	sor.u32 s3, s2;
	s1 =	sshll.u32 s1, $0x11  }
0xc2: {  	s1 =	sor.u32 s1, s2  }
0xc3: {  	s1 =	sadd.s32 $0x8F2B, s1  }
0xc4: {  	[sflag:s1] =	ssyncadd.remote.s32 $0x1  }
0xc5: {  	_ =	sfence.sel $0xFFFF  }
0xc6: {  	[dreg:$0x0] =	wrdreg $0xFFFFFFFF;
	(pc) =	sbr.abs _section_cstart, $3  }
0xc7: {  	[dreg:$0x1] =	wrdreg $0xFFFFFFFF  }
0xc8: {  	_ =	task.clear_ibuf [dreg:s18], $0x2FFFF;
	_ =	strace $0x9FFFFFFF  }
0xc9: {  	(tm) =	ssettm $0x7FFFFFFF  }
tec
execute0_lowered:
.L_overlay_start_1:
0x0: {  	(tag) =	ssettag $0x1  }
0x1: {  	s2 =	rddreg [dreg:$0x0]  }
0x2: {  	s5 =	rddreg [dreg:$0x1]  }
0x3: {  	s0 =	rddreg [dreg:$0x2];
	s3 =	stileid.u32  }
0x4: {  	[bflag:$0x3] =	sbarrier.arrive $0xFFFF;
	s1 =	simm.s32 $_size_execute1_lowered;
	s31 =	simm.s32 $0x2  }
0x5: {  	s8 =	simm.s32 $0x0;
	p0 =	sne.s32 s3, $0x0;
	s1 =	sshll.u32 s1, $0x1  }
.Ltmp0:
0x6: {  	s4 =	simm.s32 @!p0 $0x1C3F;
	s6 =	simm.s32 @!p0 $0x4060;
	(pc) =	sbr.rel .LBB2_1-.Ltmp0, $4  }
0x7: {  	[timem:s6], [sflag:s4] =	dma.local @!p0 [hbm:s2], s1  }
0x8: {  	s3 =	smul.u32 $0xC40, s3;
	s4 =	simm.s32 $0x1;
	_ =	strace $0x80000050  }
0x9: {  	s2 =	sadd.s32 $0x253E00, s5;
	s5 =	sadd.s32 $0x257000, s5;
	[sflag:s4] =	ssyncpa.u1 $0x0  }
0xa: {  	s7 =	smov.u32 s3;
	s6 =	simm.s32 $0x0;
	[sflag:s31] =	ssyncpa.u1 $0x0  }
.LBB2_7:
0xb: {  	s10 =	sadd.s32 $0xC400, s7  }
0xc: {  	p1 =	slt.u32 s6, $0x2;
	s6 =	sadd.s32 $0x1, s6;
	p2 =	sgt.s32 s10, $0x1869F  }
0xd: {  	s10 =	smov.u32 @p2 s3;
	p2 =	sne.s32 s6, $0x4  }
.Ltmp1:
0xe: {  	_ = 	snop;
	(pc) =	sbr.rel @!p2 .LBB2_8-.Ltmp1, $4  }
0xf: {  	s9 =	simm.s32 @!p1 $0x2  }
0x10: {  	_ =	swait.ge @!p1 [sflag:s9], $0xC40  }
0x11: {  	[sflag:s9] =	ssyncset.done @!p1 $0x0  }
0x12: {  	s8 =	smov.u32 s7;
	s7 =	smov.u32 s10;
	[sflag:s9] =	ssyncadd.s32 @!p1 $0xFFFFF3C0  }
.LBB2_1:
0x13: {  	p1 =	sgt.u32 s6, $0x1  }
0x14: {  	s9 =	sxor.u32 @!p1 $0x1, s6  }
0x15: {  	s9 =	smul.u32 @!p1 $0x3100, s9  }
0x16: {  	s10 =	sshrl.u32 @!p1 s7, $0x3  }
0x17: {  	s11 =	sand.u32 @!p1 $0x7, s7;
	s10 =	sadd.s32 @!p1 s2, s10;
	s9 =	sshra.s32 @!p1 s9, $0x2  }
0x18: {  	[tilespmem:s9], [sflag:$0x1] =	stream.linear.gather @!p1 [hbm4b:s10+s11], $0xC40, $0x38;
	[tilespmem:$0x3100] =	vst v63  }
0x19: {  	p1 =	seq.s32 s6, $0x0  }
0x1a: {  	p2 =	seq.s32 @!p1 s6, $0x3  }
0x1b: {  	p1 =	por p1, p2  }
.Ltmp2:
0x1c: {  	_ = 	snop;
	(pc) =	sbr.rel @p1 .LBB2_7-.Ltmp2, $1  }
0x1d: {  	_ =	sdelay $0x3  }
0x1e: {  	s9 =	sand.u32 $0x1, s6  }
0x1f: {  	_ =	swait.ge [sflag:s4], $0xC40;
	s11 =	simm.s32 $0xC40;
	p1 =	seq.s32 s9, $0x1  }
0x20: {  	[sflag:s4] =	ssyncset.done $0x0;
	s11 =	simm.s32 @!p1 $0x0  }
0x21: {  	[sflag:s4] =	ssyncadd.s32 $0xFFFFF3C0;
	s13 =	sor.u32 $0x80, s11  }
0x22: {  	v0 =	vld [tilespmem:s13+$0x70]  }
0x23: {  	v1 =	vld [tilespmem:s13+$0xFFFFFF90]  }
0x24: {  	v2 =	vld [tilespmem:s13+$0xFFFFFFA0]  }
0x25: {  	v3 =	vld [tilespmem:s13+$0xFFFFFFB0]  }
0x26: {  	s9 =	sadd.s32 $0x1900, s11;
	v4 =	vld [tilespmem:s13+$0xFFFFFFC0]  }
0x27: {  	v5 =	vld [tilespmem:s13+$0xFFFFFFD0];
	[tilespmem:s9+$0x70] =	vst v0  }
0x28: {  	[tilespmem:s9+$0xFFFFFF90] =	vst v1;
	v0 =	vld [tilespmem:s13+$0xFFFFFFE0]  }
0x29: {  	[tilespmem:s9+$0xFFFFFFA0] =	vst v2;
	v1 =	vld [tilespmem:s13+$0xFFFFFFF0]  }
0x2a: {  	[tilespmem:s9+$0xFFFFFFB0] =	vst v3;
	v2 =	vld [tilespmem:s13+$0x0]  }
0x2b: {  	[tilespmem:s9+$0xFFFFFFC0] =	vst v4;
	v3 =	vld [tilespmem:s13+$0x10]  }
0x2c: {  	[tilespmem:s9+$0xFFFFFFD0] =	vst v5;
	v5 =	vld [tilespmem:s13+$0x20]  }
0x2d: {  	[tilespmem:s9+$0xFFFFFFE0] =	vst v0;
	v0 =	vld [tilespmem:s13+$0x30]  }
0x2e: {  	[tilespmem:s9+$0xFFFFFFF0] =	vst v1;
	v1 =	vld [tilespmem:s13+$0x40]  }
0x2f: {  	[tilespmem:s9+$0x0] =	vst v2;
	v2 =	vld [tilespmem:s13+$0x50]  }
0x30: {  	s12 =	simm.s32 $0x0;
	[tilespmem:s9+$0x10] =	vst v3;
	v3 =	vld [tilespmem:s13+$0x60]  }
0x31: {  	s10 =	sadd.s32 $0x1880, s11;
	s11 =	sshll.u32 s11, $0x2;
	v4 =	vld [tilespmem:s13+$0xFFFFFF80];
	[tilespmem:s9+$0x20] =	vst v5;
	s13 =	sadd.s32 $0x100, s13  }
.LBB2_3:
0x32: {  	v5 =	vld [tilespmem:s13+$0x70];
	s12 =	sadd.s32 $0x100, s12;
	[tilespmem:s9+$0x30] =	vst v0  }
0x33: {  	v0 =	vld [tilespmem:s13+$0xFFFFFF90];
	p1 =	slt.u32 s12, $0xB00;
	[tilespmem:s9+$0x40] =	vst v1  }
0x34: {  	v1 =	vld [tilespmem:s13+$0xFFFFFFA0];
	[tilespmem:s9+$0x50] =	vst v2  }
0x35: {  	v2 =	vld [tilespmem:s13+$0xFFFFFFB0];
	[tilespmem:s9+$0x60] =	vst v3  }
0x36: {  	v3 =	vld [tilespmem:s13+$0xFFFFFFC0];
	[tilespmem:s9+$0xFFFFFF80] =	vst v4;
	s9 =	sadd.s32 $0x100, s9  }
0x37: {  	v4 =	vld [tilespmem:s13+$0xFFFFFFD0];
	[tilespmem:s9+$0x70] =	vst v5  }
0x38: {  	[tilespmem:s9+$0xFFFFFF90] =	vst v0;
	v0 =	vld [tilespmem:s13+$0xFFFFFFE0]  }
0x39: {  	[tilespmem:s9+$0xFFFFFFA0] =	vst v1;
	v1 =	vld [tilespmem:s13+$0xFFFFFFF0]  }
0x3a: {  	[tilespmem:s9+$0xFFFFFFB0] =	vst v2;
	v2 =	vld [tilespmem:s13+$0x0]  }
0x3b: {  	[tilespmem:s9+$0xFFFFFFC0] =	vst v3;
	v3 =	vld [tilespmem:s13+$0x10]  }
0x3c: {  	[tilespmem:s9+$0xFFFFFFD0] =	vst v4;
	v5 =	vld [tilespmem:s13+$0x20]  }
.Ltmp3:
0x3d: {  	[tilespmem:s9+$0xFFFFFFE0] =	vst v0;
	v0 =	vld [tilespmem:s13+$0x30];
	(pc) =	sbr.rel @p1 .LBB2_3-.Ltmp3, $4  }
0x3e: {  	[tilespmem:s9+$0xFFFFFFF0] =	vst v1;
	v1 =	vld [tilespmem:s13+$0x40]  }
0x3f: {  	[tilespmem:s9+$0x0] =	vst v2;
	v2 =	vld [tilespmem:s13+$0x50]  }
0x40: {  	[tilespmem:s9+$0x10] =	vst v3;
	v3 =	vld [tilespmem:s13+$0x60]  }
0x41: {  	v4 =	vld [tilespmem:s13+$0xFFFFFF80];
	[tilespmem:s9+$0x20] =	vst v5;
	s13 =	sadd.s32 $0x100, s13  }
0x42: {  	[tilespmem:s9+$0x30] =	vst v0  }
0x43: {  	[tilespmem:s9+$0x40] =	vst v1  }
0x44: {  	[tilespmem:s9+$0x50] =	vst v2  }
0x45: {  	s11 =	sshrl.u32 s11, $0x2;
	[tilespmem:s9+$0x60] =	vst v3  }
0x46: {  	s12 =	simm.s32 $0xBF0;
	[tilespmem:s9+$0xFFFFFF80] =	vst v4;
	s9 =	sadd.s32 $0x2480, s11;
	s11 =	sadd.s32 $0xC00, s11  }
.LBB2_5:
0x47: {  	s12 =	sadd.s32 $0x10, s12  }
0x48: {  	v0 =	vld [tilespmem:s11+$0x0];
	p1 =	slt.u32 s12, $0xC30  }
.Ltmp4:
0x49: {  	_ = 	snop;
	(pc) =	sbr.rel @p1 .LBB2_5-.Ltmp4, $2  }
0x4a: {  	_ =	sdelay $0x2  }
0x4b: {  	s11 =	sadd.s32 $0x10, s11;
	[tilespmem:s9+$0x0] =	vst v0;
	s9 =	sadd.s32 $0x10, s9  }
.Ltmp5:
0x4c: {  	(pc) =	sbr.rel .LBB2_7-.Ltmp5, $4  }
0x4d: {  	_ = 	snop  }
0x4e: {  	s9 =	sshrl.u32 s8, $0x3  }
0x4f: {  	s31 =	sand.u32 $0x7, s8;
	s9 =	sadd.s32 s5, s9  }
0x50: {  	[hbm4b:s9+s31] =	stream.linear.scatter [tilespmem:s10], [sflag:$0x2], $0xC40, $0x38;
	[tilespmem:$0x3100] =	vst v63  }
.LBB2_8:
0x51: {  	_ =	sfence.sel $0x180000  }
0x52: {  	s2 =	simm.s32 $0x1;
	[bflag:$0x0] =	sbarrier.arrive $0xFFFF  }
0x53: {  	s31 =	simm.s32 $0x2;
	[sflag:s2] =	ssyncpa.u1 $0x1  }
0x54: {  	[sflag:s31] =	ssyncpa.u1 $0x1  }
0x55: {  	_ =	strace $0x90000050  }
0x56: {  	s0 =	sadd.s32 @!p0 $0x100000, s0;
	[bflag:$0x2] =	sbarrier.arrive $0xFFFF  }
0x57: {  	[sflag:s0] =	ssyncadd.tile.s32 @!p0 $0x1;
	s0 =	simm.s32 @!p0 $0x3F  }
0x58: {  	_ =	swait.ge @!p0 [sflag:s0], s1  }
0x59: {  	s1 =	ssub.s32 @!p0 $0x0, s1;
	[sflag:s0] =	ssyncset.done @!p0 $0x0  }
0x5a: {  	[sflag:s0] =	ssyncadd.s32 @!p0 s1  }
0x5b: {  	[bflag:$0x3] =	sbarrier.arrive $0xFFFF  }
0x5c: {  	_ =	shalt  }
.Lfunc_end2:
execute1_lowered:
.L_overlay_start_2:
0x5d: {  	(tag) =	ssettag $0x2  }
0x5e: {  	s8 =	rddreg [dreg:$0x0]  }
0x5f: {  	s0 =	rddreg [dreg:$0x1];
	_ =	strace $0x80000053;
	s2 =	simm.s32 $0x1  }
0x60: {  	v1 =	vimm.s32 $0xFFFFFFFF;
	[sflag:s2] =	ssyncpa.u1 $0x0  }
0x61: {  	[tilespmem:$0x10] =	vst v1  }
0x62: {  	v0 =	vimm.f32 $0.0e+00;
	[tilespmem:$0x20] =	vst v1  }
0x63: {  	[tilespmem:$0x30] =	vst v0  }
0x64: {  	[tilespmem:$0x40] =	vst v0  }
0x65: {  	[tilespmem:$0x50] =	vst v0  }
0x66: {  	s3 =	simm.s32 $0x2;
	s5 =	simm.s32 $0x7;
	[tilespmem:$0x60] =	vst v1  }
0x67: {  	s7 =	simm.s32 $0x8;
	s10 =	simm.s32 $0x9;
	s14 =	simm.s32 $0x0;
	[tilespmem:$0x70] =	vst v1  }
0x68: {  	s15 =	simm.s32 $0xFF;
	p0 =	por $0x0, $0x0;
	s16 =	simm.s32 $0xFFFFC280;
	[tilespmem:$0x80] =	vst v1  }
0x69: {  	s17 =	simm.s32 $0xFFFFFFFE;
	s18 =	simm.s32 $0xF;
	s19 =	simm.s32 $0x30;
	v1 =	vimm.s32 $0x0;
	[tilespmem:$0xB0] =	vst v0  }
0x6a: {  	s22 =	simm.s32 $0x0;
	s20 =	simm.s32 $0x0;
	s1 =	sadd.s32 $0x257000, s8;
	[tilespmem:$0x90] =	vst v1  }
.Ltmp6:
0x6b: {  	[tilespmem:$0xA0] =	vst v1;
	[sflag:s3] =	ssyncpa.u1 $0x0;
	s3 =	stileid.u32;
	(pc) =	sbr.rel .LBB3_1-.Ltmp6, $4  }
0x6c: {  	s4 =	sadd.s32 $0xCCE00, s8;
	s6 =	smul.u32 $0x30D40, s3;
	[sflag:s5] =	ssyncpa.u1 $0x0  }
0x6d: {  	s8 =	sadd.s32 $0x12EA00, s8;
	s12 =	sshllo.u32 s3, $0x1;
	[sflag:s7] =	ssyncpa.u1 $0x0  }
0x6e: {  	vm0 =	vmmov $0xffff;
	v2 =	vlaneseq.u32;
	s9 =	sadd.s32 $0x30D40, s6;
	[sflag:s10] =	ssyncpa.u1 $0x0;
	s10 =	sshll.u32 s3, $0x1  }
0x6f: {  	vm1 =	vmxor vm1, vm1;
	vm2 =	vmmov $0x1;
	vm3 =	vcmask $0x3F3C;
	s21 =	smov.u32 s6;
	s11 =	sor.u32 $0x81, s10;
	s13 =	sor.u32 $0x80, s10  }
.LBB3_10:
0x70: {  	p1 =	slt.u32 s20, $0x3  }
0x71: {  	s22 =	simm.s32 @!p1 $0x2  }
0x72: {  	_ =	swait.ge @!p1 [sflag:s22], $0x1F40  }
0x73: {  	[sflag:s22] =	ssyncset.done @!p1 $0x0  }
0x74: {  	[sflag:s22] =	ssyncadd.s32 @!p1 $0xFFFFE0C0;
	s22 =	simm.s32 @!p1 $0x9  }
0x75: {  	_ =	swait.ge @!p1 [sflag:s22], $0x10  }
0x76: {  	s23 =	sadd.s32 $0x1F40, s21;
	s24 =	smov.u32 s6;
	[sflag:s22] =	ssyncset.done @!p1 $0x0  }
0x77: {  	s20 =	sadd.s32 $0x1, s20;
	[sflag:s22] =	ssyncadd.s32 @!p1 $0xFFFFFFF0;
	p1 =	slt.s32 s23, s9  }
0x78: {  	s24 =	smov.u32 @p1 s23;
	p1 =	sne.s32 s20, $0x1C  }
.Ltmp7:
0x79: {  	_ = 	snop;
	(pc) =	sbr.rel @!p1 .LBB3_11-.Ltmp7, $3  }
0x7a: {  	_ =	sdelay $0x1  }
0x7b: {  	s15 =	sadd.s32 $0x1, s15;
	p0 =	por !p0, !p0;
	s16 =	sadd.s32 $0x1F40, s16  }
0x7c: {  	s17 =	sadd.s32 $0x1, s17;
	s22 =	smov.u32 s21;
	s21 =	smov.u32 s24  }
.LBB3_1:
0x7d: {  	p1 =	sgt.u32 s20, $0x18  }
0x7e: {  	s23 =	smul.u32 @!p1 $0xAB, s20;
	_ =	sdelay $0x1  }
0x7f: {  	s23 =	sshrl.u32 @!p1 s23, $0x9  }
0x80: {  	s23 =	sand.u32 @!p1 $0x7F, s23  }
0x81: {  	s23 =	smul.u32 @!p1 $0x3, s23;
	_ =	sdelay $0x1  }
0x82: {  	s23 =	ssub.s32 @!p1 s20, s23  }
0x83: {  	s23 =	sand.u32 @!p1 $0xFF, s23  }
0x84: {  	s23 =	smul.u32 @!p1 $0x7D00, s23;
	_ =	sdelay $0x1  }
0x85: {  	s24 =	sshrl.u32 @!p1 s21, $0x3;
	s23 =	sshrl.u32 @!p1 s23, $0x2  }
0x86: {  	s25 =	sand.u32 @!p1 $0x7, s21;
	s24 =	sadd.s32 @!p1 s4, s24;
	s23 =	sadd.s32 @!p1 $0x100, s23  }
0x87: {  	[tilespmem:s23], [sflag:$0x7] =	stream.linear.gather @!p1 [hbm4b:s24+s25], $0x1F40, $0x38;
	[tilespmem:$0x11A60] =	vst v63  }
0x88: {  	s23 =	sadd.s32 $0xFFFFFFFF, s20  }
0x89: {  	p1 =	sgt.u32 s23, $0x18  }
.Ltmp8:
0x8a: {  	_ = 	snop;
	(pc) =	sbr.rel @p1 .LBB3_5-.Ltmp8, $1  }
0x8b: {  	_ =	sdelay $0x3  }
0x8c: {  	s24 =	smul.u32 $0xAB, s23;
	_ =	sdelay $0x1  }
0x8d: {  	s24 =	sshrl.u32 s24, $0x9  }
0x8e: {  	s24 =	sand.u32 $0x7F, s24  }
0x8f: {  	s24 =	smul.u32 $0x3, s24;
	_ =	sdelay $0x1  }
0x90: {  	s24 =	ssub.s32 s23, s24  }
0x91: {  	s24 =	sand.u32 $0xFF, s24  }
0x92: {  	s24 =	smul.u32 $0x7D00, s24  }
0x93: {  	_ =	swait.ge [sflag:s5], $0x1F40  }
0x94: {  	[sflag:s5] =	ssyncset.done $0x0;
	s24 =	sshrl.u32 s24, $0x2  }
0x95: {  	[sflag:s5] =	ssyncadd.s32 $0xFFFFE0C0;
	(ifvalue) =	ssetifvalue $0xFFFFFFFF;
	v3 =	vld.msk [tilespmem:s24+$0x100 ss:$0x1], $0xffff  }
0x96: {  	s29 =	sand.u32 $0xFF, s15  }
0x97: {  	s25 =	smulhi.u32 $0x55555556, s29  }
0x98: {  	p1 =	sne.s32 s20, $0x1  }
0x99: {  	v4 =	vimm.s32 @!p1 $0x0;
	s25 =	smul.u32 $0x17700, s25  }
0x9a: {  	s24 =	smul.u32 $0x7D00, s29;
	v4 =	vperm.xlane @!p1 v3, v4  }
0x9b: {  	s26 =	sshll.u32 s20, $0x4;
	vm4 =	vlt.u32 v3, $0x18800  }
0x9c: {  	s30 =	sand.u32 $0x10, s26;
	s24 =	ssub.s32 s24, s25;
	v3 =	vnsel vm4, $0xFFFFFFFE, v3;
	vm4 =	vlt.u32 @!p1 v4, $0x18800  }
0x9d: {  	s24 =	sshra.s32 s24, $0x2;
	[tilespmem:s30+$0x60] =	vst v3;
	v3 =	vnsel @!p1 vm4, $0xFFFFFFFE, v4  }
0x9e: {  	s28 =	sadd.s32 $0x2030, s24;
	[tilespmem:$0x80] =	vst @!p1 v3  }
0x9f: {  	v3 =	vld.msk [tilespmem:s28+$0x0 ss:$0x1], $0xffff;
	_ =	sdelay $0x4  }
0xa0: {  	(xrf1) =	vunique.msk.u32 $0xffff, v3;
	_ =	sdelay $0xd  }
0xa1: {  	v4 =	vimm.s32 $0xFFFFFFFF;
	v5, _, _ =	vpop (xrf1)  }
0xa2: {  	vm5 =	vne.s32 v3, v4;
	vm4 =	veq.s32 v5, v2  }
0xa3: {  	vm6 =	vlt.u32 v3, $0x18800;
	vm4 =	vmand vm5, vm4  }
0xa4: {  	vm4 =	vmand vm6, vm4  }
0xa5: {  	v4 =	vnsel vm4, $0xFFFFFFFF, v3  }
0xa6: {  	s31 =	sand.u32 $0x1, s23  }
0xa7: {  	s23 =	simm.s32 $0x1F40;
	p1 =	seq.s32 s31, $0x1  }
0xa8: {  	s23 =	simm.s32 @!p1 $0x0  }
0xa9: {  	s24 =	sadd.s32 $0x7DF0, s23;
	(ifvalue) =	ssetifvalue $0xFFFFFFFF  }
0xaa: {  	v3 =	vperm.xlane v3, v1;
	[tilespmem:s24], [sflag:$0x8] =	stream.indirect_vreg.gather [hbm4b:s1+s14], $0x1, v4, vm0, $0x4038;
	v4 =	vnsel vm6, $0xFFFFFFFE, v4;
	[tilespmem:$0x11A60] =	vst v63  }
0xab: {  	s25 =	simm.s32 $0x0;
	s26 =	sadd.s32 $0xFFFFFFF0, s28;
	[tilespmem:s28+$0x0] =	vst v4  }
.LBB3_3:
0xac: {  	v4 =	vld.msk [tilespmem:s26+$0x0 ss:$0x1], $0xffff;
	s25 =	sadd.s32 $0x10, s25;
	v5 =	vmov v3;
	s28 =	smov.u32 s26  }
0xad: {  	p1 =	slt.u32 s25, $0x1F30;
	_ =	sdelay $0x4  }
0xae: {  	v3 =	vperm.xlane v4, v1;
	(xrf1) =	vunique.msk.u32 $0xffff, v4;
	_ =	sdelay $0xd  }
0xaf: {  	v6, _, _ =	vpop (xrf1)  }
0xb0: {  	vm5 =	vne.s32 v4, v5;
	vm4 =	veq.s32 v6, v2  }
0xb1: {  	vm6 =	vlt.u32 v4, $0x18800;
	vm4 =	vmand vm5, vm4  }
0xb2: {  	vm4 =	vmand vm6, vm4  }
0xb3: {  	v4 =	vnsel vm4, $0xFFFFFFFF, v4  }
.Ltmp9:
0xb4: {  	v5 =	vnsel vm6, $0xFFFFFFFE, v4;
	(pc) =	sbr.rel @p1 .LBB3_3-.Ltmp9, $3  }
0xb5: {  	_ =	sdelay $0x1  }
0xb6: {  	s26 =	sadd.s32 $0xFFFFFFF0, s26;
	s24 =	sadd.s32 $0xFFFFFFF0, s24;
	(ifvalue) =	ssetifvalue $0xFFFFFFFF  }
0xb7: {  	[tilespmem:s24], [sflag:$0x8] =	stream.indirect_vreg.gather [hbm4b:s1+s14], $0x1, v4, vm0, $0x4038;
	[tilespmem:s28+$0x0] =	vst v5  }
0xb8: {  	s22 =	sshrl.u32 s22, $0x3  }
0xb9: {  	s23 =	sadd.s32 $0x9D40, s23;
	s22 =	sadd.s32 s8, s22  }
0xba: {  	[tilespmem:s23], [sflag:$0x8] =	stream.linear.gather [hbm:s22], $0x1F40, $0x38;
	[tilespmem:$0x11A60] =	vst v63  }
.LBB3_5:
0xbb: {  	p1 =	sgt.u32 s20, $0x1B  }
.Ltmp10:
0xbc: {  	_ = 	snop;
	(pc) =	sbr.rel @p1 .LBB3_7-.Ltmp10, $1  }
0xbd: {  	_ =	sdelay $0x3  }
0xbe: {  	s22 =	sshll.u32 s2, s20  }
0xbf: {  	s22 =	sand.u32 $0x8000003, s22  }
0xc0: {  	p1 =	sne.s32 s22, $0x0  }
.Ltmp11:
0xc1: {  	_ = 	snop;
	(pc) =	sbr.rel @p1 .LBB3_10-.Ltmp11, $1  }
0xc2: {  	_ =	sdelay $0x3  }
.LBB3_7:
0xc3: {  	s22 =	sadd.s32 $0xFFFFFFFE, s20  }
0xc4: {  	s23 =	smulhi.u32 $0xAAAAAAAB, s22;
	_ =	sdelay $0x1  }
0xc5: {  	s23 =	sshrl.u32 s23, $0x1  }
0xc6: {  	s23 =	smul.u32 $0x3, s23;
	_ =	sdelay $0x1  }
0xc7: {  	s22 =	ssub.s32 s22, s23  }
0xc8: {  	_ =	swait.ge [sflag:s7], $0x3E80;
	s26 =	smul.u32 $0x1F40, s22  }
0xc9: {  	p1 =	sne.s32 s20, $0x1A;
	[sflag:s7] =	ssyncset.done $0x0  }
0xca: {  	[sflag:s7] =	ssyncadd.s32 $0xFFFFC180;
	s22 =	sadd.s32 @!p1 $0x203F, s26  }
0xcb: {  	[spmem:s11] =	stream.linear.scatter @!p1 [tilespmem:s22], [sflag:$0x1], $0x1, $0x38;
	[tilespmem:$0x11A60] =	vst v63  }
0xcc: {  	s22 =	simm.s32 @!p1 $0x1  }
0xcd: {  	_ =	swait.ge @!p1 [sflag:s22], $0x1  }
0xce: {  	s25 =	sshll.u32 s20, $0x4;
	[sflag:s22] =	ssyncset.done @!p1 $0x0  }
0xcf: {  	[sflag:s22] =	ssyncadd.s32 @!p1 $0xFFFFFFFF;
	s22 =	sand.u32 $0x10, s25  }
0xd0: {  	v4 =	vld [tilespmem:s22+$0x10];
	s28 =	sxor.u32 $0x10, s22  }
0xd1: {  	v5 =	vld [tilespmem:s28+$0x60]  }
0xd2: {  	v3 =	vld [tilespmem:$0x80];
	_ =	sdelay $0x2  }
0xd3: {  	(v2sf) =	vpush v4, $0x0  }
0xd4: {  	(v2sf) =	vpush v5, $0x0  }
0xd5: {  	(v2sf) =	vpush v3, $0x0;
	_ =	sdelay $0xc  }
0xd6: {  	s23 =	spop (v2sf)  }
0xd7: {  	s25 =	spop (v2sf)  }
0xd8: {  	s24 =	spop (v2sf)  }
0xd9: {  	p2 =	seq.s32 s23, s25;
	p3 =	seq.s32 s24, s23  }
0xda: {  	p3 =	por p2, p3  }
0xdb: {  	s23 =	sand.u32 $0x1, s20;
	v4 =	vpsel p3, $0xFFFFFFFF, v4  }
0xdc: {  	s25 =	smul.u32 $0x1F40, s23;
	[tilespmem:s22+$0x10] =	vst.msk $0x1, v4  }
0xdd: {  	v4 =	vld [tilespmem:$0x30]  }
0xde: {  	v5 =	vld [tilespmem:s25+$0x9D40]  }
0xdf: {  	v6 =	vld [tilespmem:s22+$0x40];
	_ =	sdelay $0x3  }
0xe0: {  	vm4 =	vmmov vm1;
	v5 =	vadd.f32 v5, v4  }
0xe1: {  	vm5 =	vmmov vm2;
	vm4 =	vmmov @p2 vm2;
	s23 =	sshll.u32 s23, $0x4;
	v4 =	vadd.f32 v6, v4  }
0xe2: {  	vm5 =	vmmov @p3 vm1;
	s23 =	sor.u32 $0x11A40, s23;
	[tilespmem:s25+$0x9D40] =	vst.msk vm4, v5  }
0xe3: {  	[tilespmem:s23+$0x0] =	vst.msk vm5, v4  }
0xe4: {  	v4 =	vld [tilespmem:s25+$0x7DF0];
	_ =	sdelay $0x3  }
0xe5: {  	v5 =	vimm.f32 $0.0e+00  }
0xe6: {  	v4 =	vshift.insert v4, v5, s18  }
0xe7: {  	s29 =	sor.u32 $0x40, s28  }
0xe8: {  	[tilespmem:s29+$0x0] =	vst.msk $0x1, v4  }
0xe9: {  	[tilespmem:s25+$0x7DFF] =	vst.msk $0x1, v5  }
0xea: {  	v4 =	vld [tilespmem:s26+$0x2030];
	_ =	sdelay $0x1  }
0xeb: {  	s29 =	smulhi.u32 $0xAAAAAAAB, s17;
	s26 =	simm.s32 $0x1  }
0xec: {  	s26 =	simm.s32 @!p0 $0x0  }
0xed: {  	s29 =	sshrl.u32 s29, $0x1;
	s26 =	smul.u32 $0x7D00, s26  }
0xee: {  	s29 =	smul.u32 $0xFFFE8900, s29;
	v4 =	vshift.insert v4, v1, s18  }
0xef: {  	s30 =	sshrl.u32 s26, $0x2  }
0xf0: {  	s29 =	sshra.s32 s29, $0x2;
	s26 =	sadd.s32 $0x9D40, s30;
	[tilespmem:s28+$0x10] =	vst.msk $0x1, v4  }
0xf1: {  	s31 =	sadd.s32 s29, s16;
	v6 =	vld [tilespmem:s26+$0x0]  }
0xf2: {  	v7 =	vld [tilespmem:s31+$0x0];
	_ =	sdelay $0x3  }
0xf3: {  	v5 =	vadd.f32 v6, v5  }
0xf4: {  	vm4 =	vne.s32 v7, $0xFFFFFFFF  }
0xf5: {  	(xrf2) =	vadd.seg.scan.f32 vm4, v5;
	_ =	sdelay $0x3  }
0xf6: {  	s28 =	sadd.s32 $0x5EC0, s30;
	v5 =	vperm.xlane v4, v1  }
0xf7: {  	v6 =	vld [tilespmem:s28+$0x0]  }
0xf8: {  	vm5 =	veq.s32 v7, v3;
	vm6 =	veq.s32 v7, v5  }
0xf9: {  	vm7 =	vgt.u32 v7, $0xFFFFFFFD;
	vm6 =	vmor vm6, vm5  }
0xfa: {  	vm6 =	vmor vm6, vm7  }
0xfb: {  	v9 =	vld [tilespmem:$0xA0];
	v7 =	vsel vm6, $0xFFFFFFFF, v7  }
0xfc: {  	v10 =	vld [tilespmem:$0x90];
	v6 =	vsel vm5, $0x0, v6;
	v8, _, _ =	vpop (xrf2)  }
0xfd: {  	v6 =	vadd.f32 v8, v6  }
0xfe: {  	s29 =	sadd.s32 $0xDBC0, s30  }
0xff: {  	vm4 =	vmand vm4, vm3;
	[tilespmem:s29+$0x0] =	vst v6;
	(ifvalue) =	ssetifvalue $0xFFFFFFFF  }
0x100: {  	vm6 =	veq.s32 v9, $0x1;
	[hbm4b:s1+s14] =	stream.indirect_vreg.scatter [tilespmem:s29], [sflag:$0x2], $0x1, v7, vm0, $0x4038;
	v7 =	vsel vm4, $0x0, v8;
	[tilespmem:$0x11A60] =	vst v63  }
0x101: {  	s30 =	simm.s32 $0x0;
	s31 =	sadd.s32 $0x10, s31;
	vm4 =	vmor vm6, vm5;
	v6 =	vsel vm5, v8, v10;
	v7 =	vshift.insert v7, v0, s18  }
.LBB3_8:
0x102: {  	v8 =	vld [tilespmem:s31+$0x0];
	s26 =	sadd.s32 $0x10, s26  }
0x103: {  	s28 =	sadd.s32 $0x10, s28;
	v9 =	vld [tilespmem:s26+$0x0]  }
0x104: {  	s30 =	sadd.s32 $0x10, s30;
	v10 =	vld [tilespmem:s28+$0x0]  }
0x105: {  	p2 =	slt.u32 s30, $0x1F30;
	_ =	sdelay $0x2  }
0x106: {  	v7 =	vadd.f32 v9, v7  }
0x107: {  	vm5 =	vne.s32 v8, $0xFFFFFFFF  }
0x108: {  	vm6 =	vmand vm5, vm3;
	(xrf2) =	vadd.seg.scan.f32 vm5, v7;
	_ =	sdelay $0x5  }
0x109: {  	vm7 =	veq.s32 v8, v5;
	vm5 =	veq.s32 v8, v3  }
0x10a: {  	vm8 =	vgt.u32 v8, $0xFFFFFFFD;
	vm4 =	vmor vm4, vm5;
	vm7 =	vmor vm7, vm5  }
0x10b: {  	vm7 =	vmor vm7, vm8  }
0x10c: {  	v8 =	vsel vm7, $0xFFFFFFFF, v8  }
.Ltmp12:
0x10d: {  	v7 =	vsel vm5, $0x0, v10;
	v9, _, _ =	vpop (xrf2);
	(pc) =	sbr.rel @p2 .LBB3_8-.Ltmp12, $4  }
0x10e: {  	v6 =	vsel vm5, v9, v6;
	v10 =	vadd.f32 v9, v7;
	v7 =	vsel vm6, $0x0, v9  }
0x10f: {  	s29 =	sadd.s32 $0x10, s29;
	v7 =	vshift.insert v7, v0, s18  }
0x110: {  	s31 =	sadd.s32 $0x10, s31;
	[tilespmem:s29+$0x0] =	vst v10;
	(ifvalue) =	ssetifvalue $0xFFFFFFFF  }
0x111: {  	[hbm4b:s1+s14] =	stream.indirect_vreg.scatter [tilespmem:s29], [sflag:$0x2], $0x1, v8, vm0, $0x4038;
	[tilespmem:$0x11A60] =	vst v63  }
0x112: {  	v3 =	vld [tilespmem:s25+$0xFAF0];
	_ =	sdelay $0x4  }
0x113: {  	v3 =	vshift.insert v3, v0, s18;
	_ =	sdelay $0x1  }
0x114: {  	[tilespmem:s19+$0x0] =	vst.msk $0x1, v3  }
0x115: {  	v3 =	vsel vm4, $0x1, v1;
	[tilespmem:$0x90] =	vst v6  }
0x116: {  	s25 =	sadd.s32 @!p1 $0xFAFF, s25;
	[tilespmem:$0xA0] =	vst v3  }
0x117: {  	[spmem:s12] =	stream.linear.scatter @!p1 [tilespmem:s25], [sflag:$0x1], $0x1, $0x38;
	[tilespmem:$0x11A60] =	vst v63  }
0x118: {  	s25 =	simm.s32 @!p1 $0x1  }
0x119: {  	v3 =	vmctz.xlane @!p1 vm4;
	_ =	swait.ge @!p1 [sflag:s25], $0x1  }
0x11a: {  	(v2sf) =	vpush @!p1 v4, $0x0  }
0x11b: {  	(v2sf) =	vpush @!p1 v3, $0x0;
	_ =	sdelay $0xd  }
0x11c: {  	s26 =	spop @!p1 (v2sf)  }
0x11d: {  	s28 =	spop @!p1 (v2sf)  }
0x11e: {  	p2 =	sne.s32 @!p1 s24, s26;
	p3 =	slt.s32 @!p1 s28, $0xF  }
0x11f: {  	[sflag:s25] =	ssyncset.done @!p1 $0x0;
	p2 =	por p2, p1;
	p3 =	por !p3, p1  }
0x120: {  	[sflag:s25] =	ssyncadd.s32 @!p1 $0xFFFFFFFF;
	v3 =	vimm.s32 @!p2 $0xFFFFFFFF;
	s28 =	simm.s32 @p3 $0xF  }
0x121: {  	[tilespmem:$0x80] =	vst @!p2 v3;
	s24 =	sadd.s32 @!p1 $0x90, s28  }
0x122: {  	[spmem:s10] =	stream.linear.scatter @!p1 [tilespmem:s24], [sflag:$0x1], $0x1, $0x38;
	[tilespmem:$0x11A60] =	vst v63  }
0x123: {  	_ =	swait.ge @!p1 [sflag:s25], $0x1  }
0x124: {  	[sflag:s25] =	ssyncset.done @!p1 $0x0  }
0x125: {  	s24 =	simm.s32 @!p1 $0x80;
	[sflag:s25] =	ssyncadd.s32 @!p1 $0xFFFFFFFF  }
0x126: {  	[spmem:s13] =	stream.linear.scatter @!p1 [tilespmem:s24], [sflag:$0x1], $0x1, $0x38;
	[tilespmem:$0x11A60] =	vst v63  }
0x127: {  	_ =	swait.ge @!p1 [sflag:s25], $0x1  }
0x128: {  	[sflag:s25] =	ssyncset.done @!p1 $0x0  }
0x129: {  	[sflag:s25] =	ssyncadd.s32 @!p1 $0xFFFFFFFF;
	(ifvalue) =	ssetifvalue $0xFFFFFFFF;
	v3 =	vld [tilespmem:s22+$0x10];
	_ =	sdelay $0x3  }
.Ltmp13:
0x12a: {  	_ = 	snop;
	(pc) =	sbr.rel .LBB3_10-.Ltmp13, $3  }
0x12b: {  	_ =	sdelay $0x1  }
0x12c: {  	(ifvalue) =	ssetifvalue $0xFFFFFFFF  }
0x12d: {  	[hbm4b:s1+s14] =	stream.indirect_vreg.scatter [tilespmem:s23], [sflag:$0x9], $0x1, v3, vm0, $0x4038;
	[tilespmem:$0x11A60] =	vst v63  }
.LBB3_11:
0x12e: {  	_ =	sfence.sel $0x180000  }
0x12f: {  	s2 =	simm.s32 $0x7;
	[bflag:$0x0] =	sbarrier.arrive $0xFFFF  }
0x130: {  	s26 =	simm.s32 $0x8;
	[sflag:s2] =	ssyncpa.u1 $0x1  }
0x131: {  	s28 =	simm.s32 $0x9;
	[sflag:s26] =	ssyncpa.u1 $0x1  }
0x132: {  	[sflag:s28] =	ssyncpa.u1 $0x1  }
0x133: {  	_ =	sfence.stream.spmem  }
0x134: {  	s29 =	simm.s32 $0x3;
	[bflag:$0x0] =	sbarrier.arrive $0xFFFF  }
0x135: {  	s30 =	simm.s32 $0x4;
	[sflag:s29] =	ssyncpa.u1 $0x1  }
0x136: {  	s31 =	simm.s32 $0x3C;
	[sflag:s30] =	ssyncpa.u1 $0x1  }
0x137: {  	p0 =	sne.s32 s3, $0x0;
	[sflag:s31] =	ssyncpa.u1 $0x1  }
0x138: {  	s0 =	simm.s32 @p0 $0x1;
	_ =	sfence @p0  }
0x139: {  	[sflag:s0] =	ssyncpa.u1 @p0 $0x1;
	s0 =	simm.s32 @p0 $0x2  }
0x13a: {  	[sflag:s0] =	ssyncpa.u1 @p0 $0x1  }
0x13b: {  	_ =	strace @p0 $0x90000053  }
0x13c: {  	[bflag:$0x2] =	sbarrier.arrive @p0 $0xFFFF  }
0x13d: {  	_ =	shalt @p0  }
.LBB3_12:
0x13e: {  	_ =	sfence.stream.spmem;
	s4 =	simm.s32 $0x5  }
0x13f: {  	s2 =	simm.s32 $0x80;
	s3 =	simm.s32 $0xC0;
	[sflag:s4] =	ssyncpa.u1 $0x0  }
0x140: {  	[tilespmem:s3], [sflag:$0x5] =	stream.linear.gather [spmem:s2], $0x20, $0x38;
	[tilespmem:$0x11A60] =	vst v63  }
0x141: {  	s2 =	simm.s32 $0x0;
	s3 =	simm.s32 $0xE0  }
0x142: {  	[tilespmem:s3], [sflag:$0x5] =	stream.linear.gather [spmem:s2], $0x20, $0x38;
	[tilespmem:$0x11A60] =	vst v63  }
.Ltmp14:
0x143: {  	_ = 	snop;
	(pc) =	sbr.rel .LBB3_13-.Ltmp14, $4  }
0x144: {  	_ =	swait.ge [sflag:s4], $0x40  }
0x145: {  	[sflag:s4] =	ssyncset.done $0x0  }
0x146: {  	s31 =	simm.s32 $0x6;
	[sflag:s4] =	ssyncadd.s32 $0xFFFFFFC0  }
0x147: {  	s4 =	simm.s32 $0x0;
	[sflag:s31] =	ssyncpa.u1 $0x0  }
.LBB3_18:
0x148: {  	p0 =	sgt.u32 s5, $0x187FF  }
0x149: {  	s6 =	sshrl.u32 @!p0 s5, $0x3  }
0x14a: {  	s5 =	sand.u32 @!p0 $0x7, s5;
	s7 =	simm.s32 @!p0 $0xB0;
	s6 =	sadd.s32 @!p0 s1, s6  }
0x14b: {  	[tilespmem:s7], [sflag:$0x6] =	stream.linear.gather @!p0 [hbm4b:s6+s5], $0x1, $0x38;
	[tilespmem:$0x11A60] =	vst v63  }
0x14c: {  	s5 =	simm.s32 @!p0 $0x6  }
0x14d: {  	_ =	swait.ge @!p0 [sflag:s5], $0x1  }
0x14e: {  	[sflag:s5] =	ssyncset.done @!p0 $0x0  }
0x14f: {  	[sflag:s5] =	ssyncadd.s32 @!p0 $0xFFFFFFFF  }
0x150: {  	v2 =	vmov @!p0 s4;
	v1 =	vld.msk @!p0 [tilespmem:$0xB0], $0x1;
	_ =	sdelay $0x3  }
0x151: {  	s5 =	simm.s32 @!p0 $0xE0  }
0x152: {  	[tilespmem:v2+s5+$0x0], v1 =	vst.idx.ret.add.f32.msk @!p0 $0x1, v1  }
0x153: {  	[tilespmem:s2+$0xC0] =	vst.msk $0x1, v0  }
0x154: {  	v0 =	vld.msk [tilespmem:s4+$0xE0], $0x1;
	_ =	sdelay $0x4  }
0x155: {  	[tilespmem:s2+$0xE0] =	vst.msk $0x1, v0;
	s2 =	sadd.s32 $0x1, s2  }
.LBB3_20:
0x156: {  	s4 =	sadd.s32 $0x1, s4  }
0x157: {  	p0 =	sne.s32 s4, $0x20  }
.Ltmp15:
0x158: {  	_ = 	snop;
	(pc) =	sbr.rel @!p0 .LBB3_21-.Ltmp15, $1  }
0x159: {  	_ =	sdelay $0x3  }
.LBB3_13:
0x15a: {  	v0 =	vld.msk [tilespmem:s4+$0xC0], $0x1;
	_ =	sdelay $0x4  }
0x15b: {  	(v2sf) =	vpush v0, $0x0;
	_ =	sdelay $0xe  }
0x15c: {  	s5 =	spop (v2sf)  }
0x15d: {  	p0 =	seq.s32 s5, $0xFFFFFFFF  }
.Ltmp16:
0x15e: {  	_ = 	snop;
	(pc) =	sbr.rel @p0 .LBB3_20-.Ltmp16, $1  }
0x15f: {  	_ =	sdelay $0x3  }
0x160: {  	p0 =	slt.s32 s2, $0x1  }
.Ltmp17:
0x161: {  	_ = 	snop;
	(pc) =	sbr.rel @p0 .LBB3_18-.Ltmp17, $1  }
0x162: {  	_ =	sdelay $0x3  }
0x163: {  	s6 =	simm.s32 $0xC0;
	p0 =	por $0x0, $0x0  }
0x164: {  	v1 =	vld.msk @!p0 [tilespmem:s6+$0x0], $0x1;
	_ =	sdelay $0x4  }
0x165: {  	(v2sf) =	vpush @!p0 v1, $0x0;
	_ =	sdelay $0xd  }
0x166: {  	p2 =	sne.s32 s2, $0x1  }
.Ltmp18:
0x167: {  	s7 =	spop @!p0 (v2sf);
	(pc) =	sbr.rel @!p2 .LBB3_17-.Ltmp18, $4  }
0x168: {  	p1 =	seq.s32 @!p0 s5, s7  }
0x169: {  	s7 =	simm.s32 $0x0;
	p1 =	por !p1, p0  }
0x16a: {  	s9 =	simm.s32 $0xFFFFFFFF;
	s7 =	simm.s32 @p1 $0xFFFFFFFF  }
0x16b: {  	s8 =	simm.s32 $0x1;
	s7 =	smov.u32 @p0 s9  }
.LBB3_16:
0x16c: {  	s9 =	smov.u32 s7;
	p0 =	sne.s32 s7, $0xFFFFFFFF  }
0x16d: {  	s6 =	sadd.s32 $0x1, s6;
	s7 =	smov.u32 s8;
	s8 =	sadd.s32 $0x1, s8  }
0x16e: {  	p1 =	sne.s32 s2, s8;
	v1 =	vld.msk @!p0 [tilespmem:s6+$0x0], $0x1;
	_ =	sdelay $0x4  }
0x16f: {  	(v2sf) =	vpush @!p0 v1, $0x0;
	_ =	sdelay $0xe  }
.Ltmp19:
0x170: {  	s10 =	spop @!p0 (v2sf);
	(pc) =	sbr.rel @p1 .LBB3_16-.Ltmp19, $4  }
0x171: {  	p2 =	seq.s32 @!p0 s5, s10  }
0x172: {  	p2 =	por !p2, p0  }
0x173: {  	s7 =	simm.s32 @p2 $0xFFFFFFFF  }
0x174: {  	s7 =	smov.u32 @p0 s9  }
.LBB3_17:
0x175: {  	p0 =	sne.s32 s7, $0xFFFFFFFF  }
.Ltmp20:
0x176: {  	_ = 	snop;
	(pc) =	sbr.rel @!p0 .LBB3_18-.Ltmp20, $1  }
0x177: {  	_ =	sdelay $0x3  }
0x178: {  	v0 =	vld.msk [tilespmem:s4+$0xE0], $0x1;
	v1 =	vmov s7  }
.Ltmp21:
0x179: {  	_ = 	snop;
	(pc) =	sbr.rel .LBB3_20-.Ltmp21, $2  }
0x17a: {  	_ =	sdelay $0x2  }
0x17b: {  	[tilespmem:v1+s3+$0x0], v0 =	vst.idx.ret.add.f32.msk $0x1, v0  }
.LBB3_21:
0x17c: {  	p0 =	slt.s32 s2, $0x1  }
.Ltmp22:
0x17d: {  	_ = 	snop;
	(pc) =	sbr.rel @p0 .LBB3_25-.Ltmp22, $3  }
0x17e: {  	_ =	sdelay $0x1  }
0x17f: {  	s3 =	simm.s32 $0x6  }
0x180: {  	[sflag:s3] =	ssyncpa.u1 $0x1;
	s3 =	simm.s32 $0x0  }
0x181: {  	s4 =	simm.s32 $0xC0  }
0x182: {  	v0 =	vld.msk [tilespmem:s4+$0x0], $0x1;
	_ =	sdelay $0x4  }
0x183: {  	(v2sf) =	vpush v0, $0x0;
	_ =	sdelay $0xe  }
0x184: {  	s2 =	sadd.s32 $0xFFFFFFFF, s2;
	s5 =	spop (v2sf)  }
0x185: {  	p1 =	sne.s32 s2, $0x0;
	p0 =	sgt.u32 s5, $0x187FF  }
.Ltmp23:
0x186: {  	s6 =	sshrl.u32 @!p0 s5, $0x3;
	(pc) =	sbr.rel @!p1 .LBB3_24-.Ltmp23, $4  }
0x187: {  	s4 =	simm.s32 $0xE0;
	s5 =	sand.u32 @!p0 $0x7, s5;
	s6 =	sadd.s32 @!p0 s1, s6  }
0x188: {  	[hbm4b:s6+s5] =	stream.linear.scatter @!p0 [tilespmem:s4], [sflag:$0x5], $0x1, $0x38;
	[tilespmem:$0x11A60] =	vst v63  }
0x189: {  	s6 =	simm.s32 $0x0  }
0x18a: {  	s5 =	simm.s32 $0xC1;
	s6 =	simm.s32 @!p0 $0x4  }
.LBB3_23:
0x18b: {  	v0 =	vld.msk [tilespmem:s5+$0x0], $0x1;
	s2 =	sadd.s32 $0xFFFFFFFF, s2;
	s3 =	sadd.s32 s3, s6  }
0x18c: {  	p0 =	sne.s32 s2, $0x0;
	_ =	sdelay $0x3  }
0x18d: {  	(v2sf) =	vpush v0, $0x0;
	_ =	sdelay $0xe  }
.Ltmp24:
0x18e: {  	s7 =	spop (v2sf);
	(pc) =	sbr.rel @p0 .LBB3_23-.Ltmp24, $4  }
0x18f: {  	s6 =	simm.s32 $0x0;
	p1 =	sgt.u32 s7, $0x187FF  }
0x190: {  	s4 =	sadd.s32 $0x1, s4;
	s6 =	simm.s32 @!p1 $0x4;
	s8 =	sshrl.u32 @!p1 s7, $0x3  }
0x191: {  	s5 =	sadd.s32 $0x1, s5;
	s7 =	sand.u32 @!p1 $0x7, s7;
	s8 =	sadd.s32 @!p1 s1, s8  }
0x192: {  	[hbm4b:s8+s7] =	stream.linear.scatter @!p1 [tilespmem:s4], [sflag:$0x5], $0x1, $0x38;
	[tilespmem:$0x11A60] =	vst v63  }
.LBB3_24:
0x193: {  	s1 =	sadd.s32 s3, s6  }
0x194: {  	s3 =	sshrl.u32 s1, $0x2  }
.LBB3_25:
0x195: {  	s1 =	simm.s32 $0x5  }
0x196: {  	_ =	swait.ge [sflag:s1], s3  }
0x197: {  	s2 =	ssub.s32 $0x0, s3;
	[sflag:s1] =	ssyncset.done $0x0  }
0x198: {  	[sflag:s1] =	ssyncadd.s32 s2  }
0x199: {  	[sflag:s1] =	ssyncpa.u1 $0x1  }
0x19a: {  	s30 =	simm.s32 $0x1;
	_ =	sfence  }
0x19b: {  	s31 =	simm.s32 $0x2;
	[sflag:s30] =	ssyncpa.u1 $0x1  }
0x19c: {  	[sflag:s31] =	ssyncpa.u1 $0x1  }
0x19d: {  	_ =	strace $0x90000053  }
0x19e: {  	s0 =	sadd.s32 $0x100000, s0;
	[bflag:$0x2] =	sbarrier.arrive $0xFFFF  }
0x19f: {  	[sflag:s0] =	ssyncadd.tile.s32 $0x1;
	_ =	shalt  }
.Lfunc_end3:
_tile_overlayer_lowered:
.L_overlay_start_3:
0x1a0: {  	(tag) =	ssettag $0x3  }
0x1a1: {  	s0 =	rddreg [dreg:$0x0];
	s2 =	stileid.u32  }
0x1a2: {  	s1 =	rddreg [dreg:$0x1];
	p0 =	sne.s32 s2, $0x0  }
0x1a3: {  	s3 =	rddreg [dreg:$0x2];
	[bflag:$0x3] =	sbarrier.arrive $0xFFFF;
	s2 =	simm.s32 @!p0 $0x1C01  }
0x1a4: {  	[timem:s3], [sflag:s2] =	dma.local @!p0 [hbm:s0], s1  }
0x1a5: {  	s0 =	simm.s32 @!p0 $0x1  }
0x1a6: {  	_ =	swait.ge @!p0 [sflag:s0], s1  }
0x1a7: {  	s1 =	ssub.s32 @!p0 $0x0, s1;
	[sflag:s0] =	ssyncset.done @!p0 $0x0  }
0x1a8: {  	[sflag:s0] =	ssyncadd.s32 @!p0 s1  }
0x1a9: {  	[bflag:$0x3] =	sbarrier.arrive $0xFFFF  }
0x1aa: {  	_ =	shalt  }

// kernel: scatter_offload_async_start.7
scs
__scs_entry_jumppad:
0x0: {  	(pc) =	sbr.rel $0x88, $3  }
0x1: {  	(tag) =	ssettag $0x0;
	lr =	simm.s32 $0x1  }
0x2: {  	[smem:$0x3F99] =	sst lr;
	_ =	strace $0xD0000000  }
0x3: {  	_ = 	snop  }
0x4: {  	_ = 	snop  }
0x5: {  	_ = 	snop  }
0x6: {  	_ = 	snop  }
0x7: {  	_ = 	snop  }
__scs_overlays_trampoline_lowered:
0x8: {  	[smem:$0x3FA8] =	sst s0  }
0x9: {  	[smem:$0x3FA9] =	sst s1  }
0xa: {  	[smem:$0x3FAA] =	sst s2  }
0xb: {  	[smem:$0x3FAB] =	sst s3  }
0xc: {  	[smem:$0x3FAC] =	sst s4  }
0xd: {  	[smem:$0x3FAD] =	sst s5  }
0xe: {  	[smem:$0x3FAE] =	sst s6  }
0xf: {  	[smem:$0x3FAF] =	sst s7  }
0x10: {  	[smem:$0x3FB0] =	sst s8  }
0x11: {  	[smem:$0x3FB1] =	sst s9;
	s0 =	simm.s32 @!p0 $0x0  }
0x12: {  	s1 =	sld [smem:$0x3F97];
	s0 =	simm.s32 @p0 $0x1  }
0x13: {  	[smem:$0x3FB2] =	sst s0;
	s0 =	simm.s32 @!p1 $0x0  }
0x14: {  	s2 =	sld [smem:$0x3F96];
	s0 =	simm.s32 @p1 $0x1  }
0x15: {  	[smem:$0x3FB3] =	sst s0;
	s0 =	simm.s32 @!p2 $0x0  }
0x16: {  	s3 =	sld [smem:$0x3FDB];
	s0 =	simm.s32 @p2 $0x1  }
0x17: {  	s4 =	simm.s32 $0x1BF5;
	[smem:$0x3FB5] =	sst s0  }
0x18: {  	s0 =	sld [smem:$0x3F98];
	_ =	swait.ge [sflag:s4], $0x0  }
0x19: {  	s7 =	sld [smem:$0x3F99]  }
0x1a: {  	s8 =	sadd.s32 $0xFFFFE003, lr  }
0x1b: {  	s9 =	sadd.s32 $0xFFFFFEF7, lr;
	s5 =	simm.s32 $0xFFFFFFFF;
	p2 =	slt.u32 s8, $0xFFFFF086  }
0x1c: {  	p1 =	slt.u32 s9, $0xF7A;
	s5 =	simm.s32 @!p2 $0x0  }
0x1d: {  	s5 =	simm.s32 @p1 $0x1;
	p0 =	seq.s32 s7, s2  }
0x1e: {  	s7 =	smul.u32 @!p0 $0xF7A, s2;
	p2 =	seq.s32 @!p0 s5, $0x0  }
0x1f: {  	s9 =	smul.u32 $0xF7A, s1;
	s8 =	simm.s32 @!p0 $0x1BF5;
	p2 =	por !p2, p0  }
0x20: {  	[sflag:s8] =	ssyncset.s32 @!p0 $0xFFFFF086;
	s6 =	sadd.s32 @!p0 s3, s7;
	s7 =	simm.s32 @!p0 $0x108  }
0x21: {  	s3 =	sadd.s32 s3, s9;
	s6 =	sadd.s32 @!p0 $0x88, s6;
	s7 =	simm.s32 @p2 $0x1082  }
0x22: {  	[simem:s7], [sflag:s8] =	dma.local @!p0 [hbm:s6], $0xF7A  }
0x23: {  	s9 =	sor.u32 $0xD0000000, s2;
	s6 =	simm.s32 $0x108;
	_ =	swait.ge @!p0 [sflag:s8], $0x0  }
0x24: {  	s3 =	sadd.s32 $0x88, s3;
	s6 =	simm.s32 @!p1 $0x1082;
	[sflag:s4] =	ssyncset.s32 $0xFFFFF086  }
0x25: {  	[simem:s6], [sflag:s4] =	dma.local [hbm:s3], $0xF7A  }
0x26: {  	[smem:$0x3F99] =	sst s1;
	(tag) =	ssettag s2;
	_ =	strace s9  }
0x27: {  	s1 =	sld [smem:$0x3FA9]  }
0x28: {  	s2 =	sld [smem:$0x3FAA]  }
0x29: {  	s4 =	sld [smem:$0x3FAC]  }
0x2a: {  	p0 =	seq.s32 s5, $0x0;
	s5 =	sld [smem:$0x3FAD]  }
0x2b: {  	s6 =	sld [smem:$0x3FAE]  }
0x2c: {  	s7 =	sld [smem:$0x3FAF]  }
0x2d: {  	s3 =	simm.s32 $0x108;
	s8 =	sld [smem:$0x3FB0]  }
0x2e: {  	s3 =	simm.s32 @!p0 $0x1082;
	s9 =	sld [smem:$0x3FB1]  }
0x2f: {  	lr =	sadd.s32 s0, s3;
	s0 =	sld [smem:$0x3FA8]  }
0x30: {  	s3 =	sld [smem:$0x3FAB]  }
0x31: {  	[smem:$0x3FB4] =	sst s10  }
0x32: {  	s10 =	sld [smem:$0x3FB2];
	_ =	sdelay $0x3  }
0x33: {  	p0 =	seq.s32 s10, $0x1;
	s10 =	sld [smem:$0x3FB4];
	_ =	sdelay $0x3  }
0x34: {  	[smem:$0x3FB4] =	sst s10  }
0x35: {  	s10 =	sld [smem:$0x3FB3];
	_ =	sdelay $0x3  }
0x36: {  	p1 =	seq.s32 s10, $0x1;
	s10 =	sld [smem:$0x3FB4];
	_ =	sdelay $0x3  }
0x37: {  	[smem:$0x3FB4] =	sst s10  }
0x38: {  	s10 =	sld [smem:$0x3FB5]  }
0x39: {  	_ = 	snop;
	(pc) =	sbr.ind lr, $3  }
0x3a: {  	_ = 	snop  }
0x3b: {  	_ = 	snop  }
0x3c: {  	p2 =	seq.s32 s10, $0x1;
	s10 =	sld [smem:$0x3FB4]  }
0x3d: {  	_ =	shalt  }
0x3e: {  	_ =	shalt  }
0x3f: {  	_ =	shalt  }
0x40: {  	_ =	shalt  }
0x41: {  	_ =	shalt  }
0x42: {  	_ =	shalt  }
0x43: {  	_ =	shalt  }
0x44: {  	_ =	shalt  }
0x45: {  	_ =	shalt  }
0x46: {  	_ =	shalt  }
0x47: {  	_ =	shalt  }
0x48: {  	_ =	shalt  }
0x49: {  	_ =	shalt  }
0x4a: {  	_ =	shalt  }
0x4b: {  	_ =	shalt  }
0x4c: {  	_ =	shalt  }
0x4d: {  	_ =	shalt  }
0x4e: {  	_ =	shalt  }
0x4f: {  	_ =	shalt  }
0x50: {  	_ =	shalt  }
0x51: {  	_ =	shalt  }
0x52: {  	_ =	shalt  }
0x53: {  	_ =	shalt  }
0x54: {  	_ =	shalt  }
0x55: {  	_ =	shalt  }
0x56: {  	_ =	shalt  }
0x57: {  	_ =	shalt  }
0x58: {  	_ =	shalt  }
0x59: {  	_ =	shalt  }
0x5a: {  	_ =	shalt  }
0x5b: {  	_ =	shalt  }
0x5c: {  	_ =	shalt  }
0x5d: {  	_ =	shalt  }
0x5e: {  	_ =	shalt  }
0x5f: {  	_ =	shalt  }
0x60: {  	_ =	shalt  }
0x61: {  	_ =	shalt  }
0x62: {  	_ =	shalt  }
0x63: {  	_ =	shalt  }
0x64: {  	_ =	shalt  }
0x65: {  	_ =	shalt  }
0x66: {  	_ =	shalt  }
0x67: {  	_ =	shalt  }
0x68: {  	_ =	shalt  }
0x69: {  	_ =	shalt  }
0x6a: {  	_ =	shalt  }
0x6b: {  	_ =	shalt  }
0x6c: {  	_ =	shalt  }
0x6d: {  	_ =	shalt  }
0x6e: {  	_ =	shalt  }
0x6f: {  	_ =	shalt  }
0x70: {  	_ =	shalt  }
0x71: {  	_ =	shalt  }
0x72: {  	_ =	shalt  }
0x73: {  	_ =	shalt  }
0x74: {  	_ =	shalt  }
0x75: {  	_ =	shalt  }
0x76: {  	_ =	shalt  }
0x77: {  	_ =	shalt  }
0x78: {  	_ =	shalt  }
0x79: {  	_ =	shalt  }
0x7a: {  	_ =	shalt  }
0x7b: {  	_ =	shalt  }
0x7c: {  	_ =	shalt  }
0x7d: {  	_ =	shalt  }
0x7e: {  	_ =	shalt  }
0x7f: {  	_ =	shalt  }
0x80: {  	_ =	shalt  }
0x81: {  	_ =	shalt  }
0x82: {  	_ =	shalt  }
0x83: {  	_ =	shalt  }
0x84: {  	_ =	shalt  }
0x85: {  	_ =	shalt  }
0x86: {  	_ =	shalt  }
0x87: {  	_ =	shalt  }
.Lfunc_end0:
.L_simem_size_0:
called_computation.7_lowered:
.L_overlay_start_0:
0x88: {  	s0 =	sld [smem:$0x3FD9]  }
0x89: {  	s1 =	sld [smem:$0x3FFE];
	_ =	sdelay $0x3  }
0x8a: {  	s0 =	sadd.s32 s1, s0  }
0x8b: {  	[smem:$0x3FC0] =	sst s0  }
0x8c: {  	_ = 	snop  }
0x8d: {  	(tm) =	ssettm $0x1  }
0x8e: {  	s14 =	sld [smem:$0x3FFB];
	_ =	sdelay $0x3  }
0x8f: {  	_ =	strace s14  }
0x90: {  	s0 =	sld [smem:$0x3FFC];
	_ =	sdelay $0x3  }
0x91: {  	_ =	strace s0  }
0x92: {  	s0 =	sld [smem:$0x3FFD];
	_ =	sdelay $0x3  }
0x93: {  	_ =	strace s0  }
0x94: {  	_ =	strace $0x8FFFFFFF  }
0x95: {  	s15 =	sld [smem:$0x3FDB];
	_ =	sdelay $0x1  }
0x96: {  	s16 =	simm.s32 $_scs_section_size  }
0x97: {  	s2 =	simm.s32 $_size__tile_overlayer_lowered;
	s3 =	simm.s32 $_tile_overlayer_lowered  }
0x98: {  	s4 =	simm.s32 $0x1BFF;
	s17 =	sshll.u32 s3, $0x1;
	s1 =	sadd.s32 s16, s15  }
0x99: {  	s18 =	simm.s32 $0x0;
	s2 =	sshll.u32 s2, $0x1;
	s3 =	sadd.s32 s17, s1  }
0x9a: {  	[timem:s18], [sflag:s4] =	dma.local [hbm:s3], s2  }
0x9b: {  	_ =	swait.ge [sflag:s4], s2  }
0x9c: {  	s2 =	ssub.s32 $0x0, s2;
	[sflag:s4] =	ssyncset.done $0x0  }
0x9d: {  	[sflag:s4] =	ssyncadd.s32 s2;
	_ =	sdelay $0x1  }
0x9e: {  	s19 =	simm.s32 $0x1B8B  }
0x9f: {  	_ =	swait.ge [sflag:s19], $0x1  }
0xa0: {  	[sflag:s19] =	ssyncset.done $0x0  }
0xa1: {  	s21 =	simm.s32 $0x1B8E;
	s20 =	sld [smem:$0x3FFE];
	[sflag:s19] =	ssyncadd.s32 $0xFFFFFFFF  }
0xa2: {  	s22 =	simm.s32 $execute0_lowered;
	[smem:$0x3FD2] =	sst s21  }
0xa3: {  	s3 =	sshll.u32 s22, $0x1;
	_ =	strace $0x80000067;
	[dreg:$0x1] =	wrdreg $0xFFFFFFFF  }
0xa4: {  	s23 =	simm.s32 $_size_execute0_lowered;
	s3 =	sadd.s32 s1, s3;
	[dreg:$0x0] =	wrdreg $0x0  }
0xa5: {  	s4 =	sshll.u32 s23, $0x1;
	[dreg:$0x2] =	wrdreg s3  }
0xa6: {  	[dreg:$0x3] =	wrdreg s4  }
0xa7: {  	[dreg:$0x4] =	wrdreg $0xC0  }
0xa8: {  	s24 =	simm.s32 $execute1_lowered;
	_ =	task [dreg:s18], $0x5FFFF  }
0xa9: {  	s3 =	sshll.u32 s24, $0x1;
	[dreg:$0x1] =	wrdreg $0xFFFFFFFF  }
0xaa: {  	s1 =	sadd.s32 s1, s3;
	[dreg:$0x0] =	wrdreg $0x60  }
0xab: {  	[dreg:$0x2] =	wrdreg s1  }
0xac: {  	[dreg:$0x3] =	wrdreg s20  }
0xad: {  	[dreg:$0x4] =	wrdreg $0x9  }
0xae: {  	_ =	task.clear_ibuf [dreg:s18], $0x5FFFF;
	_ =	strace $0x90000067  }
0xaf: {  	s25 =	simm.s32 $0x9;
	_ =	strace $0x80000069  }
0xb0: {  	_ =	swait.ge [sflag:s25], $0x1  }
0xb1: {  	[sflag:s25] =	ssyncadd.s32 $0xFFFFFFFF  }
0xb2: {  	_ =	strace $0x90000069  }
0xb3: {  	_ =	strace $0x8000006A;
	[dreg:$0x1] =	wrdreg $0xFFFFFFFF  }
0xb4: {  	[dreg:$0x0] =	wrdreg $0x2030  }
0xb5: {  	[dreg:$0x2] =	wrdreg s20  }
0xb6: {  	[dreg:$0x3] =	wrdreg $0xA  }
0xb7: {  	_ =	task.clear_ibuf [dreg:s18], $0x4FFFF;
	_ =	strace $0x9000006A  }
0xb8: {  	s26 =	simm.s32 $0xA;
	_ =	strace $0x8000006C  }
0xb9: {  	_ =	swait.ge [sflag:s26], $0x1  }
0xba: {  	[sflag:s26] =	ssyncadd.s32 $0xFFFFFFFF  }
0xbb: {  	_ =	strace $0x9000006C  }
0xbc: {  	_ =	sfence  }
0xbd: {  	s28 =	sld [smem:$0x0];
	_ =	sdelay $0x1  }
0xbe: {  	s29 =	srdreg.scid  }
0xbf: {  	s30 =	sshll.u32 s29, $0xD;
	s31 =	sshrl.u32 s29, $0x2  }
0xc0: {  	s2 =	sand.u32 $0x1, s29;
	s3 =	sand.u32 $0x4000, s30;
	s1 =	sadd.s32 s31, s28  }
0xc1: {  	s2 =	sor.u32 s3, s2;
	s1 =	sshll.u32 s1, $0x11  }
0xc2: {  	s1 =	sor.u32 s1, s2  }
0xc3: {  	s1 =	sadd.s32 $0x8F2B, s1  }
0xc4: {  	[sflag:s1] =	ssyncadd.remote.s32 $0x1  }
0xc5: {  	_ =	sfence.sel $0xFFFF  }
0xc6: {  	[dreg:$0x0] =	wrdreg $0xFFFFFFFF;
	(pc) =	sbr.abs _section_cstart, $3  }
0xc7: {  	[dreg:$0x1] =	wrdreg $0xFFFFFFFF  }
0xc8: {  	_ =	task.clear_ibuf [dreg:s18], $0x2FFFF;
	_ =	strace $0x9FFFFFFF  }
0xc9: {  	(tm) =	ssettm $0x7FFFFFFF  }
tec
execute0_lowered:
.L_overlay_start_1:
0x0: {  	(tag) =	ssettag $0x1  }
0x1: {  	s3 =	rddreg [dreg:$0x0]  }
0x2: {  	s5 =	rddreg [dreg:$0x1]  }
0x3: {  	s0 =	rddreg [dreg:$0x2];
	s2 =	stileid.u32;
	s1 =	simm.s32 $_size_execute1_lowered  }
0x4: {  	[bflag:$0x3] =	sbarrier.arrive $0xFFFF;
	p0 =	sne.s32 s2, $0x0;
	s1 =	sshll.u32 s1, $0x1  }
0x5: {  	s31 =	sshll.u32 s2, $0x3;
	s4 =	simm.s32 @!p0 $0x1C3F;
	s6 =	simm.s32 @!p0 $0x4060  }
0x6: {  	[timem:s6], [sflag:s4] =	dma.local @!p0 [hbm:s3], s1  }
0x7: {  	s6 =	ssub.s32 $0x40, s31  }
0x8: {  	p1 =	sgt.s32 s6, $0x0  }
0x9: {  	s6 =	simm.s32 @!p1 $0x0  }
0xa: {  	s6 =	sand.u32 $0x78, s6  }
0xb: {  	s10 =	simm.s32 $0x3;
	p1 =	sne.s32 s6, $0x0  }
0xc: {  	s10 =	simm.s32 @!p1 $0x2  }
0xd: {  	s7 =	simm.s32 $0x1;
	p3 =	sne.s32 s10, $0x1  }
.Ltmp0:
0xe: {  	s9 =	simm.s32 $0x0;
	s13 =	simm.s32 $0xFFFFFFFF;
	(pc) =	sbr.rel @!p3 .LBB2_1-.Ltmp0, $4  }
0xf: {  	s8 =	sadd.s32 s2, s5;
	s3 =	simm.s32 $0x1;
	_ =	strace $0x80000068  }
0x10: {  	s5 =	sadd.s32 $0x201E00, s5;
	s4 =	simm.s32 $0x2;
	[sflag:s3] =	ssyncpa.u1 $0x0  }
0x11: {  	[sflag:s4] =	ssyncpa.u1 $0x0;
	s6 =	sadd.s32 $0x1F8600, s8;
	s7 =	simm.s32 @!p1 $0x0  }
0x12: {  	s8 =	simm.s32 $0x1;
	p1 =	por $0x0, $0x0;
	p2 =	sle.u32 s7, $0x0  }
0x13: {  	p1 =	sle.u32 s7, $0xFFFFFFFF  }
0x14: {  	s11 =	simm.s32 @!p2 $0x8;
	s12 =	simm.s32 @!p2 $0x0;
	s13 =	simm.s32 @!p1 $0x1  }
0x15: {  	[tilespmem:s11], [sflag:$0x1] =	stream.linear.gather @!p2 [hbm4b:s6+s12], $0x8, $0x38;
	[tilespmem:$0x20] =	vst v63  }
0x16: {  	_ =	swait.ge @!p1 [sflag:s13], $0x8  }
0x17: {  	[sflag:s13] =	ssyncset.done @!p1 $0x0  }
0x18: {  	s9 =	sand.u32 @!p1 $0x8, s9;
	[sflag:s13] =	ssyncadd.s32 @!p1 $0xFFFFFFF8  }
0x19: {  	v0 =	vld.msk @!p1 [tilespmem:s9+$0x0], $0xff;
	_ =	sdelay $0x2  }
0x1a: {  	p4 =	sne.s32 s10, $0x2  }
.Ltmp1:
0x1b: {  	p3 =	por $0x1, $0x1;
	s9 =	sor.u32 @!p1 $0x10, s9;
	(pc) =	sbr.rel @!p4 .LBB2_4-.Ltmp1, $4  }
0x1c: {  	s11 =	simm.s32 $0x2;
	s12 =	sadd.s32 @!p1 s5, s2;
	s13 =	simm.s32 @!p1 $0x0;
	[tilespmem:s9+$0x0] =	vst.msk @!p1 $0xff, v0  }
0x1d: {  	[hbm4b:s12+s13] =	stream.linear.scatter @!p1 [tilespmem:s9], [sflag:$0x2], $0x8, $0x38;
	[tilespmem:$0x20] =	vst v63  }
0x1e: {  	p2 =	sle.u32 s7, $0x1;
	s12 =	simm.s32 @!p3 $0x2;
	s9 =	simm.s32 $0x8  }
0x1f: {  	s13 =	simm.s32 $0x0;
	p1 =	por $0x1, $0x1;
	_ =	swait.ge @!p3 [sflag:s12], $0x8  }
.LBB2_3:
0x20: {  	s14 =	simm.s32 @!p2 $0x8;
	p4 =	sge.u32 s13, s7;
	[sflag:s12] =	ssyncset.done @!p3 $0x0  }
0x21: {  	s13 =	simm.s32 @!p2 $0x0;
	s15 =	simm.s32 @!p4 $0x1;
	[sflag:s12] =	ssyncadd.s32 @!p3 $0xFFFFFFF8  }
0x22: {  	[tilespmem:s14], [sflag:$0x1] =	stream.linear.gather @!p2 [hbm4b:s6+s13], $0x8, $0x38;
	[tilespmem:$0x20] =	vst v63  }
0x23: {  	s13 =	smov.u32 s11;
	s11 =	sadd.s32 $0x1, s11;
	_ =	swait.ge @!p4 [sflag:s15], $0x8  }
0x24: {  	s12 =	sand.u32 @!p4 $0x8, s9;
	p5 =	sne.s32 s11, s10;
	[sflag:s15] =	ssyncset.done @!p4 $0x0  }
0x25: {  	[sflag:s15] =	ssyncadd.s32 @!p4 $0xFFFFFFF8  }
0x26: {  	v0 =	vld.msk @!p4 [tilespmem:s12+$0x0], $0xff;
	_ =	sdelay $0x2  }
.Ltmp2:
0x27: {  	s14 =	sor.u32 @!p4 $0x10, s12;
	(pc) =	sbr.rel @p5 .LBB2_3-.Ltmp2, $4  }
0x28: {  	s16 =	simm.s32 @!p4 $0x0;
	p3 =	slt.u32 s8, $0x2;
	s15 =	sadd.s32 @!p4 s5, s2  }
0x29: {  	s9 =	sadd.s32 $0x8, s9;
	s8 =	smov.u32 s13;
	s12 =	simm.s32 @!p3 $0x2;
	[tilespmem:s14+$0x0] =	vst.msk @!p4 $0xff, v0  }
0x2a: {  	[hbm4b:s15+s16] =	stream.linear.scatter @!p4 [tilespmem:s14], [sflag:$0x2], $0x8, $0x38;
	[tilespmem:$0x20] =	vst v63  }
0x2b: {  	p2 =	sge.u32 s8, s7;
	s13 =	sadd.s32 $0xFFFFFFFF, s8;
	_ =	swait.ge @!p3 [sflag:s12], $0x8  }
.LBB2_4:
0x2c: {  	p3 =	por p3, !p1  }
0x2d: {  	s10 =	simm.s32 @!p2 $0x8;
	p1 =	sge.u32 s13, s7;
	[sflag:s12] =	ssyncset.done @!p3 $0x0  }
0x2e: {  	s7 =	simm.s32 @!p2 $0x0;
	s11 =	simm.s32 @!p1 $0x1;
	[sflag:s12] =	ssyncadd.s32 @!p3 $0xFFFFFFF8  }
0x2f: {  	[tilespmem:s10], [sflag:$0x1] =	stream.linear.gather @!p2 [hbm4b:s6+s7], $0x8, $0x38;
	[tilespmem:$0x20] =	vst v63  }
0x30: {  	_ =	swait.ge @!p1 [sflag:s11], $0x8  }
0x31: {  	[sflag:s11] =	ssyncset.done @!p1 $0x0  }
0x32: {  	s6 =	sand.u32 @!p1 $0x8, s9;
	[sflag:s11] =	ssyncadd.s32 @!p1 $0xFFFFFFF8  }
0x33: {  	v0 =	vld.msk @!p1 [tilespmem:s6+$0x0], $0xff;
	_ =	sdelay $0x3  }
0x34: {  	p2 =	slt.u32 s8, $0x2;
	s6 =	sor.u32 @!p1 $0x10, s6  }
0x35: {  	s2 =	sadd.s32 @!p1 s5, s2;
	s5 =	simm.s32 @!p1 $0x0;
	s7 =	simm.s32 @!p2 $0x2;
	[tilespmem:s6+$0x0] =	vst.msk @!p1 $0xff, v0  }
0x36: {  	[hbm4b:s2+s5] =	stream.linear.scatter @!p1 [tilespmem:s6], [sflag:$0x2], $0x8, $0x38;
	[tilespmem:$0x20] =	vst v63  }
0x37: {  	_ =	swait.ge @!p2 [sflag:s7], $0x8  }
0x38: {  	[sflag:s7] =	ssyncset.done @!p2 $0x0  }
0x39: {  	[sflag:s7] =	ssyncadd.s32 @!p2 $0xFFFFFFF8  }
0x3a: {  	_ =	sfence.sel $0x180000  }
0x3b: {  	[bflag:$0x0] =	sbarrier.arrive $0xFFFF  }
0x3c: {  	[sflag:s3] =	ssyncpa.u1 $0x1  }
0x3d: {  	[sflag:s4] =	ssyncpa.u1 $0x1  }
0x3e: {  	_ =	strace $0x90000068  }
0x3f: {  	s0 =	sadd.s32 @!p0 $0x100000, s0;
	[bflag:$0x2] =	sbarrier.arrive $0xFFFF  }
0x40: {  	[sflag:s0] =	ssyncadd.tile.s32 @!p0 $0x1;
	s0 =	simm.s32 @!p0 $0x3F  }
0x41: {  	_ =	swait.ge @!p0 [sflag:s0], s1  }
0x42: {  	s1 =	ssub.s32 @!p0 $0x0, s1;
	[sflag:s0] =	ssyncset.done @!p0 $0x0  }
0x43: {  	[sflag:s0] =	ssyncadd.s32 @!p0 s1  }
0x44: {  	[bflag:$0x3] =	sbarrier.arrive $0xFFFF  }
0x45: {  	_ =	shalt  }
.LBB2_1:
.Ltmp3:
0x46: {  	(pc) =	sbr.rel .LBB2_4-.Ltmp3, $2  }
0x47: {  	_ =	sdelay $0x2  }
0x48: {  	s8 =	simm.s32 $0x0  }
.Lfunc_end2:
execute1_lowered:
.L_overlay_start_2:
0x49: {  	(tag) =	ssettag $0x2  }
0x4a: {  	s0 =	rddreg [dreg:$0x0]  }
0x4b: {  	s11 =	stileid.u32;
	_ =	strace $0x8000006B;
	s2 =	simm.s32 $0x1  }
0x4c: {  	v1 =	vimm.s32 $0xFFFFFFFF;
	s1 =	smin.u32 s11, $0x9;
	[sflag:s2] =	ssyncpa.u1 $0x0  }
0x4d: {  	s1 =	sadd.s32 s11, s1;
	[tilespmem:$0x10] =	vst v1  }
0x4e: {  	v0 =	vimm.f32 $-Inf;
	p0 =	slt.u32 s11, $0x9;
	[tilespmem:$0x20] =	vst v1;
	s3 =	smul.u32 $0xFA0, s1;
	s1 =	simm.s32 $0x1F40  }
0x4f: {  	[tilespmem:$0x30] =	vst v0;
	s1 =	simm.s32 @!p0 $0xFA0  }
0x50: {  	[tilespmem:$0x40] =	vst v0;
	s1 =	sadd.s32 s1, s3  }
0x51: {  	[tilespmem:$0x50] =	vst v0;
	s4 =	smin.u32 s1, $0x186A0  }
0x52: {  	s7 =	simm.s32 $0x2;
	s8 =	simm.s32 $0x8;
	[tilespmem:$0x60] =	vst v1;
	s6 =	ssub.s32 s4, s3  }
0x53: {  	s30 =	simm.s32 $0x9;
	s16 =	simm.s32 $0x0;
	[tilespmem:$0x70] =	vst v1;
	p0 =	sgt.s32 s6, $0x0  }
0x54: {  	s17 =	simm.s32 $0xF0;
	s18 =	simm.s32 $0xFFFFFFFF;
	[tilespmem:$0x80] =	vst v1;
	s6 =	simm.s32 @!p0 $0x0  }
0x55: {  	s19 =	simm.s32 $0xFFFFE1C0;
	s20 =	simm.s32 $0xFFFFFFFE;
	v1 =	vimm.s32 $0x0;
	[tilespmem:$0xB0] =	vst v0;
	s5 =	smulhi.u32 $0x10624DD3, s6  }
0x56: {  	s21 =	simm.s32 $0xF;
	s25 =	simm.s32 $0x0;
	s24 =	simm.s32 $0x0;
	[tilespmem:$0x90] =	vst v1  }
0x57: {  	[tilespmem:$0xA0] =	vst v1;
	[sflag:s7] =	ssyncpa.u1 $0x0;
	s7 =	simm.s32 $0x7;
	s9 =	sshrl.u32 s5, $0x8  }
0x58: {  	s14 =	sshllo.u32 s11, $0x1;
	[sflag:s7] =	ssyncpa.u1 $0x0;
	s10 =	smul.u32 $0xFA0, s9  }
0x59: {  	[sflag:s8] =	ssyncpa.u1 $0x0;
	s23 =	smov.u32 s3;
	s1 =	sadd.s32 $0x201E00, s0  }
.Ltmp4:
0x5a: {  	[sflag:s30] =	ssyncpa.u1 $0x0;
	p0 =	sne.s32 s6, s10;
	(pc) =	sbr.rel .LBB3_1-.Ltmp4, $4  }
0x5b: {  	s5 =	sadd.s32 $0x1FEC00, s0;
	s0 =	sadd.s32 $0x239A00, s0;
	s2 =	simm.s32 @!p0 $0x0  }
0x5c: {  	[dreg:$0x2] =	wrdreg s0;
	s10 =	sshll.u32 s11, $0x1;
	s9 =	sadd.s32 s2, s9  }
0x5d: {  	vm0 =	vmmov $0xffff;
	v2 =	vlaneseq.u32;
	vm1 =	vmxor vm1, vm1;
	s13 =	sor.u32 $0x81, s10;
	s15 =	sor.u32 $0x80, s10;
	s31 =	sadd.s32 $0x1, s9  }
0x5e: {  	vm2 =	vmmov $0x1;
	v3 =	vimm.f32 $0.0e+00;
	vm3 =	vcmask $0x3F3C;
	p0 =	por $0x0, $0x0;
	s12 =	sadd.s32 $0x2, s9;
	[dreg:$0x3] =	wrdreg s31  }
.LBB3_9:
0x5f: {  	p1 =	slt.u32 s24, $0x3  }
0x60: {  	s0 =	simm.s32 @!p1 $0x2  }
0x61: {  	_ =	swait.ge @!p1 [sflag:s0], $0xFA0  }
0x62: {  	[sflag:s0] =	ssyncset.done @!p1 $0x0  }
0x63: {  	[sflag:s0] =	ssyncadd.s32 @!p1 $0xFFFFF060;
	s0 =	simm.s32 @!p1 $0x9  }
0x64: {  	_ =	swait.ge @!p1 [sflag:s0], $0x10  }
0x65: {  	[sflag:s0] =	ssyncset.done @!p1 $0x0  }
0x66: {  	[sflag:s0] =	ssyncadd.s32 @!p1 $0xFFFFFFF0;
	p1 =	sne.s32 s24, s12  }
.Ltmp5:
0x67: {  	s2 =	sadd.s32 $0xFA0, s23;
	(pc) =	sbr.rel @!p1 .LBB3_10-.Ltmp5, $4  }
0x68: {  	s6 =	smov.u32 s3;
	s31 =	sadd.s32 $0x1, s24;
	s17 =	sadd.s32 $0xFA0, s17  }
0x69: {  	s18 =	sadd.s32 $0x1, s18;
	s25 =	smov.u32 s23;
	p2 =	slt.s32 s2, s4  }
0x6a: {  	p0 =	por !p0, !p0;
	s19 =	sadd.s32 $0xFA0, s19;
	s6 =	smov.u32 @p2 s2  }
0x6b: {  	s20 =	sadd.s32 $0x1, s20;
	s23 =	smov.u32 s6;
	s24 =	smov.u32 s31  }
.LBB3_1:
0x6c: {  	p1 =	sge.u32 s24, s9  }
0x6d: {  	s0 =	smulhi.u32 @!p1 $0xAAAAAAAB, s24;
	_ =	sdelay $0x1  }
0x6e: {  	s0 =	sshrl.u32 @!p1 s0, $0x1  }
0x6f: {  	s0 =	smul.u32 @!p1 $0x3, s0;
	_ =	sdelay $0x1  }
0x70: {  	s0 =	ssub.s32 @!p1 s24, s0  }
0x71: {  	s0 =	smul.u32 @!p1 $0x3E80, s0;
	_ =	sdelay $0x1  }
0x72: {  	s2 =	sshrl.u32 @!p1 s23, $0x3;
	s0 =	sshrl.u32 @!p1 s0, $0x2  }
0x73: {  	s6 =	sand.u32 @!p1 $0x7, s23;
	s2 =	sadd.s32 @!p1 s5, s2;
	s0 =	sadd.s32 @!p1 $0x100, s0  }
0x74: {  	[tilespmem:s0], [sflag:$0x7] =	stream.linear.gather @!p1 [hbm4b:s2+s6], $0xFA0, $0x38;
	[tilespmem:$0x8DC0] =	vst v63  }
0x75: {  	s0 =	sadd.s32 $0xFFFFFFFF, s24  }
0x76: {  	p1 =	sge.u32 s0, s9  }
.Ltmp6:
0x77: {  	_ = 	snop;
	(pc) =	sbr.rel @p1 .LBB3_5-.Ltmp6, $1  }
0x78: {  	_ =	sdelay $0x3  }
0x79: {  	s2 =	smulhi.u32 $0xAAAAAAAB, s0;
	_ =	sdelay $0x1  }
0x7a: {  	s2 =	sshrl.u32 s2, $0x1  }
0x7b: {  	s2 =	smul.u32 $0x3, s2;
	_ =	sdelay $0x1  }
0x7c: {  	s2 =	ssub.s32 s0, s2  }
0x7d: {  	s2 =	smul.u32 $0x3E80, s2  }
0x7e: {  	_ =	swait.ge [sflag:s7], $0xFA0  }
0x7f: {  	[sflag:s7] =	ssyncset.done $0x0;
	s2 =	sshrl.u32 s2, $0x2  }
0x80: {  	[sflag:s7] =	ssyncadd.s32 $0xFFFFF060;
	(ifvalue) =	ssetifvalue $0xFFFFFFFF;
	v4 =	vld.msk [tilespmem:s2+$0x100 ss:$0x1], $0xffff;
	_ =	sdelay $0x2  }
0x81: {  	s29 =	smulhi.u32 $0xAAAAAAAB, s18;
	p1 =	sne.s32 s24, $0x1  }
0x82: {  	v5 =	vimm.s32 @!p1 $0x0  }
0x83: {  	s2 =	sshrl.u32 s29, $0x1;
	v5 =	vperm.xlane @!p1 v4, v5  }
0x84: {  	s6 =	sshll.u32 s24, $0x4;
	s2 =	smul.u32 $0xFFFF4480, s2;
	vm4 =	vlt.u32 v4, $0x80  }
0x85: {  	s6 =	sand.u32 $0x10, s6;
	v4 =	vnsel vm4, $0xFFFFFFFE, v4;
	vm4 =	vlt.u32 @!p1 v5, $0x80  }
0x86: {  	s2 =	sshra.s32 s2, $0x2;
	[tilespmem:s6+$0x60] =	vst v4;
	v4 =	vnsel @!p1 vm4, $0xFFFFFFFE, v5  }
0x87: {  	s30 =	sadd.s32 s2, s17;
	[tilespmem:$0x80] =	vst @!p1 v4  }
0x88: {  	v4 =	vld.msk [tilespmem:s30+$0x0 ss:$0x1], $0xffff;
	_ =	sdelay $0x4  }
0x89: {  	(xrf1) =	vunique.msk.u32 $0xffff, v4;
	_ =	sdelay $0xd  }
0x8a: {  	v5 =	vimm.s32 $0xFFFFFFFF;
	v6, _, _ =	vpop (xrf1)  }
0x8b: {  	vm5 =	vne.s32 v4, v5;
	vm4 =	veq.s32 v6, v2  }
0x8c: {  	vm6 =	vlt.u32 v4, $0x80;
	vm4 =	vmand vm5, vm4  }
0x8d: {  	vm4 =	vmand vm6, vm4  }
0x8e: {  	v5 =	vnsel vm4, $0xFFFFFFFF, v4  }
0x8f: {  	s31 =	sand.u32 $0x1, s0  }
0x90: {  	s26 =	simm.s32 $0xFA0;
	p1 =	seq.s32 s31, $0x1  }
0x91: {  	s26 =	simm.s32 @!p1 $0x0  }
0x92: {  	s28 =	sadd.s32 $0x3F70, s26;
	(ifvalue) =	ssetifvalue $0xFFFFFFFF  }
0x93: {  	v4 =	vperm.xlane v4, v1;
	[tilespmem:s28], [sflag:$0x8] =	stream.indirect_vreg.gather [hbm4b:s1+s16], $0x1, v5, vm0, $0x4038;
	v5 =	vnsel vm6, $0xFFFFFFFE, v5;
	[tilespmem:$0x8DC0] =	vst v63  }
0x94: {  	s0 =	simm.s32 $0x0;
	s2 =	sadd.s32 $0xFFFFFFF0, s30;
	[tilespmem:s30+$0x0] =	vst v5  }
.LBB3_3:
0x95: {  	v5 =	vld.msk [tilespmem:s2+$0x0 ss:$0x1], $0xffff;
	s0 =	sadd.s32 $0x10, s0;
	v6 =	vmov v4;
	s6 =	smov.u32 s2  }
0x96: {  	p1 =	slt.u32 s0, $0xF90;
	_ =	sdelay $0x4  }
0x97: {  	v4 =	vperm.xlane v5, v1;
	(xrf1) =	vunique.msk.u32 $0xffff, v5;
	_ =	sdelay $0xd  }
0x98: {  	v7, _, _ =	vpop (xrf1)  }
0x99: {  	vm5 =	vne.s32 v5, v6;
	vm4 =	veq.s32 v7, v2  }
0x9a: {  	vm6 =	vlt.u32 v5, $0x80;
	vm4 =	vmand vm5, vm4  }
0x9b: {  	vm4 =	vmand vm6, vm4  }
0x9c: {  	v5 =	vnsel vm4, $0xFFFFFFFF, v5  }
.Ltmp7:
0x9d: {  	v6 =	vnsel vm6, $0xFFFFFFFE, v5;
	(pc) =	sbr.rel @p1 .LBB3_3-.Ltmp7, $3  }
0x9e: {  	_ =	sdelay $0x1  }
0x9f: {  	s2 =	sadd.s32 $0xFFFFFFF0, s2;
	s28 =	sadd.s32 $0xFFFFFFF0, s28;
	(ifvalue) =	ssetifvalue $0xFFFFFFFF  }
0xa0: {  	[tilespmem:s28], [sflag:$0x8] =	stream.indirect_vreg.gather [hbm4b:s1+s16], $0x1, v5, vm0, $0x4038;
	[tilespmem:s6+$0x0] =	vst v6  }
0xa1: {  	s0 =	sshrl.u32 s25, $0x3;
	s2 =	rddreg [dreg:$0x2]  }
0xa2: {  	s31 =	sadd.s32 $0x4F20, s26;
	s0 =	sadd.s32 s2, s0  }
0xa3: {  	[tilespmem:s31], [sflag:$0x8] =	stream.linear.gather [hbm:s0], $0xFA0, $0x38;
	[tilespmem:$0x8DC0] =	vst v63  }
.LBB3_5:
0xa4: {  	p1 =	slt.u32 s24, $0x2  }
0xa5: {  	p2 =	sge.u32 @!p1 s24, s12  }
0xa6: {  	p1 =	por p1, p2  }
.Ltmp8:
0xa7: {  	_ = 	snop;
	(pc) =	sbr.rel @p1 .LBB3_9-.Ltmp8, $1  }
0xa8: {  	_ =	sdelay $0x3  }
0xa9: {  	s0 =	sadd.s32 $0xFFFFFFFE, s24  }
0xaa: {  	s2 =	smulhi.u32 $0xAAAAAAAB, s0;
	_ =	sdelay $0x1  }
0xab: {  	s2 =	sshrl.u32 s2, $0x1  }
0xac: {  	s2 =	smul.u32 $0x3, s2;
	_ =	sdelay $0x1  }
0xad: {  	_ =	swait.ge [sflag:s8], $0x1F40;
	s0 =	ssub.s32 s0, s2  }
0xae: {  	s6 =	rddreg [dreg:$0x3];
	s0 =	smul.u32 $0xFA0, s0  }
0xaf: {  	[sflag:s8] =	ssyncset.done $0x0;
	p1 =	sne.s32 s24, s6  }
0xb0: {  	[sflag:s8] =	ssyncadd.s32 $0xFFFFE0C0;
	s2 =	sadd.s32 @!p1 $0x109F, s0  }
0xb1: {  	[spmem:s13] =	stream.linear.scatter @!p1 [tilespmem:s2], [sflag:$0x1], $0x1, $0x38;
	[tilespmem:$0x8DC0] =	vst v63  }
0xb2: {  	s2 =	simm.s32 @!p1 $0x1  }
0xb3: {  	_ =	swait.ge @!p1 [sflag:s2], $0x1  }
0xb4: {  	s6 =	sshll.u32 s24, $0x4;
	[sflag:s2] =	ssyncset.done @!p1 $0x0  }
0xb5: {  	s25 =	sand.u32 $0x10, s6;
	[sflag:s2] =	ssyncadd.s32 @!p1 $0xFFFFFFFF  }
0xb6: {  	s2 =	sxor.u32 $0x10, s25;
	v5 =	vld [tilespmem:s25+$0x10]  }
0xb7: {  	v6 =	vld [tilespmem:s2+$0x60]  }
0xb8: {  	v4 =	vld [tilespmem:$0x80];
	_ =	sdelay $0x2  }
0xb9: {  	(v2sf) =	vpush v5, $0x0  }
0xba: {  	(v2sf) =	vpush v6, $0x0  }
0xbb: {  	(v2sf) =	vpush v4, $0x0;
	_ =	sdelay $0xc  }
0xbc: {  	s11 =	spop (v2sf)  }
0xbd: {  	s22 =	spop (v2sf)  }
0xbe: {  	s28 =	spop (v2sf)  }
0xbf: {  	p2 =	seq.s32 s11, s22;
	p3 =	seq.s32 s28, s11  }
0xc0: {  	p3 =	por p2, p3  }
0xc1: {  	s26 =	sand.u32 $0x1, s24;
	v5 =	vpsel p3, $0xFFFFFFFF, v5  }
0xc2: {  	s29 =	smul.u32 $0xFA0, s26;
	[tilespmem:s25+$0x10] =	vst.msk $0x1, v5  }
0xc3: {  	v5 =	vld [tilespmem:$0x30]  }
0xc4: {  	v6 =	vld [tilespmem:s29+$0x4F20]  }
0xc5: {  	v7 =	vld [tilespmem:s25+$0x40];
	_ =	sdelay $0x2  }
0xc6: {  	vm4 =	vmmov vm1  }
0xc7: {  	vm5 =	vmmov vm2;
	s6 =	sshll.u32 s26, $0x4;
	vm4 =	vmmov @p2 vm2;
	v6 =	vmax.f32 v5, v6  }
0xc8: {  	s26 =	sor.u32 $0x8DA0, s6;
	vm5 =	vmmov @p3 vm1;
	v5 =	vmax.f32 v5, v7;
	[tilespmem:s29+$0x4F20] =	vst.msk vm4, v6  }
0xc9: {  	[tilespmem:s26+$0x0] =	vst.msk vm5, v5  }
0xca: {  	v5 =	vld [tilespmem:s29+$0x3F70];
	_ =	sdelay $0x4  }
0xcb: {  	v5 =	vshift.insert v5, v3, s21  }
0xcc: {  	s11 =	sor.u32 $0x40, s2  }
0xcd: {  	v6 =	vimm.f32 $-Inf;
	[tilespmem:s11+$0x0] =	vst.msk $0x1, v5  }
0xce: {  	[tilespmem:s29+$0x3F7F] =	vst.msk $0x1, v6  }
0xcf: {  	v5 =	vld [tilespmem:s0+$0x1090]  }
0xd0: {  	s22 =	smulhi.u32 $0xAAAAAAAB, s20;
	_ =	sdelay $0x1  }
0xd1: {  	s6 =	simm.s32 $0x1;
	s0 =	sshrl.u32 s22, $0x1  }
0xd2: {  	s6 =	simm.s32 @!p0 $0x0;
	s0 =	smul.u32 $0xFFFF4480, s0  }
0xd3: {  	s6 =	smul.u32 $0x3E80, s6;
	v5 =	vshift.insert v5, v1, s21  }
0xd4: {  	s0 =	sshra.s32 s0, $0x2  }
0xd5: {  	s6 =	sshrl.u32 s6, $0x2;
	s22 =	sadd.s32 s0, s19;
	[tilespmem:s2+$0x10] =	vst.msk $0x1, v5  }
0xd6: {  	s2 =	sadd.s32 $0x4F20, s6;
	v7 =	vld [tilespmem:s22+$0x0]  }
0xd7: {  	v8 =	vld [tilespmem:s2+$0x0];
	_ =	sdelay $0x4  }
0xd8: {  	vm4 =	vne.s32 v7, $0xFFFFFFFF;
	v6 =	vmax.f32 v8, v6  }
0xd9: {  	(xrf0) =	vmax.seg.scan.f32 vm4, v6  }
0xda: {  	s11 =	sadd.s32 $0x2FE0, s6;
	v8 =	vld [tilespmem:$0xA0]  }
0xdb: {  	v9 =	vld [tilespmem:s11+$0x0];
	_ =	sdelay $0x1  }
0xdc: {  	v6 =	vperm.xlane v5, v1;
	_ =	sdelay $0x1  }
0xdd: {  	vm6 =	veq.s32 v7, v4;
	vm7 =	veq.s32 v7, v6;
	vm5 =	veq.s32 v8, $0x1;
	v8, _, _ =	vpop (xrf0)  }
0xde: {  	vm8 =	vgt.u32 v7, $0xFFFFFFFD;
	vm7 =	vmor vm7, vm6;
	v9 =	vmax.f32 v8, v9  }
0xdf: {  	s30 =	sadd.s32 $0x6E60, s6;
	v10 =	vld [tilespmem:$0x90];
	vm7 =	vmor vm7, vm8;
	v9 =	vsel vm6, v8, v9  }
0xe0: {  	[tilespmem:s30+$0x0] =	vst v9;
	v9 =	vsel vm7, $0xFFFFFFFF, v7;
	_ =	sdelay $0x1  }
0xe1: {  	vm9 =	vmand vm4, vm3  }
0xe2: {  	s31 =	simm.s32 $0x0;
	s6 =	sadd.s32 $0x10, s11;
	s0 =	sadd.s32 $0x10, s2;
	v11 =	vsel vm9, $0xFF800000, v8  }
0xe3: {  	s2 =	sadd.s32 $0x10, s22;
	s22 =	sadd.s32 $0x10, s30;
	vm4 =	vmor vm5, vm6;
	v7 =	vsel vm6, v8, v10;
	v8 =	vshift.insert v11, v0, s21;
	(ifvalue) =	ssetifvalue $0xFFFFFFFF  }
.LBB3_7:
0xe4: {  	[hbm4b:s1+s16] =	stream.indirect_vreg.scatter [tilespmem:s30], [sflag:$0x2], $0x1, v9, vm0, $0x4038;
	[tilespmem:$0x8DC0] =	vst v63  }
0xe5: {  	s31 =	sadd.s32 $0x10, s31;
	s30 =	smov.u32 s22;
	v9 =	vld [tilespmem:s2+$0x0]  }
0xe6: {  	p2 =	slt.u32 s31, $0xF90;
	v10 =	vld [tilespmem:s0+$0x0];
	_ =	sdelay $0x4  }
0xe7: {  	vm5 =	vne.s32 v9, $0xFFFFFFFF;
	v8 =	vmax.f32 v10, v8  }
0xe8: {  	(xrf0) =	vmax.seg.scan.f32 vm5, v8;
	_ =	sdelay $0x1  }
0xe9: {  	v8 =	vld [tilespmem:s6+$0x0]  }
0xea: {  	vm6 =	veq.s32 v9, v4;
	vm7 =	veq.s32 v9, v6  }
0xeb: {  	vm8 =	vgt.u32 v9, $0xFFFFFFFD;
	vm4 =	vmor vm4, vm6;
	vm7 =	vmor vm7, vm6  }
0xec: {  	vm7 =	vmor vm7, vm8  }
.Ltmp9:
0xed: {  	vm5 =	vmand vm5, vm3;
	v9 =	vsel vm7, $0xFFFFFFFF, v9;
	v10, _, _ =	vpop (xrf0);
	(pc) =	sbr.rel @p2 .LBB3_7-.Ltmp9, $4  }
0xee: {  	v7 =	vsel vm6, v10, v7;
	v8 =	vmax.f32 v10, v8;
	v11 =	vsel vm5, $0xFF800000, v10  }
0xef: {  	v10 =	vsel vm6, v10, v8;
	v8 =	vshift.insert v11, v0, s21  }
0xf0: {  	s2 =	sadd.s32 $0x10, s2;
	s0 =	sadd.s32 $0x10, s0;
	[tilespmem:s22+$0x0] =	vst v10  }
0xf1: {  	s6 =	sadd.s32 $0x10, s6;
	s22 =	sadd.s32 $0x10, s22;
	(ifvalue) =	ssetifvalue $0xFFFFFFFF  }
0xf2: {  	_ =	sdelay $0x3  }
0xf3: {  	[hbm4b:s1+s16] =	stream.indirect_vreg.scatter [tilespmem:s30], [sflag:$0x2], $0x1, v9, vm0, $0x4038;
	[tilespmem:$0x8DC0] =	vst v63  }
0xf4: {  	v4 =	vld [tilespmem:s29+$0x7DF0];
	_ =	sdelay $0x4  }
0xf5: {  	v4 =	vshift.insert v4, v3, s21  }
0xf6: {  	s0 =	simm.s32 $0x30  }
0xf7: {  	[tilespmem:s0+$0x0] =	vst.msk $0x1, v4  }
0xf8: {  	v4 =	vsel vm4, $0x1, v1;
	[tilespmem:$0x90] =	vst v7  }
0xf9: {  	s0 =	sadd.s32 @!p1 $0x7DFF, s29;
	[tilespmem:$0xA0] =	vst v4  }
0xfa: {  	[spmem:s14] =	stream.linear.scatter @!p1 [tilespmem:s0], [sflag:$0x1], $0x1, $0x38;
	[tilespmem:$0x8DC0] =	vst v63  }
0xfb: {  	s0 =	simm.s32 @!p1 $0x1  }
0xfc: {  	v4 =	vmctz.xlane @!p1 vm4;
	_ =	swait.ge @!p1 [sflag:s0], $0x1  }
0xfd: {  	(v2sf) =	vpush @!p1 v5, $0x0  }
0xfe: {  	(v2sf) =	vpush @!p1 v4, $0x0;
	_ =	sdelay $0xd  }
0xff: {  	s2 =	spop @!p1 (v2sf)  }
0x100: {  	s6 =	spop @!p1 (v2sf)  }
0x101: {  	p2 =	sne.s32 @!p1 s28, s2;
	p3 =	slt.s32 @!p1 s6, $0xF  }
0x102: {  	[sflag:s0] =	ssyncset.done @!p1 $0x0;
	p2 =	por p2, p1;
	p3 =	por !p3, p1  }
0x103: {  	[sflag:s0] =	ssyncadd.s32 @!p1 $0xFFFFFFFF;
	v4 =	vimm.s32 @!p2 $0xFFFFFFFF;
	s6 =	simm.s32 @p3 $0xF  }
0x104: {  	[tilespmem:$0x80] =	vst @!p2 v4;
	s2 =	sadd.s32 @!p1 $0x90, s6  }
0x105: {  	[spmem:s10] =	stream.linear.scatter @!p1 [tilespmem:s2], [sflag:$0x1], $0x1, $0x38;
	[tilespmem:$0x8DC0] =	vst v63  }
0x106: {  	_ =	swait.ge @!p1 [sflag:s0], $0x1  }
0x107: {  	[sflag:s0] =	ssyncset.done @!p1 $0x0  }
0x108: {  	s2 =	simm.s32 @!p1 $0x80;
	[sflag:s0] =	ssyncadd.s32 @!p1 $0xFFFFFFFF  }
0x109: {  	[spmem:s15] =	stream.linear.scatter @!p1 [tilespmem:s2], [sflag:$0x1], $0x1, $0x38;
	[tilespmem:$0x8DC0] =	vst v63  }
0x10a: {  	_ =	swait.ge @!p1 [sflag:s0], $0x1  }
0x10b: {  	[sflag:s0] =	ssyncset.done @!p1 $0x0  }
0x10c: {  	[sflag:s0] =	ssyncadd.s32 @!p1 $0xFFFFFFFF;
	(ifvalue) =	ssetifvalue $0xFFFFFFFF;
	v4 =	vld [tilespmem:s25+$0x10];
	_ =	sdelay $0x3  }
.Ltmp10:
0x10d: {  	_ = 	snop;
	(pc) =	sbr.rel .LBB3_9-.Ltmp10, $3  }
0x10e: {  	_ =	sdelay $0x1  }
0x10f: {  	(ifvalue) =	ssetifvalue $0xFFFFFFFF  }
0x110: {  	[hbm4b:s1+s16] =	stream.indirect_vreg.scatter [tilespmem:s26], [sflag:$0x9], $0x1, v4, vm0, $0x4038;
	[tilespmem:$0x8DC0] =	vst v63  }
.LBB3_10:
0x111: {  	_ =	sfence.sel $0x180000  }
0x112: {  	s0 =	simm.s32 $0x7;
	[bflag:$0x0] =	sbarrier.arrive $0xFFFF  }
0x113: {  	s26 =	simm.s32 $0x8;
	[sflag:s0] =	ssyncpa.u1 $0x1  }
0x114: {  	s28 =	simm.s32 $0x9;
	[sflag:s26] =	ssyncpa.u1 $0x1  }
0x115: {  	[sflag:s28] =	ssyncpa.u1 $0x1  }
0x116: {  	_ =	sfence.stream.spmem  }
0x117: {  	s29 =	simm.s32 $0x3;
	[bflag:$0x0] =	sbarrier.arrive $0xFFFF  }
0x118: {  	s30 =	simm.s32 $0x4;
	[sflag:s29] =	ssyncpa.u1 $0x1  }
0x119: {  	s31 =	simm.s32 $0x3C;
	s2 =	stileid.u32;
	[sflag:s30] =	ssyncpa.u1 $0x1  }
0x11a: {  	p0 =	sne.s32 s2, $0x0;
	[sflag:s31] =	ssyncpa.u1 $0x1  }
0x11b: {  	s0 =	simm.s32 @p0 $0x1;
	_ =	sfence @p0  }
0x11c: {  	[sflag:s0] =	ssyncpa.u1 @p0 $0x1;
	s0 =	simm.s32 @p0 $0x2  }
0x11d: {  	[sflag:s0] =	ssyncpa.u1 @p0 $0x1  }
0x11e: {  	_ =	strace @p0 $0x9000006B  }
0x11f: {  	[bflag:$0x2] =	sbarrier.arrive @p0 $0xFFFF  }
0x120: {  	_ =	shalt @p0  }
.LBB3_11:
0x121: {  	_ =	sfence.stream.spmem;
	s0 =	simm.s32 $0x5  }
0x122: {  	s2 =	simm.s32 $0x80;
	s3 =	simm.s32 $0xC0;
	[sflag:s0] =	ssyncpa.u1 $0x0  }
0x123: {  	[tilespmem:s3], [sflag:$0x5] =	stream.linear.gather [spmem:s2], $0x20, $0x38;
	[tilespmem:$0x8DC0] =	vst v63  }
0x124: {  	s30 =	simm.s32 $0xE0;
	s2 =	simm.s32 $0x0  }
0x125: {  	[tilespmem:s30], [sflag:$0x5] =	stream.linear.gather [spmem:s2], $0x20, $0x38;
	[tilespmem:$0x8DC0] =	vst v63  }
.Ltmp11:
0x126: {  	_ = 	snop;
	(pc) =	sbr.rel .LBB3_12-.Ltmp11, $4  }
0x127: {  	_ =	swait.ge [sflag:s0], $0x40  }
0x128: {  	[sflag:s0] =	ssyncset.done $0x0  }
0x129: {  	s31 =	simm.s32 $0x6;
	[sflag:s0] =	ssyncadd.s32 $0xFFFFFFC0  }
0x12a: {  	s3 =	simm.s32 $0x0;
	[sflag:s31] =	ssyncpa.u1 $0x0  }
.LBB3_17:
0x12b: {  	p0 =	sgt.u32 s4, $0x7F  }
0x12c: {  	s0 =	sshrl.u32 @!p0 s4, $0x3  }
0x12d: {  	s4 =	sand.u32 @!p0 $0x7, s4;
	s5 =	simm.s32 @!p0 $0xB0;
	s0 =	sadd.s32 @!p0 s1, s0  }
0x12e: {  	[tilespmem:s5], [sflag:$0x6] =	stream.linear.gather @!p0 [hbm4b:s0+s4], $0x1, $0x38;
	[tilespmem:$0x8DC0] =	vst v63  }
0x12f: {  	s0 =	simm.s32 @!p0 $0x6  }
0x130: {  	_ =	swait.ge @!p0 [sflag:s0], $0x1  }
0x131: {  	[sflag:s0] =	ssyncset.done @!p0 $0x0  }
0x132: {  	[sflag:s0] =	ssyncadd.s32 @!p0 $0xFFFFFFFF  }
0x133: {  	v1 =	vld.msk @!p0 [tilespmem:$0xB0], $0x1  }
0x134: {  	v2 =	vld.msk @!p0 [tilespmem:s3+$0xE0], $0x1;
	_ =	sdelay $0x4  }
0x135: {  	v1 =	vmax.f32 @!p0 v2, v1  }
0x136: {  	[tilespmem:s3+$0xE0] =	vst.msk @!p0 $0x1, v1  }
0x137: {  	[tilespmem:s2+$0xC0] =	vst.msk $0x1, v0  }
0x138: {  	v0 =	vld.msk [tilespmem:s3+$0xE0], $0x1;
	_ =	sdelay $0x4  }
0x139: {  	[tilespmem:s2+$0xE0] =	vst.msk $0x1, v0;
	s2 =	sadd.s32 $0x1, s2  }
.LBB3_19:
0x13a: {  	s3 =	sadd.s32 $0x1, s3  }
0x13b: {  	p0 =	sne.s32 s3, $0x20  }
.Ltmp12:
0x13c: {  	_ = 	snop;
	(pc) =	sbr.rel @!p0 .LBB3_20-.Ltmp12, $1  }
0x13d: {  	_ =	sdelay $0x3  }
.LBB3_12:
0x13e: {  	v0 =	vld.msk [tilespmem:s3+$0xC0], $0x1;
	_ =	sdelay $0x4  }
0x13f: {  	(v2sf) =	vpush v0, $0x0;
	_ =	sdelay $0xe  }
0x140: {  	s4 =	spop (v2sf)  }
0x141: {  	p0 =	seq.s32 s4, $0xFFFFFFFF  }
.Ltmp13:
0x142: {  	_ = 	snop;
	(pc) =	sbr.rel @p0 .LBB3_19-.Ltmp13, $1  }
0x143: {  	_ =	sdelay $0x3  }
0x144: {  	p0 =	slt.s32 s2, $0x1  }
.Ltmp14:
0x145: {  	_ = 	snop;
	(pc) =	sbr.rel @p0 .LBB3_17-.Ltmp14, $1  }
0x146: {  	_ =	sdelay $0x3  }
0x147: {  	s0 =	simm.s32 $0xC0;
	p0 =	por $0x0, $0x0  }
0x148: {  	v1 =	vld.msk @!p0 [tilespmem:s0+$0x0], $0x1;
	_ =	sdelay $0x4  }
0x149: {  	(v2sf) =	vpush @!p0 v1, $0x0;
	_ =	sdelay $0xd  }
0x14a: {  	p2 =	sne.s32 s2, $0x1  }
.Ltmp15:
0x14b: {  	s5 =	spop @!p0 (v2sf);
	(pc) =	sbr.rel @!p2 .LBB3_16-.Ltmp15, $4  }
0x14c: {  	p1 =	seq.s32 @!p0 s4, s5  }
0x14d: {  	s5 =	simm.s32 $0x0;
	p1 =	por !p1, p0  }
0x14e: {  	s7 =	simm.s32 $0xFFFFFFFF;
	s5 =	simm.s32 @p1 $0xFFFFFFFF  }
0x14f: {  	s6 =	simm.s32 $0x1;
	s5 =	smov.u32 @p0 s7  }
.LBB3_15:
0x150: {  	s7 =	smov.u32 s5;
	p0 =	sne.s32 s5, $0xFFFFFFFF  }
0x151: {  	s0 =	sadd.s32 $0x1, s0;
	s5 =	smov.u32 s6;
	s6 =	sadd.s32 $0x1, s6  }
0x152: {  	p1 =	sne.s32 s2, s6;
	v1 =	vld.msk @!p0 [tilespmem:s0+$0x0], $0x1;
	_ =	sdelay $0x4  }
0x153: {  	(v2sf) =	vpush @!p0 v1, $0x0;
	_ =	sdelay $0xe  }
.Ltmp16:
0x154: {  	s8 =	spop @!p0 (v2sf);
	(pc) =	sbr.rel @p1 .LBB3_15-.Ltmp16, $4  }
0x155: {  	p2 =	seq.s32 @!p0 s4, s8  }
0x156: {  	p2 =	por !p2, p0  }
0x157: {  	s5 =	simm.s32 @p2 $0xFFFFFFFF  }
0x158: {  	s5 =	smov.u32 @p0 s7  }
.LBB3_16:
0x159: {  	p0 =	sne.s32 s5, $0xFFFFFFFF  }
.Ltmp17:
0x15a: {  	_ = 	snop;
	(pc) =	sbr.rel @!p0 .LBB3_17-.Ltmp17, $1  }
0x15b: {  	_ =	sdelay $0x3  }
0x15c: {  	v0 =	vld.msk [tilespmem:s3+$0xE0], $0x1  }
0x15d: {  	v1 =	vld.msk [tilespmem:s5+$0xE0], $0x1;
	_ =	sdelay $0x1  }
.Ltmp18:
0x15e: {  	_ = 	snop;
	(pc) =	sbr.rel .LBB3_19-.Ltmp18, $3  }
0x15f: {  	_ =	sdelay $0x1  }
0x160: {  	v0 =	vmax.f32 v1, v0  }
0x161: {  	[tilespmem:s5+$0xE0] =	vst.msk $0x1, v0  }
.LBB3_20:
0x162: {  	p0 =	slt.s32 s2, $0x1  }
.Ltmp19:
0x163: {  	_ = 	snop;
	(pc) =	sbr.rel @p0 .LBB3_24-.Ltmp19, $3  }
0x164: {  	_ =	sdelay $0x1  }
0x165: {  	s0 =	simm.s32 $0x6  }
0x166: {  	s3 =	simm.s32 $0x0;
	[sflag:s0] =	ssyncpa.u1 $0x1  }
0x167: {  	s0 =	simm.s32 $0xC0  }
0x168: {  	v0 =	vld.msk [tilespmem:s0+$0x0], $0x1;
	_ =	sdelay $0x4  }
0x169: {  	(v2sf) =	vpush v0, $0x0;
	_ =	sdelay $0xe  }
0x16a: {  	s2 =	sadd.s32 $0xFFFFFFFF, s2;
	s4 =	spop (v2sf)  }
0x16b: {  	p1 =	sne.s32 s2, $0x0;
	p0 =	sgt.u32 s4, $0x7F  }
.Ltmp20:
0x16c: {  	s5 =	sshrl.u32 @!p0 s4, $0x3;
	(pc) =	sbr.rel @!p1 .LBB3_23-.Ltmp20, $4  }
0x16d: {  	s0 =	simm.s32 $0xE0;
	s4 =	sand.u32 @!p0 $0x7, s4;
	s5 =	sadd.s32 @!p0 s1, s5  }
0x16e: {  	[hbm4b:s5+s4] =	stream.linear.scatter @!p0 [tilespmem:s0], [sflag:$0x5], $0x1, $0x38;
	[tilespmem:$0x8DC0] =	vst v63  }
0x16f: {  	s5 =	simm.s32 $0x0  }
0x170: {  	s4 =	simm.s32 $0xC1;
	s5 =	simm.s32 @!p0 $0x4  }
.LBB3_22:
0x171: {  	v0 =	vld.msk [tilespmem:s4+$0x0], $0x1;
	s2 =	sadd.s32 $0xFFFFFFFF, s2;
	s3 =	sadd.s32 s3, s5  }
0x172: {  	p0 =	sne.s32 s2, $0x0;
	_ =	sdelay $0x3  }
0x173: {  	(v2sf) =	vpush v0, $0x0;
	_ =	sdelay $0xe  }
.Ltmp21:
0x174: {  	s6 =	spop (v2sf);
	(pc) =	sbr.rel @p0 .LBB3_22-.Ltmp21, $4  }
0x175: {  	s5 =	simm.s32 $0x0;
	p1 =	sgt.u32 s6, $0x7F  }
0x176: {  	s0 =	sadd.s32 $0x1, s0;
	s5 =	simm.s32 @!p1 $0x4;
	s7 =	sshrl.u32 @!p1 s6, $0x3  }
0x177: {  	s4 =	sadd.s32 $0x1, s4;
	s6 =	sand.u32 @!p1 $0x7, s6;
	s7 =	sadd.s32 @!p1 s1, s7  }
0x178: {  	[hbm4b:s7+s6] =	stream.linear.scatter @!p1 [tilespmem:s0], [sflag:$0x5], $0x1, $0x38;
	[tilespmem:$0x8DC0] =	vst v63  }
.LBB3_23:
0x179: {  	s0 =	sadd.s32 s3, s5  }
0x17a: {  	s3 =	sshrl.u32 s0, $0x2  }
.LBB3_24:
0x17b: {  	s0 =	simm.s32 $0x5  }
0x17c: {  	_ =	swait.ge [sflag:s0], s3  }
0x17d: {  	s1 =	ssub.s32 $0x0, s3;
	[sflag:s0] =	ssyncset.done $0x0  }
0x17e: {  	[sflag:s0] =	ssyncadd.s32 s1  }
0x17f: {  	[sflag:s0] =	ssyncpa.u1 $0x1  }
0x180: {  	s29 =	simm.s32 $0x1;
	_ =	sfence  }
0x181: {  	s30 =	simm.s32 $0x2;
	[sflag:s29] =	ssyncpa.u1 $0x1  }
0x182: {  	[sflag:s30] =	ssyncpa.u1 $0x1  }
0x183: {  	_ =	strace $0x9000006B  }
0x184: {  	[bflag:$0x2] =	sbarrier.arrive $0xFFFF  }
0x185: {  	s31 =	rddreg [dreg:$0x1]  }
0x186: {  	s0 =	sadd.s32 $0x100000, s31  }
0x187: {  	[sflag:s0] =	ssyncadd.tile.s32 $0x1;
	_ =	shalt  }
.Lfunc_end3:
_tile_overlayer_lowered:
.L_overlay_start_3:
0x188: {  	(tag) =	ssettag $0x3  }
0x189: {  	s0 =	rddreg [dreg:$0x0];
	s2 =	stileid.u32  }
0x18a: {  	s1 =	rddreg [dreg:$0x1];
	p0 =	sne.s32 s2, $0x0  }
0x18b: {  	s3 =	rddreg [dreg:$0x2];
	[bflag:$0x3] =	sbarrier.arrive $0xFFFF;
	s2 =	simm.s32 @!p0 $0x1C01  }
0x18c: {  	[timem:s3], [sflag:s2] =	dma.local @!p0 [hbm:s0], s1  }
0x18d: {  	s0 =	simm.s32 @!p0 $0x1  }
0x18e: {  	_ =	swait.ge @!p0 [sflag:s0], s1  }
0x18f: {  	s1 =	ssub.s32 @!p0 $0x0, s1;
	[sflag:s0] =	ssyncset.done @!p0 $0x0  }
0x190: {  	[sflag:s0] =	ssyncadd.s32 @!p0 s1  }
0x191: {  	[bflag:$0x3] =	sbarrier.arrive $0xFFFF  }
0x192: {  	_ =	shalt  }

// kernel: scatter_offload_async_start.8
scs
__scs_entry_jumppad:
0x0: {  	(pc) =	sbr.rel $0x88, $3  }
0x1: {  	(tag) =	ssettag $0x0;
	lr =	simm.s32 $0x1  }
0x2: {  	[smem:$0x3F99] =	sst lr;
	_ =	strace $0xD0000000  }
0x3: {  	_ = 	snop  }
0x4: {  	_ = 	snop  }
0x5: {  	_ = 	snop  }
0x6: {  	_ = 	snop  }
0x7: {  	_ = 	snop  }
__scs_overlays_trampoline_lowered:
0x8: {  	[smem:$0x3FA8] =	sst s0  }
0x9: {  	[smem:$0x3FA9] =	sst s1  }
0xa: {  	[smem:$0x3FAA] =	sst s2  }
0xb: {  	[smem:$0x3FAB] =	sst s3  }
0xc: {  	[smem:$0x3FAC] =	sst s4  }
0xd: {  	[smem:$0x3FAD] =	sst s5  }
0xe: {  	[smem:$0x3FAE] =	sst s6  }
0xf: {  	[smem:$0x3FAF] =	sst s7  }
0x10: {  	[smem:$0x3FB0] =	sst s8  }
0x11: {  	[smem:$0x3FB1] =	sst s9;
	s0 =	simm.s32 @!p0 $0x0  }
0x12: {  	s1 =	sld [smem:$0x3F97];
	s0 =	simm.s32 @p0 $0x1  }
0x13: {  	[smem:$0x3FB2] =	sst s0;
	s0 =	simm.s32 @!p1 $0x0  }
0x14: {  	s2 =	sld [smem:$0x3F96];
	s0 =	simm.s32 @p1 $0x1  }
0x15: {  	[smem:$0x3FB3] =	sst s0;
	s0 =	simm.s32 @!p2 $0x0  }
0x16: {  	s3 =	sld [smem:$0x3FDB];
	s0 =	simm.s32 @p2 $0x1  }
0x17: {  	s4 =	simm.s32 $0x1BF5;
	[smem:$0x3FB5] =	sst s0  }
0x18: {  	s0 =	sld [smem:$0x3F98];
	_ =	swait.ge [sflag:s4], $0x0  }
0x19: {  	s7 =	sld [smem:$0x3F99]  }
0x1a: {  	s8 =	sadd.s32 $0xFFFFE003, lr  }
0x1b: {  	s9 =	sadd.s32 $0xFFFFFEF7, lr;
	s5 =	simm.s32 $0xFFFFFFFF;
	p2 =	slt.u32 s8, $0xFFFFF086  }
0x1c: {  	p1 =	slt.u32 s9, $0xF7A;
	s5 =	simm.s32 @!p2 $0x0  }
0x1d: {  	s5 =	simm.s32 @p1 $0x1;
	p0 =	seq.s32 s7, s2  }
0x1e: {  	s7 =	smul.u32 @!p0 $0xF7A, s2;
	p2 =	seq.s32 @!p0 s5, $0x0  }
0x1f: {  	s9 =	smul.u32 $0xF7A, s1;
	s8 =	simm.s32 @!p0 $0x1BF5;
	p2 =	por !p2, p0  }
0x20: {  	[sflag:s8] =	ssyncset.s32 @!p0 $0xFFFFF086;
	s6 =	sadd.s32 @!p0 s3, s7;
	s7 =	simm.s32 @!p0 $0x108  }
0x21: {  	s3 =	sadd.s32 s3, s9;
	s6 =	sadd.s32 @!p0 $0x88, s6;
	s7 =	simm.s32 @p2 $0x1082  }
0x22: {  	[simem:s7], [sflag:s8] =	dma.local @!p0 [hbm:s6], $0xF7A  }
0x23: {  	s9 =	sor.u32 $0xD0000000, s2;
	s6 =	simm.s32 $0x108;
	_ =	swait.ge @!p0 [sflag:s8], $0x0  }
0x24: {  	s3 =	sadd.s32 $0x88, s3;
	s6 =	simm.s32 @!p1 $0x1082;
	[sflag:s4] =	ssyncset.s32 $0xFFFFF086  }
0x25: {  	[simem:s6], [sflag:s4] =	dma.local [hbm:s3], $0xF7A  }
0x26: {  	[smem:$0x3F99] =	sst s1;
	(tag) =	ssettag s2;
	_ =	strace s9  }
0x27: {  	s1 =	sld [smem:$0x3FA9]  }
0x28: {  	s2 =	sld [smem:$0x3FAA]  }
0x29: {  	s4 =	sld [smem:$0x3FAC]  }
0x2a: {  	p0 =	seq.s32 s5, $0x0;
	s5 =	sld [smem:$0x3FAD]  }
0x2b: {  	s6 =	sld [smem:$0x3FAE]  }
0x2c: {  	s7 =	sld [smem:$0x3FAF]  }
0x2d: {  	s3 =	simm.s32 $0x108;
	s8 =	sld [smem:$0x3FB0]  }
0x2e: {  	s3 =	simm.s32 @!p0 $0x1082;
	s9 =	sld [smem:$0x3FB1]  }
0x2f: {  	lr =	sadd.s32 s0, s3;
	s0 =	sld [smem:$0x3FA8]  }
0x30: {  	s3 =	sld [smem:$0x3FAB]  }
0x31: {  	[smem:$0x3FB4] =	sst s10  }
0x32: {  	s10 =	sld [smem:$0x3FB2];
	_ =	sdelay $0x3  }
0x33: {  	p0 =	seq.s32 s10, $0x1;
	s10 =	sld [smem:$0x3FB4];
	_ =	sdelay $0x3  }
0x34: {  	[smem:$0x3FB4] =	sst s10  }
0x35: {  	s10 =	sld [smem:$0x3FB3];
	_ =	sdelay $0x3  }
0x36: {  	p1 =	seq.s32 s10, $0x1;
	s10 =	sld [smem:$0x3FB4];
	_ =	sdelay $0x3  }
0x37: {  	[smem:$0x3FB4] =	sst s10  }
0x38: {  	s10 =	sld [smem:$0x3FB5]  }
0x39: {  	_ = 	snop;
	(pc) =	sbr.ind lr, $3  }
0x3a: {  	_ = 	snop  }
0x3b: {  	_ = 	snop  }
0x3c: {  	p2 =	seq.s32 s10, $0x1;
	s10 =	sld [smem:$0x3FB4]  }
0x3d: {  	_ =	shalt  }
0x3e: {  	_ =	shalt  }
0x3f: {  	_ =	shalt  }
0x40: {  	_ =	shalt  }
0x41: {  	_ =	shalt  }
0x42: {  	_ =	shalt  }
0x43: {  	_ =	shalt  }
0x44: {  	_ =	shalt  }
0x45: {  	_ =	shalt  }
0x46: {  	_ =	shalt  }
0x47: {  	_ =	shalt  }
0x48: {  	_ =	shalt  }
0x49: {  	_ =	shalt  }
0x4a: {  	_ =	shalt  }
0x4b: {  	_ =	shalt  }
0x4c: {  	_ =	shalt  }
0x4d: {  	_ =	shalt  }
0x4e: {  	_ =	shalt  }
0x4f: {  	_ =	shalt  }
0x50: {  	_ =	shalt  }
0x51: {  	_ =	shalt  }
0x52: {  	_ =	shalt  }
0x53: {  	_ =	shalt  }
0x54: {  	_ =	shalt  }
0x55: {  	_ =	shalt  }
0x56: {  	_ =	shalt  }
0x57: {  	_ =	shalt  }
0x58: {  	_ =	shalt  }
0x59: {  	_ =	shalt  }
0x5a: {  	_ =	shalt  }
0x5b: {  	_ =	shalt  }
0x5c: {  	_ =	shalt  }
0x5d: {  	_ =	shalt  }
0x5e: {  	_ =	shalt  }
0x5f: {  	_ =	shalt  }
0x60: {  	_ =	shalt  }
0x61: {  	_ =	shalt  }
0x62: {  	_ =	shalt  }
0x63: {  	_ =	shalt  }
0x64: {  	_ =	shalt  }
0x65: {  	_ =	shalt  }
0x66: {  	_ =	shalt  }
0x67: {  	_ =	shalt  }
0x68: {  	_ =	shalt  }
0x69: {  	_ =	shalt  }
0x6a: {  	_ =	shalt  }
0x6b: {  	_ =	shalt  }
0x6c: {  	_ =	shalt  }
0x6d: {  	_ =	shalt  }
0x6e: {  	_ =	shalt  }
0x6f: {  	_ =	shalt  }
0x70: {  	_ =	shalt  }
0x71: {  	_ =	shalt  }
0x72: {  	_ =	shalt  }
0x73: {  	_ =	shalt  }
0x74: {  	_ =	shalt  }
0x75: {  	_ =	shalt  }
0x76: {  	_ =	shalt  }
0x77: {  	_ =	shalt  }
0x78: {  	_ =	shalt  }
0x79: {  	_ =	shalt  }
0x7a: {  	_ =	shalt  }
0x7b: {  	_ =	shalt  }
0x7c: {  	_ =	shalt  }
0x7d: {  	_ =	shalt  }
0x7e: {  	_ =	shalt  }
0x7f: {  	_ =	shalt  }
0x80: {  	_ =	shalt  }
0x81: {  	_ =	shalt  }
0x82: {  	_ =	shalt  }
0x83: {  	_ =	shalt  }
0x84: {  	_ =	shalt  }
0x85: {  	_ =	shalt  }
0x86: {  	_ =	shalt  }
0x87: {  	_ =	shalt  }
.Lfunc_end0:
.L_simem_size_0:
called_computation.8_lowered:
.L_overlay_start_0:
0x88: {  	s0 =	sld [smem:$0x3FD9]  }
0x89: {  	s1 =	sld [smem:$0x3FFE];
	_ =	sdelay $0x3  }
0x8a: {  	s0 =	sadd.s32 s1, s0  }
0x8b: {  	[smem:$0x3FC0] =	sst s0  }
0x8c: {  	_ = 	snop  }
0x8d: {  	s0 =	sld [smem:$0x3FD0];
	_ =	sdelay $0x2  }
0x8e: {  	s13 =	simm.s32 $0xF;
	s2 =	simm.s32 $0x10  }
0x8f: {  	[smem:s2], [sflag:s13] =	dma.local [hbm:s0], $0x1  }
0x90: {  	_ =	swait.eq [sflag:s13], $0x1  }
0x91: {  	[sflag:s13] =	ssyncset.done $0x0  }
0x92: {  	s14 =	sld [smem:$0x10];
	[sflag:s13] =	ssyncadd.s32 $0xFFFFFFFF  }
0x93: {  	s15 =	sld [smem:$0x12];
	(tm) =	ssettm $0x1  }
0x94: {  	s16 =	sld [smem:$0x3FFB];
	_ =	sdelay $0x3  }
0x95: {  	_ =	strace s16  }
0x96: {  	s2 =	sld [smem:$0x3FFC];
	_ =	sdelay $0x3  }
0x97: {  	_ =	strace s2  }
0x98: {  	s2 =	sld [smem:$0x3FFD];
	_ =	sdelay $0x3  }
0x99: {  	_ =	strace s2  }
0x9a: {  	_ =	strace $0x8FFFFFFF  }
0x9b: {  	s17 =	sld [smem:$0x3FDB];
	_ =	sdelay $0x1  }
0x9c: {  	s3 =	simm.s32 $_scs_section_size  }
0x9d: {  	s4 =	simm.s32 $_size__tile_overlayer_lowered;
	s5 =	simm.s32 $_tile_overlayer_lowered  }
0x9e: {  	s20 =	simm.s32 $0x1BFF;
	s19 =	sshll.u32 s5, $0x1;
	s2 =	sadd.s32 s3, s17  }
0x9f: {  	s6 =	simm.s32 $0x0;
	s18 =	sshll.u32 s4, $0x1;
	s4 =	sadd.s32 s19, s2  }
0xa0: {  	[timem:s6], [sflag:s20] =	dma.local [hbm:s4], s18  }
0xa1: {  	_ =	swait.ge [sflag:s20], s18  }
0xa2: {  	s3 =	ssub.s32 $0x0, s18;
	[sflag:s20] =	ssyncset.done $0x0  }
0xa3: {  	[sflag:s20] =	ssyncadd.s32 s3;
	_ =	sdelay $0x1  }
0xa4: {  	s21 =	simm.s32 $0x1B8B  }
0xa5: {  	_ =	swait.ge [sflag:s21], $0x1  }
0xa6: {  	[sflag:s21] =	ssyncset.done $0x0  }
0xa7: {  	s23 =	simm.s32 $0x1B8E;
	s22 =	sld [smem:$0x3FFE];
	[sflag:s21] =	ssyncadd.s32 $0xFFFFFFFF  }
0xa8: {  	s24 =	simm.s32 $execute0_lowered;
	[smem:$0x3FD2] =	sst s23  }
0xa9: {  	s4 =	sshll.u32 s24, $0x1;
	_ =	strace $0x80000073;
	[dreg:$0x1] =	wrdreg $0xFFFFFFFF  }
0xaa: {  	s25 =	simm.s32 $_size_execute0_lowered;
	s2 =	sadd.s32 s2, s4;
	[dreg:$0x0] =	wrdreg $0x0  }
0xab: {  	s4 =	sshll.u32 s25, $0x1;
	[dreg:$0x2] =	wrdreg s2  }
0xac: {  	[dreg:$0x3] =	wrdreg s4  }
0xad: {  	[dreg:$0x4] =	wrdreg $0xC0  }
0xae: {  	_ =	task [dreg:s6], $0x5FFFF  }
0xaf: {  	[dreg:$0x1] =	wrdreg $0xFFFFFFFF  }
0xb0: {  	[dreg:$0x0] =	wrdreg $0x60  }
0xb1: {  	[dreg:$0x2] =	wrdreg s15  }
0xb2: {  	[dreg:$0x3] =	wrdreg s14  }
0xb3: {  	[dreg:$0x4] =	wrdreg s22  }
0xb4: {  	[dreg:$0x5] =	wrdreg $0xA  }
0xb5: {  	_ =	task.clear_ibuf [dreg:s6], $0x6FFFF;
	_ =	strace $0x90000073  }
0xb6: {  	s26 =	simm.s32 $0xA;
	_ =	strace $0x80000075  }
0xb7: {  	_ =	swait.ge [sflag:s26], $0x1  }
0xb8: {  	[sflag:s26] =	ssyncadd.s32 $0xFFFFFFFF  }
0xb9: {  	_ =	strace $0x90000075  }
0xba: {  	_ =	sfence  }
0xbb: {  	s28 =	sld [smem:$0x0];
	_ =	sdelay $0x1  }
0xbc: {  	s29 =	srdreg.scid  }
0xbd: {  	s30 =	sshll.u32 s29, $0xD;
	s31 =	sshrl.u32 s29, $0x2  }
0xbe: {  	s1 =	sand.u32 $0x1, s29;
	s2 =	sand.u32 $0x4000, s30;
	s0 =	sadd.s32 s31, s28  }
0xbf: {  	s1 =	sor.u32 s2, s1;
	s0 =	sshll.u32 s0, $0x11  }
0xc0: {  	s0 =	sor.u32 s0, s1  }
0xc1: {  	s0 =	sadd.s32 $0x8F2B, s0  }
0xc2: {  	[sflag:s0] =	ssyncadd.remote.s32 $0x1  }
0xc3: {  	_ =	sfence.sel $0xFFFF  }
0xc4: {  	[dreg:$0x0] =	wrdreg $0xFFFFFFFF;
	(pc) =	sbr.abs _section_cstart, $3  }
0xc5: {  	[dreg:$0x1] =	wrdreg $0xFFFFFFFF  }
0xc6: {  	_ =	task.clear_ibuf [dreg:s6], $0x2FFFF;
	_ =	strace $0x9FFFFFFF  }
0xc7: {  	(tm) =	ssettm $0x7FFFFFFF  }
tec
execute0_lowered:
.L_overlay_start_1:
0x0: {  	(tag) =	ssettag $0x1  }
0x1: {  	s1 =	rddreg [dreg:$0x0]  }
0x2: {  	s0 =	rddreg [dreg:$0x2]  }
0x3: {  	s14 =	stileid.u32;
	_ =	strace $0x80000074;
	s2 =	simm.s32 $0x1  }
0x4: {  	v1 =	vimm.s32 $0xFFFFFFFF;
	s3 =	smin.u32 s14, $0x9;
	[sflag:s2] =	ssyncpa.u1 $0x0  }
0x5: {  	v0 =	vimm.s32 $0x7FFFFFFF;
	s3 =	sadd.s32 s14, s3;
	[tilespmem:$0x10] =	vst v1  }
0x6: {  	p0 =	slt.u32 s14, $0x9;
	[tilespmem:$0x20] =	vst v1;
	s4 =	smul.u32 $0xFA0, s3;
	s3 =	simm.s32 $0x1F40  }
0x7: {  	[tilespmem:$0x30] =	vst v0;
	s3 =	simm.s32 @!p0 $0xFA0  }
0x8: {  	[tilespmem:$0x40] =	vst v0;
	s3 =	sadd.s32 s3, s4  }
0x9: {  	[tilespmem:$0x50] =	vst v0;
	s5 =	smin.u32 s3, $0x186A0  }
0xa: {  	s7 =	simm.s32 $0x2;
	[tilespmem:$0x60] =	vst v1;
	s3 =	ssub.s32 s5, s4  }
0xb: {  	s8 =	simm.s32 $0x8;
	s31 =	simm.s32 $0x9;
	[tilespmem:$0x70] =	vst v1;
	p0 =	sgt.s32 s3, $0x0  }
0xc: {  	s16 =	simm.s32 $0x0;
	s17 =	simm.s32 $0xF0;
	[tilespmem:$0x80] =	vst v1;
	s3 =	simm.s32 @!p0 $0x0  }
0xd: {  	s18 =	simm.s32 $0xFFFFFFFF;
	s19 =	simm.s32 $0xFFFFE1C0;
	v1 =	vimm.s32 $0x0;
	[tilespmem:$0xB0] =	vst v0;
	s6 =	smulhi.u32 $0x10624DD3, s3  }
0xe: {  	s20 =	simm.s32 $0xFFFFFFFE;
	s21 =	simm.s32 $0xF;
	s25 =	simm.s32 $0x0;
	[tilespmem:$0x90] =	vst v1  }
0xf: {  	[tilespmem:$0xA0] =	vst v1;
	[sflag:s7] =	ssyncpa.u1 $0x0;
	s7 =	simm.s32 $0x7;
	s9 =	sshrl.u32 s6, $0x8  }
0x10: {  	s24 =	simm.s32 $0x0;
	[sflag:s7] =	ssyncpa.u1 $0x0;
	s10 =	smul.u32 $0xFA0, s9  }
.Ltmp0:
0x11: {  	[sflag:s8] =	ssyncpa.u1 $0x0;
	s23 =	smov.u32 s4;
	(pc) =	sbr.rel .LBB2_1-.Ltmp0, $4  }
0x12: {  	[sflag:s31] =	ssyncpa.u1 $0x0;
	s6 =	sadd.s32 $0x23CC00, s0;
	p0 =	sne.s32 s3, s10  }
0x13: {  	s10 =	sshll.u32 s14, $0x1;
	s14 =	sshllo.u32 s14, $0x1;
	s2 =	simm.s32 @!p0 $0x0  }
0x14: {  	vm0 =	vmmov $0xffff;
	v2 =	vlaneseq.u32;
	s13 =	sor.u32 $0x81, s10;
	s15 =	sor.u32 $0x80, s10;
	s9 =	sadd.s32 s2, s9  }
0x15: {  	vm1 =	vmxor vm1, vm1;
	vm2 =	vmmov $0x1;
	vm3 =	vcmask $0x3F3C;
	p0 =	por $0x0, $0x0;
	s11 =	sadd.s32 $0x1, s9;
	s12 =	sadd.s32 $0x2, s9  }
.LBB2_9:
0x16: {  	p1 =	slt.u32 s24, $0x3  }
0x17: {  	s0 =	simm.s32 @!p1 $0x2  }
0x18: {  	_ =	swait.ge @!p1 [sflag:s0], $0xFA0  }
0x19: {  	[sflag:s0] =	ssyncset.done @!p1 $0x0  }
0x1a: {  	[sflag:s0] =	ssyncadd.s32 @!p1 $0xFFFFF060;
	s0 =	simm.s32 @!p1 $0x9  }
0x1b: {  	_ =	swait.ge @!p1 [sflag:s0], $0x10  }
0x1c: {  	[sflag:s0] =	ssyncset.done @!p1 $0x0  }
0x1d: {  	[sflag:s0] =	ssyncadd.s32 @!p1 $0xFFFFFFF0;
	p1 =	sne.s32 s24, s12  }
.Ltmp1:
0x1e: {  	s2 =	sadd.s32 $0xFA0, s23;
	(pc) =	sbr.rel @!p1 .LBB2_10-.Ltmp1, $4  }
0x1f: {  	s3 =	smov.u32 s4;
	s31 =	sadd.s32 $0x1, s24;
	s17 =	sadd.s32 $0xFA0, s17  }
0x20: {  	s18 =	sadd.s32 $0x1, s18;
	s25 =	smov.u32 s23;
	p2 =	slt.s32 s2, s5  }
0x21: {  	p0 =	por !p0, !p0;
	s19 =	sadd.s32 $0xFA0, s19;
	s3 =	smov.u32 @p2 s2  }
0x22: {  	s20 =	sadd.s32 $0x1, s20;
	s23 =	smov.u32 s3;
	s24 =	smov.u32 s31  }
.LBB2_1:
0x23: {  	p1 =	sge.u32 s24, s9  }
0x24: {  	s0 =	smulhi.u32 @!p1 $0xAAAAAAAB, s24;
	_ =	sdelay $0x1  }
0x25: {  	s0 =	sshrl.u32 @!p1 s0, $0x1  }
0x26: {  	s0 =	smul.u32 @!p1 $0x3, s0;
	_ =	sdelay $0x1  }
0x27: {  	s0 =	ssub.s32 @!p1 s24, s0  }
0x28: {  	s0 =	smul.u32 @!p1 $0x3E80, s0;
	_ =	sdelay $0x1  }
0x29: {  	s3 =	rddreg [dreg:$0x1];
	s2 =	sshrl.u32 @!p1 s23, $0x3;
	s0 =	sshrl.u32 @!p1 s0, $0x2  }
0x2a: {  	s2 =	sadd.s32 @!p1 s3, s2;
	s3 =	sand.u32 @!p1 $0x7, s23;
	s0 =	sadd.s32 @!p1 $0x100, s0  }
0x2b: {  	[tilespmem:s0], [sflag:$0x7] =	stream.linear.gather @!p1 [hbm4b:s2+s3], $0xFA0, $0x38;
	[tilespmem:$0x8DC0] =	vst v63  }
0x2c: {  	s0 =	sadd.s32 $0xFFFFFFFF, s24  }
0x2d: {  	p1 =	sge.u32 s0, s9  }
.Ltmp2:
0x2e: {  	_ = 	snop;
	(pc) =	sbr.rel @p1 .LBB2_5-.Ltmp2, $1  }
0x2f: {  	_ =	sdelay $0x3  }
0x30: {  	s2 =	smulhi.u32 $0xAAAAAAAB, s0;
	_ =	sdelay $0x1  }
0x31: {  	s2 =	sshrl.u32 s2, $0x1  }
0x32: {  	s2 =	smul.u32 $0x3, s2;
	_ =	sdelay $0x1  }
0x33: {  	s2 =	ssub.s32 s0, s2  }
0x34: {  	s2 =	smul.u32 $0x3E80, s2  }
0x35: {  	_ =	swait.ge [sflag:s7], $0xFA0  }
0x36: {  	[sflag:s7] =	ssyncset.done $0x0;
	s2 =	sshrl.u32 s2, $0x2  }
0x37: {  	[sflag:s7] =	ssyncadd.s32 $0xFFFFF060;
	(ifvalue) =	ssetifvalue $0xFFFFFFFF;
	v3 =	vld.msk [tilespmem:s2+$0x100 ss:$0x1], $0xffff;
	_ =	sdelay $0x2  }
0x38: {  	s30 =	smulhi.u32 $0xAAAAAAAB, s18;
	p1 =	sne.s32 s24, $0x1  }
0x39: {  	v4 =	vimm.s32 @!p1 $0x0  }
0x3a: {  	s2 =	sshrl.u32 s30, $0x1;
	v4 =	vperm.xlane @!p1 v3, v4  }
0x3b: {  	s3 =	sshll.u32 s24, $0x4;
	s2 =	smul.u32 $0xFFFF4480, s2;
	vm4 =	vlt.u32 v3, $0x80  }
0x3c: {  	s3 =	sand.u32 $0x10, s3;
	v3 =	vnsel vm4, $0xFFFFFFFE, v3;
	vm4 =	vlt.u32 @!p1 v4, $0x80  }
0x3d: {  	s2 =	sshra.s32 s2, $0x2;
	[tilespmem:s3+$0x60] =	vst v3;
	v3 =	vnsel @!p1 vm4, $0xFFFFFFFE, v4  }
0x3e: {  	s26 =	sadd.s32 s2, s17;
	[tilespmem:$0x80] =	vst @!p1 v3  }
0x3f: {  	v3 =	vld.msk [tilespmem:s26+$0x0 ss:$0x1], $0xffff;
	_ =	sdelay $0x4  }
0x40: {  	(xrf1) =	vunique.msk.u32 $0xffff, v3;
	_ =	sdelay $0xd  }
0x41: {  	v4 =	vimm.s32 $0xFFFFFFFF;
	v5, _, _ =	vpop (xrf1)  }
0x42: {  	vm5 =	vne.s32 v3, v4;
	vm4 =	veq.s32 v5, v2  }
0x43: {  	vm6 =	vlt.u32 v3, $0x80;
	vm4 =	vmand vm5, vm4  }
0x44: {  	vm4 =	vmand vm6, vm4  }
0x45: {  	v4 =	vnsel vm4, $0xFFFFFFFF, v3  }
0x46: {  	s31 =	sand.u32 $0x1, s0  }
0x47: {  	s0 =	simm.s32 $0xFA0;
	p1 =	seq.s32 s31, $0x1  }
0x48: {  	s0 =	simm.s32 @!p1 $0x0  }
0x49: {  	s2 =	sadd.s32 $0x3F70, s0;
	(ifvalue) =	ssetifvalue $0xFFFFFFFF  }
0x4a: {  	v3 =	vperm.xlane v3, v1;
	[tilespmem:s2], [sflag:$0x8] =	stream.indirect_vreg.gather [hbm4b:s1+s16], $0x1, v4, vm0, $0x4038;
	v4 =	vnsel vm6, $0xFFFFFFFE, v4;
	[tilespmem:$0x8DC0] =	vst v63  }
0x4b: {  	s22 =	sadd.s32 $0xFFFFFFF0, s26;
	s3 =	simm.s32 $0x0;
	[tilespmem:s26+$0x0] =	vst v4  }
.LBB2_3:
0x4c: {  	v4 =	vld.msk [tilespmem:s22+$0x0 ss:$0x1], $0xffff;
	s3 =	sadd.s32 $0x10, s3;
	v5 =	vmov v3;
	s26 =	smov.u32 s22  }
0x4d: {  	p1 =	slt.u32 s3, $0xF90;
	_ =	sdelay $0x4  }
0x4e: {  	v3 =	vperm.xlane v4, v1;
	(xrf1) =	vunique.msk.u32 $0xffff, v4;
	_ =	sdelay $0xd  }
0x4f: {  	v6, _, _ =	vpop (xrf1)  }
0x50: {  	vm5 =	vne.s32 v4, v5;
	vm4 =	veq.s32 v6, v2  }
0x51: {  	vm6 =	vlt.u32 v4, $0x80;
	vm4 =	vmand vm5, vm4  }
0x52: {  	vm4 =	vmand vm6, vm4  }
0x53: {  	v4 =	vnsel vm4, $0xFFFFFFFF, v4  }
.Ltmp3:
0x54: {  	v5 =	vnsel vm6, $0xFFFFFFFE, v4;
	(pc) =	sbr.rel @p1 .LBB2_3-.Ltmp3, $3  }
0x55: {  	_ =	sdelay $0x1  }
0x56: {  	s22 =	sadd.s32 $0xFFFFFFF0, s22;
	s2 =	sadd.s32 $0xFFFFFFF0, s2;
	(ifvalue) =	ssetifvalue $0xFFFFFFFF  }
0x57: {  	[tilespmem:s2], [sflag:$0x8] =	stream.indirect_vreg.gather [hbm4b:s1+s16], $0x1, v4, vm0, $0x4038;
	[tilespmem:s26+$0x0] =	vst v5  }
0x58: {  	s2 =	sshrl.u32 s25, $0x3  }
0x59: {  	s0 =	sadd.s32 $0x4F20, s0;
	s2 =	sadd.s32 s6, s2  }
0x5a: {  	[tilespmem:s0], [sflag:$0x8] =	stream.linear.gather [hbm:s2], $0xFA0, $0x38;
	[tilespmem:$0x8DC0] =	vst v63  }
.LBB2_5:
0x5b: {  	p1 =	slt.u32 s24, $0x2  }
0x5c: {  	p2 =	sge.u32 @!p1 s24, s12  }
0x5d: {  	p1 =	por p1, p2  }
.Ltmp4:
0x5e: {  	_ = 	snop;
	(pc) =	sbr.rel @p1 .LBB2_9-.Ltmp4, $1  }
0x5f: {  	_ =	sdelay $0x3  }
0x60: {  	s0 =	sadd.s32 $0xFFFFFFFE, s24  }
0x61: {  	s2 =	smulhi.u32 $0xAAAAAAAB, s0;
	_ =	sdelay $0x1  }
0x62: {  	s2 =	sshrl.u32 s2, $0x1  }
0x63: {  	s2 =	smul.u32 $0x3, s2;
	_ =	sdelay $0x1  }
0x64: {  	s0 =	ssub.s32 s0, s2  }
0x65: {  	_ =	swait.ge [sflag:s8], $0x1F40;
	s0 =	smul.u32 $0xFA0, s0  }
0x66: {  	p1 =	sne.s32 s24, s11;
	[sflag:s8] =	ssyncset.done $0x0  }
0x67: {  	[sflag:s8] =	ssyncadd.s32 $0xFFFFE0C0;
	s2 =	sadd.s32 @!p1 $0x109F, s0  }
0x68: {  	[spmem:s13] =	stream.linear.scatter @!p1 [tilespmem:s2], [sflag:$0x1], $0x1, $0x38;
	[tilespmem:$0x8DC0] =	vst v63  }
0x69: {  	s2 =	simm.s32 @!p1 $0x1  }
0x6a: {  	_ =	swait.ge @!p1 [sflag:s2], $0x1  }
0x6b: {  	s3 =	sshll.u32 s24, $0x4;
	[sflag:s2] =	ssyncset.done @!p1 $0x0  }
0x6c: {  	s25 =	sand.u32 $0x10, s3;
	[sflag:s2] =	ssyncadd.s32 @!p1 $0xFFFFFFFF  }
0x6d: {  	s2 =	sxor.u32 $0x10, s25;
	v4 =	vld [tilespmem:s25+$0x10]  }
0x6e: {  	v5 =	vld [tilespmem:s2+$0x60]  }
0x6f: {  	v3 =	vld [tilespmem:$0x80];
	_ =	sdelay $0x2  }
0x70: {  	(v2sf) =	vpush v4, $0x0  }
0x71: {  	(v2sf) =	vpush v5, $0x0  }
0x72: {  	(v2sf) =	vpush v3, $0x0;
	_ =	sdelay $0xc  }
0x73: {  	s26 =	spop (v2sf)  }
0x74: {  	s22 =	spop (v2sf)  }
0x75: {  	s28 =	spop (v2sf)  }
0x76: {  	p3 =	seq.s32 s26, s22;
	p2 =	seq.s32 s28, s26  }
0x77: {  	p2 =	por p3, p2  }
0x78: {  	s26 =	sand.u32 $0x1, s24;
	v4 =	vpsel p2, $0xFFFFFFFF, v4  }
0x79: {  	s29 =	smul.u32 $0xFA0, s26;
	[tilespmem:s25+$0x10] =	vst.msk $0x1, v4  }
0x7a: {  	v4 =	vld [tilespmem:$0x30]  }
0x7b: {  	v5 =	vld [tilespmem:s29+$0x4F20]  }
0x7c: {  	v6 =	vld [tilespmem:s25+$0x40];
	_ =	sdelay $0x3  }
0x7d: {  	vm4 =	vmmov vm1;
	vm6 =	vmmov vm2;
	vm5 =	vlt.s32 v4, v5  }
0x7e: {  	vm4 =	vmmov @p3 vm2;
	s3 =	sshll.u32 s26, $0x4;
	v5 =	vsel vm5, v4, v5;
	vm5 =	vlt.s32 v4, v6  }
0x7f: {  	vm6 =	vmmov @p2 vm1;
	s26 =	sor.u32 $0x8DA0, s3;
	v4 =	vsel vm5, v4, v6;
	[tilespmem:s29+$0x4F20] =	vst.msk vm4, v5  }
0x80: {  	[tilespmem:s26+$0x0] =	vst.msk vm6, v4  }
0x81: {  	v4 =	vld [tilespmem:s29+$0x3F70];
	_ =	sdelay $0x4  }
0x82: {  	v4 =	vshift.insert v4, v1, s21  }
0x83: {  	s22 =	sor.u32 $0x40, s2  }
0x84: {  	v5 =	vimm.s32 $0x7FFFFFFF;
	[tilespmem:s22+$0x0] =	vst.msk $0x1, v4  }
0x85: {  	[tilespmem:s29+$0x3F7F] =	vst.msk $0x1, v5  }
0x86: {  	v4 =	vld [tilespmem:s0+$0x1090];
	_ =	sdelay $0x1  }
0x87: {  	s0 =	simm.s32 $0x1  }
0x88: {  	s22 =	smulhi.u32 $0xAAAAAAAB, s20;
	s0 =	simm.s32 @!p0 $0x0  }
0x89: {  	s0 =	smul.u32 $0x3E80, s0  }
0x8a: {  	s3 =	sshrl.u32 s22, $0x1;
	v4 =	vshift.insert v4, v1, s21  }
0x8b: {  	s3 =	smul.u32 $0xFFFF4480, s3;
	s0 =	sshrl.u32 s0, $0x2  }
0x8c: {  	s22 =	sadd.s32 $0x4F20, s0;
	[tilespmem:s2+$0x10] =	vst.msk $0x1, v4  }
0x8d: {  	s3 =	sshra.s32 s3, $0x2;
	v6 =	vld [tilespmem:s22+$0x0]  }
0x8e: {  	s2 =	sadd.s32 s3, s19  }
0x8f: {  	v7 =	vld [tilespmem:s2+$0x0];
	_ =	sdelay $0x2  }
0x90: {  	vm4 =	vlt.s32 v6, v5  }
0x91: {  	v5 =	vsel vm4, v6, v5  }
0x92: {  	vm4 =	vne.s32 v7, $0xFFFFFFFF;
	v5 =	vxor.u32 $0x80000000, v5  }
0x93: {  	(xrf0) =	vmin.seg.scan.u32 vm4, v5  }
0x94: {  	s3 =	sadd.s32 $0x2FE0, s0  }
0x95: {  	v8 =	vld [tilespmem:s3+$0x0]  }
0x96: {  	v6 =	vld [tilespmem:$0xA0];
	_ =	sdelay $0x2  }
0x97: {  	v5 =	vperm.xlane v4, v1;
	v9, _, _ =	vpop (xrf0)  }
0x98: {  	vm6 =	veq.s32 v7, v3;
	v9 =	vxor.u32 $0x80000000, v9  }
0x99: {  	vm8 =	veq.s32 v7, v5;
	vm5 =	veq.s32 v6, $0x1;
	vm7 =	vlt.s32 v9, v8  }
0x9a: {  	vm8 =	vmor vm8, vm6;
	v6 =	vsel vm7, v9, v8;
	vm7 =	vgt.u32 v7, $0xFFFFFFFD  }
0x9b: {  	v10 =	vld [tilespmem:$0x90];
	vm9 =	vmand vm4, vm3;
	vm4 =	vmor vm5, vm6;
	vm5 =	vmor vm8, vm7  }
0x9c: {  	v8 =	vsel vm5, $0xFFFFFFFF, v7;
	_ =	sdelay $0x1  }
0x9d: {  	s31 =	simm.s32 $0x0  }
0x9e: {  	s30 =	sadd.s32 $0x6E60, s0;
	s0 =	sadd.s32 $0x10, s22;
	s2 =	sadd.s32 $0x10, s2;
	v11 =	vsel vm9, $0x7FFFFFFF, v9;
	v6 =	vsel vm6, v9, v6  }
0x9f: {  	s22 =	sadd.s32 $0x10, s30;
	s3 =	sadd.s32 $0x10, s3;
	[tilespmem:s30+$0x0] =	vst v6;
	v6 =	vsel vm6, v9, v10;
	v7 =	vshift.insert v11, v0, s21;
	(ifvalue) =	ssetifvalue $0xFFFFFFFF  }
.LBB2_7:
0xa0: {  	[hbm4b:s1+s16] =	stream.indirect_vreg.scatter [tilespmem:s30], [sflag:$0x2], $0x1, v8, vm0, $0x4038;
	[tilespmem:$0x8DC0] =	vst v63  }
0xa1: {  	s31 =	sadd.s32 $0x10, s31;
	s30 =	smov.u32 s22;
	v8 =	vld [tilespmem:s0+$0x0]  }
0xa2: {  	p2 =	slt.u32 s31, $0xF90  }
0xa3: {  	v9 =	vld [tilespmem:s2+$0x0];
	_ =	sdelay $0x2  }
0xa4: {  	vm5 =	vlt.s32 v8, v7  }
0xa5: {  	v7 =	vsel vm5, v8, v7  }
0xa6: {  	vm5 =	vne.s32 v9, $0xFFFFFFFF;
	v7 =	vxor.u32 $0x80000000, v7  }
0xa7: {  	(xrf0) =	vmin.seg.scan.u32 vm5, v7;
	_ =	sdelay $0x2  }
0xa8: {  	v7 =	vld [tilespmem:s3+$0x0];
	_ =	sdelay $0x1  }
0xa9: {  	vm6 =	veq.s32 v9, v3;
	vm7 =	veq.s32 v9, v5  }
0xaa: {  	vm8 =	vgt.u32 v9, $0xFFFFFFFD;
	vm4 =	vmor vm4, vm6;
	vm7 =	vmor vm7, vm6;
	v8, _, _ =	vpop (xrf0)  }
0xab: {  	vm5 =	vmand vm5, vm3;
	vm7 =	vmor vm7, vm8;
	v10 =	vxor.u32 $0x80000000, v8  }
.Ltmp5:
0xac: {  	v8 =	vsel vm7, $0xFFFFFFFF, v9;
	vm7 =	vlt.s32 v10, v7;
	v9 =	vsel vm5, $0x7FFFFFFF, v10;
	(pc) =	sbr.rel @p2 .LBB2_7-.Ltmp5, $4  }
0xad: {  	v6 =	vsel vm6, v10, v6;
	v11 =	vsel vm7, v10, v7;
	v7 =	vshift.insert v9, v0, s21  }
0xae: {  	v9 =	vsel vm6, v10, v11  }
0xaf: {  	s0 =	sadd.s32 $0x10, s0;
	s2 =	sadd.s32 $0x10, s2;
	[tilespmem:s22+$0x0] =	vst v9  }
0xb0: {  	s3 =	sadd.s32 $0x10, s3;
	s22 =	sadd.s32 $0x10, s22;
	(ifvalue) =	ssetifvalue $0xFFFFFFFF  }
0xb1: {  	_ =	sdelay $0x3  }
0xb2: {  	[hbm4b:s1+s16] =	stream.indirect_vreg.scatter [tilespmem:s30], [sflag:$0x2], $0x1, v8, vm0, $0x4038;
	[tilespmem:$0x8DC0] =	vst v63  }
0xb3: {  	v3 =	vld [tilespmem:s29+$0x7DF0];
	_ =	sdelay $0x4  }
0xb4: {  	v3 =	vshift.insert v3, v1, s21  }
0xb5: {  	s0 =	simm.s32 $0x30  }
0xb6: {  	[tilespmem:s0+$0x0] =	vst.msk $0x1, v3  }
0xb7: {  	v3 =	vsel vm4, $0x1, v1;
	[tilespmem:$0x90] =	vst v6  }
0xb8: {  	s0 =	sadd.s32 @!p1 $0x7DFF, s29;
	[tilespmem:$0xA0] =	vst v3  }
0xb9: {  	[spmem:s14] =	stream.linear.scatter @!p1 [tilespmem:s0], [sflag:$0x1], $0x1, $0x38;
	[tilespmem:$0x8DC0] =	vst v63  }
0xba: {  	s0 =	simm.s32 @!p1 $0x1  }
0xbb: {  	v3 =	vmctz.xlane @!p1 vm4;
	_ =	swait.ge @!p1 [sflag:s0], $0x1  }
0xbc: {  	(v2sf) =	vpush @!p1 v4, $0x0  }
0xbd: {  	(v2sf) =	vpush @!p1 v3, $0x0;
	_ =	sdelay $0xd  }
0xbe: {  	s2 =	spop @!p1 (v2sf)  }
0xbf: {  	s3 =	spop @!p1 (v2sf)  }
0xc0: {  	p2 =	sne.s32 @!p1 s28, s2;
	p3 =	slt.s32 @!p1 s3, $0xF  }
0xc1: {  	[sflag:s0] =	ssyncset.done @!p1 $0x0;
	p2 =	por p2, p1;
	p3 =	por !p3, p1  }
0xc2: {  	[sflag:s0] =	ssyncadd.s32 @!p1 $0xFFFFFFFF;
	v3 =	vimm.s32 @!p2 $0xFFFFFFFF;
	s3 =	simm.s32 @p3 $0xF  }
0xc3: {  	[tilespmem:$0x80] =	vst @!p2 v3;
	s2 =	sadd.s32 @!p1 $0x90, s3  }
0xc4: {  	[spmem:s10] =	stream.linear.scatter @!p1 [tilespmem:s2], [sflag:$0x1], $0x1, $0x38;
	[tilespmem:$0x8DC0] =	vst v63  }
0xc5: {  	_ =	swait.ge @!p1 [sflag:s0], $0x1  }
0xc6: {  	[sflag:s0] =	ssyncset.done @!p1 $0x0  }
0xc7: {  	s2 =	simm.s32 @!p1 $0x80;
	[sflag:s0] =	ssyncadd.s32 @!p1 $0xFFFFFFFF  }
0xc8: {  	[spmem:s15] =	stream.linear.scatter @!p1 [tilespmem:s2], [sflag:$0x1], $0x1, $0x38;
	[tilespmem:$0x8DC0] =	vst v63  }
0xc9: {  	_ =	swait.ge @!p1 [sflag:s0], $0x1  }
0xca: {  	[sflag:s0] =	ssyncset.done @!p1 $0x0  }
0xcb: {  	[sflag:s0] =	ssyncadd.s32 @!p1 $0xFFFFFFFF;
	(ifvalue) =	ssetifvalue $0xFFFFFFFF;
	v3 =	vld [tilespmem:s25+$0x10];
	_ =	sdelay $0x3  }
.Ltmp6:
0xcc: {  	_ = 	snop;
	(pc) =	sbr.rel .LBB2_9-.Ltmp6, $3  }
0xcd: {  	_ =	sdelay $0x1  }
0xce: {  	(ifvalue) =	ssetifvalue $0xFFFFFFFF  }
0xcf: {  	[hbm4b:s1+s16] =	stream.indirect_vreg.scatter [tilespmem:s26], [sflag:$0x9], $0x1, v3, vm0, $0x4038;
	[tilespmem:$0x8DC0] =	vst v63  }
.LBB2_10:
0xd0: {  	_ =	sfence.sel $0x180000  }
0xd1: {  	s0 =	simm.s32 $0x7;
	[bflag:$0x0] =	sbarrier.arrive $0xFFFF  }
0xd2: {  	s26 =	simm.s32 $0x8;
	[sflag:s0] =	ssyncpa.u1 $0x1  }
0xd3: {  	s28 =	simm.s32 $0x9;
	[sflag:s26] =	ssyncpa.u1 $0x1  }
0xd4: {  	[sflag:s28] =	ssyncpa.u1 $0x1  }
0xd5: {  	_ =	sfence.stream.spmem  }
0xd6: {  	s29 =	simm.s32 $0x3;
	[bflag:$0x0] =	sbarrier.arrive $0xFFFF  }
0xd7: {  	s30 =	simm.s32 $0x4;
	[sflag:s29] =	ssyncpa.u1 $0x1  }
0xd8: {  	s31 =	simm.s32 $0x3C;
	s2 =	stileid.u32;
	[sflag:s30] =	ssyncpa.u1 $0x1  }
0xd9: {  	p0 =	sne.s32 s2, $0x0;
	[sflag:s31] =	ssyncpa.u1 $0x1  }
0xda: {  	s0 =	simm.s32 @p0 $0x1;
	_ =	sfence @p0  }
0xdb: {  	[sflag:s0] =	ssyncpa.u1 @p0 $0x1;
	s0 =	simm.s32 @p0 $0x2  }
0xdc: {  	[sflag:s0] =	ssyncpa.u1 @p0 $0x1  }
0xdd: {  	_ =	strace @p0 $0x90000074  }
0xde: {  	[bflag:$0x2] =	sbarrier.arrive @p0 $0xFFFF  }
0xdf: {  	_ =	shalt @p0  }
.LBB2_11:
0xe0: {  	_ =	sfence.stream.spmem;
	s0 =	simm.s32 $0x5  }
0xe1: {  	s2 =	simm.s32 $0x80;
	s3 =	simm.s32 $0xC0;
	[sflag:s0] =	ssyncpa.u1 $0x0  }
0xe2: {  	[tilespmem:s3], [sflag:$0x5] =	stream.linear.gather [spmem:s2], $0x20, $0x38;
	[tilespmem:$0x8DC0] =	vst v63  }
0xe3: {  	s30 =	simm.s32 $0xE0;
	s2 =	simm.s32 $0x0  }
0xe4: {  	[tilespmem:s30], [sflag:$0x5] =	stream.linear.gather [spmem:s2], $0x20, $0x38;
	[tilespmem:$0x8DC0] =	vst v63  }
.Ltmp7:
0xe5: {  	_ = 	snop;
	(pc) =	sbr.rel .LBB2_12-.Ltmp7, $4  }
0xe6: {  	_ =	swait.ge [sflag:s0], $0x40  }
0xe7: {  	[sflag:s0] =	ssyncset.done $0x0  }
0xe8: {  	s31 =	simm.s32 $0x6;
	[sflag:s0] =	ssyncadd.s32 $0xFFFFFFC0  }
0xe9: {  	s3 =	simm.s32 $0x0;
	[sflag:s31] =	ssyncpa.u1 $0x0  }
.LBB2_17:
0xea: {  	p0 =	sgt.u32 s4, $0x7F  }
0xeb: {  	s0 =	sshrl.u32 @!p0 s4, $0x3  }
0xec: {  	s4 =	sand.u32 @!p0 $0x7, s4;
	s5 =	simm.s32 @!p0 $0xB0;
	s0 =	sadd.s32 @!p0 s1, s0  }
0xed: {  	[tilespmem:s5], [sflag:$0x6] =	stream.linear.gather @!p0 [hbm4b:s0+s4], $0x1, $0x38;
	[tilespmem:$0x8DC0] =	vst v63  }
0xee: {  	s0 =	simm.s32 @!p0 $0x6  }
0xef: {  	_ =	swait.ge @!p0 [sflag:s0], $0x1  }
0xf0: {  	[sflag:s0] =	ssyncset.done @!p0 $0x0  }
0xf1: {  	[sflag:s0] =	ssyncadd.s32 @!p0 $0xFFFFFFFF  }
0xf2: {  	v1 =	vld.msk @!p0 [tilespmem:$0xB0], $0x1  }
0xf3: {  	v2 =	vld.msk @!p0 [tilespmem:s3+$0xE0], $0x1;
	_ =	sdelay $0x4  }
0xf4: {  	vm0 =	vlt.s32 @!p0 v2, v1  }
0xf5: {  	v1 =	vsel @!p0 vm0, v2, v1  }
0xf6: {  	[tilespmem:s3+$0xE0] =	vst.msk @!p0 $0x1, v1  }
0xf7: {  	[tilespmem:s2+$0xC0] =	vst.msk $0x1, v0  }
0xf8: {  	v0 =	vld.msk [tilespmem:s3+$0xE0], $0x1;
	_ =	sdelay $0x4  }
0xf9: {  	[tilespmem:s2+$0xE0] =	vst.msk $0x1, v0;
	s2 =	sadd.s32 $0x1, s2  }
.LBB2_19:
0xfa: {  	s3 =	sadd.s32 $0x1, s3  }
0xfb: {  	p0 =	sne.s32 s3, $0x20  }
.Ltmp8:
0xfc: {  	_ = 	snop;
	(pc) =	sbr.rel @!p0 .LBB2_20-.Ltmp8, $1  }
0xfd: {  	_ =	sdelay $0x3  }
.LBB2_12:
0xfe: {  	v0 =	vld.msk [tilespmem:s3+$0xC0], $0x1;
	_ =	sdelay $0x4  }
0xff: {  	(v2sf) =	vpush v0, $0x0;
	_ =	sdelay $0xe  }
0x100: {  	s4 =	spop (v2sf)  }
0x101: {  	p0 =	seq.s32 s4, $0xFFFFFFFF  }
.Ltmp9:
0x102: {  	_ = 	snop;
	(pc) =	sbr.rel @p0 .LBB2_19-.Ltmp9, $1  }
0x103: {  	_ =	sdelay $0x3  }
0x104: {  	p0 =	slt.s32 s2, $0x1  }
.Ltmp10:
0x105: {  	_ = 	snop;
	(pc) =	sbr.rel @p0 .LBB2_17-.Ltmp10, $1  }
0x106: {  	_ =	sdelay $0x3  }
0x107: {  	s0 =	simm.s32 $0xC0;
	p0 =	por $0x0, $0x0  }
0x108: {  	v1 =	vld.msk @!p0 [tilespmem:s0+$0x0], $0x1;
	_ =	sdelay $0x4  }
0x109: {  	(v2sf) =	vpush @!p0 v1, $0x0;
	_ =	sdelay $0xd  }
0x10a: {  	p2 =	sne.s32 s2, $0x1  }
.Ltmp11:
0x10b: {  	s5 =	spop @!p0 (v2sf);
	(pc) =	sbr.rel @!p2 .LBB2_16-.Ltmp11, $4  }
0x10c: {  	p1 =	seq.s32 @!p0 s4, s5  }
0x10d: {  	s5 =	simm.s32 $0x0;
	p1 =	por !p1, p0  }
0x10e: {  	s7 =	simm.s32 $0xFFFFFFFF;
	s5 =	simm.s32 @p1 $0xFFFFFFFF  }
0x10f: {  	s6 =	simm.s32 $0x1;
	s5 =	smov.u32 @p0 s7  }
.LBB2_15:
0x110: {  	s7 =	smov.u32 s5;
	p0 =	sne.s32 s5, $0xFFFFFFFF  }
0x111: {  	s0 =	sadd.s32 $0x1, s0;
	s5 =	smov.u32 s6;
	s6 =	sadd.s32 $0x1, s6  }
0x112: {  	p1 =	sne.s32 s2, s6;
	v1 =	vld.msk @!p0 [tilespmem:s0+$0x0], $0x1;
	_ =	sdelay $0x4  }
0x113: {  	(v2sf) =	vpush @!p0 v1, $0x0;
	_ =	sdelay $0xe  }
.Ltmp12:
0x114: {  	s8 =	spop @!p0 (v2sf);
	(pc) =	sbr.rel @p1 .LBB2_15-.Ltmp12, $4  }
0x115: {  	p2 =	seq.s32 @!p0 s4, s8  }
0x116: {  	p2 =	por !p2, p0  }
0x117: {  	s5 =	simm.s32 @p2 $0xFFFFFFFF  }
0x118: {  	s5 =	smov.u32 @p0 s7  }
.LBB2_16:
0x119: {  	p0 =	sne.s32 s5, $0xFFFFFFFF  }
.Ltmp13:
0x11a: {  	_ = 	snop;
	(pc) =	sbr.rel @!p0 .LBB2_17-.Ltmp13, $1  }
0x11b: {  	_ =	sdelay $0x3  }
0x11c: {  	v0 =	vld.msk [tilespmem:s3+$0xE0], $0x1  }
0x11d: {  	v1 =	vld.msk [tilespmem:s5+$0xE0], $0x1;
	_ =	sdelay $0x2  }
.Ltmp14:
0x11e: {  	_ = 	snop;
	(pc) =	sbr.rel .LBB2_19-.Ltmp14, $4  }
0x11f: {  	_ = 	snop  }
0x120: {  	vm0 =	vlt.s32 v1, v0  }
0x121: {  	v0 =	vsel vm0, v1, v0  }
0x122: {  	[tilespmem:s5+$0xE0] =	vst.msk $0x1, v0  }
.LBB2_20:
0x123: {  	p0 =	slt.s32 s2, $0x1  }
.Ltmp15:
0x124: {  	_ = 	snop;
	(pc) =	sbr.rel @p0 .LBB2_24-.Ltmp15, $3  }
0x125: {  	_ =	sdelay $0x1  }
0x126: {  	s0 =	simm.s32 $0x6  }
0x127: {  	s3 =	simm.s32 $0x0;
	[sflag:s0] =	ssyncpa.u1 $0x1  }
0x128: {  	s0 =	simm.s32 $0xC0  }
0x129: {  	v0 =	vld.msk [tilespmem:s0+$0x0], $0x1;
	_ =	sdelay $0x4  }
0x12a: {  	(v2sf) =	vpush v0, $0x0;
	_ =	sdelay $0xe  }
0x12b: {  	s2 =	sadd.s32 $0xFFFFFFFF, s2;
	s4 =	spop (v2sf)  }
0x12c: {  	p1 =	sne.s32 s2, $0x0;
	p0 =	sgt.u32 s4, $0x7F  }
.Ltmp16:
0x12d: {  	s5 =	sshrl.u32 @!p0 s4, $0x3;
	(pc) =	sbr.rel @!p1 .LBB2_23-.Ltmp16, $4  }
0x12e: {  	s0 =	simm.s32 $0xE0;
	s4 =	sand.u32 @!p0 $0x7, s4;
	s5 =	sadd.s32 @!p0 s1, s5  }
0x12f: {  	[hbm4b:s5+s4] =	stream.linear.scatter @!p0 [tilespmem:s0], [sflag:$0x5], $0x1, $0x38;
	[tilespmem:$0x8DC0] =	vst v63  }
0x130: {  	s5 =	simm.s32 $0x0  }
0x131: {  	s4 =	simm.s32 $0xC1;
	s5 =	simm.s32 @!p0 $0x4  }
.LBB2_22:
0x132: {  	v0 =	vld.msk [tilespmem:s4+$0x0], $0x1;
	s2 =	sadd.s32 $0xFFFFFFFF, s2;
	s3 =	sadd.s32 s3, s5  }
0x133: {  	p0 =	sne.s32 s2, $0x0;
	_ =	sdelay $0x3  }
0x134: {  	(v2sf) =	vpush v0, $0x0;
	_ =	sdelay $0xe  }
.Ltmp17:
0x135: {  	s6 =	spop (v2sf);
	(pc) =	sbr.rel @p0 .LBB2_22-.Ltmp17, $4  }
0x136: {  	s5 =	simm.s32 $0x0;
	p1 =	sgt.u32 s6, $0x7F  }
0x137: {  	s0 =	sadd.s32 $0x1, s0;
	s5 =	simm.s32 @!p1 $0x4;
	s7 =	sshrl.u32 @!p1 s6, $0x3  }
0x138: {  	s4 =	sadd.s32 $0x1, s4;
	s6 =	sand.u32 @!p1 $0x7, s6;
	s7 =	sadd.s32 @!p1 s1, s7  }
0x139: {  	[hbm4b:s7+s6] =	stream.linear.scatter @!p1 [tilespmem:s0], [sflag:$0x5], $0x1, $0x38;
	[tilespmem:$0x8DC0] =	vst v63  }
.LBB2_23:
0x13a: {  	s0 =	sadd.s32 s3, s5  }
0x13b: {  	s3 =	sshrl.u32 s0, $0x2  }
.LBB2_24:
0x13c: {  	s0 =	simm.s32 $0x5  }
0x13d: {  	_ =	swait.ge [sflag:s0], s3  }
0x13e: {  	s1 =	ssub.s32 $0x0, s3;
	[sflag:s0] =	ssyncset.done $0x0  }
0x13f: {  	[sflag:s0] =	ssyncadd.s32 s1  }
0x140: {  	[sflag:s0] =	ssyncpa.u1 $0x1  }
0x141: {  	s29 =	simm.s32 $0x1;
	_ =	sfence  }
0x142: {  	s30 =	simm.s32 $0x2;
	[sflag:s29] =	ssyncpa.u1 $0x1  }
0x143: {  	[sflag:s30] =	ssyncpa.u1 $0x1  }
0x144: {  	_ =	strace $0x90000074  }
0x145: {  	[bflag:$0x2] =	sbarrier.arrive $0xFFFF  }
0x146: {  	s31 =	rddreg [dreg:$0x3]  }
0x147: {  	s0 =	sadd.s32 $0x100000, s31  }
0x148: {  	[sflag:s0] =	ssyncadd.tile.s32 $0x1;
	_ =	shalt  }
.Lfunc_end2:
_tile_overlayer_lowered:
.L_overlay_start_2:
0x149: {  	(tag) =	ssettag $0x2  }
0x14a: {  	s0 =	rddreg [dreg:$0x0];
	s2 =	stileid.u32  }
0x14b: {  	s1 =	rddreg [dreg:$0x1];
	p0 =	sne.s32 s2, $0x0  }
0x14c: {  	s3 =	rddreg [dreg:$0x2];
	[bflag:$0x3] =	sbarrier.arrive $0xFFFF;
	s2 =	simm.s32 @!p0 $0x1C01  }
0x14d: {  	[timem:s3], [sflag:s2] =	dma.local @!p0 [hbm:s0], s1  }
0x14e: {  	s0 =	simm.s32 @!p0 $0x1  }
0x14f: {  	_ =	swait.ge @!p0 [sflag:s0], s1  }
0x150: {  	s1 =	ssub.s32 @!p0 $0x0, s1;
	[sflag:s0] =	ssyncset.done @!p0 $0x0  }
0x151: {  	[sflag:s0] =	ssyncadd.s32 @!p0 s1  }
0x152: {  	[bflag:$0x3] =	sbarrier.arrive $0xFFFF  }
0x153: {  	_ =	shalt  }

// kernel: scatter_offload_async_start.9
scs
__scs_entry_jumppad:
0x0: {  	(pc) =	sbr.rel $0x88, $3  }
0x1: {  	(tag) =	ssettag $0x0;
	lr =	simm.s32 $0x1  }
0x2: {  	[smem:$0x3F99] =	sst lr;
	_ =	strace $0xD0000000  }
0x3: {  	_ = 	snop  }
0x4: {  	_ = 	snop  }
0x5: {  	_ = 	snop  }
0x6: {  	_ = 	snop  }
0x7: {  	_ = 	snop  }
__scs_overlays_trampoline_lowered:
0x8: {  	[smem:$0x3FA8] =	sst s0  }
0x9: {  	[smem:$0x3FA9] =	sst s1  }
0xa: {  	[smem:$0x3FAA] =	sst s2  }
0xb: {  	[smem:$0x3FAB] =	sst s3  }
0xc: {  	[smem:$0x3FAC] =	sst s4  }
0xd: {  	[smem:$0x3FAD] =	sst s5  }
0xe: {  	[smem:$0x3FAE] =	sst s6  }
0xf: {  	[smem:$0x3FAF] =	sst s7  }
0x10: {  	[smem:$0x3FB0] =	sst s8  }
0x11: {  	[smem:$0x3FB1] =	sst s9;
	s0 =	simm.s32 @!p0 $0x0  }
0x12: {  	s1 =	sld [smem:$0x3F97];
	s0 =	simm.s32 @p0 $0x1  }
0x13: {  	[smem:$0x3FB2] =	sst s0;
	s0 =	simm.s32 @!p1 $0x0  }
0x14: {  	s2 =	sld [smem:$0x3F96];
	s0 =	simm.s32 @p1 $0x1  }
0x15: {  	[smem:$0x3FB3] =	sst s0;
	s0 =	simm.s32 @!p2 $0x0  }
0x16: {  	s3 =	sld [smem:$0x3FDB];
	s0 =	simm.s32 @p2 $0x1  }
0x17: {  	s4 =	simm.s32 $0x1BF5;
	[smem:$0x3FB5] =	sst s0  }
0x18: {  	s0 =	sld [smem:$0x3F98];
	_ =	swait.ge [sflag:s4], $0x0  }
0x19: {  	s7 =	sld [smem:$0x3F99]  }
0x1a: {  	s8 =	sadd.s32 $0xFFFFE003, lr  }
0x1b: {  	s9 =	sadd.s32 $0xFFFFFEF7, lr;
	s5 =	simm.s32 $0xFFFFFFFF;
	p2 =	slt.u32 s8, $0xFFFFF086  }
0x1c: {  	p1 =	slt.u32 s9, $0xF7A;
	s5 =	simm.s32 @!p2 $0x0  }
0x1d: {  	s5 =	simm.s32 @p1 $0x1;
	p0 =	seq.s32 s7, s2  }
0x1e: {  	s7 =	smul.u32 @!p0 $0xF7A, s2;
	p2 =	seq.s32 @!p0 s5, $0x0  }
0x1f: {  	s9 =	smul.u32 $0xF7A, s1;
	s8 =	simm.s32 @!p0 $0x1BF5;
	p2 =	por !p2, p0  }
0x20: {  	[sflag:s8] =	ssyncset.s32 @!p0 $0xFFFFF086;
	s6 =	sadd.s32 @!p0 s3, s7;
	s7 =	simm.s32 @!p0 $0x108  }
0x21: {  	s3 =	sadd.s32 s3, s9;
	s6 =	sadd.s32 @!p0 $0x88, s6;
	s7 =	simm.s32 @p2 $0x1082  }
0x22: {  	[simem:s7], [sflag:s8] =	dma.local @!p0 [hbm:s6], $0xF7A  }
0x23: {  	s9 =	sor.u32 $0xD0000000, s2;
	s6 =	simm.s32 $0x108;
	_ =	swait.ge @!p0 [sflag:s8], $0x0  }
0x24: {  	s3 =	sadd.s32 $0x88, s3;
	s6 =	simm.s32 @!p1 $0x1082;
	[sflag:s4] =	ssyncset.s32 $0xFFFFF086  }
0x25: {  	[simem:s6], [sflag:s4] =	dma.local [hbm:s3], $0xF7A  }
0x26: {  	[smem:$0x3F99] =	sst s1;
	(tag) =	ssettag s2;
	_ =	strace s9  }
0x27: {  	s1 =	sld [smem:$0x3FA9]  }
0x28: {  	s2 =	sld [smem:$0x3FAA]  }
0x29: {  	s4 =	sld [smem:$0x3FAC]  }
0x2a: {  	p0 =	seq.s32 s5, $0x0;
	s5 =	sld [smem:$0x3FAD]  }
0x2b: {  	s6 =	sld [smem:$0x3FAE]  }
0x2c: {  	s7 =	sld [smem:$0x3FAF]  }
0x2d: {  	s3 =	simm.s32 $0x108;
	s8 =	sld [smem:$0x3FB0]  }
0x2e: {  	s3 =	simm.s32 @!p0 $0x1082;
	s9 =	sld [smem:$0x3FB1]  }
0x2f: {  	lr =	sadd.s32 s0, s3;
	s0 =	sld [smem:$0x3FA8]  }
0x30: {  	s3 =	sld [smem:$0x3FAB]  }
0x31: {  	[smem:$0x3FB4] =	sst s10  }
0x32: {  	s10 =	sld [smem:$0x3FB2];
	_ =	sdelay $0x3  }
0x33: {  	p0 =	seq.s32 s10, $0x1;
	s10 =	sld [smem:$0x3FB4];
	_ =	sdelay $0x3  }
0x34: {  	[smem:$0x3FB4] =	sst s10  }
0x35: {  	s10 =	sld [smem:$0x3FB3];
	_ =	sdelay $0x3  }
0x36: {  	p1 =	seq.s32 s10, $0x1;
	s10 =	sld [smem:$0x3FB4];
	_ =	sdelay $0x3  }
0x37: {  	[smem:$0x3FB4] =	sst s10  }
0x38: {  	s10 =	sld [smem:$0x3FB5]  }
0x39: {  	_ = 	snop;
	(pc) =	sbr.ind lr, $3  }
0x3a: {  	_ = 	snop  }
0x3b: {  	_ = 	snop  }
0x3c: {  	p2 =	seq.s32 s10, $0x1;
	s10 =	sld [smem:$0x3FB4]  }
0x3d: {  	_ =	shalt  }
0x3e: {  	_ =	shalt  }
0x3f: {  	_ =	shalt  }
0x40: {  	_ =	shalt  }
0x41: {  	_ =	shalt  }
0x42: {  	_ =	shalt  }
0x43: {  	_ =	shalt  }
0x44: {  	_ =	shalt  }
0x45: {  	_ =	shalt  }
0x46: {  	_ =	shalt  }
0x47: {  	_ =	shalt  }
0x48: {  	_ =	shalt  }
0x49: {  	_ =	shalt  }
0x4a: {  	_ =	shalt  }
0x4b: {  	_ =	shalt  }
0x4c: {  	_ =	shalt  }
0x4d: {  	_ =	shalt  }
0x4e: {  	_ =	shalt  }
0x4f: {  	_ =	shalt  }
0x50: {  	_ =	shalt  }
0x51: {  	_ =	shalt  }
0x52: {  	_ =	shalt  }
0x53: {  	_ =	shalt  }
0x54: {  	_ =	shalt  }
0x55: {  	_ =	shalt  }
0x56: {  	_ =	shalt  }
0x57: {  	_ =	shalt  }
0x58: {  	_ =	shalt  }
0x59: {  	_ =	shalt  }
0x5a: {  	_ =	shalt  }
0x5b: {  	_ =	shalt  }
0x5c: {  	_ =	shalt  }
0x5d: {  	_ =	shalt  }
0x5e: {  	_ =	shalt  }
0x5f: {  	_ =	shalt  }
0x60: {  	_ =	shalt  }
0x61: {  	_ =	shalt  }
0x62: {  	_ =	shalt  }
0x63: {  	_ =	shalt  }
0x64: {  	_ =	shalt  }
0x65: {  	_ =	shalt  }
0x66: {  	_ =	shalt  }
0x67: {  	_ =	shalt  }
0x68: {  	_ =	shalt  }
0x69: {  	_ =	shalt  }
0x6a: {  	_ =	shalt  }
0x6b: {  	_ =	shalt  }
0x6c: {  	_ =	shalt  }
0x6d: {  	_ =	shalt  }
0x6e: {  	_ =	shalt  }
0x6f: {  	_ =	shalt  }
0x70: {  	_ =	shalt  }
0x71: {  	_ =	shalt  }
0x72: {  	_ =	shalt  }
0x73: {  	_ =	shalt  }
0x74: {  	_ =	shalt  }
0x75: {  	_ =	shalt  }
0x76: {  	_ =	shalt  }
0x77: {  	_ =	shalt  }
0x78: {  	_ =	shalt  }
0x79: {  	_ =	shalt  }
0x7a: {  	_ =	shalt  }
0x7b: {  	_ =	shalt  }
0x7c: {  	_ =	shalt  }
0x7d: {  	_ =	shalt  }
0x7e: {  	_ =	shalt  }
0x7f: {  	_ =	shalt  }
0x80: {  	_ =	shalt  }
0x81: {  	_ =	shalt  }
0x82: {  	_ =	shalt  }
0x83: {  	_ =	shalt  }
0x84: {  	_ =	shalt  }
0x85: {  	_ =	shalt  }
0x86: {  	_ =	shalt  }
0x87: {  	_ =	shalt  }
.Lfunc_end0:
.L_simem_size_0:
called_computation.9_lowered:
.L_overlay_start_0:
0x88: {  	s0 =	sld [smem:$0x3FD9]  }
0x89: {  	s1 =	sld [smem:$0x3FFE];
	_ =	sdelay $0x3  }
0x8a: {  	s0 =	sadd.s32 s1, s0  }
0x8b: {  	[smem:$0x3FC0] =	sst s0  }
0x8c: {  	_ = 	snop  }
0x8d: {  	(tm) =	ssettm $0x1  }
0x8e: {  	s15 =	sld [smem:$0x3FFB];
	_ =	sdelay $0x3  }
0x8f: {  	_ =	strace s15  }
0x90: {  	s0 =	sld [smem:$0x3FFC];
	_ =	sdelay $0x3  }
0x91: {  	_ =	strace s0  }
0x92: {  	s0 =	sld [smem:$0x3FFD];
	_ =	sdelay $0x3  }
0x93: {  	_ =	strace s0  }
0x94: {  	_ =	strace $0x8FFFFFFF  }
0x95: {  	s16 =	sld [smem:$0x3FDB];
	_ =	sdelay $0x1  }
0x96: {  	s17 =	simm.s32 $_scs_section_size  }
0x97: {  	s2 =	simm.s32 $_size__tile_overlayer_lowered;
	s3 =	simm.s32 $_tile_overlayer_lowered  }
0x98: {  	s20 =	simm.s32 $0x1BFF;
	s19 =	sshll.u32 s3, $0x1;
	s0 =	sadd.s32 s17, s16  }
0x99: {  	s4 =	simm.s32 $0x0;
	s18 =	sshll.u32 s2, $0x1;
	s2 =	sadd.s32 s19, s0  }
0x9a: {  	[timem:s4], [sflag:s20] =	dma.local [hbm:s2], s18  }
0x9b: {  	_ =	swait.ge [sflag:s20], s18  }
0x9c: {  	s1 =	ssub.s32 $0x0, s18;
	[sflag:s20] =	ssyncset.done $0x0  }
0x9d: {  	[sflag:s20] =	ssyncadd.s32 s1;
	_ =	sdelay $0x1  }
0x9e: {  	s21 =	simm.s32 $0x1B8B  }
0x9f: {  	_ =	swait.ge [sflag:s21], $0x1  }
0xa0: {  	[sflag:s21] =	ssyncset.done $0x0  }
0xa1: {  	s23 =	simm.s32 $0x1B8E;
	s22 =	sld [smem:$0x3FFE];
	[sflag:s21] =	ssyncadd.s32 $0xFFFFFFFF  }
0xa2: {  	s24 =	simm.s32 $execute0_lowered;
	[smem:$0x3FD2] =	sst s23  }
0xa3: {  	s2 =	sshll.u32 s24, $0x1;
	_ =	strace $0x80000070;
	[dreg:$0x1] =	wrdreg $0xFFFFFFFF  }
0xa4: {  	s25 =	simm.s32 $_size_execute0_lowered;
	s0 =	sadd.s32 s0, s2;
	[dreg:$0x0] =	wrdreg $0x0  }
0xa5: {  	s2 =	sshll.u32 s25, $0x1;
	[dreg:$0x2] =	wrdreg s0  }
0xa6: {  	[dreg:$0x3] =	wrdreg s2  }
0xa7: {  	[dreg:$0x4] =	wrdreg $0xC0  }
0xa8: {  	_ =	task [dreg:s4], $0x5FFFF  }
0xa9: {  	[dreg:$0x1] =	wrdreg $0xFFFFFFFF  }
0xaa: {  	[dreg:$0x0] =	wrdreg $0x60  }
0xab: {  	[dreg:$0x2] =	wrdreg s22  }
0xac: {  	[dreg:$0x3] =	wrdreg $0xB  }
0xad: {  	_ =	task.clear_ibuf [dreg:s4], $0x4FFFF;
	_ =	strace $0x90000070  }
0xae: {  	s26 =	simm.s32 $0xB;
	_ =	strace $0x80000072  }
0xaf: {  	_ =	swait.ge [sflag:s26], $0x1  }
0xb0: {  	[sflag:s26] =	ssyncadd.s32 $0xFFFFFFFF  }
0xb1: {  	_ =	strace $0x90000072  }
0xb2: {  	_ =	sfence  }
0xb3: {  	s28 =	sld [smem:$0x0];
	_ =	sdelay $0x1  }
0xb4: {  	s29 =	srdreg.scid  }
0xb5: {  	s30 =	sshll.u32 s29, $0xD;
	s31 =	sshrl.u32 s29, $0x2  }
0xb6: {  	s1 =	sand.u32 $0x1, s29;
	s2 =	sand.u32 $0x4000, s30;
	s0 =	sadd.s32 s31, s28  }
0xb7: {  	s1 =	sor.u32 s2, s1;
	s0 =	sshll.u32 s0, $0x11  }
0xb8: {  	s0 =	sor.u32 s0, s1  }
0xb9: {  	s0 =	sadd.s32 $0x8F2B, s0  }
0xba: {  	[sflag:s0] =	ssyncadd.remote.s32 $0x1  }
0xbb: {  	_ =	sfence.sel $0xFFFF  }
0xbc: {  	[dreg:$0x0] =	wrdreg $0xFFFFFFFF;
	(pc) =	sbr.abs _section_cstart, $3  }
0xbd: {  	[dreg:$0x1] =	wrdreg $0xFFFFFFFF  }
0xbe: {  	_ =	task.clear_ibuf [dreg:s4], $0x2FFFF;
	_ =	strace $0x9FFFFFFF  }
0xbf: {  	(tm) =	ssettm $0x7FFFFFFF  }
tec
execute0_lowered:
.L_overlay_start_1:
0x0: {  	(tag) =	ssettag $0x1  }
0x1: {  	s0 =	rddreg [dreg:$0x0]  }
0x2: {  	s14 =	stileid.u32;
	_ =	strace $0x80000071;
	s2 =	simm.s32 $0x1  }
0x3: {  	v1 =	vimm.s32 $0xFFFFFFFF;
	s1 =	smin.u32 s14, $0x9;
	[sflag:s2] =	ssyncpa.u1 $0x0  }
0x4: {  	s1 =	sadd.s32 s14, s1;
	[tilespmem:$0x10] =	vst v1  }
0x5: {  	v0 =	vimm.f32 $0.0e+00;
	p0 =	slt.u32 s14, $0x9;
	[tilespmem:$0x20] =	vst v1;
	s3 =	smul.u32 $0xFA0, s1;
	s1 =	simm.s32 $0x1F40  }
0x6: {  	[tilespmem:$0x30] =	vst v0;
	s1 =	simm.s32 @!p0 $0xFA0  }
0x7: {  	[tilespmem:$0x40] =	vst v0;
	s1 =	sadd.s32 s1, s3  }
0x8: {  	[tilespmem:$0x50] =	vst v0;
	s4 =	smin.u32 s1, $0x186A0  }
0x9: {  	[tilespmem:$0x60] =	vst v1;
	s9 =	ssub.s32 s4, s3  }
0xa: {  	s7 =	simm.s32 $0x2;
	s8 =	simm.s32 $0x8;
	[tilespmem:$0x70] =	vst v1;
	p0 =	sgt.s32 s9, $0x0  }
0xb: {  	s31 =	simm.s32 $0x9;
	s16 =	simm.s32 $0x0;
	[tilespmem:$0x80] =	vst v1;
	s9 =	simm.s32 @!p0 $0x0  }
0xc: {  	s17 =	simm.s32 $0xF0;
	s18 =	simm.s32 $0xFFFFFFFF;
	v1 =	vimm.s32 $0x0;
	[tilespmem:$0xB0] =	vst v0;
	s5 =	smulhi.u32 $0x10624DD3, s9  }
0xd: {  	s19 =	simm.s32 $0xFFFFE1C0;
	s20 =	simm.s32 $0xFFFFFFFE;
	s21 =	simm.s32 $0xF;
	[tilespmem:$0x90] =	vst v1  }
0xe: {  	[tilespmem:$0xA0] =	vst v1;
	[sflag:s7] =	ssyncpa.u1 $0x0;
	s7 =	simm.s32 $0x7;
	s10 =	sshrl.u32 s5, $0x8  }
0xf: {  	s25 =	simm.s32 $0x0;
	[sflag:s7] =	ssyncpa.u1 $0x0;
	s11 =	smul.u32 $0xFA0, s10  }
0x10: {  	s24 =	simm.s32 $0x0;
	s6 =	sadd.s32 $0x239A00, s0;
	[sflag:s8] =	ssyncpa.u1 $0x0  }
.Ltmp0:
0x11: {  	s23 =	smov.u32 s3;
	p0 =	sne.s32 s9, s11;
	(pc) =	sbr.rel .LBB2_1-.Ltmp0, $4  }
0x12: {  	s1 =	sadd.s32 $0x23FE00, s0;
	[sflag:s31] =	ssyncpa.u1 $0x0;
	s2 =	simm.s32 @!p0 $0x0  }
0x13: {  	s5 =	sadd.s32 $0x1FEC00, s0;
	p0 =	por $0x0, $0x0;
	s9 =	sadd.s32 s2, s10  }
0x14: {  	vm0 =	vmmov $0xffff;
	v2 =	vlaneseq.u32;
	s10 =	sshll.u32 s14, $0x1;
	s14 =	sshllo.u32 s14, $0x1;
	s11 =	sadd.s32 $0x1, s9  }
0x15: {  	vm1 =	vmxor vm1, vm1;
	vm2 =	vmmov $0x1;
	vm3 =	vcmask $0x3F3C;
	s12 =	sadd.s32 $0x2, s9;
	s13 =	sor.u32 $0x81, s10;
	s15 =	sor.u32 $0x80, s10  }
.LBB2_9:
0x16: {  	p1 =	slt.u32 s24, $0x3  }
0x17: {  	s0 =	simm.s32 @!p1 $0x2  }
0x18: {  	_ =	swait.ge @!p1 [sflag:s0], $0xFA0  }
0x19: {  	[sflag:s0] =	ssyncset.done @!p1 $0x0  }
0x1a: {  	[sflag:s0] =	ssyncadd.s32 @!p1 $0xFFFFF060;
	s0 =	simm.s32 @!p1 $0x9  }
0x1b: {  	_ =	swait.ge @!p1 [sflag:s0], $0x10  }
0x1c: {  	[sflag:s0] =	ssyncset.done @!p1 $0x0  }
0x1d: {  	[sflag:s0] =	ssyncadd.s32 @!p1 $0xFFFFFFF0;
	p1 =	sne.s32 s24, s12  }
.Ltmp1:
0x1e: {  	s2 =	sadd.s32 $0xFA0, s23;
	(pc) =	sbr.rel @!p1 .LBB2_10-.Ltmp1, $4  }
0x1f: {  	s22 =	smov.u32 s3;
	s31 =	sadd.s32 $0x1, s24;
	s17 =	sadd.s32 $0xFA0, s17  }
0x20: {  	s18 =	sadd.s32 $0x1, s18;
	s25 =	smov.u32 s23;
	p2 =	slt.s32 s2, s4  }
0x21: {  	p0 =	por !p0, !p0;
	s19 =	sadd.s32 $0xFA0, s19;
	s22 =	smov.u32 @p2 s2  }
0x22: {  	s20 =	sadd.s32 $0x1, s20;
	s23 =	smov.u32 s22;
	s24 =	smov.u32 s31  }
.LBB2_1:
0x23: {  	p1 =	sge.u32 s24, s9  }
0x24: {  	s0 =	smulhi.u32 @!p1 $0xAAAAAAAB, s24;
	_ =	sdelay $0x1  }
0x25: {  	s0 =	sshrl.u32 @!p1 s0, $0x1  }
0x26: {  	s0 =	smul.u32 @!p1 $0x3, s0;
	_ =	sdelay $0x1  }
0x27: {  	s0 =	ssub.s32 @!p1 s24, s0  }
0x28: {  	s0 =	smul.u32 @!p1 $0x3E80, s0;
	_ =	sdelay $0x1  }
0x29: {  	s2 =	sshrl.u32 @!p1 s23, $0x3;
	s0 =	sshrl.u32 @!p1 s0, $0x2  }
0x2a: {  	s22 =	sand.u32 @!p1 $0x7, s23;
	s2 =	sadd.s32 @!p1 s5, s2;
	s0 =	sadd.s32 @!p1 $0x100, s0  }
0x2b: {  	[tilespmem:s0], [sflag:$0x7] =	stream.linear.gather @!p1 [hbm4b:s2+s22], $0xFA0, $0x38;
	[tilespmem:$0x8DC0] =	vst v63  }
0x2c: {  	s0 =	sadd.s32 $0xFFFFFFFF, s24  }
0x2d: {  	p1 =	sge.u32 s0, s9  }
.Ltmp2:
0x2e: {  	_ = 	snop;
	(pc) =	sbr.rel @p1 .LBB2_5-.Ltmp2, $1  }
0x2f: {  	_ =	sdelay $0x3  }
0x30: {  	s2 =	smulhi.u32 $0xAAAAAAAB, s0;
	_ =	sdelay $0x1  }
0x31: {  	s2 =	sshrl.u32 s2, $0x1  }
0x32: {  	s2 =	smul.u32 $0x3, s2;
	_ =	sdelay $0x1  }
0x33: {  	s2 =	ssub.s32 s0, s2  }
0x34: {  	s2 =	smul.u32 $0x3E80, s2  }
0x35: {  	_ =	swait.ge [sflag:s7], $0xFA0  }
0x36: {  	[sflag:s7] =	ssyncset.done $0x0;
	s2 =	sshrl.u32 s2, $0x2  }
0x37: {  	[sflag:s7] =	ssyncadd.s32 $0xFFFFF060;
	(ifvalue) =	ssetifvalue $0xFFFFFFFF;
	v3 =	vld.msk [tilespmem:s2+$0x100 ss:$0x1], $0xffff;
	_ =	sdelay $0x2  }
0x38: {  	s30 =	smulhi.u32 $0xAAAAAAAB, s18;
	p1 =	sne.s32 s24, $0x1  }
0x39: {  	v4 =	vimm.s32 @!p1 $0x0  }
0x3a: {  	s2 =	sshrl.u32 s30, $0x1;
	v4 =	vperm.xlane @!p1 v3, v4  }
0x3b: {  	s22 =	sshll.u32 s24, $0x4;
	s2 =	smul.u32 $0xFFFF4480, s2;
	vm4 =	vlt.u32 v3, $0x80  }
0x3c: {  	s22 =	sand.u32 $0x10, s22;
	v3 =	vnsel vm4, $0xFFFFFFFE, v3;
	vm4 =	vlt.u32 @!p1 v4, $0x80  }
0x3d: {  	s2 =	sshra.s32 s2, $0x2;
	[tilespmem:s22+$0x60] =	vst v3;
	v3 =	vnsel @!p1 vm4, $0xFFFFFFFE, v4  }
0x3e: {  	s28 =	sadd.s32 s2, s17;
	[tilespmem:$0x80] =	vst @!p1 v3  }
0x3f: {  	v3 =	vld.msk [tilespmem:s28+$0x0 ss:$0x1], $0xffff;
	_ =	sdelay $0x4  }
0x40: {  	(xrf1) =	vunique.msk.u32 $0xffff, v3;
	_ =	sdelay $0xd  }
0x41: {  	v4 =	vimm.s32 $0xFFFFFFFF;
	v5, _, _ =	vpop (xrf1)  }
0x42: {  	vm5 =	vne.s32 v3, v4;
	vm4 =	veq.s32 v5, v2  }
0x43: {  	vm6 =	vlt.u32 v3, $0x80;
	vm4 =	vmand vm5, vm4  }
0x44: {  	vm4 =	vmand vm6, vm4  }
0x45: {  	v4 =	vnsel vm4, $0xFFFFFFFF, v3  }
0x46: {  	s31 =	sand.u32 $0x1, s0  }
0x47: {  	s0 =	simm.s32 $0xFA0;
	p1 =	seq.s32 s31, $0x1  }
0x48: {  	s0 =	simm.s32 @!p1 $0x0  }
0x49: {  	s26 =	sadd.s32 $0x3F70, s0;
	(ifvalue) =	ssetifvalue $0xFFFFFFFF  }
0x4a: {  	v3 =	vperm.xlane v3, v1;
	[tilespmem:s26], [sflag:$0x8] =	stream.indirect_vreg.gather [hbm4b:s1+s16], $0x1, v4, vm0, $0x4038;
	v4 =	vnsel vm6, $0xFFFFFFFE, v4;
	[tilespmem:$0x8DC0] =	vst v63  }
0x4b: {  	s2 =	simm.s32 $0x0;
	s22 =	sadd.s32 $0xFFFFFFF0, s28;
	[tilespmem:s28+$0x0] =	vst v4  }
.LBB2_3:
0x4c: {  	v4 =	vld.msk [tilespmem:s22+$0x0 ss:$0x1], $0xffff;
	s2 =	sadd.s32 $0x10, s2;
	v5 =	vmov v3;
	s28 =	smov.u32 s22  }
0x4d: {  	p1 =	slt.u32 s2, $0xF90;
	_ =	sdelay $0x4  }
0x4e: {  	v3 =	vperm.xlane v4, v1;
	(xrf1) =	vunique.msk.u32 $0xffff, v4;
	_ =	sdelay $0xd  }
0x4f: {  	v6, _, _ =	vpop (xrf1)  }
0x50: {  	vm5 =	vne.s32 v4, v5;
	vm4 =	veq.s32 v6, v2  }
0x51: {  	vm6 =	vlt.u32 v4, $0x80;
	vm4 =	vmand vm5, vm4  }
0x52: {  	vm4 =	vmand vm6, vm4  }
0x53: {  	v4 =	vnsel vm4, $0xFFFFFFFF, v4  }
.Ltmp3:
0x54: {  	v5 =	vnsel vm6, $0xFFFFFFFE, v4;
	(pc) =	sbr.rel @p1 .LBB2_3-.Ltmp3, $3  }
0x55: {  	_ =	sdelay $0x1  }
0x56: {  	s22 =	sadd.s32 $0xFFFFFFF0, s22;
	s26 =	sadd.s32 $0xFFFFFFF0, s26;
	(ifvalue) =	ssetifvalue $0xFFFFFFFF  }
0x57: {  	[tilespmem:s26], [sflag:$0x8] =	stream.indirect_vreg.gather [hbm4b:s1+s16], $0x1, v4, vm0, $0x4038;
	[tilespmem:s28+$0x0] =	vst v5  }
0x58: {  	s2 =	sshrl.u32 s25, $0x3  }
0x59: {  	s0 =	sadd.s32 $0x4F20, s0;
	s2 =	sadd.s32 s6, s2  }
0x5a: {  	[tilespmem:s0], [sflag:$0x8] =	stream.linear.gather [hbm:s2], $0xFA0, $0x38;
	[tilespmem:$0x8DC0] =	vst v63  }
.LBB2_5:
0x5b: {  	p1 =	slt.u32 s24, $0x2  }
0x5c: {  	p2 =	sge.u32 @!p1 s24, s12  }
0x5d: {  	p1 =	por p1, p2  }
.Ltmp4:
0x5e: {  	_ = 	snop;
	(pc) =	sbr.rel @p1 .LBB2_9-.Ltmp4, $1  }
0x5f: {  	_ =	sdelay $0x3  }
0x60: {  	s0 =	sadd.s32 $0xFFFFFFFE, s24  }
0x61: {  	s2 =	smulhi.u32 $0xAAAAAAAB, s0;
	_ =	sdelay $0x1  }
0x62: {  	s2 =	sshrl.u32 s2, $0x1  }
0x63: {  	s2 =	smul.u32 $0x3, s2;
	_ =	sdelay $0x1  }
0x64: {  	s0 =	ssub.s32 s0, s2  }
0x65: {  	_ =	swait.ge [sflag:s8], $0x1F40;
	s0 =	smul.u32 $0xFA0, s0  }
0x66: {  	p1 =	sne.s32 s24, s11;
	[sflag:s8] =	ssyncset.done $0x0  }
0x67: {  	[sflag:s8] =	ssyncadd.s32 $0xFFFFE0C0;
	s2 =	sadd.s32 @!p1 $0x109F, s0  }
0x68: {  	[spmem:s13] =	stream.linear.scatter @!p1 [tilespmem:s2], [sflag:$0x1], $0x1, $0x38;
	[tilespmem:$0x8DC0] =	vst v63  }
0x69: {  	s2 =	simm.s32 @!p1 $0x1  }
0x6a: {  	_ =	swait.ge @!p1 [sflag:s2], $0x1  }
0x6b: {  	s22 =	sshll.u32 s24, $0x4;
	[sflag:s2] =	ssyncset.done @!p1 $0x0  }
0x6c: {  	s25 =	sand.u32 $0x10, s22;
	[sflag:s2] =	ssyncadd.s32 @!p1 $0xFFFFFFFF  }
0x6d: {  	s2 =	sxor.u32 $0x10, s25;
	v4 =	vld [tilespmem:s25+$0x10]  }
0x6e: {  	v5 =	vld [tilespmem:s2+$0x60]  }
0x6f: {  	v3 =	vld [tilespmem:$0x80];
	_ =	sdelay $0x2  }
0x70: {  	(v2sf) =	vpush v4, $0x0  }
0x71: {  	(v2sf) =	vpush v5, $0x0  }
0x72: {  	(v2sf) =	vpush v3, $0x0;
	_ =	sdelay $0xc  }
0x73: {  	s22 =	spop (v2sf)  }
0x74: {  	s26 =	spop (v2sf)  }
0x75: {  	s28 =	spop (v2sf)  }
0x76: {  	p2 =	seq.s32 s22, s26;
	p3 =	seq.s32 s28, s22  }
0x77: {  	p3 =	por p2, p3  }
0x78: {  	s26 =	sand.u32 $0x1, s24;
	v4 =	vpsel p3, $0xFFFFFFFF, v4  }
0x79: {  	s29 =	smul.u32 $0xFA0, s26;
	[tilespmem:s25+$0x10] =	vst.msk $0x1, v4  }
0x7a: {  	v4 =	vld [tilespmem:$0x30]  }
0x7b: {  	v5 =	vld [tilespmem:s29+$0x4F20]  }
0x7c: {  	v6 =	vld [tilespmem:s25+$0x40];
	_ =	sdelay $0x3  }
0x7d: {  	vm4 =	vmmov vm1;
	v5 =	vadd.f32 v5, v4  }
0x7e: {  	vm5 =	vmmov vm2;
	vm4 =	vmmov @p2 vm2;
	s22 =	sshll.u32 s26, $0x4;
	v4 =	vadd.f32 v6, v4  }
0x7f: {  	s26 =	sor.u32 $0x8DA0, s22;
	vm5 =	vmmov @p3 vm1;
	[tilespmem:s29+$0x4F20] =	vst.msk vm4, v5  }
0x80: {  	[tilespmem:s26+$0x0] =	vst.msk vm5, v4  }
0x81: {  	v4 =	vld [tilespmem:s29+$0x3F70];
	_ =	sdelay $0x3  }
0x82: {  	v5 =	vimm.f32 $0.0e+00  }
0x83: {  	v4 =	vshift.insert v4, v5, s21  }
0x84: {  	s22 =	sor.u32 $0x40, s2  }
0x85: {  	[tilespmem:s22+$0x0] =	vst.msk $0x1, v4  }
0x86: {  	[tilespmem:s29+$0x3F7F] =	vst.msk $0x1, v5  }
0x87: {  	v4 =	vld [tilespmem:s0+$0x1090];
	_ =	sdelay $0x1  }
0x88: {  	s22 =	smulhi.u32 $0xAAAAAAAB, s20;
	s0 =	simm.s32 $0x1  }
0x89: {  	s0 =	simm.s32 @!p0 $0x0  }
0x8a: {  	s22 =	sshrl.u32 s22, $0x1;
	s0 =	smul.u32 $0x3E80, s0  }
0x8b: {  	s22 =	smul.u32 $0xFFFF4480, s22;
	v4 =	vshift.insert v4, v1, s21  }
0x8c: {  	s0 =	sshrl.u32 s0, $0x2  }
0x8d: {  	s22 =	sshra.s32 s22, $0x2;
	s30 =	sadd.s32 $0x4F20, s0;
	[tilespmem:s2+$0x10] =	vst.msk $0x1, v4  }
0x8e: {  	s22 =	sadd.s32 s22, s19;
	v6 =	vld [tilespmem:s30+$0x0]  }
0x8f: {  	v7 =	vld [tilespmem:s22+$0x0];
	_ =	sdelay $0x3  }
0x90: {  	v5 =	vadd.f32 v6, v5  }
0x91: {  	vm4 =	vne.s32 v7, $0xFFFFFFFF  }
0x92: {  	(xrf2) =	vadd.seg.scan.f32 vm4, v5;
	_ =	sdelay $0x3  }
0x93: {  	s31 =	sadd.s32 $0x2FE0, s0;
	v5 =	vperm.xlane v4, v1  }
0x94: {  	v6 =	vld [tilespmem:s31+$0x0]  }
0x95: {  	vm5 =	veq.s32 v7, v3;
	vm6 =	veq.s32 v7, v5  }
0x96: {  	vm7 =	vgt.u32 v7, $0xFFFFFFFD;
	vm6 =	vmor vm6, vm5  }
0x97: {  	vm6 =	vmor vm6, vm7  }
0x98: {  	v9 =	vld [tilespmem:$0xA0];
	v7 =	vsel vm6, $0xFFFFFFFF, v7  }
0x99: {  	v10 =	vld [tilespmem:$0x90];
	v6 =	vsel vm5, $0x0, v6;
	v8, _, _ =	vpop (xrf2)  }
0x9a: {  	v6 =	vadd.f32 v8, v6  }
0x9b: {  	s0 =	sadd.s32 $0x6E60, s0  }
0x9c: {  	vm4 =	vmand vm4, vm3;
	[tilespmem:s0+$0x0] =	vst v6;
	(ifvalue) =	ssetifvalue $0xFFFFFFFF  }
0x9d: {  	vm6 =	veq.s32 v9, $0x1;
	[hbm4b:s1+s16] =	stream.indirect_vreg.scatter [tilespmem:s0], [sflag:$0x2], $0x1, v7, vm0, $0x4038;
	v7 =	vsel vm4, $0x0, v8;
	[tilespmem:$0x8DC0] =	vst v63  }
0x9e: {  	s2 =	simm.s32 $0x0;
	s22 =	sadd.s32 $0x10, s22;
	vm4 =	vmor vm6, vm5;
	v6 =	vsel vm5, v8, v10;
	v7 =	vshift.insert v7, v0, s21  }
.LBB2_7:
0x9f: {  	v8 =	vld [tilespmem:s22+$0x0];
	s30 =	sadd.s32 $0x10, s30  }
0xa0: {  	s31 =	sadd.s32 $0x10, s31;
	v9 =	vld [tilespmem:s30+$0x0]  }
0xa1: {  	s2 =	sadd.s32 $0x10, s2;
	v10 =	vld [tilespmem:s31+$0x0]  }
0xa2: {  	p2 =	slt.u32 s2, $0xF90;
	_ =	sdelay $0x2  }
0xa3: {  	v7 =	vadd.f32 v9, v7  }
0xa4: {  	vm5 =	vne.s32 v8, $0xFFFFFFFF  }
0xa5: {  	vm6 =	vmand vm5, vm3;
	(xrf2) =	vadd.seg.scan.f32 vm5, v7;
	_ =	sdelay $0x5  }
0xa6: {  	vm7 =	veq.s32 v8, v5;
	vm5 =	veq.s32 v8, v3  }
0xa7: {  	vm8 =	vgt.u32 v8, $0xFFFFFFFD;
	vm4 =	vmor vm4, vm5;
	vm7 =	vmor vm7, vm5  }
0xa8: {  	vm7 =	vmor vm7, vm8  }
0xa9: {  	v8 =	vsel vm7, $0xFFFFFFFF, v8  }
.Ltmp5:
0xaa: {  	v7 =	vsel vm5, $0x0, v10;
	v9, _, _ =	vpop (xrf2);
	(pc) =	sbr.rel @p2 .LBB2_7-.Ltmp5, $4  }
0xab: {  	v6 =	vsel vm5, v9, v6;
	v10 =	vadd.f32 v9, v7;
	v7 =	vsel vm6, $0x0, v9  }
0xac: {  	s0 =	sadd.s32 $0x10, s0;
	v7 =	vshift.insert v7, v0, s21  }
0xad: {  	s22 =	sadd.s32 $0x10, s22;
	[tilespmem:s0+$0x0] =	vst v10;
	(ifvalue) =	ssetifvalue $0xFFFFFFFF  }
0xae: {  	[hbm4b:s1+s16] =	stream.indirect_vreg.scatter [tilespmem:s0], [sflag:$0x2], $0x1, v8, vm0, $0x4038;
	[tilespmem:$0x8DC0] =	vst v63  }
0xaf: {  	v3 =	vld [tilespmem:s29+$0x7DF0];
	_ =	sdelay $0x4  }
0xb0: {  	v3 =	vshift.insert v3, v0, s21  }
0xb1: {  	s0 =	simm.s32 $0x30  }
0xb2: {  	[tilespmem:s0+$0x0] =	vst.msk $0x1, v3  }
0xb3: {  	v3 =	vsel vm4, $0x1, v1;
	[tilespmem:$0x90] =	vst v6  }
0xb4: {  	s0 =	sadd.s32 @!p1 $0x7DFF, s29;
	[tilespmem:$0xA0] =	vst v3  }
0xb5: {  	[spmem:s14] =	stream.linear.scatter @!p1 [tilespmem:s0], [sflag:$0x1], $0x1, $0x38;
	[tilespmem:$0x8DC0] =	vst v63  }
0xb6: {  	s0 =	simm.s32 @!p1 $0x1  }
0xb7: {  	v3 =	vmctz.xlane @!p1 vm4;
	_ =	swait.ge @!p1 [sflag:s0], $0x1  }
0xb8: {  	(v2sf) =	vpush @!p1 v4, $0x0  }
0xb9: {  	(v2sf) =	vpush @!p1 v3, $0x0;
	_ =	sdelay $0xd  }
0xba: {  	s2 =	spop @!p1 (v2sf)  }
0xbb: {  	s22 =	spop @!p1 (v2sf)  }
0xbc: {  	p2 =	sne.s32 @!p1 s28, s2;
	p3 =	slt.s32 @!p1 s22, $0xF  }
0xbd: {  	[sflag:s0] =	ssyncset.done @!p1 $0x0;
	p2 =	por p2, p1;
	p3 =	por !p3, p1  }
0xbe: {  	[sflag:s0] =	ssyncadd.s32 @!p1 $0xFFFFFFFF;
	v3 =	vimm.s32 @!p2 $0xFFFFFFFF;
	s22 =	simm.s32 @p3 $0xF  }
0xbf: {  	[tilespmem:$0x80] =	vst @!p2 v3;
	s2 =	sadd.s32 @!p1 $0x90, s22  }
0xc0: {  	[spmem:s10] =	stream.linear.scatter @!p1 [tilespmem:s2], [sflag:$0x1], $0x1, $0x38;
	[tilespmem:$0x8DC0] =	vst v63  }
0xc1: {  	_ =	swait.ge @!p1 [sflag:s0], $0x1  }
0xc2: {  	[sflag:s0] =	ssyncset.done @!p1 $0x0  }
0xc3: {  	s2 =	simm.s32 @!p1 $0x80;
	[sflag:s0] =	ssyncadd.s32 @!p1 $0xFFFFFFFF  }
0xc4: {  	[spmem:s15] =	stream.linear.scatter @!p1 [tilespmem:s2], [sflag:$0x1], $0x1, $0x38;
	[tilespmem:$0x8DC0] =	vst v63  }
0xc5: {  	_ =	swait.ge @!p1 [sflag:s0], $0x1  }
0xc6: {  	[sflag:s0] =	ssyncset.done @!p1 $0x0  }
0xc7: {  	[sflag:s0] =	ssyncadd.s32 @!p1 $0xFFFFFFFF;
	(ifvalue) =	ssetifvalue $0xFFFFFFFF;
	v3 =	vld [tilespmem:s25+$0x10];
	_ =	sdelay $0x3  }
.Ltmp6:
0xc8: {  	_ = 	snop;
	(pc) =	sbr.rel .LBB2_9-.Ltmp6, $3  }
0xc9: {  	_ =	sdelay $0x1  }
0xca: {  	(ifvalue) =	ssetifvalue $0xFFFFFFFF  }
0xcb: {  	[hbm4b:s1+s16] =	stream.indirect_vreg.scatter [tilespmem:s26], [sflag:$0x9], $0x1, v3, vm0, $0x4038;
	[tilespmem:$0x8DC0] =	vst v63  }
.LBB2_10:
0xcc: {  	_ =	sfence.sel $0x180000  }
0xcd: {  	s0 =	simm.s32 $0x7;
	[bflag:$0x0] =	sbarrier.arrive $0xFFFF  }
0xce: {  	s26 =	simm.s32 $0x8;
	[sflag:s0] =	ssyncpa.u1 $0x1  }
0xcf: {  	s28 =	simm.s32 $0x9;
	[sflag:s26] =	ssyncpa.u1 $0x1  }
0xd0: {  	[sflag:s28] =	ssyncpa.u1 $0x1  }
0xd1: {  	_ =	sfence.stream.spmem  }
0xd2: {  	s29 =	simm.s32 $0x3;
	[bflag:$0x0] =	sbarrier.arrive $0xFFFF  }
0xd3: {  	s30 =	simm.s32 $0x4;
	[sflag:s29] =	ssyncpa.u1 $0x1  }
0xd4: {  	s31 =	simm.s32 $0x3C;
	s2 =	stileid.u32;
	[sflag:s30] =	ssyncpa.u1 $0x1  }
0xd5: {  	p0 =	sne.s32 s2, $0x0;
	[sflag:s31] =	ssyncpa.u1 $0x1  }
0xd6: {  	s0 =	simm.s32 @p0 $0x1;
	_ =	sfence @p0  }
0xd7: {  	[sflag:s0] =	ssyncpa.u1 @p0 $0x1;
	s0 =	simm.s32 @p0 $0x2  }
0xd8: {  	[sflag:s0] =	ssyncpa.u1 @p0 $0x1  }
0xd9: {  	_ =	strace @p0 $0x90000071  }
0xda: {  	[bflag:$0x2] =	sbarrier.arrive @p0 $0xFFFF  }
0xdb: {  	_ =	shalt @p0  }
.LBB2_11:
0xdc: {  	_ =	sfence.stream.spmem;
	s0 =	simm.s32 $0x5  }
0xdd: {  	s2 =	simm.s32 $0x80;
	s3 =	simm.s32 $0xC0;
	[sflag:s0] =	ssyncpa.u1 $0x0  }
0xde: {  	[tilespmem:s3], [sflag:$0x5] =	stream.linear.gather [spmem:s2], $0x20, $0x38;
	[tilespmem:$0x8DC0] =	vst v63  }
0xdf: {  	s2 =	simm.s32 $0x0;
	s3 =	simm.s32 $0xE0  }
0xe0: {  	[tilespmem:s3], [sflag:$0x5] =	stream.linear.gather [spmem:s2], $0x20, $0x38;
	[tilespmem:$0x8DC0] =	vst v63  }
.Ltmp7:
0xe1: {  	_ = 	snop;
	(pc) =	sbr.rel .LBB2_12-.Ltmp7, $4  }
0xe2: {  	_ =	swait.ge [sflag:s0], $0x40  }
0xe3: {  	[sflag:s0] =	ssyncset.done $0x0  }
0xe4: {  	s31 =	simm.s32 $0x6;
	[sflag:s0] =	ssyncadd.s32 $0xFFFFFFC0  }
0xe5: {  	s4 =	simm.s32 $0x0;
	[sflag:s31] =	ssyncpa.u1 $0x0  }
.LBB2_17:
0xe6: {  	p0 =	sgt.u32 s5, $0x7F  }
0xe7: {  	s0 =	sshrl.u32 @!p0 s5, $0x3  }
0xe8: {  	s5 =	sand.u32 @!p0 $0x7, s5;
	s6 =	simm.s32 @!p0 $0xB0;
	s0 =	sadd.s32 @!p0 s1, s0  }
0xe9: {  	[tilespmem:s6], [sflag:$0x6] =	stream.linear.gather @!p0 [hbm4b:s0+s5], $0x1, $0x38;
	[tilespmem:$0x8DC0] =	vst v63  }
0xea: {  	s0 =	simm.s32 @!p0 $0x6  }
0xeb: {  	_ =	swait.ge @!p0 [sflag:s0], $0x1  }
0xec: {  	[sflag:s0] =	ssyncset.done @!p0 $0x0  }
0xed: {  	[sflag:s0] =	ssyncadd.s32 @!p0 $0xFFFFFFFF  }
0xee: {  	v2 =	vmov @!p0 s4;
	v1 =	vld.msk @!p0 [tilespmem:$0xB0], $0x1;
	_ =	sdelay $0x3  }
0xef: {  	s0 =	simm.s32 @!p0 $0xE0  }
0xf0: {  	[tilespmem:v2+s0+$0x0], v1 =	vst.idx.ret.add.f32.msk @!p0 $0x1, v1  }
0xf1: {  	[tilespmem:s2+$0xC0] =	vst.msk $0x1, v0  }
0xf2: {  	v0 =	vld.msk [tilespmem:s4+$0xE0], $0x1;
	_ =	sdelay $0x4  }
0xf3: {  	[tilespmem:s2+$0xE0] =	vst.msk $0x1, v0;
	s2 =	sadd.s32 $0x1, s2  }
.LBB2_19:
0xf4: {  	s4 =	sadd.s32 $0x1, s4  }
0xf5: {  	p0 =	sne.s32 s4, $0x20  }
.Ltmp8:
0xf6: {  	_ = 	snop;
	(pc) =	sbr.rel @!p0 .LBB2_20-.Ltmp8, $1  }
0xf7: {  	_ =	sdelay $0x3  }
.LBB2_12:
0xf8: {  	v0 =	vld.msk [tilespmem:s4+$0xC0], $0x1;
	_ =	sdelay $0x4  }
0xf9: {  	(v2sf) =	vpush v0, $0x0;
	_ =	sdelay $0xe  }
0xfa: {  	s5 =	spop (v2sf)  }
0xfb: {  	p0 =	seq.s32 s5, $0xFFFFFFFF  }
.Ltmp9:
0xfc: {  	_ = 	snop;
	(pc) =	sbr.rel @p0 .LBB2_19-.Ltmp9, $1  }
0xfd: {  	_ =	sdelay $0x3  }
0xfe: {  	p0 =	slt.s32 s2, $0x1  }
.Ltmp10:
0xff: {  	_ = 	snop;
	(pc) =	sbr.rel @p0 .LBB2_17-.Ltmp10, $1  }
0x100: {  	_ =	sdelay $0x3  }
0x101: {  	s0 =	simm.s32 $0xC0;
	p0 =	por $0x0, $0x0  }
0x102: {  	v1 =	vld.msk @!p0 [tilespmem:s0+$0x0], $0x1;
	_ =	sdelay $0x4  }
0x103: {  	(v2sf) =	vpush @!p0 v1, $0x0;
	_ =	sdelay $0xd  }
0x104: {  	p2 =	sne.s32 s2, $0x1  }
.Ltmp11:
0x105: {  	s6 =	spop @!p0 (v2sf);
	(pc) =	sbr.rel @!p2 .LBB2_16-.Ltmp11, $4  }
0x106: {  	p1 =	seq.s32 @!p0 s5, s6  }
0x107: {  	s6 =	simm.s32 $0x0;
	p1 =	por !p1, p0  }
0x108: {  	s8 =	simm.s32 $0xFFFFFFFF;
	s6 =	simm.s32 @p1 $0xFFFFFFFF  }
0x109: {  	s7 =	simm.s32 $0x1;
	s6 =	smov.u32 @p0 s8  }
.LBB2_15:
0x10a: {  	s8 =	smov.u32 s6;
	p0 =	sne.s32 s6, $0xFFFFFFFF  }
0x10b: {  	s0 =	sadd.s32 $0x1, s0;
	s6 =	smov.u32 s7;
	s7 =	sadd.s32 $0x1, s7  }
0x10c: {  	p1 =	sne.s32 s2, s7;
	v1 =	vld.msk @!p0 [tilespmem:s0+$0x0], $0x1;
	_ =	sdelay $0x4  }
0x10d: {  	(v2sf) =	vpush @!p0 v1, $0x0;
	_ =	sdelay $0xe  }
.Ltmp12:
0x10e: {  	s9 =	spop @!p0 (v2sf);
	(pc) =	sbr.rel @p1 .LBB2_15-.Ltmp12, $4  }
0x10f: {  	p2 =	seq.s32 @!p0 s5, s9  }
0x110: {  	p2 =	por !p2, p0  }
0x111: {  	s6 =	simm.s32 @p2 $0xFFFFFFFF  }
0x112: {  	s6 =	smov.u32 @p0 s8  }
.LBB2_16:
0x113: {  	p0 =	sne.s32 s6, $0xFFFFFFFF  }
.Ltmp13:
0x114: {  	_ = 	snop;
	(pc) =	sbr.rel @!p0 .LBB2_17-.Ltmp13, $1  }
0x115: {  	_ =	sdelay $0x3  }
0x116: {  	v0 =	vld.msk [tilespmem:s4+$0xE0], $0x1;
	v1 =	vmov s6  }
.Ltmp14:
0x117: {  	_ = 	snop;
	(pc) =	sbr.rel .LBB2_19-.Ltmp14, $2  }
0x118: {  	_ =	sdelay $0x2  }
0x119: {  	[tilespmem:v1+s3+$0x0], v0 =	vst.idx.ret.add.f32.msk $0x1, v0  }
.LBB2_20:
0x11a: {  	p0 =	slt.s32 s2, $0x1  }
.Ltmp15:
0x11b: {  	_ = 	snop;
	(pc) =	sbr.rel @p0 .LBB2_24-.Ltmp15, $3  }
0x11c: {  	_ =	sdelay $0x1  }
0x11d: {  	s0 =	simm.s32 $0x6  }
0x11e: {  	s3 =	simm.s32 $0x0;
	[sflag:s0] =	ssyncpa.u1 $0x1  }
0x11f: {  	s0 =	simm.s32 $0xC0  }
0x120: {  	v0 =	vld.msk [tilespmem:s0+$0x0], $0x1;
	_ =	sdelay $0x4  }
0x121: {  	(v2sf) =	vpush v0, $0x0;
	_ =	sdelay $0xe  }
0x122: {  	s2 =	sadd.s32 $0xFFFFFFFF, s2;
	s4 =	spop (v2sf)  }
0x123: {  	p1 =	sne.s32 s2, $0x0;
	p0 =	sgt.u32 s4, $0x7F  }
.Ltmp16:
0x124: {  	s5 =	sshrl.u32 @!p0 s4, $0x3;
	(pc) =	sbr.rel @!p1 .LBB2_23-.Ltmp16, $4  }
0x125: {  	s0 =	simm.s32 $0xE0;
	s4 =	sand.u32 @!p0 $0x7, s4;
	s5 =	sadd.s32 @!p0 s1, s5  }
0x126: {  	[hbm4b:s5+s4] =	stream.linear.scatter @!p0 [tilespmem:s0], [sflag:$0x5], $0x1, $0x38;
	[tilespmem:$0x8DC0] =	vst v63  }
0x127: {  	s5 =	simm.s32 $0x0  }
0x128: {  	s4 =	simm.s32 $0xC1;
	s5 =	simm.s32 @!p0 $0x4  }
.LBB2_22:
0x129: {  	v0 =	vld.msk [tilespmem:s4+$0x0], $0x1;
	s2 =	sadd.s32 $0xFFFFFFFF, s2;
	s3 =	sadd.s32 s3, s5  }
0x12a: {  	p0 =	sne.s32 s2, $0x0;
	_ =	sdelay $0x3  }
0x12b: {  	(v2sf) =	vpush v0, $0x0;
	_ =	sdelay $0xe  }
.Ltmp17:
0x12c: {  	s6 =	spop (v2sf);
	(pc) =	sbr.rel @p0 .LBB2_22-.Ltmp17, $4  }
0x12d: {  	s5 =	simm.s32 $0x0;
	p1 =	sgt.u32 s6, $0x7F  }
0x12e: {  	s0 =	sadd.s32 $0x1, s0;
	s5 =	simm.s32 @!p1 $0x4;
	s7 =	sshrl.u32 @!p1 s6, $0x3  }
0x12f: {  	s4 =	sadd.s32 $0x1, s4;
	s6 =	sand.u32 @!p1 $0x7, s6;
	s7 =	sadd.s32 @!p1 s1, s7  }
0x130: {  	[hbm4b:s7+s6] =	stream.linear.scatter @!p1 [tilespmem:s0], [sflag:$0x5], $0x1, $0x38;
	[tilespmem:$0x8DC0] =	vst v63  }
.LBB2_23:
0x131: {  	s0 =	sadd.s32 s3, s5  }
0x132: {  	s3 =	sshrl.u32 s0, $0x2  }
.LBB2_24:
0x133: {  	s0 =	simm.s32 $0x5  }
0x134: {  	_ =	swait.ge [sflag:s0], s3  }
0x135: {  	s1 =	ssub.s32 $0x0, s3;
	[sflag:s0] =	ssyncset.done $0x0  }
0x136: {  	[sflag:s0] =	ssyncadd.s32 s1  }
0x137: {  	[sflag:s0] =	ssyncpa.u1 $0x1  }
0x138: {  	s29 =	simm.s32 $0x1;
	_ =	sfence  }
0x139: {  	s30 =	simm.s32 $0x2;
	[sflag:s29] =	ssyncpa.u1 $0x1  }
0x13a: {  	[sflag:s30] =	ssyncpa.u1 $0x1  }
0x13b: {  	_ =	strace $0x90000071  }
0x13c: {  	[bflag:$0x2] =	sbarrier.arrive $0xFFFF  }
0x13d: {  	s31 =	rddreg [dreg:$0x1]  }
0x13e: {  	s0 =	sadd.s32 $0x100000, s31  }
0x13f: {  	[sflag:s0] =	ssyncadd.tile.s32 $0x1;
	_ =	shalt  }
.Lfunc_end2:
_tile_overlayer_lowered:
.L_overlay_start_2:
0x140: {  	(tag) =	ssettag $0x2  }
0x141: {  	s0 =	rddreg [dreg:$0x0];
	s2 =	stileid.u32  }
0x142: {  	s1 =	rddreg [dreg:$0x1];
	p0 =	sne.s32 s2, $0x0  }
0x143: {  	s3 =	rddreg [dreg:$0x2];
	[bflag:$0x3] =	sbarrier.arrive $0xFFFF;
	s2 =	simm.s32 @!p0 $0x1C01  }
0x144: {  	[timem:s3], [sflag:s2] =	dma.local @!p0 [hbm:s0], s1  }
0x145: {  	s0 =	simm.s32 @!p0 $0x1  }
0x146: {  	_ =	swait.ge @!p0 [sflag:s0], s1  }
0x147: {  	s1 =	ssub.s32 @!p0 $0x0, s1;
	[sflag:s0] =	ssyncset.done @!p0 $0x0  }
0x148: {  	[sflag:s0] =	ssyncadd.s32 @!p0 s1  }
0x149: {  	[bflag:$0x3] =	sbarrier.arrive $0xFFFF  }
0x14a: {  	_ =	shalt  }

// kernel: scatter_offload_async_start
scs
__scs_entry_jumppad:
0x0: {  	(pc) =	sbr.rel $0x88, $3  }
0x1: {  	(tag) =	ssettag $0x0;
	lr =	simm.s32 $0x1  }
0x2: {  	[smem:$0x3F99] =	sst lr;
	_ =	strace $0xD0000000  }
0x3: {  	_ = 	snop  }
0x4: {  	_ = 	snop  }
0x5: {  	_ = 	snop  }
0x6: {  	_ = 	snop  }
0x7: {  	_ = 	snop  }
__scs_overlays_trampoline_lowered:
0x8: {  	[smem:$0x3FA8] =	sst s0  }
0x9: {  	[smem:$0x3FA9] =	sst s1  }
0xa: {  	[smem:$0x3FAA] =	sst s2  }
0xb: {  	[smem:$0x3FAB] =	sst s3  }
0xc: {  	[smem:$0x3FAC] =	sst s4  }
0xd: {  	[smem:$0x3FAD] =	sst s5  }
0xe: {  	[smem:$0x3FAE] =	sst s6  }
0xf: {  	[smem:$0x3FAF] =	sst s7  }
0x10: {  	[smem:$0x3FB0] =	sst s8  }
0x11: {  	[smem:$0x3FB1] =	sst s9;
	s0 =	simm.s32 @!p0 $0x0  }
0x12: {  	s1 =	sld [smem:$0x3F97];
	s0 =	simm.s32 @p0 $0x1  }
0x13: {  	[smem:$0x3FB2] =	sst s0;
	s0 =	simm.s32 @!p1 $0x0  }
0x14: {  	s2 =	sld [smem:$0x3F96];
	s0 =	simm.s32 @p1 $0x1  }
0x15: {  	[smem:$0x3FB3] =	sst s0;
	s0 =	simm.s32 @!p2 $0x0  }
0x16: {  	s3 =	sld [smem:$0x3FDB];
	s0 =	simm.s32 @p2 $0x1  }
0x17: {  	s4 =	simm.s32 $0x1BF5;
	[smem:$0x3FB5] =	sst s0  }
0x18: {  	s0 =	sld [smem:$0x3F98];
	_ =	swait.ge [sflag:s4], $0x0  }
0x19: {  	s7 =	sld [smem:$0x3F99]  }
0x1a: {  	s8 =	sadd.s32 $0xFFFFE003, lr  }
0x1b: {  	s9 =	sadd.s32 $0xFFFFFEF7, lr;
	s5 =	simm.s32 $0xFFFFFFFF;
	p2 =	slt.u32 s8, $0xFFFFF086  }
0x1c: {  	p1 =	slt.u32 s9, $0xF7A;
	s5 =	simm.s32 @!p2 $0x0  }
0x1d: {  	s5 =	simm.s32 @p1 $0x1;
	p0 =	seq.s32 s7, s2  }
0x1e: {  	s7 =	smul.u32 @!p0 $0xF7A, s2;
	p2 =	seq.s32 @!p0 s5, $0x0  }
0x1f: {  	s9 =	smul.u32 $0xF7A, s1;
	s8 =	simm.s32 @!p0 $0x1BF5;
	p2 =	por !p2, p0  }
0x20: {  	[sflag:s8] =	ssyncset.s32 @!p0 $0xFFFFF086;
	s6 =	sadd.s32 @!p0 s3, s7;
	s7 =	simm.s32 @!p0 $0x108  }
0x21: {  	s3 =	sadd.s32 s3, s9;
	s6 =	sadd.s32 @!p0 $0x88, s6;
	s7 =	simm.s32 @p2 $0x1082  }
0x22: {  	[simem:s7], [sflag:s8] =	dma.local @!p0 [hbm:s6], $0xF7A  }
0x23: {  	s9 =	sor.u32 $0xD0000000, s2;
	s6 =	simm.s32 $0x108;
	_ =	swait.ge @!p0 [sflag:s8], $0x0  }
0x24: {  	s3 =	sadd.s32 $0x88, s3;
	s6 =	simm.s32 @!p1 $0x1082;
	[sflag:s4] =	ssyncset.s32 $0xFFFFF086  }
0x25: {  	[simem:s6], [sflag:s4] =	dma.local [hbm:s3], $0xF7A  }
0x26: {  	[smem:$0x3F99] =	sst s1;
	(tag) =	ssettag s2;
	_ =	strace s9  }
0x27: {  	s1 =	sld [smem:$0x3FA9]  }
0x28: {  	s2 =	sld [smem:$0x3FAA]  }
0x29: {  	s4 =	sld [smem:$0x3FAC]  }
0x2a: {  	p0 =	seq.s32 s5, $0x0;
	s5 =	sld [smem:$0x3FAD]  }
0x2b: {  	s6 =	sld [smem:$0x3FAE]  }
0x2c: {  	s7 =	sld [smem:$0x3FAF]  }
0x2d: {  	s3 =	simm.s32 $0x108;
	s8 =	sld [smem:$0x3FB0]  }
0x2e: {  	s3 =	simm.s32 @!p0 $0x1082;
	s9 =	sld [smem:$0x3FB1]  }
0x2f: {  	lr =	sadd.s32 s0, s3;
	s0 =	sld [smem:$0x3FA8]  }
0x30: {  	s3 =	sld [smem:$0x3FAB]  }
0x31: {  	[smem:$0x3FB4] =	sst s10  }
0x32: {  	s10 =	sld [smem:$0x3FB2];
	_ =	sdelay $0x3  }
0x33: {  	p0 =	seq.s32 s10, $0x1;
	s10 =	sld [smem:$0x3FB4];
	_ =	sdelay $0x3  }
0x34: {  	[smem:$0x3FB4] =	sst s10  }
0x35: {  	s10 =	sld [smem:$0x3FB3];
	_ =	sdelay $0x3  }
0x36: {  	p1 =	seq.s32 s10, $0x1;
	s10 =	sld [smem:$0x3FB4];
	_ =	sdelay $0x3  }
0x37: {  	[smem:$0x3FB4] =	sst s10  }
0x38: {  	s10 =	sld [smem:$0x3FB5]  }
0x39: {  	_ = 	snop;
	(pc) =	sbr.ind lr, $3  }
0x3a: {  	_ = 	snop  }
0x3b: {  	_ = 	snop  }
0x3c: {  	p2 =	seq.s32 s10, $0x1;
	s10 =	sld [smem:$0x3FB4]  }
0x3d: {  	_ =	shalt  }
0x3e: {  	_ =	shalt  }
0x3f: {  	_ =	shalt  }
0x40: {  	_ =	shalt  }
0x41: {  	_ =	shalt  }
0x42: {  	_ =	shalt  }
0x43: {  	_ =	shalt  }
0x44: {  	_ =	shalt  }
0x45: {  	_ =	shalt  }
0x46: {  	_ =	shalt  }
0x47: {  	_ =	shalt  }
0x48: {  	_ =	shalt  }
0x49: {  	_ =	shalt  }
0x4a: {  	_ =	shalt  }
0x4b: {  	_ =	shalt  }
0x4c: {  	_ =	shalt  }
0x4d: {  	_ =	shalt  }
0x4e: {  	_ =	shalt  }
0x4f: {  	_ =	shalt  }
0x50: {  	_ =	shalt  }
0x51: {  	_ =	shalt  }
0x52: {  	_ =	shalt  }
0x53: {  	_ =	shalt  }
0x54: {  	_ =	shalt  }
0x55: {  	_ =	shalt  }
0x56: {  	_ =	shalt  }
0x57: {  	_ =	shalt  }
0x58: {  	_ =	shalt  }
0x59: {  	_ =	shalt  }
0x5a: {  	_ =	shalt  }
0x5b: {  	_ =	shalt  }
0x5c: {  	_ =	shalt  }
0x5d: {  	_ =	shalt  }
0x5e: {  	_ =	shalt  }
0x5f: {  	_ =	shalt  }
0x60: {  	_ =	shalt  }
0x61: {  	_ =	shalt  }
0x62: {  	_ =	shalt  }
0x63: {  	_ =	shalt  }
0x64: {  	_ =	shalt  }
0x65: {  	_ =	shalt  }
0x66: {  	_ =	shalt  }
0x67: {  	_ =	shalt  }
0x68: {  	_ =	shalt  }
0x69: {  	_ =	shalt  }
0x6a: {  	_ =	shalt  }
0x6b: {  	_ =	shalt  }
0x6c: {  	_ =	shalt  }
0x6d: {  	_ =	shalt  }
0x6e: {  	_ =	shalt  }
0x6f: {  	_ =	shalt  }
0x70: {  	_ =	shalt  }
0x71: {  	_ =	shalt  }
0x72: {  	_ =	shalt  }
0x73: {  	_ =	shalt  }
0x74: {  	_ =	shalt  }
0x75: {  	_ =	shalt  }
0x76: {  	_ =	shalt  }
0x77: {  	_ =	shalt  }
0x78: {  	_ =	shalt  }
0x79: {  	_ =	shalt  }
0x7a: {  	_ =	shalt  }
0x7b: {  	_ =	shalt  }
0x7c: {  	_ =	shalt  }
0x7d: {  	_ =	shalt  }
0x7e: {  	_ =	shalt  }
0x7f: {  	_ =	shalt  }
0x80: {  	_ =	shalt  }
0x81: {  	_ =	shalt  }
0x82: {  	_ =	shalt  }
0x83: {  	_ =	shalt  }
0x84: {  	_ =	shalt  }
0x85: {  	_ =	shalt  }
0x86: {  	_ =	shalt  }
0x87: {  	_ =	shalt  }
.Lfunc_end0:
.L_simem_size_0:
called_computation_lowered:
.L_overlay_start_0:
0x88: {  	s0 =	sld [smem:$0x3FD9]  }
0x89: {  	s1 =	sld [smem:$0x3FFE];
	_ =	sdelay $0x3  }
0x8a: {  	s0 =	sadd.s32 s1, s0  }
0x8b: {  	[smem:$0x3FC0] =	sst s0  }
0x8c: {  	_ = 	snop  }
0x8d: {  	s0 =	sld [smem:$0x3FD0];
	_ =	sdelay $0x2  }
0x8e: {  	s12 =	simm.s32 $0xF;
	s2 =	simm.s32 $0x10  }
0x8f: {  	[smem:s2], [sflag:s12] =	dma.local [hbm:s0], $0x1  }
0x90: {  	_ =	swait.eq [sflag:s12], $0x1  }
0x91: {  	[sflag:s12] =	ssyncset.done $0x0  }
0x92: {  	[sflag:s12] =	ssyncadd.s32 $0xFFFFFFFF  }
0x93: {  	s13 =	sld [smem:$0x10];
	(tm) =	ssettm $0x1  }
0x94: {  	s14 =	sld [smem:$0x3FFB];
	_ =	sdelay $0x3  }
0x95: {  	_ =	strace s14  }
0x96: {  	s0 =	sld [smem:$0x3FFC];
	_ =	sdelay $0x3  }
0x97: {  	_ =	strace s0  }
0x98: {  	s0 =	sld [smem:$0x3FFD];
	_ =	sdelay $0x3  }
0x99: {  	_ =	strace s0  }
0x9a: {  	_ =	strace $0x8FFFFFFF  }
0x9b: {  	s15 =	sld [smem:$0x3FDB];
	_ =	sdelay $0x1  }
0x9c: {  	s16 =	simm.s32 $_scs_section_size  }
0x9d: {  	s3 =	simm.s32 $_size__tile_overlayer_lowered;
	s4 =	simm.s32 $_tile_overlayer_lowered  }
0x9e: {  	s5 =	simm.s32 $0x1BFF;
	s17 =	sshll.u32 s4, $0x1;
	s2 =	sadd.s32 s16, s15  }
0x9f: {  	s18 =	simm.s32 $0x0;
	s3 =	sshll.u32 s3, $0x1;
	s4 =	sadd.s32 s17, s2  }
0xa0: {  	[timem:s18], [sflag:s5] =	dma.local [hbm:s4], s3  }
0xa1: {  	_ =	swait.ge [sflag:s5], s3  }
0xa2: {  	s3 =	ssub.s32 $0x0, s3;
	[sflag:s5] =	ssyncset.done $0x0  }
0xa3: {  	[sflag:s5] =	ssyncadd.s32 s3;
	_ =	sdelay $0x1  }
0xa4: {  	s19 =	simm.s32 $0x1B8B  }
0xa5: {  	_ =	swait.ge [sflag:s19], $0x1  }
0xa6: {  	[sflag:s19] =	ssyncset.done $0x0  }
0xa7: {  	s21 =	simm.s32 $0x1B8E;
	s20 =	sld [smem:$0x3FFE];
	[sflag:s19] =	ssyncadd.s32 $0xFFFFFFFF  }
0xa8: {  	s22 =	simm.s32 $execute0_lowered;
	[smem:$0x3FD2] =	sst s21  }
0xa9: {  	s4 =	sshll.u32 s22, $0x1;
	_ =	strace $0x80000046;
	[dreg:$0x1] =	wrdreg $0xFFFFFFFF  }
0xaa: {  	s23 =	simm.s32 $_size_execute0_lowered;
	s4 =	sadd.s32 s2, s4;
	[dreg:$0x0] =	wrdreg $0x0  }
0xab: {  	s5 =	sshll.u32 s23, $0x1;
	[dreg:$0x2] =	wrdreg s4  }
0xac: {  	[dreg:$0x3] =	wrdreg s5  }
0xad: {  	[dreg:$0x4] =	wrdreg $0xC0  }
0xae: {  	s24 =	simm.s32 $execute1_lowered;
	_ =	task [dreg:s18], $0x5FFFF  }
0xaf: {  	s4 =	sshll.u32 s24, $0x1;
	[dreg:$0x1] =	wrdreg $0xFFFFFFFF  }
0xb0: {  	s2 =	sadd.s32 s2, s4;
	[dreg:$0x0] =	wrdreg $0x60  }
0xb1: {  	[dreg:$0x2] =	wrdreg s2  }
0xb2: {  	[dreg:$0x3] =	wrdreg s20  }
0xb3: {  	[dreg:$0x4] =	wrdreg $0x9  }
0xb4: {  	_ =	task.clear_ibuf [dreg:s18], $0x5FFFF;
	_ =	strace $0x90000046  }
0xb5: {  	s25 =	simm.s32 $0x9;
	_ =	strace $0x80000048  }
0xb6: {  	_ =	swait.ge [sflag:s25], $0x1  }
0xb7: {  	[sflag:s25] =	ssyncadd.s32 $0xFFFFFFFF  }
0xb8: {  	_ =	strace $0x90000048  }
0xb9: {  	_ =	strace $0x80000049;
	[dreg:$0x1] =	wrdreg $0xFFFFFFFF  }
0xba: {  	[dreg:$0x0] =	wrdreg $0x2030  }
0xbb: {  	[dreg:$0x2] =	wrdreg s20  }
0xbc: {  	[dreg:$0x3] =	wrdreg s13  }
0xbd: {  	[dreg:$0x4] =	wrdreg $0xA  }
0xbe: {  	_ =	task.clear_ibuf [dreg:s18], $0x5FFFF;
	_ =	strace $0x90000049  }
0xbf: {  	s26 =	simm.s32 $0xA;
	_ =	strace $0x8000004B  }
0xc0: {  	_ =	swait.ge [sflag:s26], $0x1  }
0xc1: {  	[sflag:s26] =	ssyncadd.s32 $0xFFFFFFFF  }
0xc2: {  	_ =	strace $0x9000004B  }
0xc3: {  	_ =	sfence  }
0xc4: {  	s28 =	sld [smem:$0x0];
	_ =	sdelay $0x1  }
0xc5: {  	s29 =	srdreg.scid  }
0xc6: {  	s30 =	sshll.u32 s29, $0xD;
	s31 =	sshrl.u32 s29, $0x2  }
0xc7: {  	s3 =	sand.u32 $0x4000, s30;
	s2 =	sand.u32 $0x1, s29;
	s1 =	sadd.s32 s31, s28  }
0xc8: {  	s2 =	sor.u32 s3, s2;
	s1 =	sshll.u32 s1, $0x11  }
0xc9: {  	s1 =	sor.u32 s1, s2  }
0xca: {  	s1 =	sadd.s32 $0x8F2B, s1  }
0xcb: {  	[sflag:s1] =	ssyncadd.remote.s32 $0x1  }
0xcc: {  	_ =	sfence.sel $0xFFFF  }
0xcd: {  	[dreg:$0x0] =	wrdreg $0xFFFFFFFF;
	(pc) =	sbr.abs _section_cstart, $3  }
0xce: {  	[dreg:$0x1] =	wrdreg $0xFFFFFFFF  }
0xcf: {  	_ =	task.clear_ibuf [dreg:s18], $0x2FFFF;
	_ =	strace $0x9FFFFFFF  }
0xd0: {  	(tm) =	ssettm $0x7FFFFFFF  }
0xd1: {  	_ =	shalt  }
tec
execute0_lowered:
.L_overlay_start_1:
0x0: {  	(tag) =	ssettag $0x1  }
0x1: {  	s2 =	rddreg [dreg:$0x0]  }
0x2: {  	s5 =	rddreg [dreg:$0x1]  }
0x3: {  	s0 =	rddreg [dreg:$0x2];
	s3 =	stileid.u32  }
0x4: {  	[bflag:$0x3] =	sbarrier.arrive $0xFFFF;
	s1 =	simm.s32 $_size_execute1_lowered;
	s31 =	simm.s32 $0x2  }
0x5: {  	s8 =	simm.s32 $0x0;
	p0 =	sne.s32 s3, $0x0;
	s1 =	sshll.u32 s1, $0x1  }
.Ltmp0:
0x6: {  	s4 =	simm.s32 @!p0 $0x1C3F;
	s6 =	simm.s32 @!p0 $0x4060;
	(pc) =	sbr.rel .LBB2_1-.Ltmp0, $4  }
0x7: {  	[timem:s6], [sflag:s4] =	dma.local @!p0 [hbm:s2], s1  }
0x8: {  	s3 =	smul.u32 $0xC40, s3;
	s4 =	simm.s32 $0x1;
	_ =	strace $0x80000047  }
0x9: {  	s2 =	sadd.s32 $0x64E00, s5;
	s5 =	sadd.s32 $0x68000, s5;
	[sflag:s4] =	ssyncpa.u1 $0x0  }
0xa: {  	s7 =	smov.u32 s3;
	s6 =	simm.s32 $0x0;
	[sflag:s31] =	ssyncpa.u1 $0x0  }
.LBB2_7:
0xb: {  	s10 =	sadd.s32 $0xC400, s7  }
0xc: {  	p1 =	slt.u32 s6, $0x2;
	s6 =	sadd.s32 $0x1, s6;
	p2 =	sgt.s32 s10, $0x1869F  }
0xd: {  	s10 =	smov.u32 @p2 s3;
	p2 =	sne.s32 s6, $0x4  }
.Ltmp1:
0xe: {  	_ = 	snop;
	(pc) =	sbr.rel @!p2 .LBB2_8-.Ltmp1, $4  }
0xf: {  	s9 =	simm.s32 @!p1 $0x2  }
0x10: {  	_ =	swait.ge @!p1 [sflag:s9], $0xC40  }
0x11: {  	[sflag:s9] =	ssyncset.done @!p1 $0x0  }
0x12: {  	s8 =	smov.u32 s7;
	s7 =	smov.u32 s10;
	[sflag:s9] =	ssyncadd.s32 @!p1 $0xFFFFF3C0  }
.LBB2_1:
0x13: {  	p1 =	sgt.u32 s6, $0x1  }
0x14: {  	s9 =	sxor.u32 @!p1 $0x1, s6  }
0x15: {  	s9 =	smul.u32 @!p1 $0x3100, s9  }
0x16: {  	s10 =	sshrl.u32 @!p1 s7, $0x3  }
0x17: {  	s11 =	sand.u32 @!p1 $0x7, s7;
	s10 =	sadd.s32 @!p1 s2, s10;
	s9 =	sshra.s32 @!p1 s9, $0x2  }
0x18: {  	[tilespmem:s9], [sflag:$0x1] =	stream.linear.gather @!p1 [hbm4b:s10+s11], $0xC40, $0x38;
	[tilespmem:$0x3100] =	vst v63  }
0x19: {  	p1 =	seq.s32 s6, $0x0  }
0x1a: {  	p2 =	seq.s32 @!p1 s6, $0x3  }
0x1b: {  	p1 =	por p1, p2  }
.Ltmp2:
0x1c: {  	_ = 	snop;
	(pc) =	sbr.rel @p1 .LBB2_7-.Ltmp2, $1  }
0x1d: {  	_ =	sdelay $0x3  }
0x1e: {  	s9 =	sand.u32 $0x1, s6  }
0x1f: {  	_ =	swait.ge [sflag:s4], $0xC40;
	s11 =	simm.s32 $0xC40;
	p1 =	seq.s32 s9, $0x1  }
0x20: {  	[sflag:s4] =	ssyncset.done $0x0;
	s11 =	simm.s32 @!p1 $0x0  }
0x21: {  	[sflag:s4] =	ssyncadd.s32 $0xFFFFF3C0;
	s13 =	sor.u32 $0x80, s11  }
0x22: {  	v0 =	vld [tilespmem:s13+$0x70]  }
0x23: {  	v1 =	vld [tilespmem:s13+$0xFFFFFF90]  }
0x24: {  	v2 =	vld [tilespmem:s13+$0xFFFFFFA0]  }
0x25: {  	v3 =	vld [tilespmem:s13+$0xFFFFFFB0]  }
0x26: {  	s9 =	sadd.s32 $0x1900, s11;
	v4 =	vld [tilespmem:s13+$0xFFFFFFC0]  }
0x27: {  	v5 =	vld [tilespmem:s13+$0xFFFFFFD0];
	[tilespmem:s9+$0x70] =	vst v0  }
0x28: {  	[tilespmem:s9+$0xFFFFFF90] =	vst v1;
	v0 =	vld [tilespmem:s13+$0xFFFFFFE0]  }
0x29: {  	[tilespmem:s9+$0xFFFFFFA0] =	vst v2;
	v1 =	vld [tilespmem:s13+$0xFFFFFFF0]  }
0x2a: {  	[tilespmem:s9+$0xFFFFFFB0] =	vst v3;
	v2 =	vld [tilespmem:s13+$0x0]  }
0x2b: {  	[tilespmem:s9+$0xFFFFFFC0] =	vst v4;
	v3 =	vld [tilespmem:s13+$0x10]  }
0x2c: {  	[tilespmem:s9+$0xFFFFFFD0] =	vst v5;
	v5 =	vld [tilespmem:s13+$0x20]  }
0x2d: {  	[tilespmem:s9+$0xFFFFFFE0] =	vst v0;
	v0 =	vld [tilespmem:s13+$0x30]  }
0x2e: {  	[tilespmem:s9+$0xFFFFFFF0] =	vst v1;
	v1 =	vld [tilespmem:s13+$0x40]  }
0x2f: {  	[tilespmem:s9+$0x0] =	vst v2;
	v2 =	vld [tilespmem:s13+$0x50]  }
0x30: {  	s12 =	simm.s32 $0x0;
	[tilespmem:s9+$0x10] =	vst v3;
	v3 =	vld [tilespmem:s13+$0x60]  }
0x31: {  	s10 =	sadd.s32 $0x1880, s11;
	s11 =	sshll.u32 s11, $0x2;
	v4 =	vld [tilespmem:s13+$0xFFFFFF80];
	[tilespmem:s9+$0x20] =	vst v5;
	s13 =	sadd.s32 $0x100, s13  }
.LBB2_3:
0x32: {  	v5 =	vld [tilespmem:s13+$0x70];
	s12 =	sadd.s32 $0x100, s12;
	[tilespmem:s9+$0x30] =	vst v0  }
0x33: {  	v0 =	vld [tilespmem:s13+$0xFFFFFF90];
	p1 =	slt.u32 s12, $0xB00;
	[tilespmem:s9+$0x40] =	vst v1  }
0x34: {  	v1 =	vld [tilespmem:s13+$0xFFFFFFA0];
	[tilespmem:s9+$0x50] =	vst v2  }
0x35: {  	v2 =	vld [tilespmem:s13+$0xFFFFFFB0];
	[tilespmem:s9+$0x60] =	vst v3  }
0x36: {  	v3 =	vld [tilespmem:s13+$0xFFFFFFC0];
	[tilespmem:s9+$0xFFFFFF80] =	vst v4;
	s9 =	sadd.s32 $0x100, s9  }
0x37: {  	v4 =	vld [tilespmem:s13+$0xFFFFFFD0];
	[tilespmem:s9+$0x70] =	vst v5  }
0x38: {  	[tilespmem:s9+$0xFFFFFF90] =	vst v0;
	v0 =	vld [tilespmem:s13+$0xFFFFFFE0]  }
0x39: {  	[tilespmem:s9+$0xFFFFFFA0] =	vst v1;
	v1 =	vld [tilespmem:s13+$0xFFFFFFF0]  }
0x3a: {  	[tilespmem:s9+$0xFFFFFFB0] =	vst v2;
	v2 =	vld [tilespmem:s13+$0x0]  }
0x3b: {  	[tilespmem:s9+$0xFFFFFFC0] =	vst v3;
	v3 =	vld [tilespmem:s13+$0x10]  }
0x3c: {  	[tilespmem:s9+$0xFFFFFFD0] =	vst v4;
	v5 =	vld [tilespmem:s13+$0x20]  }
.Ltmp3:
0x3d: {  	[tilespmem:s9+$0xFFFFFFE0] =	vst v0;
	v0 =	vld [tilespmem:s13+$0x30];
	(pc) =	sbr.rel @p1 .LBB2_3-.Ltmp3, $4  }
0x3e: {  	[tilespmem:s9+$0xFFFFFFF0] =	vst v1;
	v1 =	vld [tilespmem:s13+$0x40]  }
0x3f: {  	[tilespmem:s9+$0x0] =	vst v2;
	v2 =	vld [tilespmem:s13+$0x50]  }
0x40: {  	[tilespmem:s9+$0x10] =	vst v3;
	v3 =	vld [tilespmem:s13+$0x60]  }
0x41: {  	v4 =	vld [tilespmem:s13+$0xFFFFFF80];
	[tilespmem:s9+$0x20] =	vst v5;
	s13 =	sadd.s32 $0x100, s13  }
0x42: {  	[tilespmem:s9+$0x30] =	vst v0  }
0x43: {  	[tilespmem:s9+$0x40] =	vst v1  }
0x44: {  	[tilespmem:s9+$0x50] =	vst v2  }
0x45: {  	s11 =	sshrl.u32 s11, $0x2;
	[tilespmem:s9+$0x60] =	vst v3  }
0x46: {  	s12 =	simm.s32 $0xBF0;
	[tilespmem:s9+$0xFFFFFF80] =	vst v4;
	s9 =	sadd.s32 $0x2480, s11;
	s11 =	sadd.s32 $0xC00, s11  }
.LBB2_5:
0x47: {  	s12 =	sadd.s32 $0x10, s12  }
0x48: {  	v0 =	vld [tilespmem:s11+$0x0];
	p1 =	slt.u32 s12, $0xC30  }
.Ltmp4:
0x49: {  	_ = 	snop;
	(pc) =	sbr.rel @p1 .LBB2_5-.Ltmp4, $2  }
0x4a: {  	_ =	sdelay $0x2  }
0x4b: {  	s11 =	sadd.s32 $0x10, s11;
	[tilespmem:s9+$0x0] =	vst v0;
	s9 =	sadd.s32 $0x10, s9  }
.Ltmp5:
0x4c: {  	(pc) =	sbr.rel .LBB2_7-.Ltmp5, $4  }
0x4d: {  	_ = 	snop  }
0x4e: {  	s9 =	sshrl.u32 s8, $0x3  }
0x4f: {  	s31 =	sand.u32 $0x7, s8;
	s9 =	sadd.s32 s5, s9  }
0x50: {  	[hbm4b:s9+s31] =	stream.linear.scatter [tilespmem:s10], [sflag:$0x2], $0xC40, $0x38;
	[tilespmem:$0x3100] =	vst v63  }
.LBB2_8:
0x51: {  	_ =	sfence.sel $0x180000  }
0x52: {  	s2 =	simm.s32 $0x1;
	[bflag:$0x0] =	sbarrier.arrive $0xFFFF  }
0x53: {  	s31 =	simm.s32 $0x2;
	[sflag:s2] =	ssyncpa.u1 $0x1  }
0x54: {  	[sflag:s31] =	ssyncpa.u1 $0x1  }
0x55: {  	_ =	strace $0x90000047  }
0x56: {  	s0 =	sadd.s32 @!p0 $0x100000, s0;
	[bflag:$0x2] =	sbarrier.arrive $0xFFFF  }
0x57: {  	[sflag:s0] =	ssyncadd.tile.s32 @!p0 $0x1;
	s0 =	simm.s32 @!p0 $0x3F  }
0x58: {  	_ =	swait.ge @!p0 [sflag:s0], s1  }
0x59: {  	s1 =	ssub.s32 @!p0 $0x0, s1;
	[sflag:s0] =	ssyncset.done @!p0 $0x0  }
0x5a: {  	[sflag:s0] =	ssyncadd.s32 @!p0 s1  }
0x5b: {  	[bflag:$0x3] =	sbarrier.arrive $0xFFFF  }
0x5c: {  	_ =	shalt  }
.Lfunc_end2:
execute1_lowered:
.L_overlay_start_2:
0x5d: {  	(tag) =	ssettag $0x2  }
0x5e: {  	s0 =	rddreg [dreg:$0x0]  }
0x5f: {  	s2 =	rddreg [dreg:$0x1];
	_ =	strace $0x8000004A;
	s3 =	simm.s32 $0x1  }
0x60: {  	v1 =	vimm.s32 $0xFFFFFFFF;
	[sflag:s3] =	ssyncpa.u1 $0x0  }
0x61: {  	[tilespmem:$0x10] =	vst v1  }
0x62: {  	v0 =	vimm.f32 $-Inf;
	[tilespmem:$0x20] =	vst v1  }
0x63: {  	[tilespmem:$0x30] =	vst v0  }
0x64: {  	[tilespmem:$0x40] =	vst v0  }
0x65: {  	s4 =	simm.s32 $0x2;
	[tilespmem:$0x50] =	vst v0  }
0x66: {  	s30 =	stileid.u32;
	s5 =	simm.s32 $0x7;
	s7 =	simm.s32 $0x8;
	[tilespmem:$0x60] =	vst v1  }
0x67: {  	s31 =	simm.s32 $0x9;
	s14 =	simm.s32 $0x0;
	s15 =	simm.s32 $0xFF;
	[tilespmem:$0x70] =	vst v1  }
0x68: {  	p0 =	por $0x0, $0x0;
	s16 =	simm.s32 $0xFFFFC280;
	s17 =	simm.s32 $0xFFFFFFFE;
	[tilespmem:$0x80] =	vst v1  }
0x69: {  	s18 =	simm.s32 $0xF;
	s19 =	simm.s32 $0x30;
	s22 =	simm.s32 $0x0;
	v1 =	vimm.s32 $0x0;
	[tilespmem:$0xB0] =	vst v0  }
.Ltmp6:
0x6a: {  	s20 =	simm.s32 $0x0;
	s1 =	sadd.s32 $0x68000, s0;
	[tilespmem:$0x90] =	vst v1;
	(pc) =	sbr.rel .LBB3_1-.Ltmp6, $4  }
0x6b: {  	s6 =	smul.u32 $0x30D40, s30;
	s8 =	sadd.s32 $0x3200, s0;
	[tilespmem:$0xA0] =	vst v1;
	[sflag:s4] =	ssyncpa.u1 $0x0  }
0x6c: {  	s10 =	sshll.u32 s30, $0x1;
	s12 =	sshllo.u32 s30, $0x1;
	[sflag:s5] =	ssyncpa.u1 $0x0  }
0x6d: {  	vm0 =	vmmov $0xffff;
	v2 =	vlaneseq.u32;
	vm1 =	vmxor vm1, vm1;
	s11 =	sor.u32 $0x81, s10;
	s13 =	sor.u32 $0x80, s10;
	[sflag:s7] =	ssyncpa.u1 $0x0  }
0x6e: {  	vm2 =	vmmov $0x1;
	v3 =	vimm.f32 $0.0e+00;
	vm3 =	vcmask $0x3F3C;
	s9 =	sadd.s32 $0x30D40, s6;
	s21 =	smov.u32 s6;
	[sflag:s31] =	ssyncpa.u1 $0x0  }
.LBB3_10:
0x6f: {  	p1 =	slt.u32 s20, $0x3  }
0x70: {  	s0 =	simm.s32 @!p1 $0x2  }
0x71: {  	_ =	swait.ge @!p1 [sflag:s0], $0x1F40  }
0x72: {  	[sflag:s0] =	ssyncset.done @!p1 $0x0  }
0x73: {  	[sflag:s0] =	ssyncadd.s32 @!p1 $0xFFFFE0C0;
	s0 =	simm.s32 @!p1 $0x9  }
0x74: {  	_ =	swait.ge @!p1 [sflag:s0], $0x10  }
0x75: {  	s4 =	sadd.s32 $0x1F40, s21;
	s20 =	sadd.s32 $0x1, s20;
	[sflag:s0] =	ssyncset.done @!p1 $0x0  }
0x76: {  	[sflag:s0] =	ssyncadd.s32 @!p1 $0xFFFFFFF0;
	p1 =	slt.s32 s4, s9;
	s0 =	smov.u32 s6  }
0x77: {  	s0 =	smov.u32 @p1 s4;
	p1 =	sne.s32 s20, $0x1C  }
.Ltmp7:
0x78: {  	_ = 	snop;
	(pc) =	sbr.rel @!p1 .LBB3_11-.Ltmp7, $3  }
0x79: {  	_ =	sdelay $0x1  }
0x7a: {  	s15 =	sadd.s32 $0x1, s15;
	s22 =	smov.u32 s21;
	p0 =	por !p0, !p0  }
0x7b: {  	s16 =	sadd.s32 $0x1F40, s16;
	s17 =	sadd.s32 $0x1, s17;
	s21 =	smov.u32 s0  }
.LBB3_1:
0x7c: {  	p1 =	sgt.u32 s20, $0x18  }
0x7d: {  	s0 =	smul.u32 @!p1 $0xAB, s20;
	_ =	sdelay $0x1  }
0x7e: {  	s0 =	sshrl.u32 @!p1 s0, $0x9  }
0x7f: {  	s0 =	sand.u32 @!p1 $0x7F, s0  }
0x80: {  	s0 =	smul.u32 @!p1 $0x3, s0;
	_ =	sdelay $0x1  }
0x81: {  	s0 =	ssub.s32 @!p1 s20, s0  }
0x82: {  	s0 =	sand.u32 @!p1 $0xFF, s0  }
0x83: {  	s0 =	smul.u32 @!p1 $0x7D00, s0;
	_ =	sdelay $0x1  }
0x84: {  	s23 =	sshrl.u32 @!p1 s21, $0x3;
	s0 =	sshrl.u32 @!p1 s0, $0x2  }
0x85: {  	s24 =	sand.u32 @!p1 $0x7, s21;
	s23 =	sadd.s32 @!p1 s8, s23;
	s0 =	sadd.s32 @!p1 $0x100, s0  }
0x86: {  	[tilespmem:s0], [sflag:$0x7] =	stream.linear.gather @!p1 [hbm4b:s23+s24], $0x1F40, $0x38;
	[tilespmem:$0x11A60] =	vst v63  }
0x87: {  	s0 =	sadd.s32 $0xFFFFFFFF, s20  }
0x88: {  	p1 =	sgt.u32 s0, $0x18  }
.Ltmp8:
0x89: {  	_ = 	snop;
	(pc) =	sbr.rel @p1 .LBB3_5-.Ltmp8, $1  }
0x8a: {  	_ =	sdelay $0x3  }
0x8b: {  	s23 =	smul.u32 $0xAB, s0;
	_ =	sdelay $0x1  }
0x8c: {  	s23 =	sshrl.u32 s23, $0x9  }
0x8d: {  	s23 =	sand.u32 $0x7F, s23  }
0x8e: {  	s23 =	smul.u32 $0x3, s23;
	_ =	sdelay $0x1  }
0x8f: {  	s23 =	ssub.s32 s0, s23  }
0x90: {  	s23 =	sand.u32 $0xFF, s23  }
0x91: {  	s23 =	smul.u32 $0x7D00, s23  }
0x92: {  	_ =	swait.ge [sflag:s5], $0x1F40  }
0x93: {  	[sflag:s5] =	ssyncset.done $0x0;
	s23 =	sshrl.u32 s23, $0x2  }
0x94: {  	[sflag:s5] =	ssyncadd.s32 $0xFFFFE0C0;
	(ifvalue) =	ssetifvalue $0xFFFFFFFF;
	v4 =	vld.msk [tilespmem:s23+$0x100 ss:$0x1], $0xffff  }
0x95: {  	s29 =	sand.u32 $0xFF, s15  }
0x96: {  	s24 =	smulhi.u32 $0x55555556, s29  }
0x97: {  	p1 =	sne.s32 s20, $0x1  }
0x98: {  	v5 =	vimm.s32 @!p1 $0x0;
	s24 =	smul.u32 $0x17700, s24  }
0x99: {  	s23 =	smul.u32 $0x7D00, s29;
	v5 =	vperm.xlane @!p1 v4, v5  }
0x9a: {  	s25 =	sshll.u32 s20, $0x4;
	vm4 =	vlt.u32 v4, $0x18800  }
0x9b: {  	s30 =	sand.u32 $0x10, s25;
	s23 =	ssub.s32 s23, s24;
	v4 =	vnsel vm4, $0xFFFFFFFE, v4;
	vm4 =	vlt.u32 @!p1 v5, $0x18800  }
0x9c: {  	s23 =	sshra.s32 s23, $0x2;
	[tilespmem:s30+$0x60] =	vst v4;
	v4 =	vnsel @!p1 vm4, $0xFFFFFFFE, v5  }
0x9d: {  	s28 =	sadd.s32 $0x2030, s23;
	[tilespmem:$0x80] =	vst @!p1 v4  }
0x9e: {  	v4 =	vld.msk [tilespmem:s28+$0x0 ss:$0x1], $0xffff;
	_ =	sdelay $0x4  }
0x9f: {  	(xrf1) =	vunique.msk.u32 $0xffff, v4;
	_ =	sdelay $0xd  }
0xa0: {  	v5 =	vimm.s32 $0xFFFFFFFF;
	v6, _, _ =	vpop (xrf1)  }
0xa1: {  	vm5 =	vne.s32 v4, v5;
	vm4 =	veq.s32 v6, v2  }
0xa2: {  	vm6 =	vlt.u32 v4, $0x18800;
	vm4 =	vmand vm5, vm4  }
0xa3: {  	vm4 =	vmand vm6, vm4  }
0xa4: {  	v5 =	vnsel vm4, $0xFFFFFFFF, v4  }
0xa5: {  	s31 =	sand.u32 $0x1, s0  }
0xa6: {  	s23 =	simm.s32 $0x1F40;
	p1 =	seq.s32 s31, $0x1  }
0xa7: {  	s23 =	simm.s32 @!p1 $0x0  }
0xa8: {  	s24 =	sadd.s32 $0x7DF0, s23;
	(ifvalue) =	ssetifvalue $0xFFFFFFFF  }
0xa9: {  	v4 =	vperm.xlane v4, v1;
	[tilespmem:s24], [sflag:$0x8] =	stream.indirect_vreg.gather [hbm4b:s1+s14], $0x1, v5, vm0, $0x4038;
	v5 =	vnsel vm6, $0xFFFFFFFE, v5;
	[tilespmem:$0x11A60] =	vst v63  }
0xaa: {  	s25 =	simm.s32 $0x0;
	s26 =	sadd.s32 $0xFFFFFFF0, s28;
	[tilespmem:s28+$0x0] =	vst v5  }
.LBB3_3:
0xab: {  	v5 =	vld.msk [tilespmem:s26+$0x0 ss:$0x1], $0xffff;
	s25 =	sadd.s32 $0x10, s25;
	v6 =	vmov v4;
	s0 =	smov.u32 s26  }
0xac: {  	p1 =	slt.u32 s25, $0x1F30;
	_ =	sdelay $0x4  }
0xad: {  	v4 =	vperm.xlane v5, v1;
	(xrf1) =	vunique.msk.u32 $0xffff, v5;
	_ =	sdelay $0xd  }
0xae: {  	v7, _, _ =	vpop (xrf1)  }
0xaf: {  	vm5 =	vne.s32 v5, v6;
	vm4 =	veq.s32 v7, v2  }
0xb0: {  	vm6 =	vlt.u32 v5, $0x18800;
	vm4 =	vmand vm5, vm4  }
0xb1: {  	vm4 =	vmand vm6, vm4  }
0xb2: {  	v5 =	vnsel vm4, $0xFFFFFFFF, v5  }
.Ltmp9:
0xb3: {  	v6 =	vnsel vm6, $0xFFFFFFFE, v5;
	(pc) =	sbr.rel @p1 .LBB3_3-.Ltmp9, $3  }
0xb4: {  	_ =	sdelay $0x1  }
0xb5: {  	s26 =	sadd.s32 $0xFFFFFFF0, s26;
	s24 =	sadd.s32 $0xFFFFFFF0, s24;
	(ifvalue) =	ssetifvalue $0xFFFFFFFF  }
0xb6: {  	[tilespmem:s24], [sflag:$0x8] =	stream.indirect_vreg.gather [hbm4b:s1+s14], $0x1, v5, vm0, $0x4038;
	[tilespmem:s0+$0x0] =	vst v6  }
0xb7: {  	s0 =	sshrl.u32 s22, $0x3  }
0xb8: {  	s31 =	sadd.s32 $0x9D40, s23;
	s0 =	sadd.s32 s2, s0  }
0xb9: {  	[tilespmem:s31], [sflag:$0x8] =	stream.linear.gather [hbm:s0], $0x1F40, $0x38;
	[tilespmem:$0x11A60] =	vst v63  }
.LBB3_5:
0xba: {  	p1 =	sgt.u32 s20, $0x1B  }
.Ltmp10:
0xbb: {  	_ = 	snop;
	(pc) =	sbr.rel @p1 .LBB3_7-.Ltmp10, $1  }
0xbc: {  	_ =	sdelay $0x3  }
0xbd: {  	s0 =	sshll.u32 s3, s20  }
0xbe: {  	s0 =	sand.u32 $0x8000003, s0  }
0xbf: {  	p1 =	sne.s32 s0, $0x0  }
.Ltmp11:
0xc0: {  	_ = 	snop;
	(pc) =	sbr.rel @p1 .LBB3_10-.Ltmp11, $1  }
0xc1: {  	_ =	sdelay $0x3  }
.LBB3_7:
0xc2: {  	s0 =	sadd.s32 $0xFFFFFFFE, s20  }
0xc3: {  	s22 =	smulhi.u32 $0xAAAAAAAB, s0;
	_ =	sdelay $0x1  }
0xc4: {  	s22 =	sshrl.u32 s22, $0x1  }
0xc5: {  	s22 =	smul.u32 $0x3, s22;
	_ =	sdelay $0x1  }
0xc6: {  	s0 =	ssub.s32 s0, s22  }
0xc7: {  	_ =	swait.ge [sflag:s7], $0x3E80;
	s0 =	smul.u32 $0x1F40, s0  }
0xc8: {  	p1 =	sne.s32 s20, $0x1A;
	[sflag:s7] =	ssyncset.done $0x0  }
0xc9: {  	[sflag:s7] =	ssyncadd.s32 $0xFFFFC180;
	s22 =	sadd.s32 @!p1 $0x203F, s0  }
0xca: {  	[spmem:s11] =	stream.linear.scatter @!p1 [tilespmem:s22], [sflag:$0x1], $0x1, $0x38;
	[tilespmem:$0x11A60] =	vst v63  }
0xcb: {  	s22 =	simm.s32 @!p1 $0x1  }
0xcc: {  	_ =	swait.ge @!p1 [sflag:s22], $0x1  }
0xcd: {  	s23 =	sshll.u32 s20, $0x4;
	[sflag:s22] =	ssyncset.done @!p1 $0x0  }
0xce: {  	[sflag:s22] =	ssyncadd.s32 @!p1 $0xFFFFFFFF;
	s22 =	sand.u32 $0x10, s23  }
0xcf: {  	v5 =	vld [tilespmem:s22+$0x10];
	s26 =	sxor.u32 $0x10, s22  }
0xd0: {  	v6 =	vld [tilespmem:s26+$0x60]  }
0xd1: {  	v4 =	vld [tilespmem:$0x80];
	_ =	sdelay $0x2  }
0xd2: {  	(v2sf) =	vpush v5, $0x0  }
0xd3: {  	(v2sf) =	vpush v6, $0x0  }
0xd4: {  	(v2sf) =	vpush v4, $0x0;
	_ =	sdelay $0xc  }
0xd5: {  	s4 =	spop (v2sf)  }
0xd6: {  	s25 =	spop (v2sf)  }
0xd7: {  	s24 =	spop (v2sf)  }
0xd8: {  	p2 =	seq.s32 s4, s25;
	p3 =	seq.s32 s24, s4  }
0xd9: {  	p3 =	por p2, p3  }
0xda: {  	s4 =	sand.u32 $0x1, s20;
	v5 =	vpsel p3, $0xFFFFFFFF, v5  }
0xdb: {  	s25 =	smul.u32 $0x1F40, s4;
	[tilespmem:s22+$0x10] =	vst.msk $0x1, v5  }
0xdc: {  	v5 =	vld [tilespmem:$0x30]  }
0xdd: {  	v6 =	vld [tilespmem:s25+$0x9D40]  }
0xde: {  	v7 =	vld [tilespmem:s22+$0x40];
	_ =	sdelay $0x2  }
0xdf: {  	vm4 =	vmmov vm1  }
0xe0: {  	vm5 =	vmmov vm2;
	vm4 =	vmmov @p2 vm2;
	s23 =	sshll.u32 s4, $0x4;
	v6 =	vmax.f32 v5, v6  }
0xe1: {  	vm5 =	vmmov @p3 vm1;
	s23 =	sor.u32 $0x11A40, s23;
	v5 =	vmax.f32 v5, v7;
	[tilespmem:s25+$0x9D40] =	vst.msk vm4, v6  }
0xe2: {  	[tilespmem:s23+$0x0] =	vst.msk vm5, v5  }
0xe3: {  	v5 =	vld [tilespmem:s25+$0x7DF0];
	_ =	sdelay $0x4  }
0xe4: {  	v5 =	vshift.insert v5, v3, s18  }
0xe5: {  	s28 =	sor.u32 $0x40, s26  }
0xe6: {  	v6 =	vimm.f32 $-Inf;
	[tilespmem:s28+$0x0] =	vst.msk $0x1, v5  }
0xe7: {  	[tilespmem:s25+$0x7DFF] =	vst.msk $0x1, v6  }
0xe8: {  	v5 =	vld [tilespmem:s0+$0x2030]  }
0xe9: {  	s4 =	smulhi.u32 $0xAAAAAAAB, s17;
	_ =	sdelay $0x1  }
0xea: {  	s28 =	simm.s32 $0x1;
	s0 =	sshrl.u32 s4, $0x1  }
0xeb: {  	s28 =	simm.s32 @!p0 $0x0;
	s0 =	smul.u32 $0xFFFE8900, s0  }
0xec: {  	s28 =	smul.u32 $0x7D00, s28;
	v5 =	vshift.insert v5, v1, s18  }
0xed: {  	s0 =	sshra.s32 s0, $0x2  }
0xee: {  	s28 =	sshrl.u32 s28, $0x2;
	s0 =	sadd.s32 s0, s16;
	[tilespmem:s26+$0x10] =	vst.msk $0x1, v5  }
0xef: {  	s29 =	sadd.s32 $0x9D40, s28;
	v7 =	vld [tilespmem:s0+$0x0]  }
0xf0: {  	v8 =	vld [tilespmem:s29+$0x0];
	_ =	sdelay $0x4  }
0xf1: {  	vm4 =	vne.s32 v7, $0xFFFFFFFF;
	v6 =	vmax.f32 v8, v6  }
0xf2: {  	(xrf0) =	vmax.seg.scan.f32 vm4, v6  }
0xf3: {  	s4 =	sadd.s32 $0x5EC0, s28;
	v8 =	vld [tilespmem:$0xA0]  }
0xf4: {  	v9 =	vld [tilespmem:s4+$0x0];
	_ =	sdelay $0x1  }
0xf5: {  	v6 =	vperm.xlane v5, v1;
	_ =	sdelay $0x1  }
0xf6: {  	vm6 =	veq.s32 v7, v4;
	vm7 =	veq.s32 v7, v6;
	vm5 =	veq.s32 v8, $0x1;
	v8, _, _ =	vpop (xrf0)  }
0xf7: {  	vm8 =	vgt.u32 v7, $0xFFFFFFFD;
	vm7 =	vmor vm7, vm6;
	v9 =	vmax.f32 v8, v9  }
0xf8: {  	s26 =	sadd.s32 $0xDBC0, s28;
	v10 =	vld [tilespmem:$0x90];
	vm7 =	vmor vm7, vm8;
	v9 =	vsel vm6, v8, v9  }
0xf9: {  	[tilespmem:s26+$0x0] =	vst v9;
	v9 =	vsel vm7, $0xFFFFFFFF, v7;
	_ =	sdelay $0x1  }
0xfa: {  	vm9 =	vmand vm4, vm3  }
0xfb: {  	s30 =	sadd.s32 $0x10, s0;
	s28 =	simm.s32 $0x0;
	s29 =	sadd.s32 $0x10, s29;
	v11 =	vsel vm9, $0xFF800000, v8  }
0xfc: {  	s31 =	sadd.s32 $0x10, s26;
	s0 =	sadd.s32 $0x10, s4;
	vm4 =	vmor vm5, vm6;
	v7 =	vsel vm6, v8, v10;
	v8 =	vshift.insert v11, v0, s18;
	(ifvalue) =	ssetifvalue $0xFFFFFFFF  }
.LBB3_8:
0xfd: {  	[hbm4b:s1+s14] =	stream.indirect_vreg.scatter [tilespmem:s26], [sflag:$0x2], $0x1, v9, vm0, $0x4038;
	[tilespmem:$0x11A60] =	vst v63  }
0xfe: {  	s28 =	sadd.s32 $0x10, s28;
	s26 =	smov.u32 s31;
	v9 =	vld [tilespmem:s30+$0x0]  }
0xff: {  	p2 =	slt.u32 s28, $0x1F30;
	v10 =	vld [tilespmem:s29+$0x0];
	_ =	sdelay $0x4  }
0x100: {  	vm5 =	vne.s32 v9, $0xFFFFFFFF;
	v8 =	vmax.f32 v10, v8  }
0x101: {  	(xrf0) =	vmax.seg.scan.f32 vm5, v8;
	_ =	sdelay $0x1  }
0x102: {  	v8 =	vld [tilespmem:s0+$0x0]  }
0x103: {  	vm6 =	veq.s32 v9, v4;
	vm7 =	veq.s32 v9, v6  }
0x104: {  	vm8 =	vgt.u32 v9, $0xFFFFFFFD;
	vm4 =	vmor vm4, vm6;
	vm7 =	vmor vm7, vm6  }
0x105: {  	vm7 =	vmor vm7, vm8  }
.Ltmp12:
0x106: {  	vm5 =	vmand vm5, vm3;
	v9 =	vsel vm7, $0xFFFFFFFF, v9;
	v10, _, _ =	vpop (xrf0);
	(pc) =	sbr.rel @p2 .LBB3_8-.Ltmp12, $4  }
0x107: {  	v7 =	vsel vm6, v10, v7;
	v8 =	vmax.f32 v10, v8;
	v11 =	vsel vm5, $0xFF800000, v10  }
0x108: {  	v10 =	vsel vm6, v10, v8;
	v8 =	vshift.insert v11, v0, s18  }
0x109: {  	s30 =	sadd.s32 $0x10, s30;
	s29 =	sadd.s32 $0x10, s29;
	[tilespmem:s31+$0x0] =	vst v10  }
0x10a: {  	s0 =	sadd.s32 $0x10, s0;
	s31 =	sadd.s32 $0x10, s31;
	(ifvalue) =	ssetifvalue $0xFFFFFFFF  }
0x10b: {  	_ =	sdelay $0x3  }
0x10c: {  	[hbm4b:s1+s14] =	stream.indirect_vreg.scatter [tilespmem:s26], [sflag:$0x2], $0x1, v9, vm0, $0x4038;
	[tilespmem:$0x11A60] =	vst v63  }
0x10d: {  	v4 =	vld [tilespmem:s25+$0xFAF0];
	_ =	sdelay $0x4  }
0x10e: {  	v4 =	vshift.insert v4, v3, s18;
	_ =	sdelay $0x1  }
0x10f: {  	[tilespmem:s19+$0x0] =	vst.msk $0x1, v4  }
0x110: {  	v4 =	vsel vm4, $0x1, v1;
	[tilespmem:$0x90] =	vst v7  }
0x111: {  	s0 =	sadd.s32 @!p1 $0xFAFF, s25;
	[tilespmem:$0xA0] =	vst v4  }
0x112: {  	[spmem:s12] =	stream.linear.scatter @!p1 [tilespmem:s0], [sflag:$0x1], $0x1, $0x38;
	[tilespmem:$0x11A60] =	vst v63  }
0x113: {  	s0 =	simm.s32 @!p1 $0x1  }
0x114: {  	v4 =	vmctz.xlane @!p1 vm4;
	_ =	swait.ge @!p1 [sflag:s0], $0x1  }
0x115: {  	(v2sf) =	vpush @!p1 v5, $0x0  }
0x116: {  	(v2sf) =	vpush @!p1 v4, $0x0;
	_ =	sdelay $0xd  }
0x117: {  	s4 =	spop @!p1 (v2sf)  }
0x118: {  	s25 =	spop @!p1 (v2sf)  }
0x119: {  	p2 =	sne.s32 @!p1 s24, s4;
	p3 =	slt.s32 @!p1 s25, $0xF  }
0x11a: {  	[sflag:s0] =	ssyncset.done @!p1 $0x0;
	p2 =	por p2, p1;
	p3 =	por !p3, p1  }
0x11b: {  	[sflag:s0] =	ssyncadd.s32 @!p1 $0xFFFFFFFF;
	v4 =	vimm.s32 @!p2 $0xFFFFFFFF;
	s25 =	simm.s32 @p3 $0xF  }
0x11c: {  	[tilespmem:$0x80] =	vst @!p2 v4;
	s4 =	sadd.s32 @!p1 $0x90, s25  }
0x11d: {  	[spmem:s10] =	stream.linear.scatter @!p1 [tilespmem:s4], [sflag:$0x1], $0x1, $0x38;
	[tilespmem:$0x11A60] =	vst v63  }
0x11e: {  	_ =	swait.ge @!p1 [sflag:s0], $0x1  }
0x11f: {  	[sflag:s0] =	ssyncset.done @!p1 $0x0  }
0x120: {  	s4 =	simm.s32 @!p1 $0x80;
	[sflag:s0] =	ssyncadd.s32 @!p1 $0xFFFFFFFF  }
0x121: {  	[spmem:s13] =	stream.linear.scatter @!p1 [tilespmem:s4], [sflag:$0x1], $0x1, $0x38;
	[tilespmem:$0x11A60] =	vst v63  }
0x122: {  	_ =	swait.ge @!p1 [sflag:s0], $0x1  }
0x123: {  	[sflag:s0] =	ssyncset.done @!p1 $0x0  }
0x124: {  	[sflag:s0] =	ssyncadd.s32 @!p1 $0xFFFFFFFF;
	(ifvalue) =	ssetifvalue $0xFFFFFFFF;
	v4 =	vld [tilespmem:s22+$0x10];
	_ =	sdelay $0x3  }
.Ltmp13:
0x125: {  	_ = 	snop;
	(pc) =	sbr.rel .LBB3_10-.Ltmp13, $3  }
0x126: {  	_ =	sdelay $0x1  }
0x127: {  	(ifvalue) =	ssetifvalue $0xFFFFFFFF  }
0x128: {  	[hbm4b:s1+s14] =	stream.indirect_vreg.scatter [tilespmem:s23], [sflag:$0x9], $0x1, v4, vm0, $0x4038;
	[tilespmem:$0x11A60] =	vst v63  }
.LBB3_11:
0x129: {  	_ =	sfence.sel $0x180000  }
0x12a: {  	s0 =	simm.s32 $0x7;
	[bflag:$0x0] =	sbarrier.arrive $0xFFFF  }
0x12b: {  	s26 =	simm.s32 $0x8;
	[sflag:s0] =	ssyncpa.u1 $0x1  }
0x12c: {  	s28 =	simm.s32 $0x9;
	[sflag:s26] =	ssyncpa.u1 $0x1  }
0x12d: {  	[sflag:s28] =	ssyncpa.u1 $0x1  }
0x12e: {  	_ =	sfence.stream.spmem  }
0x12f: {  	s29 =	simm.s32 $0x3;
	[bflag:$0x0] =	sbarrier.arrive $0xFFFF  }
0x130: {  	s30 =	simm.s32 $0x4;
	[sflag:s29] =	ssyncpa.u1 $0x1  }
0x131: {  	s31 =	simm.s32 $0x3C;
	s2 =	stileid.u32;
	[sflag:s30] =	ssyncpa.u1 $0x1  }
0x132: {  	p0 =	sne.s32 s2, $0x0;
	[sflag:s31] =	ssyncpa.u1 $0x1  }
0x133: {  	s0 =	simm.s32 @p0 $0x1;
	_ =	sfence @p0  }
0x134: {  	[sflag:s0] =	ssyncpa.u1 @p0 $0x1;
	s0 =	simm.s32 @p0 $0x2  }
0x135: {  	[sflag:s0] =	ssyncpa.u1 @p0 $0x1  }
0x136: {  	_ =	strace @p0 $0x9000004A  }
0x137: {  	[bflag:$0x2] =	sbarrier.arrive @p0 $0xFFFF  }
0x138: {  	_ =	shalt @p0  }
.LBB3_12:
0x139: {  	_ =	sfence.stream.spmem;
	s0 =	simm.s32 $0x5  }
0x13a: {  	s2 =	simm.s32 $0x80;
	s3 =	simm.s32 $0xC0;
	[sflag:s0] =	ssyncpa.u1 $0x0  }
0x13b: {  	[tilespmem:s3], [sflag:$0x5] =	stream.linear.gather [spmem:s2], $0x20, $0x38;
	[tilespmem:$0x11A60] =	vst v63  }
0x13c: {  	s30 =	simm.s32 $0xE0;
	s2 =	simm.s32 $0x0  }
0x13d: {  	[tilespmem:s30], [sflag:$0x5] =	stream.linear.gather [spmem:s2], $0x20, $0x38;
	[tilespmem:$0x11A60] =	vst v63  }
.Ltmp14:
0x13e: {  	_ = 	snop;
	(pc) =	sbr.rel .LBB3_13-.Ltmp14, $4  }
0x13f: {  	_ =	swait.ge [sflag:s0], $0x40  }
0x140: {  	[sflag:s0] =	ssyncset.done $0x0  }
0x141: {  	s31 =	simm.s32 $0x6;
	[sflag:s0] =	ssyncadd.s32 $0xFFFFFFC0  }
0x142: {  	s3 =	simm.s32 $0x0;
	[sflag:s31] =	ssyncpa.u1 $0x0  }
.LBB3_18:
0x143: {  	p0 =	sgt.u32 s4, $0x187FF  }
0x144: {  	s0 =	sshrl.u32 @!p0 s4, $0x3  }
0x145: {  	s4 =	sand.u32 @!p0 $0x7, s4;
	s5 =	simm.s32 @!p0 $0xB0;
	s0 =	sadd.s32 @!p0 s1, s0  }
0x146: {  	[tilespmem:s5], [sflag:$0x6] =	stream.linear.gather @!p0 [hbm4b:s0+s4], $0x1, $0x38;
	[tilespmem:$0x11A60] =	vst v63  }
0x147: {  	s0 =	simm.s32 @!p0 $0x6  }
0x148: {  	_ =	swait.ge @!p0 [sflag:s0], $0x1  }
0x149: {  	[sflag:s0] =	ssyncset.done @!p0 $0x0  }
0x14a: {  	[sflag:s0] =	ssyncadd.s32 @!p0 $0xFFFFFFFF  }
0x14b: {  	v1 =	vld.msk @!p0 [tilespmem:$0xB0], $0x1  }
0x14c: {  	v2 =	vld.msk @!p0 [tilespmem:s3+$0xE0], $0x1;
	_ =	sdelay $0x4  }
0x14d: {  	v1 =	vmax.f32 @!p0 v2, v1  }
0x14e: {  	[tilespmem:s3+$0xE0] =	vst.msk @!p0 $0x1, v1  }
0x14f: {  	[tilespmem:s2+$0xC0] =	vst.msk $0x1, v0  }
0x150: {  	v0 =	vld.msk [tilespmem:s3+$0xE0], $0x1;
	_ =	sdelay $0x4  }
0x151: {  	[tilespmem:s2+$0xE0] =	vst.msk $0x1, v0;
	s2 =	sadd.s32 $0x1, s2  }
.LBB3_20:
0x152: {  	s3 =	sadd.s32 $0x1, s3  }
0x153: {  	p0 =	sne.s32 s3, $0x20  }
.Ltmp15:
0x154: {  	_ = 	snop;
	(pc) =	sbr.rel @!p0 .LBB3_21-.Ltmp15, $1  }
0x155: {  	_ =	sdelay $0x3  }
.LBB3_13:
0x156: {  	v0 =	vld.msk [tilespmem:s3+$0xC0], $0x1;
	_ =	sdelay $0x4  }
0x157: {  	(v2sf) =	vpush v0, $0x0;
	_ =	sdelay $0xe  }
0x158: {  	s4 =	spop (v2sf)  }
0x159: {  	p0 =	seq.s32 s4, $0xFFFFFFFF  }
.Ltmp16:
0x15a: {  	_ = 	snop;
	(pc) =	sbr.rel @p0 .LBB3_20-.Ltmp16, $1  }
0x15b: {  	_ =	sdelay $0x3  }
0x15c: {  	p0 =	slt.s32 s2, $0x1  }
.Ltmp17:
0x15d: {  	_ = 	snop;
	(pc) =	sbr.rel @p0 .LBB3_18-.Ltmp17, $1  }
0x15e: {  	_ =	sdelay $0x3  }
0x15f: {  	s5 =	simm.s32 $0xC0;
	p0 =	por $0x0, $0x0  }
0x160: {  	v1 =	vld.msk @!p0 [tilespmem:s5+$0x0], $0x1;
	_ =	sdelay $0x4  }
0x161: {  	(v2sf) =	vpush @!p0 v1, $0x0;
	_ =	sdelay $0xd  }
0x162: {  	p2 =	sne.s32 s2, $0x1  }
.Ltmp18:
0x163: {  	s0 =	spop @!p0 (v2sf);
	(pc) =	sbr.rel @!p2 .LBB3_17-.Ltmp18, $4  }
0x164: {  	p1 =	seq.s32 @!p0 s4, s0  }
0x165: {  	s6 =	simm.s32 $0x0;
	p1 =	por !p1, p0  }
0x166: {  	s7 =	simm.s32 $0xFFFFFFFF;
	s6 =	simm.s32 @p1 $0xFFFFFFFF  }
0x167: {  	s0 =	simm.s32 $0x1;
	s6 =	smov.u32 @p0 s7  }
.LBB3_16:
0x168: {  	s7 =	smov.u32 s6;
	p0 =	sne.s32 s6, $0xFFFFFFFF  }
0x169: {  	s5 =	sadd.s32 $0x1, s5;
	s6 =	smov.u32 s0;
	s0 =	sadd.s32 $0x1, s0  }
0x16a: {  	p1 =	sne.s32 s2, s0;
	v1 =	vld.msk @!p0 [tilespmem:s5+$0x0], $0x1;
	_ =	sdelay $0x4  }
0x16b: {  	(v2sf) =	vpush @!p0 v1, $0x0;
	_ =	sdelay $0xe  }
.Ltmp19:
0x16c: {  	s8 =	spop @!p0 (v2sf);
	(pc) =	sbr.rel @p1 .LBB3_16-.Ltmp19, $4  }
0x16d: {  	p2 =	seq.s32 @!p0 s4, s8  }
0x16e: {  	p2 =	por !p2, p0  }
0x16f: {  	s6 =	simm.s32 @p2 $0xFFFFFFFF  }
0x170: {  	s6 =	smov.u32 @p0 s7  }
.LBB3_17:
0x171: {  	p0 =	sne.s32 s6, $0xFFFFFFFF  }
.Ltmp20:
0x172: {  	_ = 	snop;
	(pc) =	sbr.rel @!p0 .LBB3_18-.Ltmp20, $1  }
0x173: {  	_ =	sdelay $0x3  }
0x174: {  	v0 =	vld.msk [tilespmem:s3+$0xE0], $0x1  }
0x175: {  	v1 =	vld.msk [tilespmem:s6+$0xE0], $0x1;
	_ =	sdelay $0x1  }
.Ltmp21:
0x176: {  	_ = 	snop;
	(pc) =	sbr.rel .LBB3_20-.Ltmp21, $3  }
0x177: {  	_ =	sdelay $0x1  }
0x178: {  	v0 =	vmax.f32 v1, v0  }
0x179: {  	[tilespmem:s6+$0xE0] =	vst.msk $0x1, v0  }
.LBB3_21:
0x17a: {  	p0 =	slt.s32 s2, $0x1  }
.Ltmp22:
0x17b: {  	_ = 	snop;
	(pc) =	sbr.rel @p0 .LBB3_25-.Ltmp22, $3  }
0x17c: {  	_ =	sdelay $0x1  }
0x17d: {  	s0 =	simm.s32 $0x6  }
0x17e: {  	s3 =	simm.s32 $0x0;
	[sflag:s0] =	ssyncpa.u1 $0x1  }
0x17f: {  	s0 =	simm.s32 $0xC0  }
0x180: {  	v0 =	vld.msk [tilespmem:s0+$0x0], $0x1;
	_ =	sdelay $0x4  }
0x181: {  	(v2sf) =	vpush v0, $0x0;
	_ =	sdelay $0xe  }
0x182: {  	s0 =	sadd.s32 $0xFFFFFFFF, s2;
	s5 =	spop (v2sf)  }
0x183: {  	p1 =	sne.s32 s0, $0x0;
	p0 =	sgt.u32 s5, $0x187FF  }
.Ltmp23:
0x184: {  	s6 =	sshrl.u32 @!p0 s5, $0x3;
	(pc) =	sbr.rel @!p1 .LBB3_24-.Ltmp23, $4  }
0x185: {  	s4 =	simm.s32 $0xE0;
	s5 =	sand.u32 @!p0 $0x7, s5;
	s2 =	sadd.s32 @!p0 s1, s6  }
0x186: {  	[hbm4b:s2+s5] =	stream.linear.scatter @!p0 [tilespmem:s4], [sflag:$0x5], $0x1, $0x38;
	[tilespmem:$0x11A60] =	vst v63  }
0x187: {  	s5 =	simm.s32 $0x0  }
0x188: {  	s2 =	simm.s32 $0xC1;
	s5 =	simm.s32 @!p0 $0x4  }
.LBB3_23:
0x189: {  	v0 =	vld.msk [tilespmem:s2+$0x0], $0x1;
	s0 =	sadd.s32 $0xFFFFFFFF, s0;
	s3 =	sadd.s32 s3, s5  }
0x18a: {  	p0 =	sne.s32 s0, $0x0;
	_ =	sdelay $0x3  }
0x18b: {  	(v2sf) =	vpush v0, $0x0;
	_ =	sdelay $0xe  }
.Ltmp24:
0x18c: {  	s6 =	spop (v2sf);
	(pc) =	sbr.rel @p0 .LBB3_23-.Ltmp24, $4  }
0x18d: {  	s5 =	simm.s32 $0x0;
	p1 =	sgt.u32 s6, $0x187FF  }
0x18e: {  	s4 =	sadd.s32 $0x1, s4;
	s5 =	simm.s32 @!p1 $0x4;
	s7 =	sshrl.u32 @!p1 s6, $0x3  }
0x18f: {  	s2 =	sadd.s32 $0x1, s2;
	s6 =	sand.u32 @!p1 $0x7, s6;
	s7 =	sadd.s32 @!p1 s1, s7  }
0x190: {  	[hbm4b:s7+s6] =	stream.linear.scatter @!p1 [tilespmem:s4], [sflag:$0x5], $0x1, $0x38;
	[tilespmem:$0x11A60] =	vst v63  }
.LBB3_24:
0x191: {  	s0 =	sadd.s32 s3, s5  }
0x192: {  	s3 =	sshrl.u32 s0, $0x2  }
.LBB3_25:
0x193: {  	s0 =	simm.s32 $0x5  }
0x194: {  	_ =	swait.ge [sflag:s0], s3  }
0x195: {  	s1 =	ssub.s32 $0x0, s3;
	[sflag:s0] =	ssyncset.done $0x0  }
0x196: {  	[sflag:s0] =	ssyncadd.s32 s1  }
0x197: {  	[sflag:s0] =	ssyncpa.u1 $0x1  }
0x198: {  	s29 =	simm.s32 $0x1;
	_ =	sfence  }
0x199: {  	s30 =	simm.s32 $0x2;
	[sflag:s29] =	ssyncpa.u1 $0x1  }
0x19a: {  	[sflag:s30] =	ssyncpa.u1 $0x1  }
0x19b: {  	_ =	strace $0x9000004A  }
0x19c: {  	[bflag:$0x2] =	sbarrier.arrive $0xFFFF  }
0x19d: {  	s31 =	rddreg [dreg:$0x2]  }
0x19e: {  	s0 =	sadd.s32 $0x100000, s31  }
0x19f: {  	[sflag:s0] =	ssyncadd.tile.s32 $0x1;
	_ =	shalt  }
.Lfunc_end3:
_tile_overlayer_lowered:
.L_overlay_start_3:
0x1a0: {  	(tag) =	ssettag $0x3  }
0x1a1: {  	s0 =	rddreg [dreg:$0x0];
	s2 =	stileid.u32  }
0x1a2: {  	s1 =	rddreg [dreg:$0x1];
	p0 =	sne.s32 s2, $0x0  }
0x1a3: {  	s3 =	rddreg [dreg:$0x2];
	[bflag:$0x3] =	sbarrier.arrive $0xFFFF;
	s2 =	simm.s32 @!p0 $0x1C01  }
0x1a4: {  	[timem:s3], [sflag:s2] =	dma.local @!p0 [hbm:s0], s1  }
0x1a5: {  	s0 =	simm.s32 @!p0 $0x1  }
0x1a6: {  	_ =	swait.ge @!p0 [sflag:s0], s1  }
0x1a7: {  	s1 =	ssub.s32 @!p0 $0x0, s1;
	[sflag:s0] =	ssyncset.done @!p0 $0x0  }
0x1a8: {  	[sflag:s0] =	ssyncadd.s32 @!p0 s1  }
0x1a9: {  	[bflag:$0x3] =	sbarrier.arrive $0xFFFF  }
0x1aa: {  	_ =	shalt  }

</sc_bundles>
